<compile_context>
chip_gen: v7x
topology: tpu7x:2x2x1
jax: 0.10.2.dev20260603
libtpu: 0.0.44.dev20260713+nightly
codegen_flags: <defaults>
</compile_context>

<pallas_src>
import functools

import jax
import jax.numpy as jnp
from jax import lax
from jax.experimental import pallas as pl
from jax.experimental.pallas import tpu as pltpu
from jax.experimental.pallas import tpu_sc as plsc

_N = 10000
_E = 320000
_D = 128
_NG = 64
_NC = 2
_NS = 16
_CH = 80
_ET = _E // _NS
_RCH = 80
_NROWCH = _N // _RCH
_ROW_ITERS = -(-_NROWCH // _NS)

_CHB = 128
_CHC = 80
_EPT = 20480
_EP = _NS * _EPT
_CPT = _EPT // _CHB
_CPC = _EPT // _CHC
_NPAD = 256

_HIGHEST = lax.Precision.HIGHEST


def _dot_bf16(a, b):
    return jnp.dot(a.astype(jnp.bfloat16), b.astype(jnp.bfloat16),
                   preferred_element_type=jnp.float32)

_sc_mesh = plsc.VectorSubcoreMesh(core_axis_name="c", subcore_axis_name="s")


def _sc_counts(dst, bat, ones_rows, zeros_rows):
    @functools.partial(
        pl.kernel,
        out_type=[
            jax.ShapeDtypeStruct((_NC * _N, _D), jnp.float32),
            jax.ShapeDtypeStruct((_NC * _NG, _D), jnp.float32),
        ],
        mesh=_sc_mesh,
        scratch_types=[
            pltpu.VMEM((_CHB,), jnp.int32),
            pltpu.VMEM((_CHB,), jnp.int32),
            pltpu.VMEM((_CHB,), jnp.int32),
            pltpu.VMEM((_CHB,), jnp.int32),
            pltpu.VMEM((_CH,), jnp.int32),
            pltpu.VMEM((_CHB, _D), jnp.float32),
            pltpu.VMEM_SHARED((_N + _NPAD, _D), jnp.float32),
            pltpu.VMEM_SHARED((_NG, _D), jnp.float32),
            pltpu.SemaphoreType.DMA,
            pltpu.SemaphoreType.DMA,
            pltpu.SemaphoreType.DMA,
            pltpu.SemaphoreType.DMA,
            pltpu.SemaphoreType.DMA,
            pltpu.SemaphoreType.DMA,
            pltpu.SemaphoreType.DMA,
            pltpu.SemaphoreType.DMA,
        ],
    )
    def k(dst_hbm, bat_hbm, ones_hbm, zer_hbm, cnt_hbm, bcnt_hbm,
          di0, di1, di2, di3, bidx, ones_v, cnt_s, bcnt_s,
          smi0, smi1, smi2, smi3, ss0, ss1, ss2, ss3):
        didx = (di0, di1, di2, di3)
        semi = (smi0, smi1, smi2, smi3)
        sems = (ss0, ss1, ss2, ss3)
        c = lax.axis_index("c")
        t = lax.axis_index("s")
        pltpu.sync_copy(zer_hbm, ones_v)

        @pl.loop(0, _ROW_ITERS)
        def _(i):
            ch = i * _NS + t

            @pl.when(ch < _NROWCH)
            def _():
                pltpu.sync_copy(ones_v.at[pl.ds(0, _RCH)],
                                cnt_s.at[pl.ds(ch * _RCH, _RCH)])

        @pl.when(t == 0)
        def _():
            pltpu.sync_copy(ones_v.at[pl.ds(0, _NG)], bcnt_s)

        @pl.when(t < _NPAD // _CHB)
        def _():
            pltpu.sync_copy(ones_v, cnt_s.at[pl.ds(_N + t * _CHB, _CHB)])

        pltpu.sync_copy(ones_hbm, ones_v)
        plsc.subcore_barrier()

        base_e = c * _EP + t * _EPT

        def start_idx(ch_i, j):
            pltpu.async_copy(dst_hbm.at[pl.ds(base_e + ch_i * _CHB, _CHB)],
                             didx[j], semi[j])

        def wait_idx(j):
            pltpu.make_async_copy(dst_hbm.at[pl.ds(0, _CHB)], didx[j],
                                  semi[j]).wait()

        def start_scatter(b):
            pltpu.async_copy(ones_v, cnt_s.at[didx[b]], sems[b], add=True)

        def wait_scatter(b):
            pltpu.make_async_copy(ones_v, cnt_s.at[didx[b]], sems[b]).wait()

        for b in range(4):
            start_idx(b, b)

        _G = _CPT // 4

        @pl.loop(0, _G)
        def _(g):
            for b in range(4):
                wait_idx(b)
                start_scatter(b)
            for b in range(4):
                wait_scatter(b)

                @pl.when(g < _G - 1)
                def _(b=b):
                    start_idx((g + 1) * 4 + b, b)

        @pl.loop(0, _ROW_ITERS)
        def _(i):
            ch = i * _NS + t

            @pl.when(ch < _NROWCH)
            def _():
                pltpu.sync_copy(bat_hbm.at[pl.ds(c * _N + ch * _CH, _CH)], bidx)
                pltpu.sync_copy(ones_v.at[pl.ds(0, _CH)], bcnt_s.at[bidx],
                                add=True)

        plsc.subcore_barrier()

        @pl.loop(0, _ROW_ITERS)
        def _(i):
            ch = i * _NS + t

            @pl.when(ch < _NROWCH)
            def _():
                pltpu.sync_copy(cnt_s.at[pl.ds(ch * _RCH, _RCH)],
                                cnt_hbm.at[pl.ds(c * _N + ch * _RCH, _RCH)])

        @pl.when(t == 0)
        def _():
            pltpu.sync_copy(bcnt_s, bcnt_hbm.at[pl.ds(c * _NG, _NG)])

    return k(dst, bat, ones_rows, zeros_rows)


def _sc_conv(xs_flat, src_pad, dst_pad, zeros_rows):
    @functools.partial(
        pl.kernel,
        out_type=jax.ShapeDtypeStruct((_NC * _N, _D), jnp.float32),
        mesh=_sc_mesh,
        scratch_types=(
            [pltpu.VMEM((_CHC,), jnp.int32)] * 16
            + [pltpu.VMEM((_CHC, _D), jnp.float32)] * 4
            + [pltpu.VMEM_SHARED((_N + _NPAD, _D), jnp.float32)]
            + [pltpu.SemaphoreType.DMA] * 16
        ),
    )
    def k(xs_hbm, src_hbm, dst_hbm, zer_hbm, acc_hbm, *scr):
        sidx = scr[0:8]
        didx = scr[8:16]
        rows = scr[16:20]
        acc_s = scr[20]
        semi = scr[21:29]
        semg = scr[29:33]
        sems = scr[33:37]
        c = lax.axis_index("c")
        t = lax.axis_index("s")
        @pl.loop(0, _ROW_ITERS)
        def _(i):
            ch = i * _NS + t

            @pl.when(ch < _NROWCH)
            def _():
                pltpu.sync_copy(zer_hbm.at[pl.ds(0, _RCH)],
                                acc_s.at[pl.ds(ch * _RCH, _RCH)])

        @pl.when(t < _NPAD // _CHB)
        def _():
            pltpu.sync_copy(zer_hbm, acc_s.at[pl.ds(_N + t * _CHB, _CHB)])

        plsc.subcore_barrier()

        base_e = c * _EP + t * _EPT
        TOT = _CPC

        def start_idx(ch_i, j):
            off = base_e + ch_i * _CHC
            pltpu.async_copy(src_hbm.at[pl.ds(off, _CHC)], sidx[j], semi[j])
            pltpu.async_copy(dst_hbm.at[pl.ds(off, _CHC)], didx[j], semi[j])

        def wait_idx(j):
            pltpu.make_async_copy(src_hbm.at[pl.ds(0, _CHC)], sidx[j],
                                  semi[j]).wait()
            pltpu.make_async_copy(dst_hbm.at[pl.ds(0, _CHC)], didx[j],
                                  semi[j]).wait()

        def start_gather(j, b):
            pltpu.async_copy(xs_hbm.at[sidx[j]], rows[b], semg[b])

        def wait_gather(j, b):
            pltpu.make_async_copy(xs_hbm.at[sidx[j]], rows[b], semg[b]).wait()

        def start_scatter(j, b):
            pltpu.async_copy(rows[b], acc_s.at[didx[j]], sems[b], add=True)

        def wait_scatter(j, b):
            pltpu.make_async_copy(rows[b], acc_s.at[didx[j]], sems[b]).wait()

        def step(ci):
            j, b = ci % 8, ci % 4
            if ci >= 4:
                wait_scatter((ci - 4) % 8, b)
            if ci + 4 < TOT:
                start_idx(ci + 4, (ci + 4) % 8)
            wait_idx(j)
            start_gather(j, b)
            if ci >= 2:
                wait_gather((ci - 2) % 8, (ci - 2) % 4)
                start_scatter((ci - 2) % 8, (ci - 2) % 4)

        for j in range(4):
            start_idx(j, j)
        for ci in range(8):
            step(ci)

        @pl.loop(1, TOT // 8)
        def _(g):
            for b8 in range(8):
                j, b = b8 % 8, b8 % 4
                wait_scatter((b8 + 4) % 8, b)

                @pl.when(g * 8 + b8 + 4 < TOT)
                def _(g=g, b8=b8):
                    start_idx(g * 8 + b8 + 4, (b8 + 4) % 8)

                wait_idx(j)
                start_gather(j, b)
                wait_gather((b8 + 6) % 8, (b8 + 2) % 4)
                start_scatter((b8 + 6) % 8, (b8 + 2) % 4)

        for cc in range(TOT - 2, TOT):
            wait_gather(cc % 8, cc % 4)
            start_scatter(cc % 8, cc % 4)
        for cc in range(TOT - 4, TOT):
            wait_scatter(cc % 8, cc % 4)

        plsc.subcore_barrier()

        @pl.loop(0, _ROW_ITERS)
        def _(i):
            ch = i * _NS + t

            @pl.when(ch < _NROWCH)
            def _():
                pltpu.sync_copy(acc_s.at[pl.ds(ch * _RCH, _RCH)],
                                acc_hbm.at[pl.ds(c * _N + ch * _RCH, _RCH)])

    return k(xs_flat, src_pad, dst_pad, zeros_rows)


_BLK = 2000
_NBLK = _NC * _N // _BLK
_TBLK = _N // _BLK

_row_spec = lambda w: pl.BlockSpec((_BLK, w), lambda i: (i, 0))
_pair_spec2 = pl.BlockSpec((1, 1, _D), lambda i: (i // _TBLK, 0, 0))
_pair_spec3 = pl.BlockSpec((1, _D, _D), lambda i: (i // _TBLK, 0, 0))


def _tc_matmul(x_flat, w_pair):
    def body(x_ref, w_ref, o_ref):
        o_ref[...] = _dot_bf16(x_ref[...], w_ref[0].T)

    return pl.pallas_call(
        body,
        grid=(_NBLK,),
        in_specs=[_row_spec(_D), _pair_spec3],
        out_specs=_row_spec(_D),
        out_shape=jax.ShapeDtypeStruct((_NC * _N, _D), jnp.float32),
    )(x_flat, w_pair)


def _tc_scale(cnt, h_flat):
    def body(cnt_ref, h_ref, xs_ref, dis_ref):
        dis = lax.rsqrt(cnt_ref[:, 0:1] + 1.0)
        dis_ref[...] = dis
        xs_ref[...] = h_ref[...] * dis

    return pl.pallas_call(
        body,
        grid=(_NBLK,),
        in_specs=[_row_spec(_D), _row_spec(_D)],
        out_specs=[_row_spec(_D), _row_spec(1)],
        out_shape=[
            jax.ShapeDtypeStruct((_NC * _N, _D), jnp.float32),
            jax.ShapeDtypeStruct((_NC * _N, 1), jnp.float32),
        ],
    )(cnt, h_flat)


def _tc_layer(acc_flat, xs_flat, dis, b_pair, w_pair):
    def body(acc_ref, xs_ref, dis_ref, b_ref, w_ref, o_ref):
        d = dis_ref[...]
        o = jax.nn.relu(d * (acc_ref[...] + xs_ref[...]) + b_ref[0])
        h2 = _dot_bf16(o, w_ref[0].T)
        o_ref[...] = d * h2

    return pl.pallas_call(
        body,
        grid=(_NBLK,),
        in_specs=[_row_spec(_D), _row_spec(_D), _row_spec(1),
                  _pair_spec2, _pair_spec3],
        out_specs=_row_spec(_D),
        out_shape=jax.ShapeDtypeStruct((_NC * _N, _D), jnp.float32),
    )(acc_flat, xs_flat, dis, b_pair, w_pair)


def _tc_pool(acc_flat, xs_flat, dis, b_pair, batf):
    def body(acc_ref, xs_ref, dis_ref, b_ref, bat_ref, s_ref):
        i = pl.program_id(0)
        d = dis_ref[...]
        o = jax.nn.relu(d * (acc_ref[...] + xs_ref[...]) + b_ref[0])
        seg = lax.broadcasted_iota(jnp.int32, (_NG, 1), 0).astype(jnp.float32)
        mask = (bat_ref[0] == seg).astype(jnp.float32)
        s = jnp.dot(mask, o, preferred_element_type=jnp.float32,
                    precision=_HIGHEST)

        @pl.when(i % _TBLK == 0)
        def _():
            s_ref[...] = jnp.zeros_like(s_ref)

        s_ref[0] += s

    return pl.pallas_call(
        body,
        grid=(_NBLK,),
        in_specs=[_row_spec(_D), _row_spec(_D), _row_spec(1), _pair_spec2,
                  pl.BlockSpec((1, 1, _BLK), lambda i: (i, 0, 0))],
        out_specs=pl.BlockSpec((1, _NG, _D), lambda i: (i // _TBLK, 0, 0)),
        out_shape=jax.ShapeDtypeStruct((_NC, _NG, _D), jnp.float32),
    )(acc_flat, xs_flat, dis, b_pair, batf)


def _tc_head(spool, bcnt, mW0, mb0, mW1, mb1, mW2, mb2, mW3, mb3):
    def body(s_ref, bcnt_ref, w0_ref, b0_ref, w1_ref, b1_ref, w2_ref, b2_ref,
             w3_ref, b3_ref, o_ref):
        g1 = s_ref[0] / jnp.maximum(bcnt_ref[0:_NG, 0:1], 1.0)
        g2 = s_ref[1] / jnp.maximum(bcnt_ref[_NG:2 * _NG, 0:1], 1.0)
        z = jnp.concatenate([g1, g2], axis=1)
        for w_ref, bias_ref, act in ((w0_ref, b0_ref, True), (w1_ref, b1_ref, True),
                                     (w2_ref, b2_ref, True), (w3_ref, b3_ref, False)):
            z = _dot_bf16(z, w_ref[...].T) + bias_ref[...][None, :]
            if act:
                z = jax.nn.relu(z)
        o_ref[...] = z

    return pl.pallas_call(
        body,
        out_shape=jax.ShapeDtypeStruct((_NG, 4), jnp.float32),
    )(spool, bcnt, mW0, mb0, mW1, mb1, mW2, mb2, mW3, mb3)


def kernel(x1, edge_index1, batch1, x2, edge_index2, batch2,
           gW1_0, gb1_0, gW1_1, gb1_1, gW2_0, gb2_0, gW2_1, gb2_1,
           mW0, mb0, mW1, mb1, mW2, mb2, mW3, mb3):
    npt = _EPT - _ET
    prng = jnp.arange(npt, dtype=jnp.int32)[None, :]
    tid = jnp.arange(_NS, dtype=jnp.int32)[:, None]
    pad_src = (tid * npt + prng) % _N
    pad_dst = _N + (tid * 37 + prng) % _NPAD

    def _pad_tower(e, off):
        return jnp.concatenate(
            [e.reshape(_NS, _ET) + off, pad_src + off], axis=1).reshape(-1)

    src = jnp.concatenate([_pad_tower(edge_index1[0], 0),
                           _pad_tower(edge_index2[0], _N)])

    def _pad_dst_tower(e):
        return jnp.concatenate(
            [e.reshape(_NS, _ET), pad_dst], axis=1).reshape(-1)

    dstp = jnp.concatenate([_pad_dst_tower(edge_index1[1]),
                            _pad_dst_tower(edge_index2[1])])
    bat = jnp.concatenate([batch1, batch2])
    batf = bat.astype(jnp.float32).reshape(_NBLK, 1, _BLK)
    x_flat = jnp.concatenate([x1, x2])

    ones_rows = jnp.ones((_CHB, _D), jnp.float32)
    zerosD = jnp.zeros((_CHB, _D), jnp.float32)

    w0 = jnp.stack([gW1_0, gW2_0])
    w1 = jnp.stack([gW1_1, gW2_1])
    b0 = jnp.stack([gb1_0, gb2_0])[:, None, :]
    b1 = jnp.stack([gb1_1, gb2_1])[:, None, :]

    cnt, bcnt = _sc_counts(dstp, bat, ones_rows, zerosD)
    h = _tc_matmul(x_flat, w0)
    xs, dis = _tc_scale(cnt, h)
    acc1 = _sc_conv(xs, src, dstp, zerosD)
    xs2 = _tc_layer(acc1, xs, dis, b0, w1)
    acc2 = _sc_conv(xs2, src, dstp, zerosD)
    spool = _tc_pool(acc2, xs2, dis, b1, batf)
    return _tc_head(spool, bcnt, mW0, mb0, mW1, mb1, mW2, mb2, mW3, mb3)

# --- scband reference (transcript-rebuilt; emitter-appended) ---
"""Pipeline reference for scband-gnn-classifier-79826262164187 (READ-ONLY COPY).

The authoritative reference and input builder live on the scoring server;
editing this copy changes nothing except your own understanding.
"""

import jax, jax.numpy as jnp
import numpy as np

N = 10000
E = 320000
D = 128
NG = 64


def setup_inputs(seed: int = 0) -> dict:
    key = jax.random.key(seed)
    ks = jax.random.split(key, 32)
    inp = {}
    inp['x1'] = jax.random.normal(ks[0], (N, D), jnp.float32)
    inp['edge_index1'] = jax.random.randint(ks[1], (2, E), 0, N, dtype=jnp.int32)
    inp['batch1'] = jnp.sort(jax.random.randint(ks[2], (N,), 0, NG, dtype=jnp.int32))
    inp['x2'] = jax.random.normal(ks[3], (N, D), jnp.float32)
    inp['edge_index2'] = jax.random.randint(ks[4], (2, E), 0, N, dtype=jnp.int32)
    inp['batch2'] = jnp.sort(jax.random.randint(ks[5], (N,), 0, NG, dtype=jnp.int32))
    sc = 1.0 / np.sqrt(D)
    # GCN layer weights: 2 towers x 2 layers
    inp['gW1_0'] = jax.random.normal(ks[6], (D, D), jnp.float32) * sc
    inp['gb1_0'] = jnp.zeros((D,), jnp.float32)
    inp['gW1_1'] = jax.random.normal(ks[7], (D, D), jnp.float32) * sc
    inp['gb1_1'] = jnp.zeros((D,), jnp.float32)
    inp['gW2_0'] = jax.random.normal(ks[8], (D, D), jnp.float32) * sc
    inp['gb2_0'] = jnp.zeros((D,), jnp.float32)
    inp['gW2_1'] = jax.random.normal(ks[9], (D, D), jnp.float32) * sc
    inp['gb2_1'] = jnp.zeros((D,), jnp.float32)
    # MLP: in=2*D=256 -> 128 -> 128 -> 128 -> 4
    dims = [(128, 256), (128, 128), (128, 128), (4, 128)]
    for i, (o, iin) in enumerate(dims):
        inp[f'mW{i}'] = jax.random.normal(ks[10 + 2 * i], (o, iin), jnp.float32) * (1.0 / np.sqrt(iin))
        inp[f'mb{i}'] = jnp.zeros((o,), jnp.float32)
    return inp


def gcn_conv(x, edge_index, W, b, n):
    # PyG GCNConv: x' = D^{-1/2} (A + I) D^{-1/2} X W^T + b
    h = x @ W.T
    src = edge_index[0]
    dst = edge_index[1]
    loop = jnp.arange(n, dtype=src.dtype)
    s = jnp.concatenate([src, loop])
    d = jnp.concatenate([dst, loop])
    deg = jnp.zeros((n,), h.dtype).at[d].add(1.0)
    dis = jnp.where(deg > 0, 1.0 / jnp.sqrt(deg), 0.0)
    norm = dis[s] * dis[d]
    msg = h[s] * norm[:, None]
    out = jnp.zeros_like(h).at[d].add(msg)
    return out + b


def mean_pool(x, batch, ng):
    s = jax.ops.segment_sum(x, batch, num_segments=ng)
    c = jax.ops.segment_sum(jnp.ones((x.shape[0], 1), x.dtype), batch, num_segments=ng)
    return s / jnp.clip(c, 1.0, None)


def reference(x1, edge_index1, batch1, x2, edge_index2, batch2,
              gW1_0, gb1_0, gW1_1, gb1_1, gW2_0, gb2_0, gW2_1, gb2_1,
              mW0, mb0, mW1, mb1, mW2, mb2, mW3, mb3):
    # tower 1 (2 GCN layers, relu; dropout disabled in eval)
    h1 = jax.nn.relu(gcn_conv(x1, edge_index1, gW1_0, gb1_0, N))
    h1 = jax.nn.relu(gcn_conv(h1, edge_index1, gW1_1, gb1_1, N))
    g1 = mean_pool(h1, batch1, NG)
    # tower 2
    h2 = jax.nn.relu(gcn_conv(x2, edge_index2, gW2_0, gb2_0, N))
    h2 = jax.nn.relu(gcn_conv(h2, edge_index2, gW2_1, gb2_1, N))
    g2 = mean_pool(h2, batch2, NG)
    z = jnp.concatenate([g1, g2], axis=1)
    # 4-layer MLP head, relu between layers, dropout off in eval
    z = jax.nn.relu(z @ mW0.T + mb0)
    z = jax.nn.relu(z @ mW1.T + mb1)
    z = jax.nn.relu(z @ mW2.T + mb2)
    z = z @ mW3.T + mb3
    return z

if __name__ == "__main__":
    import jax
    _d = setup_inputs()
    print(jax.jit(kernel)(*tuple(_d.values())))

</pallas_src>

<mosaic_0001>
#map = affine_map<(d0, d1) -> (0, 0)>
#map1 = affine_map<(d0, d1) -> (0)>
module attributes {stable_mosaic.version = 14 : i64} {
  func.func @k(%arg0: i32, %arg1: i32, %arg2: memref<20000x128xf32, #tpu.memory_space<hbm>>, %arg3: memref<655360xi32, #tpu.memory_space<hbm>>, %arg4: memref<655360xi32, #tpu.memory_space<hbm>>, %arg5: memref<128x128xf32, #tpu.memory_space<hbm>>, %arg6: memref<20000x128xf32, #tpu.memory_space<hbm>>, %arg7: memref<80xi32, #tpu.memory_space<vmem>>, %arg8: memref<80xi32, #tpu.memory_space<vmem>>, %arg9: memref<80xi32, #tpu.memory_space<vmem>>, %arg10: memref<80xi32, #tpu.memory_space<vmem>>, %arg11: memref<80xi32, #tpu.memory_space<vmem>>, %arg12: memref<80xi32, #tpu.memory_space<vmem>>, %arg13: memref<80xi32, #tpu.memory_space<vmem>>, %arg14: memref<80xi32, #tpu.memory_space<vmem>>, %arg15: memref<80xi32, #tpu.memory_space<vmem>>, %arg16: memref<80xi32, #tpu.memory_space<vmem>>, %arg17: memref<80xi32, #tpu.memory_space<vmem>>, %arg18: memref<80xi32, #tpu.memory_space<vmem>>, %arg19: memref<80xi32, #tpu.memory_space<vmem>>, %arg20: memref<80xi32, #tpu.memory_space<vmem>>, %arg21: memref<80xi32, #tpu.memory_space<vmem>>, %arg22: memref<80xi32, #tpu.memory_space<vmem>>, %arg23: memref<80x128xf32, #tpu.memory_space<vmem>>, %arg24: memref<80x128xf32, #tpu.memory_space<vmem>>, %arg25: memref<80x128xf32, #tpu.memory_space<vmem>>, %arg26: memref<80x128xf32, #tpu.memory_space<vmem>>, %arg27: memref<10256x128xf32, #tpu.memory_space<vmem_shared>>, %arg28: memref<!tpu.dma_semaphore, #tpu.memory_space<semaphore_mem>>, %arg29: memref<!tpu.dma_semaphore, #tpu.memory_space<semaphore_mem>>, %arg30: memref<!tpu.dma_semaphore, #tpu.memory_space<semaphore_mem>>, %arg31: memref<!tpu.dma_semaphore, #tpu.memory_space<semaphore_mem>>, %arg32: memref<!tpu.dma_semaphore, #tpu.memory_space<semaphore_mem>>, %arg33: memref<!tpu.dma_semaphore, #tpu.memory_space<semaphore_mem>>, %arg34: memref<!tpu.dma_semaphore, #tpu.memory_space<semaphore_mem>>, %arg35: memref<!tpu.dma_semaphore, #tpu.memory_space<semaphore_mem>>, %arg36: memref<!tpu.dma_semaphore, #tpu.memory_space<semaphore_mem>>, %arg37: memref<!tpu.dma_semaphore, #tpu.memory_space<semaphore_mem>>, %arg38: memref<!tpu.dma_semaphore, #tpu.memory_space<semaphore_mem>>, %arg39: memref<!tpu.dma_semaphore, #tpu.memory_space<semaphore_mem>>, %arg40: memref<!tpu.dma_semaphore, #tpu.memory_space<semaphore_mem>>, %arg41: memref<!tpu.dma_semaphore, #tpu.memory_space<semaphore_mem>>, %arg42: memref<!tpu.dma_semaphore, #tpu.memory_space<semaphore_mem>>, %arg43: memref<!tpu.dma_semaphore, #tpu.memory_space<semaphore_mem>>) attributes {dimension_semantics = [#tpu.dimension_semantics<core_parallel>, #tpu.dimension_semantics<subcore_parallel>], iteration_bounds = array<i64: 2, 16>, scalar_prefetch = 0 : i64, scratch_operands = 37 : i64, tpu.core_type = #tpu.core_type<sc_vector_subcore>, window_params = [{transform_indices = #map}, {transform_indices = #map1}, {transform_indices = #map1}, {transform_indices = #map}, {transform_indices = #map}]} {
    %scan3A = arith.constant 0 : i32
    %scan3A_0 = arith.constant 8 : i32
    %scan3A_1 = arith.addi %scan3A, %scan3A_0 : i32
    %scan3A_2 = arith.constant 1 : i32
    scf.for %scan3A_250 = %scan3A to %scan3A_1 step %scan3A_2  : i32 {
      %mul3A_251 = arith.constant 1 : i32
      %mul3A_252 = arith.muli %scan3A_250, %mul3A_251 : i32
      %add3A_253 = arith.constant 0 : i32
      %add3A_254 = arith.addi %add3A_253, %mul3A_252 : i32
      %mul3A_255 = arith.constant 16 : i32
      %mul3A_256 = arith.muli %add3A_254, %mul3A_255 : i32
      %add3A_257 = arith.addi %mul3A_256, %arg1 : i32
      %lt3A_258 = arith.constant 125 : i32
      %lt3A_259 = arith.cmpi slt, %add3A_257, %lt3A_258 : i32
      %convert_element_type3A_260 = arith.extui %lt3A_259 : i1 to i32
      %cond3A_261 = arith.constant 0 : i32
      %cond3A_262 = arith.cmpi ne, %convert_element_type3A_260, %cond3A_261 : i32
      scf.if %cond3A_262 {
        %mul3A_263 = arith.constant 80 : i32
        %mul3A_264 = arith.muli %add3A_257, %mul3A_263 : i32
        "tpu.region"() ({
          %run_scoped3A = tpu.sem_alloc : memref<!tpu.dma_semaphore, #tpu.memory_space<semaphore_mem>>
          %dma_start3A_265 = arith.constant 0 : i32
          %dma_start3A_266 = tpu.memref_slice %arg27[%mul3A_264, %dma_start3A_265] : memref<10256x128xf32, #tpu.memory_space<vmem_shared>> -> memref<80x128xf32, #tpu.memory_space<vmem_shared>>
          %dma_start3A_267 = arith.constant 0 : i32
          %dma_start3A_268 = arith.constant 0 : i32
          %dma_start3A_269 = tpu.memref_slice %arg5[%dma_start3A_267, %dma_start3A_268] : memref<128x128xf32, #tpu.memory_space<hbm>> -> memref<80x128xf32, #tpu.memory_space<hbm>>
          tpu.enqueue_dma source(%dma_start3A_269 : memref<80x128xf32, #tpu.memory_space<hbm>>) target(%dma_start3A_266 : memref<80x128xf32, #tpu.memory_space<vmem_shared>>) target_semaphore(%run_scoped3A : memref<!tpu.dma_semaphore, #tpu.memory_space<semaphore_mem>>)
          %dma_wait3A_270 = arith.constant 0 : i32
          %dma_wait3A_271 = tpu.memref_slice %arg27[%mul3A_264, %dma_wait3A_270] : memref<10256x128xf32, #tpu.memory_space<vmem_shared>> -> memref<80x128xf32, #tpu.memory_space<vmem_shared>>
          %dma_wait3A_272 = arith.constant 0 : i32
          %dma_wait3A_273 = arith.constant 0 : i32
          %dma_wait3A_274 = tpu.memref_slice %arg5[%dma_wait3A_272, %dma_wait3A_273] : memref<128x128xf32, #tpu.memory_space<hbm>> -> memref<80x128xf32, #tpu.memory_space<hbm>>
          tpu.wait_dma2 semaphore(%run_scoped3A : memref<!tpu.dma_semaphore, #tpu.memory_space<semaphore_mem>>) src(%dma_wait3A_274 : memref<80x128xf32, #tpu.memory_space<hbm>>) dst(%dma_wait3A_271 : memref<80x128xf32, #tpu.memory_space<vmem_shared>>)
          tpu.yield
        }) : () -> ()
      } else {
      }
    }
    %scan3A_3 = arith.constant 8 : i32
    %lt3A = arith.constant 2 : i32
    %lt3A_4 = arith.cmpi slt, %arg1, %lt3A : i32
    %convert_element_type3A = arith.extui %lt3A_4 : i1 to i32
    %cond3A = arith.constant 0 : i32
    %cond3A_5 = arith.cmpi ne, %convert_element_type3A, %cond3A : i32
    scf.if %cond3A_5 {
      %mul3A_250 = arith.constant 128 : i32
      %mul3A_251 = arith.muli %arg1, %mul3A_250 : i32
      %add3A_252 = arith.constant 10000 : i32
      %add3A_253 = arith.addi %add3A_252, %mul3A_251 : i32
      "tpu.region"() ({
        %run_scoped3A = tpu.sem_alloc : memref<!tpu.dma_semaphore, #tpu.memory_space<semaphore_mem>>
        %dma_start3A_254 = arith.constant 0 : i32
        %dma_start3A_255 = tpu.memref_slice %arg27[%add3A_253, %dma_start3A_254] : memref<10256x128xf32, #tpu.memory_space<vmem_shared>> -> memref<128x128xf32, #tpu.memory_space<vmem_shared>>
        tpu.enqueue_dma source(%arg5 : memref<128x128xf32, #tpu.memory_space<hbm>>) target(%dma_start3A_255 : memref<128x128xf32, #tpu.memory_space<vmem_shared>>) target_semaphore(%run_scoped3A : memref<!tpu.dma_semaphore, #tpu.memory_space<semaphore_mem>>)
        %dma_wait3A_256 = arith.constant 0 : i32
        %dma_wait3A_257 = tpu.memref_slice %arg27[%add3A_253, %dma_wait3A_256] : memref<10256x128xf32, #tpu.memory_space<vmem_shared>> -> memref<128x128xf32, #tpu.memory_space<vmem_shared>>
        tpu.wait_dma2 semaphore(%run_scoped3A : memref<!tpu.dma_semaphore, #tpu.memory_space<semaphore_mem>>) src(%arg5 : memref<128x128xf32, #tpu.memory_space<hbm>>) dst(%dma_wait3A_257 : memref<128x128xf32, #tpu.memory_space<vmem_shared>>)
        tpu.yield
      }) : () -> ()
    } else {
    }
    %barrier3A = arith.constant 0 : index
    tpu.barrier barrier_id(%barrier3A)
    %mul3A = arith.constant 327680 : i32
    %mul3A_6 = arith.muli %arg0, %mul3A : i32
    %mul3A_7 = arith.constant 20480 : i32
    %mul3A_8 = arith.muli %arg1, %mul3A_7 : i32
    %add3A = arith.addi %mul3A_6, %mul3A_8 : i32
    %add3A_9 = arith.constant 0 : i32
    %add3A_10 = arith.addi %add3A, %add3A_9 : i32
    %dma_start3A = tpu.memref_slice %arg3[%add3A_10] : memref<655360xi32, #tpu.memory_space<hbm>> -> memref<80xi32, #tpu.memory_space<hbm>>
    %dma_start3A_11 = tpu.memref_slice %arg3[%add3A_10] : memref<655360xi32, #tpu.memory_space<hbm>> -> memref<80xi32, #tpu.memory_space<hbm>>
    tpu.enqueue_dma source(%dma_start3A_11 : memref<80xi32, #tpu.memory_space<hbm>>) target(%arg7 : memref<80xi32, #tpu.memory_space<vmem>>) target_semaphore(%arg28 : memref<!tpu.dma_semaphore, #tpu.memory_space<semaphore_mem>>)
    %dma_start3A_12 = tpu.memref_slice %arg4[%add3A_10] : memref<655360xi32, #tpu.memory_space<hbm>> -> memref<80xi32, #tpu.memory_space<hbm>>
    %dma_start3A_13 = tpu.memref_slice %arg4[%add3A_10] : memref<655360xi32, #tpu.memory_space<hbm>> -> memref<80xi32, #tpu.memory_space<hbm>>
    tpu.enqueue_dma source(%dma_start3A_13 : memref<80xi32, #tpu.memory_space<hbm>>) target(%arg15 : memref<80xi32, #tpu.memory_space<vmem>>) target_semaphore(%arg28 : memref<!tpu.dma_semaphore, #tpu.memory_space<semaphore_mem>>)
    %add3A_14 = arith.constant 80 : i32
    %add3A_15 = arith.addi %add3A, %add3A_14 : i32
    %dma_start3A_16 = tpu.memref_slice %arg3[%add3A_15] : memref<655360xi32, #tpu.memory_space<hbm>> -> memref<80xi32, #tpu.memory_space<hbm>>
    %dma_start3A_17 = tpu.memref_slice %arg3[%add3A_15] : memref<655360xi32, #tpu.memory_space<hbm>> -> memref<80xi32, #tpu.memory_space<hbm>>
    tpu.enqueue_dma source(%dma_start3A_17 : memref<80xi32, #tpu.memory_space<hbm>>) target(%arg8 : memref<80xi32, #tpu.memory_space<vmem>>) target_semaphore(%arg29 : memref<!tpu.dma_semaphore, #tpu.memory_space<semaphore_mem>>)
    %dma_start3A_18 = tpu.memref_slice %arg4[%add3A_15] : memref<655360xi32, #tpu.memory_space<hbm>> -> memref<80xi32, #tpu.memory_space<hbm>>
    %dma_start3A_19 = tpu.memref_slice %arg4[%add3A_15] : memref<655360xi32, #tpu.memory_space<hbm>> -> memref<80xi32, #tpu.memory_space<hbm>>
    tpu.enqueue_dma source(%dma_start3A_19 : memref<80xi32, #tpu.memory_space<hbm>>) target(%arg16 : memref<80xi32, #tpu.memory_space<vmem>>) target_semaphore(%arg29 : memref<!tpu.dma_semaphore, #tpu.memory_space<semaphore_mem>>)
    %add3A_20 = arith.constant 160 : i32
    %add3A_21 = arith.addi %add3A, %add3A_20 : i32
    %dma_start3A_22 = tpu.memref_slice %arg3[%add3A_21] : memref<655360xi32, #tpu.memory_space<hbm>> -> memref<80xi32, #tpu.memory_space<hbm>>
    %dma_start3A_23 = tpu.memref_slice %arg3[%add3A_21] : memref<655360xi32, #tpu.memory_space<hbm>> -> memref<80xi32, #tpu.memory_space<hbm>>
    tpu.enqueue_dma source(%dma_start3A_23 : memref<80xi32, #tpu.memory_space<hbm>>) target(%arg9 : memref<80xi32, #tpu.memory_space<vmem>>) target_semaphore(%arg30 : memref<!tpu.dma_semaphore, #tpu.memory_space<semaphore_mem>>)
    %dma_start3A_24 = tpu.memref_slice %arg4[%add3A_21] : memref<655360xi32, #tpu.memory_space<hbm>> -> memref<80xi32, #tpu.memory_space<hbm>>
    %dma_start3A_25 = tpu.memref_slice %arg4[%add3A_21] : memref<655360xi32, #tpu.memory_space<hbm>> -> memref<80xi32, #tpu.memory_space<hbm>>
    tpu.enqueue_dma source(%dma_start3A_25 : memref<80xi32, #tpu.memory_space<hbm>>) target(%arg17 : memref<80xi32, #tpu.memory_space<vmem>>) target_semaphore(%arg30 : memref<!tpu.dma_semaphore, #tpu.memory_space<semaphore_mem>>)
    %add3A_26 = arith.constant 240 : i32
    %add3A_27 = arith.addi %add3A, %add3A_26 : i32
    %dma_start3A_28 = tpu.memref_slice %arg3[%add3A_27] : memref<655360xi32, #tpu.memory_space<hbm>> -> memref<80xi32, #tpu.memory_space<hbm>>
    %dma_start3A_29 = tpu.memref_slice %arg3[%add3A_27] : memref<655360xi32, #tpu.memory_space<hbm>> -> memref<80xi32, #tpu.memory_space<hbm>>
    tpu.enqueue_dma source(%dma_start3A_29 : memref<80xi32, #tpu.memory_space<hbm>>) target(%arg10 : memref<80xi32, #tpu.memory_space<vmem>>) target_semaphore(%arg31 : memref<!tpu.dma_semaphore, #tpu.memory_space<semaphore_mem>>)
    %dma_start3A_30 = tpu.memref_slice %arg4[%add3A_27] : memref<655360xi32, #tpu.memory_space<hbm>> -> memref<80xi32, #tpu.memory_space<hbm>>
    %dma_start3A_31 = tpu.memref_slice %arg4[%add3A_27] : memref<655360xi32, #tpu.memory_space<hbm>> -> memref<80xi32, #tpu.memory_space<hbm>>
    tpu.enqueue_dma source(%dma_start3A_31 : memref<80xi32, #tpu.memory_space<hbm>>) target(%arg18 : memref<80xi32, #tpu.memory_space<vmem>>) target_semaphore(%arg31 : memref<!tpu.dma_semaphore, #tpu.memory_space<semaphore_mem>>)
    %add3A_32 = arith.constant 320 : i32
    %add3A_33 = arith.addi %add3A, %add3A_32 : i32
    %dma_start3A_34 = tpu.memref_slice %arg3[%add3A_33] : memref<655360xi32, #tpu.memory_space<hbm>> -> memref<80xi32, #tpu.memory_space<hbm>>
    %dma_start3A_35 = tpu.memref_slice %arg3[%add3A_33] : memref<655360xi32, #tpu.memory_space<hbm>> -> memref<80xi32, #tpu.memory_space<hbm>>
    tpu.enqueue_dma source(%dma_start3A_35 : memref<80xi32, #tpu.memory_space<hbm>>) target(%arg11 : memref<80xi32, #tpu.memory_space<vmem>>) target_semaphore(%arg32 : memref<!tpu.dma_semaphore, #tpu.memory_space<semaphore_mem>>)
    %dma_start3A_36 = tpu.memref_slice %arg4[%add3A_33] : memref<655360xi32, #tpu.memory_space<hbm>> -> memref<80xi32, #tpu.memory_space<hbm>>
    %dma_start3A_37 = tpu.memref_slice %arg4[%add3A_33] : memref<655360xi32, #tpu.memory_space<hbm>> -> memref<80xi32, #tpu.memory_space<hbm>>
    tpu.enqueue_dma source(%dma_start3A_37 : memref<80xi32, #tpu.memory_space<hbm>>) target(%arg19 : memref<80xi32, #tpu.memory_space<vmem>>) target_semaphore(%arg32 : memref<!tpu.dma_semaphore, #tpu.memory_space<semaphore_mem>>)
    %dma_wait3A = arith.constant 0 : i32
    %dma_wait3A_38 = tpu.memref_slice %arg3[%dma_wait3A] : memref<655360xi32, #tpu.memory_space<hbm>> -> memref<80xi32, #tpu.memory_space<hbm>>
    %dma_wait3A_39 = arith.constant 0 : i32
    %dma_wait3A_40 = tpu.memref_slice %arg3[%dma_wait3A_39] : memref<655360xi32, #tpu.memory_space<hbm>> -> memref<80xi32, #tpu.memory_space<hbm>>
    tpu.wait_dma2 semaphore(%arg28 : memref<!tpu.dma_semaphore, #tpu.memory_space<semaphore_mem>>) src(%dma_wait3A_40 : memref<80xi32, #tpu.memory_space<hbm>>) dst(%arg7 : memref<80xi32, #tpu.memory_space<vmem>>)
    %dma_wait3A_41 = arith.constant 0 : i32
    %dma_wait3A_42 = tpu.memref_slice %arg4[%dma_wait3A_41] : memref<655360xi32, #tpu.memory_space<hbm>> -> memref<80xi32, #tpu.memory_space<hbm>>
    %dma_wait3A_43 = arith.constant 0 : i32
    %dma_wait3A_44 = tpu.memref_slice %arg4[%dma_wait3A_43] : memref<655360xi32, #tpu.memory_space<hbm>> -> memref<80xi32, #tpu.memory_space<hbm>>
    tpu.wait_dma2 semaphore(%arg28 : memref<!tpu.dma_semaphore, #tpu.memory_space<semaphore_mem>>) src(%dma_wait3A_44 : memref<80xi32, #tpu.memory_space<hbm>>) dst(%arg15 : memref<80xi32, #tpu.memory_space<vmem>>)
    %dma_start3A_45 = arith.constant 0 : i32
    %dma_start3A_46 = arith.constant 0 : i32
    %dma_start3A_47 = tpu.memref_slice %arg2[%dma_start3A_45, %dma_start3A_46] : memref<20000x128xf32, #tpu.memory_space<hbm>> -> memref<20000x128xf32, #tpu.memory_space<hbm>>
    tpu.enqueue_indirect_dma source(%dma_start3A_47 : memref<20000x128xf32, #tpu.memory_space<hbm>>) target(%arg23 : memref<80x128xf32, #tpu.memory_space<vmem>>) offsets(%arg7 : memref<80xi32, #tpu.memory_space<vmem>>) semaphore(%arg36 : memref<!tpu.dma_semaphore, #tpu.memory_space<semaphore_mem>>)
    %add3A_48 = arith.constant 400 : i32
    %add3A_49 = arith.addi %add3A, %add3A_48 : i32
    %dma_start3A_50 = tpu.memref_slice %arg3[%add3A_49] : memref<655360xi32, #tpu.memory_space<hbm>> -> memref<80xi32, #tpu.memory_space<hbm>>
    %dma_start3A_51 = tpu.memref_slice %arg3[%add3A_49] : memref<655360xi32, #tpu.memory_space<hbm>> -> memref<80xi32, #tpu.memory_space<hbm>>
    tpu.enqueue_dma source(%dma_start3A_51 : memref<80xi32, #tpu.memory_space<hbm>>) target(%arg12 : memref<80xi32, #tpu.memory_space<vmem>>) target_semaphore(%arg33 : memref<!tpu.dma_semaphore, #tpu.memory_space<semaphore_mem>>)
    %dma_start3A_52 = tpu.memref_slice %arg4[%add3A_49] : memref<655360xi32, #tpu.memory_space<hbm>> -> memref<80xi32, #tpu.memory_space<hbm>>
    %dma_start3A_53 = tpu.memref_slice %arg4[%add3A_49] : memref<655360xi32, #tpu.memory_space<hbm>> -> memref<80xi32, #tpu.memory_space<hbm>>
    tpu.enqueue_dma source(%dma_start3A_53 : memref<80xi32, #tpu.memory_space<hbm>>) target(%arg20 : memref<80xi32, #tpu.memory_space<vmem>>) target_semaphore(%arg33 : memref<!tpu.dma_semaphore, #tpu.memory_space<semaphore_mem>>)
    %dma_wait3A_54 = arith.constant 0 : i32
    %dma_wait3A_55 = tpu.memref_slice %arg3[%dma_wait3A_54] : memref<655360xi32, #tpu.memory_space<hbm>> -> memref<80xi32, #tpu.memory_space<hbm>>
    %dma_wait3A_56 = arith.constant 0 : i32
    %dma_wait3A_57 = tpu.memref_slice %arg3[%dma_wait3A_56] : memref<655360xi32, #tpu.memory_space<hbm>> -> memref<80xi32, #tpu.memory_space<hbm>>
    tpu.wait_dma2 semaphore(%arg29 : memref<!tpu.dma_semaphore, #tpu.memory_space<semaphore_mem>>) src(%dma_wait3A_57 : memref<80xi32, #tpu.memory_space<hbm>>) dst(%arg8 : memref<80xi32, #tpu.memory_space<vmem>>)
    %dma_wait3A_58 = arith.constant 0 : i32
    %dma_wait3A_59 = tpu.memref_slice %arg4[%dma_wait3A_58] : memref<655360xi32, #tpu.memory_space<hbm>> -> memref<80xi32, #tpu.memory_space<hbm>>
    %dma_wait3A_60 = arith.constant 0 : i32
    %dma_wait3A_61 = tpu.memref_slice %arg4[%dma_wait3A_60] : memref<655360xi32, #tpu.memory_space<hbm>> -> memref<80xi32, #tpu.memory_space<hbm>>
    tpu.wait_dma2 semaphore(%arg29 : memref<!tpu.dma_semaphore, #tpu.memory_space<semaphore_mem>>) src(%dma_wait3A_61 : memref<80xi32, #tpu.memory_space<hbm>>) dst(%arg16 : memref<80xi32, #tpu.memory_space<vmem>>)
    %dma_start3A_62 = arith.constant 0 : i32
    %dma_start3A_63 = arith.constant 0 : i32
    %dma_start3A_64 = tpu.memref_slice %arg2[%dma_start3A_62, %dma_start3A_63] : memref<20000x128xf32, #tpu.memory_space<hbm>> -> memref<20000x128xf32, #tpu.memory_space<hbm>>
    tpu.enqueue_indirect_dma source(%dma_start3A_64 : memref<20000x128xf32, #tpu.memory_space<hbm>>) target(%arg24 : memref<80x128xf32, #tpu.memory_space<vmem>>) offsets(%arg8 : memref<80xi32, #tpu.memory_space<vmem>>) semaphore(%arg37 : memref<!tpu.dma_semaphore, #tpu.memory_space<semaphore_mem>>)
    %add3A_65 = arith.constant 480 : i32
    %add3A_66 = arith.addi %add3A, %add3A_65 : i32
    %dma_start3A_67 = tpu.memref_slice %arg3[%add3A_66] : memref<655360xi32, #tpu.memory_space<hbm>> -> memref<80xi32, #tpu.memory_space<hbm>>
    %dma_start3A_68 = tpu.memref_slice %arg3[%add3A_66] : memref<655360xi32, #tpu.memory_space<hbm>> -> memref<80xi32, #tpu.memory_space<hbm>>
    tpu.enqueue_dma source(%dma_start3A_68 : memref<80xi32, #tpu.memory_space<hbm>>) target(%arg13 : memref<80xi32, #tpu.memory_space<vmem>>) target_semaphore(%arg34 : memref<!tpu.dma_semaphore, #tpu.memory_space<semaphore_mem>>)
    %dma_start3A_69 = tpu.memref_slice %arg4[%add3A_66] : memref<655360xi32, #tpu.memory_space<hbm>> -> memref<80xi32, #tpu.memory_space<hbm>>
    %dma_start3A_70 = tpu.memref_slice %arg4[%add3A_66] : memref<655360xi32, #tpu.memory_space<hbm>> -> memref<80xi32, #tpu.memory_space<hbm>>
    tpu.enqueue_dma source(%dma_start3A_70 : memref<80xi32, #tpu.memory_space<hbm>>) target(%arg21 : memref<80xi32, #tpu.memory_space<vmem>>) target_semaphore(%arg34 : memref<!tpu.dma_semaphore, #tpu.memory_space<semaphore_mem>>)
    %dma_wait3A_71 = arith.constant 0 : i32
    %dma_wait3A_72 = tpu.memref_slice %arg3[%dma_wait3A_71] : memref<655360xi32, #tpu.memory_space<hbm>> -> memref<80xi32, #tpu.memory_space<hbm>>
    %dma_wait3A_73 = arith.constant 0 : i32
    %dma_wait3A_74 = tpu.memref_slice %arg3[%dma_wait3A_73] : memref<655360xi32, #tpu.memory_space<hbm>> -> memref<80xi32, #tpu.memory_space<hbm>>
    tpu.wait_dma2 semaphore(%arg30 : memref<!tpu.dma_semaphore, #tpu.memory_space<semaphore_mem>>) src(%dma_wait3A_74 : memref<80xi32, #tpu.memory_space<hbm>>) dst(%arg9 : memref<80xi32, #tpu.memory_space<vmem>>)
    %dma_wait3A_75 = arith.constant 0 : i32
    %dma_wait3A_76 = tpu.memref_slice %arg4[%dma_wait3A_75] : memref<655360xi32, #tpu.memory_space<hbm>> -> memref<80xi32, #tpu.memory_space<hbm>>
    %dma_wait3A_77 = arith.constant 0 : i32
    %dma_wait3A_78 = tpu.memref_slice %arg4[%dma_wait3A_77] : memref<655360xi32, #tpu.memory_space<hbm>> -> memref<80xi32, #tpu.memory_space<hbm>>
    tpu.wait_dma2 semaphore(%arg30 : memref<!tpu.dma_semaphore, #tpu.memory_space<semaphore_mem>>) src(%dma_wait3A_78 : memref<80xi32, #tpu.memory_space<hbm>>) dst(%arg17 : memref<80xi32, #tpu.memory_space<vmem>>)
    %dma_start3A_79 = arith.constant 0 : i32
    %dma_start3A_80 = arith.constant 0 : i32
    %dma_start3A_81 = tpu.memref_slice %arg2[%dma_start3A_79, %dma_start3A_80] : memref<20000x128xf32, #tpu.memory_space<hbm>> -> memref<20000x128xf32, #tpu.memory_space<hbm>>
    tpu.enqueue_indirect_dma source(%dma_start3A_81 : memref<20000x128xf32, #tpu.memory_space<hbm>>) target(%arg25 : memref<80x128xf32, #tpu.memory_space<vmem>>) offsets(%arg9 : memref<80xi32, #tpu.memory_space<vmem>>) semaphore(%arg38 : memref<!tpu.dma_semaphore, #tpu.memory_space<semaphore_mem>>)
    %dma_wait3A_82 = arith.constant 0 : i32
    %dma_wait3A_83 = arith.constant 0 : i32
    %dma_wait3A_84 = tpu.memref_slice %arg2[%dma_wait3A_82, %dma_wait3A_83] : memref<20000x128xf32, #tpu.memory_space<hbm>> -> memref<20000x128xf32, #tpu.memory_space<hbm>>
    tpu.wait_indirect_dma semaphore(%arg36 : memref<!tpu.dma_semaphore, #tpu.memory_space<semaphore_mem>>) src(%dma_wait3A_84 : memref<20000x128xf32, #tpu.memory_space<hbm>>) dst(%arg23 : memref<80x128xf32, #tpu.memory_space<vmem>>)
    %dma_start3A_85 = arith.constant 0 : i32
    %dma_start3A_86 = arith.constant 0 : i32
    %dma_start3A_87 = tpu.memref_slice %arg27[%dma_start3A_85, %dma_start3A_86] : memref<10256x128xf32, #tpu.memory_space<vmem_shared>> -> memref<10256x128xf32, #tpu.memory_space<vmem_shared>>
    tpu.enqueue_indirect_dma source(%arg23 : memref<80x128xf32, #tpu.memory_space<vmem>>) target(%dma_start3A_87 : memref<10256x128xf32, #tpu.memory_space<vmem_shared>>) offsets(%arg15 : memref<80xi32, #tpu.memory_space<vmem>>) semaphore(%arg40 : memref<!tpu.dma_semaphore, #tpu.memory_space<semaphore_mem>>) {add = true}
    %add3A_88 = arith.constant 560 : i32
    %add3A_89 = arith.addi %add3A, %add3A_88 : i32
    %dma_start3A_90 = tpu.memref_slice %arg3[%add3A_89] : memref<655360xi32, #tpu.memory_space<hbm>> -> memref<80xi32, #tpu.memory_space<hbm>>
    %dma_start3A_91 = tpu.memref_slice %arg3[%add3A_89] : memref<655360xi32, #tpu.memory_space<hbm>> -> memref<80xi32, #tpu.memory_space<hbm>>
    tpu.enqueue_dma source(%dma_start3A_91 : memref<80xi32, #tpu.memory_space<hbm>>) target(%arg14 : memref<80xi32, #tpu.memory_space<vmem>>) target_semaphore(%arg35 : memref<!tpu.dma_semaphore, #tpu.memory_space<semaphore_mem>>)
    %dma_start3A_92 = tpu.memref_slice %arg4[%add3A_89] : memref<655360xi32, #tpu.memory_space<hbm>> -> memref<80xi32, #tpu.memory_space<hbm>>
    %dma_start3A_93 = tpu.memref_slice %arg4[%add3A_89] : memref<655360xi32, #tpu.memory_space<hbm>> -> memref<80xi32, #tpu.memory_space<hbm>>
    tpu.enqueue_dma source(%dma_start3A_93 : memref<80xi32, #tpu.memory_space<hbm>>) target(%arg22 : memref<80xi32, #tpu.memory_space<vmem>>) target_semaphore(%arg35 : memref<!tpu.dma_semaphore, #tpu.memory_space<semaphore_mem>>)
    %dma_wait3A_94 = arith.constant 0 : i32
    %dma_wait3A_95 = tpu.memref_slice %arg3[%dma_wait3A_94] : memref<655360xi32, #tpu.memory_space<hbm>> -> memref<80xi32, #tpu.memory_space<hbm>>
    %dma_wait3A_96 = arith.constant 0 : i32
    %dma_wait3A_97 = tpu.memref_slice %arg3[%dma_wait3A_96] : memref<655360xi32, #tpu.memory_space<hbm>> -> memref<80xi32, #tpu.memory_space<hbm>>
    tpu.wait_dma2 semaphore(%arg31 : memref<!tpu.dma_semaphore, #tpu.memory_space<semaphore_mem>>) src(%dma_wait3A_97 : memref<80xi32, #tpu.memory_space<hbm>>) dst(%arg10 : memref<80xi32, #tpu.memory_space<vmem>>)
    %dma_wait3A_98 = arith.constant 0 : i32
    %dma_wait3A_99 = tpu.memref_slice %arg4[%dma_wait3A_98] : memref<655360xi32, #tpu.memory_space<hbm>> -> memref<80xi32, #tpu.memory_space<hbm>>
    %dma_wait3A_100 = arith.constant 0 : i32
    %dma_wait3A_101 = tpu.memref_slice %arg4[%dma_wait3A_100] : memref<655360xi32, #tpu.memory_space<hbm>> -> memref<80xi32, #tpu.memory_space<hbm>>
    tpu.wait_dma2 semaphore(%arg31 : memref<!tpu.dma_semaphore, #tpu.memory_space<semaphore_mem>>) src(%dma_wait3A_101 : memref<80xi32, #tpu.memory_space<hbm>>) dst(%arg18 : memref<80xi32, #tpu.memory_space<vmem>>)
    %dma_start3A_102 = arith.constant 0 : i32
    %dma_start3A_103 = arith.constant 0 : i32
    %dma_start3A_104 = tpu.memref_slice %arg2[%dma_start3A_102, %dma_start3A_103] : memref<20000x128xf32, #tpu.memory_space<hbm>> -> memref<20000x128xf32, #tpu.memory_space<hbm>>
    tpu.enqueue_indirect_dma source(%dma_start3A_104 : memref<20000x128xf32, #tpu.memory_space<hbm>>) target(%arg26 : memref<80x128xf32, #tpu.memory_space<vmem>>) offsets(%arg10 : memref<80xi32, #tpu.memory_space<vmem>>) semaphore(%arg39 : memref<!tpu.dma_semaphore, #tpu.memory_space<semaphore_mem>>)
    %dma_wait3A_105 = arith.constant 0 : i32
    %dma_wait3A_106 = arith.constant 0 : i32
    %dma_wait3A_107 = tpu.memref_slice %arg2[%dma_wait3A_105, %dma_wait3A_106] : memref<20000x128xf32, #tpu.memory_space<hbm>> -> memref<20000x128xf32, #tpu.memory_space<hbm>>
    tpu.wait_indirect_dma semaphore(%arg37 : memref<!tpu.dma_semaphore, #tpu.memory_space<semaphore_mem>>) src(%dma_wait3A_107 : memref<20000x128xf32, #tpu.memory_space<hbm>>) dst(%arg24 : memref<80x128xf32, #tpu.memory_space<vmem>>)
    %dma_start3A_108 = arith.constant 0 : i32
    %dma_start3A_109 = arith.constant 0 : i32
    %dma_start3A_110 = tpu.memref_slice %arg27[%dma_start3A_108, %dma_start3A_109] : memref<10256x128xf32, #tpu.memory_space<vmem_shared>> -> memref<10256x128xf32, #tpu.memory_space<vmem_shared>>
    tpu.enqueue_indirect_dma source(%arg24 : memref<80x128xf32, #tpu.memory_space<vmem>>) target(%dma_start3A_110 : memref<10256x128xf32, #tpu.memory_space<vmem_shared>>) offsets(%arg16 : memref<80xi32, #tpu.memory_space<vmem>>) semaphore(%arg41 : memref<!tpu.dma_semaphore, #tpu.memory_space<semaphore_mem>>) {add = true}
    %dma_wait3A_111 = arith.constant 0 : i32
    %dma_wait3A_112 = arith.constant 0 : i32
    %dma_wait3A_113 = tpu.memref_slice %arg27[%dma_wait3A_111, %dma_wait3A_112] : memref<10256x128xf32, #tpu.memory_space<vmem_shared>> -> memref<10256x128xf32, #tpu.memory_space<vmem_shared>>
    tpu.wait_indirect_dma semaphore(%arg40 : memref<!tpu.dma_semaphore, #tpu.memory_space<semaphore_mem>>) src(%arg23 : memref<80x128xf32, #tpu.memory_space<vmem>>) dst(%dma_wait3A_113 : memref<10256x128xf32, #tpu.memory_space<vmem_shared>>)
    %add3A_114 = arith.constant 640 : i32
    %add3A_115 = arith.addi %add3A, %add3A_114 : i32
    %dma_start3A_116 = tpu.memref_slice %arg3[%add3A_115] : memref<655360xi32, #tpu.memory_space<hbm>> -> memref<80xi32, #tpu.memory_space<hbm>>
    %dma_start3A_117 = tpu.memref_slice %arg3[%add3A_115] : memref<655360xi32, #tpu.memory_space<hbm>> -> memref<80xi32, #tpu.memory_space<hbm>>
    tpu.enqueue_dma source(%dma_start3A_117 : memref<80xi32, #tpu.memory_space<hbm>>) target(%arg7 : memref<80xi32, #tpu.memory_space<vmem>>) target_semaphore(%arg28 : memref<!tpu.dma_semaphore, #tpu.memory_space<semaphore_mem>>)
    %dma_start3A_118 = tpu.memref_slice %arg4[%add3A_115] : memref<655360xi32, #tpu.memory_space<hbm>> -> memref<80xi32, #tpu.memory_space<hbm>>
    %dma_start3A_119 = tpu.memref_slice %arg4[%add3A_115] : memref<655360xi32, #tpu.memory_space<hbm>> -> memref<80xi32, #tpu.memory_space<hbm>>
    tpu.enqueue_dma source(%dma_start3A_119 : memref<80xi32, #tpu.memory_space<hbm>>) target(%arg15 : memref<80xi32, #tpu.memory_space<vmem>>) target_semaphore(%arg28 : memref<!tpu.dma_semaphore, #tpu.memory_space<semaphore_mem>>)
    %dma_wait3A_120 = arith.constant 0 : i32
    %dma_wait3A_121 = tpu.memref_slice %arg3[%dma_wait3A_120] : memref<655360xi32, #tpu.memory_space<hbm>> -> memref<80xi32, #tpu.memory_space<hbm>>
    %dma_wait3A_122 = arith.constant 0 : i32
    %dma_wait3A_123 = tpu.memref_slice %arg3[%dma_wait3A_122] : memref<655360xi32, #tpu.memory_space<hbm>> -> memref<80xi32, #tpu.memory_space<hbm>>
    tpu.wait_dma2 semaphore(%arg32 : memref<!tpu.dma_semaphore, #tpu.memory_space<semaphore_mem>>) src(%dma_wait3A_123 : memref<80xi32, #tpu.memory_space<hbm>>) dst(%arg11 : memref<80xi32, #tpu.memory_space<vmem>>)
    %dma_wait3A_124 = arith.constant 0 : i32
    %dma_wait3A_125 = tpu.memref_slice %arg4[%dma_wait3A_124] : memref<655360xi32, #tpu.memory_space<hbm>> -> memref<80xi32, #tpu.memory_space<hbm>>
    %dma_wait3A_126 = arith.constant 0 : i32
    %dma_wait3A_127 = tpu.memref_slice %arg4[%dma_wait3A_126] : memref<655360xi32, #tpu.memory_space<hbm>> -> memref<80xi32, #tpu.memory_space<hbm>>
    tpu.wait_dma2 semaphore(%arg32 : memref<!tpu.dma_semaphore, #tpu.memory_space<semaphore_mem>>) src(%dma_wait3A_127 : memref<80xi32, #tpu.memory_space<hbm>>) dst(%arg19 : memref<80xi32, #tpu.memory_space<vmem>>)
    %dma_start3A_128 = arith.constant 0 : i32
    %dma_start3A_129 = arith.constant 0 : i32
    %dma_start3A_130 = tpu.memref_slice %arg2[%dma_start3A_128, %dma_start3A_129] : memref<20000x128xf32, #tpu.memory_space<hbm>> -> memref<20000x128xf32, #tpu.memory_space<hbm>>
    tpu.enqueue_indirect_dma source(%dma_start3A_130 : memref<20000x128xf32, #tpu.memory_space<hbm>>) target(%arg23 : memref<80x128xf32, #tpu.memory_space<vmem>>) offsets(%arg11 : memref<80xi32, #tpu.memory_space<vmem>>) semaphore(%arg36 : memref<!tpu.dma_semaphore, #tpu.memory_space<semaphore_mem>>)
    %dma_wait3A_131 = arith.constant 0 : i32
    %dma_wait3A_132 = arith.constant 0 : i32
    %dma_wait3A_133 = tpu.memref_slice %arg2[%dma_wait3A_131, %dma_wait3A_132] : memref<20000x128xf32, #tpu.memory_space<hbm>> -> memref<20000x128xf32, #tpu.memory_space<hbm>>
    tpu.wait_indirect_dma semaphore(%arg38 : memref<!tpu.dma_semaphore, #tpu.memory_space<semaphore_mem>>) src(%dma_wait3A_133 : memref<20000x128xf32, #tpu.memory_space<hbm>>) dst(%arg25 : memref<80x128xf32, #tpu.memory_space<vmem>>)
    %dma_start3A_134 = arith.constant 0 : i32
    %dma_start3A_135 = arith.constant 0 : i32
    %dma_start3A_136 = tpu.memref_slice %arg27[%dma_start3A_134, %dma_start3A_135] : memref<10256x128xf32, #tpu.memory_space<vmem_shared>> -> memref<10256x128xf32, #tpu.memory_space<vmem_shared>>
    tpu.enqueue_indirect_dma source(%arg25 : memref<80x128xf32, #tpu.memory_space<vmem>>) target(%dma_start3A_136 : memref<10256x128xf32, #tpu.memory_space<vmem_shared>>) offsets(%arg17 : memref<80xi32, #tpu.memory_space<vmem>>) semaphore(%arg42 : memref<!tpu.dma_semaphore, #tpu.memory_space<semaphore_mem>>) {add = true}
    %dma_wait3A_137 = arith.constant 0 : i32
    %dma_wait3A_138 = arith.constant 0 : i32
    %dma_wait3A_139 = tpu.memref_slice %arg27[%dma_wait3A_137, %dma_wait3A_138] : memref<10256x128xf32, #tpu.memory_space<vmem_shared>> -> memref<10256x128xf32, #tpu.memory_space<vmem_shared>>
    tpu.wait_indirect_dma semaphore(%arg41 : memref<!tpu.dma_semaphore, #tpu.memory_space<semaphore_mem>>) src(%arg24 : memref<80x128xf32, #tpu.memory_space<vmem>>) dst(%dma_wait3A_139 : memref<10256x128xf32, #tpu.memory_space<vmem_shared>>)
    %add3A_140 = arith.constant 720 : i32
    %add3A_141 = arith.addi %add3A, %add3A_140 : i32
    %dma_start3A_142 = tpu.memref_slice %arg3[%add3A_141] : memref<655360xi32, #tpu.memory_space<hbm>> -> memref<80xi32, #tpu.memory_space<hbm>>
    %dma_start3A_143 = tpu.memref_slice %arg3[%add3A_141] : memref<655360xi32, #tpu.memory_space<hbm>> -> memref<80xi32, #tpu.memory_space<hbm>>
    tpu.enqueue_dma source(%dma_start3A_143 : memref<80xi32, #tpu.memory_space<hbm>>) target(%arg8 : memref<80xi32, #tpu.memory_space<vmem>>) target_semaphore(%arg29 : memref<!tpu.dma_semaphore, #tpu.memory_space<semaphore_mem>>)
    %dma_start3A_144 = tpu.memref_slice %arg4[%add3A_141] : memref<655360xi32, #tpu.memory_space<hbm>> -> memref<80xi32, #tpu.memory_space<hbm>>
    %dma_start3A_145 = tpu.memref_slice %arg4[%add3A_141] : memref<655360xi32, #tpu.memory_space<hbm>> -> memref<80xi32, #tpu.memory_space<hbm>>
    tpu.enqueue_dma source(%dma_start3A_145 : memref<80xi32, #tpu.memory_space<hbm>>) target(%arg16 : memref<80xi32, #tpu.memory_space<vmem>>) target_semaphore(%arg29 : memref<!tpu.dma_semaphore, #tpu.memory_space<semaphore_mem>>)
    %dma_wait3A_146 = arith.constant 0 : i32
    %dma_wait3A_147 = tpu.memref_slice %arg3[%dma_wait3A_146] : memref<655360xi32, #tpu.memory_space<hbm>> -> memref<80xi32, #tpu.memory_space<hbm>>
    %dma_wait3A_148 = arith.constant 0 : i32
    %dma_wait3A_149 = tpu.memref_slice %arg3[%dma_wait3A_148] : memref<655360xi32, #tpu.memory_space<hbm>> -> memref<80xi32, #tpu.memory_space<hbm>>
    tpu.wait_dma2 semaphore(%arg33 : memref<!tpu.dma_semaphore, #tpu.memory_space<semaphore_mem>>) src(%dma_wait3A_149 : memref<80xi32, #tpu.memory_space<hbm>>) dst(%arg12 : memref<80xi32, #tpu.memory_space<vmem>>)
    %dma_wait3A_150 = arith.constant 0 : i32
    %dma_wait3A_151 = tpu.memref_slice %arg4[%dma_wait3A_150] : memref<655360xi32, #tpu.memory_space<hbm>> -> memref<80xi32, #tpu.memory_space<hbm>>
    %dma_wait3A_152 = arith.constant 0 : i32
    %dma_wait3A_153 = tpu.memref_slice %arg4[%dma_wait3A_152] : memref<655360xi32, #tpu.memory_space<hbm>> -> memref<80xi32, #tpu.memory_space<hbm>>
    tpu.wait_dma2 semaphore(%arg33 : memref<!tpu.dma_semaphore, #tpu.memory_space<semaphore_mem>>) src(%dma_wait3A_153 : memref<80xi32, #tpu.memory_space<hbm>>) dst(%arg20 : memref<80xi32, #tpu.memory_space<vmem>>)
    %dma_start3A_154 = arith.constant 0 : i32
    %dma_start3A_155 = arith.constant 0 : i32
    %dma_start3A_156 = tpu.memref_slice %arg2[%dma_start3A_154, %dma_start3A_155] : memref<20000x128xf32, #tpu.memory_space<hbm>> -> memref<20000x128xf32, #tpu.memory_space<hbm>>
    tpu.enqueue_indirect_dma source(%dma_start3A_156 : memref<20000x128xf32, #tpu.memory_space<hbm>>) target(%arg24 : memref<80x128xf32, #tpu.memory_space<vmem>>) offsets(%arg12 : memref<80xi32, #tpu.memory_space<vmem>>) semaphore(%arg37 : memref<!tpu.dma_semaphore, #tpu.memory_space<semaphore_mem>>)
    %dma_wait3A_157 = arith.constant 0 : i32
    %dma_wait3A_158 = arith.constant 0 : i32
    %dma_wait3A_159 = tpu.memref_slice %arg2[%dma_wait3A_157, %dma_wait3A_158] : memref<20000x128xf32, #tpu.memory_space<hbm>> -> memref<20000x128xf32, #tpu.memory_space<hbm>>
    tpu.wait_indirect_dma semaphore(%arg39 : memref<!tpu.dma_semaphore, #tpu.memory_space<semaphore_mem>>) src(%dma_wait3A_159 : memref<20000x128xf32, #tpu.memory_space<hbm>>) dst(%arg26 : memref<80x128xf32, #tpu.memory_space<vmem>>)
    %dma_start3A_160 = arith.constant 0 : i32
    %dma_start3A_161 = arith.constant 0 : i32
    %dma_start3A_162 = tpu.memref_slice %arg27[%dma_start3A_160, %dma_start3A_161] : memref<10256x128xf32, #tpu.memory_space<vmem_shared>> -> memref<10256x128xf32, #tpu.memory_space<vmem_shared>>
    tpu.enqueue_indirect_dma source(%arg26 : memref<80x128xf32, #tpu.memory_space<vmem>>) target(%dma_start3A_162 : memref<10256x128xf32, #tpu.memory_space<vmem_shared>>) offsets(%arg18 : memref<80xi32, #tpu.memory_space<vmem>>) semaphore(%arg43 : memref<!tpu.dma_semaphore, #tpu.memory_space<semaphore_mem>>) {add = true}
    %dma_wait3A_163 = arith.constant 0 : i32
    %dma_wait3A_164 = arith.constant 0 : i32
    %dma_wait3A_165 = tpu.memref_slice %arg27[%dma_wait3A_163, %dma_wait3A_164] : memref<10256x128xf32, #tpu.memory_space<vmem_shared>> -> memref<10256x128xf32, #tpu.memory_space<vmem_shared>>
    tpu.wait_indirect_dma semaphore(%arg42 : memref<!tpu.dma_semaphore, #tpu.memory_space<semaphore_mem>>) src(%arg25 : memref<80x128xf32, #tpu.memory_space<vmem>>) dst(%dma_wait3A_165 : memref<10256x128xf32, #tpu.memory_space<vmem_shared>>)
    %add3A_166 = arith.constant 800 : i32
    %add3A_167 = arith.addi %add3A, %add3A_166 : i32
    %dma_start3A_168 = tpu.memref_slice %arg3[%add3A_167] : memref<655360xi32, #tpu.memory_space<hbm>> -> memref<80xi32, #tpu.memory_space<hbm>>
    %dma_start3A_169 = tpu.memref_slice %arg3[%add3A_167] : memref<655360xi32, #tpu.memory_space<hbm>> -> memref<80xi32, #tpu.memory_space<hbm>>
    tpu.enqueue_dma source(%dma_start3A_169 : memref<80xi32, #tpu.memory_space<hbm>>) target(%arg9 : memref<80xi32, #tpu.memory_space<vmem>>) target_semaphore(%arg30 : memref<!tpu.dma_semaphore, #tpu.memory_space<semaphore_mem>>)
    %dma_start3A_170 = tpu.memref_slice %arg4[%add3A_167] : memref<655360xi32, #tpu.memory_space<hbm>> -> memref<80xi32, #tpu.memory_space<hbm>>
    %dma_start3A_171 = tpu.memref_slice %arg4[%add3A_167] : memref<655360xi32, #tpu.memory_space<hbm>> -> memref<80xi32, #tpu.memory_space<hbm>>
    tpu.enqueue_dma source(%dma_start3A_171 : memref<80xi32, #tpu.memory_space<hbm>>) target(%arg17 : memref<80xi32, #tpu.memory_space<vmem>>) target_semaphore(%arg30 : memref<!tpu.dma_semaphore, #tpu.memory_space<semaphore_mem>>)
    %dma_wait3A_172 = arith.constant 0 : i32
    %dma_wait3A_173 = tpu.memref_slice %arg3[%dma_wait3A_172] : memref<655360xi32, #tpu.memory_space<hbm>> -> memref<80xi32, #tpu.memory_space<hbm>>
    %dma_wait3A_174 = arith.constant 0 : i32
    %dma_wait3A_175 = tpu.memref_slice %arg3[%dma_wait3A_174] : memref<655360xi32, #tpu.memory_space<hbm>> -> memref<80xi32, #tpu.memory_space<hbm>>
    tpu.wait_dma2 semaphore(%arg34 : memref<!tpu.dma_semaphore, #tpu.memory_space<semaphore_mem>>) src(%dma_wait3A_175 : memref<80xi32, #tpu.memory_space<hbm>>) dst(%arg13 : memref<80xi32, #tpu.memory_space<vmem>>)
    %dma_wait3A_176 = arith.constant 0 : i32
    %dma_wait3A_177 = tpu.memref_slice %arg4[%dma_wait3A_176] : memref<655360xi32, #tpu.memory_space<hbm>> -> memref<80xi32, #tpu.memory_space<hbm>>
    %dma_wait3A_178 = arith.constant 0 : i32
    %dma_wait3A_179 = tpu.memref_slice %arg4[%dma_wait3A_178] : memref<655360xi32, #tpu.memory_space<hbm>> -> memref<80xi32, #tpu.memory_space<hbm>>
    tpu.wait_dma2 semaphore(%arg34 : memref<!tpu.dma_semaphore, #tpu.memory_space<semaphore_mem>>) src(%dma_wait3A_179 : memref<80xi32, #tpu.memory_space<hbm>>) dst(%arg21 : memref<80xi32, #tpu.memory_space<vmem>>)
    %dma_start3A_180 = arith.constant 0 : i32
    %dma_start3A_181 = arith.constant 0 : i32
    %dma_start3A_182 = tpu.memref_slice %arg2[%dma_start3A_180, %dma_start3A_181] : memref<20000x128xf32, #tpu.memory_space<hbm>> -> memref<20000x128xf32, #tpu.memory_space<hbm>>
    tpu.enqueue_indirect_dma source(%dma_start3A_182 : memref<20000x128xf32, #tpu.memory_space<hbm>>) target(%arg25 : memref<80x128xf32, #tpu.memory_space<vmem>>) offsets(%arg13 : memref<80xi32, #tpu.memory_space<vmem>>) semaphore(%arg38 : memref<!tpu.dma_semaphore, #tpu.memory_space<semaphore_mem>>)
    %dma_wait3A_183 = arith.constant 0 : i32
    %dma_wait3A_184 = arith.constant 0 : i32
    %dma_wait3A_185 = tpu.memref_slice %arg2[%dma_wait3A_183, %dma_wait3A_184] : memref<20000x128xf32, #tpu.memory_space<hbm>> -> memref<20000x128xf32, #tpu.memory_space<hbm>>
    tpu.wait_indirect_dma semaphore(%arg36 : memref<!tpu.dma_semaphore, #tpu.memory_space<semaphore_mem>>) src(%dma_wait3A_185 : memref<20000x128xf32, #tpu.memory_space<hbm>>) dst(%arg23 : memref<80x128xf32, #tpu.memory_space<vmem>>)
    %dma_start3A_186 = arith.constant 0 : i32
    %dma_start3A_187 = arith.constant 0 : i32
    %dma_start3A_188 = tpu.memref_slice %arg27[%dma_start3A_186, %dma_start3A_187] : memref<10256x128xf32, #tpu.memory_space<vmem_shared>> -> memref<10256x128xf32, #tpu.memory_space<vmem_shared>>
    tpu.enqueue_indirect_dma source(%arg23 : memref<80x128xf32, #tpu.memory_space<vmem>>) target(%dma_start3A_188 : memref<10256x128xf32, #tpu.memory_space<vmem_shared>>) offsets(%arg19 : memref<80xi32, #tpu.memory_space<vmem>>) semaphore(%arg40 : memref<!tpu.dma_semaphore, #tpu.memory_space<semaphore_mem>>) {add = true}
    %dma_wait3A_189 = arith.constant 0 : i32
    %dma_wait3A_190 = arith.constant 0 : i32
    %dma_wait3A_191 = tpu.memref_slice %arg27[%dma_wait3A_189, %dma_wait3A_190] : memref<10256x128xf32, #tpu.memory_space<vmem_shared>> -> memref<10256x128xf32, #tpu.memory_space<vmem_shared>>
    tpu.wait_indirect_dma semaphore(%arg43 : memref<!tpu.dma_semaphore, #tpu.memory_space<semaphore_mem>>) src(%arg26 : memref<80x128xf32, #tpu.memory_space<vmem>>) dst(%dma_wait3A_191 : memref<10256x128xf32, #tpu.memory_space<vmem_shared>>)
    %add3A_192 = arith.constant 880 : i32
    %add3A_193 = arith.addi %add3A, %add3A_192 : i32
    %dma_start3A_194 = tpu.memref_slice %arg3[%add3A_193] : memref<655360xi32, #tpu.memory_space<hbm>> -> memref<80xi32, #tpu.memory_space<hbm>>
    %dma_start3A_195 = tpu.memref_slice %arg3[%add3A_193] : memref<655360xi32, #tpu.memory_space<hbm>> -> memref<80xi32, #tpu.memory_space<hbm>>
    tpu.enqueue_dma source(%dma_start3A_195 : memref<80xi32, #tpu.memory_space<hbm>>) target(%arg10 : memref<80xi32, #tpu.memory_space<vmem>>) target_semaphore(%arg31 : memref<!tpu.dma_semaphore, #tpu.memory_space<semaphore_mem>>)
    %dma_start3A_196 = tpu.memref_slice %arg4[%add3A_193] : memref<655360xi32, #tpu.memory_space<hbm>> -> memref<80xi32, #tpu.memory_space<hbm>>
    %dma_start3A_197 = tpu.memref_slice %arg4[%add3A_193] : memref<655360xi32, #tpu.memory_space<hbm>> -> memref<80xi32, #tpu.memory_space<hbm>>
    tpu.enqueue_dma source(%dma_start3A_197 : memref<80xi32, #tpu.memory_space<hbm>>) target(%arg18 : memref<80xi32, #tpu.memory_space<vmem>>) target_semaphore(%arg31 : memref<!tpu.dma_semaphore, #tpu.memory_space<semaphore_mem>>)
    %dma_wait3A_198 = arith.constant 0 : i32
    %dma_wait3A_199 = tpu.memref_slice %arg3[%dma_wait3A_198] : memref<655360xi32, #tpu.memory_space<hbm>> -> memref<80xi32, #tpu.memory_space<hbm>>
    %dma_wait3A_200 = arith.constant 0 : i32
    %dma_wait3A_201 = tpu.memref_slice %arg3[%dma_wait3A_200] : memref<655360xi32, #tpu.memory_space<hbm>> -> memref<80xi32, #tpu.memory_space<hbm>>
    tpu.wait_dma2 semaphore(%arg35 : memref<!tpu.dma_semaphore, #tpu.memory_space<semaphore_mem>>) src(%dma_wait3A_201 : memref<80xi32, #tpu.memory_space<hbm>>) dst(%arg14 : memref<80xi32, #tpu.memory_space<vmem>>)
    %dma_wait3A_202 = arith.constant 0 : i32
    %dma_wait3A_203 = tpu.memref_slice %arg4[%dma_wait3A_202] : memref<655360xi32, #tpu.memory_space<hbm>> -> memref<80xi32, #tpu.memory_space<hbm>>
    %dma_wait3A_204 = arith.constant 0 : i32
    %dma_wait3A_205 = tpu.memref_slice %arg4[%dma_wait3A_204] : memref<655360xi32, #tpu.memory_space<hbm>> -> memref<80xi32, #tpu.memory_space<hbm>>
    tpu.wait_dma2 semaphore(%arg35 : memref<!tpu.dma_semaphore, #tpu.memory_space<semaphore_mem>>) src(%dma_wait3A_205 : memref<80xi32, #tpu.memory_space<hbm>>) dst(%arg22 : memref<80xi32, #tpu.memory_space<vmem>>)
    %dma_start3A_206 = arith.constant 0 : i32
    %dma_start3A_207 = arith.constant 0 : i32
    %dma_start3A_208 = tpu.memref_slice %arg2[%dma_start3A_206, %dma_start3A_207] : memref<20000x128xf32, #tpu.memory_space<hbm>> -> memref<20000x128xf32, #tpu.memory_space<hbm>>
    tpu.enqueue_indirect_dma source(%dma_start3A_208 : memref<20000x128xf32, #tpu.memory_space<hbm>>) target(%arg26 : memref<80x128xf32, #tpu.memory_space<vmem>>) offsets(%arg14 : memref<80xi32, #tpu.memory_space<vmem>>) semaphore(%arg39 : memref<!tpu.dma_semaphore, #tpu.memory_space<semaphore_mem>>)
    %dma_wait3A_209 = arith.constant 0 : i32
    %dma_wait3A_210 = arith.constant 0 : i32
    %dma_wait3A_211 = tpu.memref_slice %arg2[%dma_wait3A_209, %dma_wait3A_210] : memref<20000x128xf32, #tpu.memory_space<hbm>> -> memref<20000x128xf32, #tpu.memory_space<hbm>>
    tpu.wait_indirect_dma semaphore(%arg37 : memref<!tpu.dma_semaphore, #tpu.memory_space<semaphore_mem>>) src(%dma_wait3A_211 : memref<20000x128xf32, #tpu.memory_space<hbm>>) dst(%arg24 : memref<80x128xf32, #tpu.memory_space<vmem>>)
    %dma_start3A_212 = arith.constant 0 : i32
    %dma_start3A_213 = arith.constant 0 : i32
    %dma_start3A_214 = tpu.memref_slice %arg27[%dma_start3A_212, %dma_start3A_213] : memref<10256x128xf32, #tpu.memory_space<vmem_shared>> -> memref<10256x128xf32, #tpu.memory_space<vmem_shared>>
    tpu.enqueue_indirect_dma source(%arg24 : memref<80x128xf32, #tpu.memory_space<vmem>>) target(%dma_start3A_214 : memref<10256x128xf32, #tpu.memory_space<vmem_shared>>) offsets(%arg20 : memref<80xi32, #tpu.memory_space<vmem>>) semaphore(%arg41 : memref<!tpu.dma_semaphore, #tpu.memory_space<semaphore_mem>>) {add = true}
    %scan3A_215 = arith.constant 0 : i32
    %scan3A_216 = arith.constant 31 : i32
    %scan3A_217 = arith.addi %scan3A_215, %scan3A_216 : i32
    %scan3A_218 = arith.constant 1 : i32
    scf.for %scan3A_250 = %scan3A_215 to %scan3A_217 step %scan3A_218  : i32 {
      %mul3A_251 = arith.constant 1 : i32
      %mul3A_252 = arith.muli %scan3A_250, %mul3A_251 : i32
      %add3A_253 = arith.constant 1 : i32
      %add3A_254 = arith.addi %add3A_253, %mul3A_252 : i32
      %dma_wait3A_255 = arith.constant 0 : i32
      %dma_wait3A_256 = arith.constant 0 : i32
      %dma_wait3A_257 = tpu.memref_slice %arg27[%dma_wait3A_255, %dma_wait3A_256] : memref<10256x128xf32, #tpu.memory_space<vmem_shared>> -> memref<10256x128xf32, #tpu.memory_space<vmem_shared>>
      tpu.wait_indirect_dma semaphore(%arg40 : memref<!tpu.dma_semaphore, #tpu.memory_space<semaphore_mem>>) src(%arg23 : memref<80x128xf32, #tpu.memory_space<vmem>>) dst(%dma_wait3A_257 : memref<10256x128xf32, #tpu.memory_space<vmem_shared>>)
      %mul3A_258 = arith.constant 8 : i32
      %mul3A_259 = arith.muli %add3A_254, %mul3A_258 : i32
      %add3A_260 = arith.constant 0 : i32
      %add3A_261 = arith.addi %mul3A_259, %add3A_260 : i32
      %add3A_262 = arith.constant 4 : i32
      %add3A_263 = arith.addi %add3A_261, %add3A_262 : i32
      %lt3A_264 = arith.constant 256 : i32
      %lt3A_265 = arith.cmpi slt, %add3A_263, %lt3A_264 : i32
      %convert_element_type3A_266 = arith.extui %lt3A_265 : i1 to i32
      %cond3A_267 = arith.constant 0 : i32
      %cond3A_268 = arith.cmpi ne, %convert_element_type3A_266, %cond3A_267 : i32
      scf.if %cond3A_268 {
        %mul3A_503 = arith.constant 8 : i32
        %mul3A_504 = arith.muli %add3A_254, %mul3A_503 : i32
        %add3A_505 = arith.constant 0 : i32
        %add3A_506 = arith.addi %mul3A_504, %add3A_505 : i32
        %add3A_507 = arith.constant 4 : i32
        %add3A_508 = arith.addi %add3A_506, %add3A_507 : i32
        %mul3A_509 = arith.constant 80 : i32
        %mul3A_510 = arith.muli %add3A_508, %mul3A_509 : i32
        %add3A_511 = arith.addi %add3A, %mul3A_510 : i32
        %dma_start3A_512 = tpu.memref_slice %arg3[%add3A_511] : memref<655360xi32, #tpu.memory_space<hbm>> -> memref<80xi32, #tpu.memory_space<hbm>>
        %dma_start3A_513 = tpu.memref_slice %arg3[%add3A_511] : memref<655360xi32, #tpu.memory_space<hbm>> -> memref<80xi32, #tpu.memory_space<hbm>>
        tpu.enqueue_dma source(%dma_start3A_513 : memref<80xi32, #tpu.memory_space<hbm>>) target(%arg11 : memref<80xi32, #tpu.memory_space<vmem>>) target_semaphore(%arg32 : memref<!tpu.dma_semaphore, #tpu.memory_space<semaphore_mem>>)
        %dma_start3A_514 = tpu.memref_slice %arg4[%add3A_511] : memref<655360xi32, #tpu.memory_space<hbm>> -> memref<80xi32, #tpu.memory_space<hbm>>
        %dma_start3A_515 = tpu.memref_slice %arg4[%add3A_511] : memref<655360xi32, #tpu.memory_space<hbm>> -> memref<80xi32, #tpu.memory_space<hbm>>
        tpu.enqueue_dma source(%dma_start3A_515 : memref<80xi32, #tpu.memory_space<hbm>>) target(%arg19 : memref<80xi32, #tpu.memory_space<vmem>>) target_semaphore(%arg32 : memref<!tpu.dma_semaphore, #tpu.memory_space<semaphore_mem>>)
      } else {
      }
      %dma_wait3A_269 = arith.constant 0 : i32
      %dma_wait3A_270 = tpu.memref_slice %arg3[%dma_wait3A_269] : memref<655360xi32, #tpu.memory_space<hbm>> -> memref<80xi32, #tpu.memory_space<hbm>>
      %dma_wait3A_271 = arith.constant 0 : i32
      %dma_wait3A_272 = tpu.memref_slice %arg3[%dma_wait3A_271] : memref<655360xi32, #tpu.memory_space<hbm>> -> memref<80xi32, #tpu.memory_space<hbm>>
      tpu.wait_dma2 semaphore(%arg28 : memref<!tpu.dma_semaphore, #tpu.memory_space<semaphore_mem>>) src(%dma_wait3A_272 : memref<80xi32, #tpu.memory_space<hbm>>) dst(%arg7 : memref<80xi32, #tpu.memory_space<vmem>>)
      %dma_wait3A_273 = arith.constant 0 : i32
      %dma_wait3A_274 = tpu.memref_slice %arg4[%dma_wait3A_273] : memref<655360xi32, #tpu.memory_space<hbm>> -> memref<80xi32, #tpu.memory_space<hbm>>
      %dma_wait3A_275 = arith.constant 0 : i32
      %dma_wait3A_276 = tpu.memref_slice %arg4[%dma_wait3A_275] : memref<655360xi32, #tpu.memory_space<hbm>> -> memref<80xi32, #tpu.memory_space<hbm>>
      tpu.wait_dma2 semaphore(%arg28 : memref<!tpu.dma_semaphore, #tpu.memory_space<semaphore_mem>>) src(%dma_wait3A_276 : memref<80xi32, #tpu.memory_space<hbm>>) dst(%arg15 : memref<80xi32, #tpu.memory_space<vmem>>)
      %dma_start3A_277 = arith.constant 0 : i32
      %dma_start3A_278 = arith.constant 0 : i32
      %dma_start3A_279 = tpu.memref_slice %arg2[%dma_start3A_277, %dma_start3A_278] : memref<20000x128xf32, #tpu.memory_space<hbm>> -> memref<20000x128xf32, #tpu.memory_space<hbm>>
      tpu.enqueue_indirect_dma source(%dma_start3A_279 : memref<20000x128xf32, #tpu.memory_space<hbm>>) target(%arg23 : memref<80x128xf32, #tpu.memory_space<vmem>>) offsets(%arg7 : memref<80xi32, #tpu.memory_space<vmem>>) semaphore(%arg36 : memref<!tpu.dma_semaphore, #tpu.memory_space<semaphore_mem>>)
      %dma_wait3A_280 = arith.constant 0 : i32
      %dma_wait3A_281 = arith.constant 0 : i32
      %dma_wait3A_282 = tpu.memref_slice %arg2[%dma_wait3A_280, %dma_wait3A_281] : memref<20000x128xf32, #tpu.memory_space<hbm>> -> memref<20000x128xf32, #tpu.memory_space<hbm>>
      tpu.wait_indirect_dma semaphore(%arg38 : memref<!tpu.dma_semaphore, #tpu.memory_space<semaphore_mem>>) src(%dma_wait3A_282 : memref<20000x128xf32, #tpu.memory_space<hbm>>) dst(%arg25 : memref<80x128xf32, #tpu.memory_space<vmem>>)
      %dma_start3A_283 = arith.constant 0 : i32
      %dma_start3A_284 = arith.constant 0 : i32
      %dma_start3A_285 = tpu.memref_slice %arg27[%dma_start3A_283, %dma_start3A_284] : memref<10256x128xf32, #tpu.memory_space<vmem_shared>> -> memref<10256x128xf32, #tpu.memory_space<vmem_shared>>
      tpu.enqueue_indirect_dma source(%arg25 : memref<80x128xf32, #tpu.memory_space<vmem>>) target(%dma_start3A_285 : memref<10256x128xf32, #tpu.memory_space<vmem_shared>>) offsets(%arg21 : memref<80xi32, #tpu.memory_space<vmem>>) semaphore(%arg42 : memref<!tpu.dma_semaphore, #tpu.memory_space<semaphore_mem>>) {add = true}
      %dma_wait3A_286 = arith.constant 0 : i32
      %dma_wait3A_287 = arith.constant 0 : i32
      %dma_wait3A_288 = tpu.memref_slice %arg27[%dma_wait3A_286, %dma_wait3A_287] : memref<10256x128xf32, #tpu.memory_space<vmem_shared>> -> memref<10256x128xf32, #tpu.memory_space<vmem_shared>>
      tpu.wait_indirect_dma semaphore(%arg41 : memref<!tpu.dma_semaphore, #tpu.memory_space<semaphore_mem>>) src(%arg24 : memref<80x128xf32, #tpu.memory_space<vmem>>) dst(%dma_wait3A_288 : memref<10256x128xf32, #tpu.memory_space<vmem_shared>>)
      %mul3A_289 = arith.constant 8 : i32
      %mul3A_290 = arith.muli %add3A_254, %mul3A_289 : i32
      %add3A_291 = arith.constant 1 : i32
      %add3A_292 = arith.addi %mul3A_290, %add3A_291 : i32
      %add3A_293 = arith.constant 4 : i32
      %add3A_294 = arith.addi %add3A_292, %add3A_293 : i32
      %lt3A_295 = arith.constant 256 : i32
      %lt3A_296 = arith.cmpi slt, %add3A_294, %lt3A_295 : i32
      %convert_element_type3A_297 = arith.extui %lt3A_296 : i1 to i32
      %cond3A_298 = arith.constant 0 : i32
      %cond3A_299 = arith.cmpi ne, %convert_element_type3A_297, %cond3A_298 : i32
      scf.if %cond3A_299 {
        %mul3A_503 = arith.constant 8 : i32
        %mul3A_504 = arith.muli %add3A_254, %mul3A_503 : i32
        %add3A_505 = arith.constant 1 : i32
        %add3A_506 = arith.addi %mul3A_504, %add3A_505 : i32
        %add3A_507 = arith.constant 4 : i32
        %add3A_508 = arith.addi %add3A_506, %add3A_507 : i32
        %mul3A_509 = arith.constant 80 : i32
        %mul3A_510 = arith.muli %add3A_508, %mul3A_509 : i32
        %add3A_511 = arith.addi %add3A, %mul3A_510 : i32
        %dma_start3A_512 = tpu.memref_slice %arg3[%add3A_511] : memref<655360xi32, #tpu.memory_space<hbm>> -> memref<80xi32, #tpu.memory_space<hbm>>
        %dma_start3A_513 = tpu.memref_slice %arg3[%add3A_511] : memref<655360xi32, #tpu.memory_space<hbm>> -> memref<80xi32, #tpu.memory_space<hbm>>
        tpu.enqueue_dma source(%dma_start3A_513 : memref<80xi32, #tpu.memory_space<hbm>>) target(%arg12 : memref<80xi32, #tpu.memory_space<vmem>>) target_semaphore(%arg33 : memref<!tpu.dma_semaphore, #tpu.memory_space<semaphore_mem>>)
        %dma_start3A_514 = tpu.memref_slice %arg4[%add3A_511] : memref<655360xi32, #tpu.memory_space<hbm>> -> memref<80xi32, #tpu.memory_space<hbm>>
        %dma_start3A_515 = tpu.memref_slice %arg4[%add3A_511] : memref<655360xi32, #tpu.memory_space<hbm>> -> memref<80xi32, #tpu.memory_space<hbm>>
        tpu.enqueue_dma source(%dma_start3A_515 : memref<80xi32, #tpu.memory_space<hbm>>) target(%arg20 : memref<80xi32, #tpu.memory_space<vmem>>) target_semaphore(%arg33 : memref<!tpu.dma_semaphore, #tpu.memory_space<semaphore_mem>>)
      } else {
      }
      %dma_wait3A_300 = arith.constant 0 : i32
      %dma_wait3A_301 = tpu.memref_slice %arg3[%dma_wait3A_300] : memref<655360xi32, #tpu.memory_space<hbm>> -> memref<80xi32, #tpu.memory_space<hbm>>
      %dma_wait3A_302 = arith.constant 0 : i32
      %dma_wait3A_303 = tpu.memref_slice %arg3[%dma_wait3A_302] : memref<655360xi32, #tpu.memory_space<hbm>> -> memref<80xi32, #tpu.memory_space<hbm>>
      tpu.wait_dma2 semaphore(%arg29 : memref<!tpu.dma_semaphore, #tpu.memory_space<semaphore_mem>>) src(%dma_wait3A_303 : memref<80xi32, #tpu.memory_space<hbm>>) dst(%arg8 : memref<80xi32, #tpu.memory_space<vmem>>)
      %dma_wait3A_304 = arith.constant 0 : i32
      %dma_wait3A_305 = tpu.memref_slice %arg4[%dma_wait3A_304] : memref<655360xi32, #tpu.memory_space<hbm>> -> memref<80xi32, #tpu.memory_space<hbm>>
      %dma_wait3A_306 = arith.constant 0 : i32
      %dma_wait3A_307 = tpu.memref_slice %arg4[%dma_wait3A_306] : memref<655360xi32, #tpu.memory_space<hbm>> -> memref<80xi32, #tpu.memory_space<hbm>>
      tpu.wait_dma2 semaphore(%arg29 : memref<!tpu.dma_semaphore, #tpu.memory_space<semaphore_mem>>) src(%dma_wait3A_307 : memref<80xi32, #tpu.memory_space<hbm>>) dst(%arg16 : memref<80xi32, #tpu.memory_space<vmem>>)
      %dma_start3A_308 = arith.constant 0 : i32
      %dma_start3A_309 = arith.constant 0 : i32
      %dma_start3A_310 = tpu.memref_slice %arg2[%dma_start3A_308, %dma_start3A_309] : memref<20000x128xf32, #tpu.memory_space<hbm>> -> memref<20000x128xf32, #tpu.memory_space<hbm>>
      tpu.enqueue_indirect_dma source(%dma_start3A_310 : memref<20000x128xf32, #tpu.memory_space<hbm>>) target(%arg24 : memref<80x128xf32, #tpu.memory_space<vmem>>) offsets(%arg8 : memref<80xi32, #tpu.memory_space<vmem>>) semaphore(%arg37 : memref<!tpu.dma_semaphore, #tpu.memory_space<semaphore_mem>>)
      %dma_wait3A_311 = arith.constant 0 : i32
      %dma_wait3A_312 = arith.constant 0 : i32
      %dma_wait3A_313 = tpu.memref_slice %arg2[%dma_wait3A_311, %dma_wait3A_312] : memref<20000x128xf32, #tpu.memory_space<hbm>> -> memref<20000x128xf32, #tpu.memory_space<hbm>>
      tpu.wait_indirect_dma semaphore(%arg39 : memref<!tpu.dma_semaphore, #tpu.memory_space<semaphore_mem>>) src(%dma_wait3A_313 : memref<20000x128xf32, #tpu.memory_space<hbm>>) dst(%arg26 : memref<80x128xf32, #tpu.memory_space<vmem>>)
      %dma_start3A_314 = arith.constant 0 : i32
      %dma_start3A_315 = arith.constant 0 : i32
      %dma_start3A_316 = tpu.memref_slice %arg27[%dma_start3A_314, %dma_start3A_315] : memref<10256x128xf32, #tpu.memory_space<vmem_shared>> -> memref<10256x128xf32, #tpu.memory_space<vmem_shared>>
      tpu.enqueue_indirect_dma source(%arg26 : memref<80x128xf32, #tpu.memory_space<vmem>>) target(%dma_start3A_316 : memref<10256x128xf32, #tpu.memory_space<vmem_shared>>) offsets(%arg22 : memref<80xi32, #tpu.memory_space<vmem>>) semaphore(%arg43 : memref<!tpu.dma_semaphore, #tpu.memory_space<semaphore_mem>>) {add = true}
      %dma_wait3A_317 = arith.constant 0 : i32
      %dma_wait3A_318 = arith.constant 0 : i32
      %dma_wait3A_319 = tpu.memref_slice %arg27[%dma_wait3A_317, %dma_wait3A_318] : memref<10256x128xf32, #tpu.memory_space<vmem_shared>> -> memref<10256x128xf32, #tpu.memory_space<vmem_shared>>
      tpu.wait_indirect_dma semaphore(%arg42 : memref<!tpu.dma_semaphore, #tpu.memory_space<semaphore_mem>>) src(%arg25 : memref<80x128xf32, #tpu.memory_space<vmem>>) dst(%dma_wait3A_319 : memref<10256x128xf32, #tpu.memory_space<vmem_shared>>)
      %mul3A_320 = arith.constant 8 : i32
      %mul3A_321 = arith.muli %add3A_254, %mul3A_320 : i32
      %add3A_322 = arith.constant 2 : i32
      %add3A_323 = arith.addi %mul3A_321, %add3A_322 : i32
      %add3A_324 = arith.constant 4 : i32
      %add3A_325 = arith.addi %add3A_323, %add3A_324 : i32
      %lt3A_326 = arith.constant 256 : i32
      %lt3A_327 = arith.cmpi slt, %add3A_325, %lt3A_326 : i32
      %convert_element_type3A_328 = arith.extui %lt3A_327 : i1 to i32
      %cond3A_329 = arith.constant 0 : i32
      %cond3A_330 = arith.cmpi ne, %convert_element_type3A_328, %cond3A_329 : i32
      scf.if %cond3A_330 {
        %mul3A_503 = arith.constant 8 : i32
        %mul3A_504 = arith.muli %add3A_254, %mul3A_503 : i32
        %add3A_505 = arith.constant 2 : i32
        %add3A_506 = arith.addi %mul3A_504, %add3A_505 : i32
        %add3A_507 = arith.constant 4 : i32
        %add3A_508 = arith.addi %add3A_506, %add3A_507 : i32
        %mul3A_509 = arith.constant 80 : i32
        %mul3A_510 = arith.muli %add3A_508, %mul3A_509 : i32
        %add3A_511 = arith.addi %add3A, %mul3A_510 : i32
        %dma_start3A_512 = tpu.memref_slice %arg3[%add3A_511] : memref<655360xi32, #tpu.memory_space<hbm>> -> memref<80xi32, #tpu.memory_space<hbm>>
        %dma_start3A_513 = tpu.memref_slice %arg3[%add3A_511] : memref<655360xi32, #tpu.memory_space<hbm>> -> memref<80xi32, #tpu.memory_space<hbm>>
        tpu.enqueue_dma source(%dma_start3A_513 : memref<80xi32, #tpu.memory_space<hbm>>) target(%arg13 : memref<80xi32, #tpu.memory_space<vmem>>) target_semaphore(%arg34 : memref<!tpu.dma_semaphore, #tpu.memory_space<semaphore_mem>>)
        %dma_start3A_514 = tpu.memref_slice %arg4[%add3A_511] : memref<655360xi32, #tpu.memory_space<hbm>> -> memref<80xi32, #tpu.memory_space<hbm>>
        %dma_start3A_515 = tpu.memref_slice %arg4[%add3A_511] : memref<655360xi32, #tpu.memory_space<hbm>> -> memref<80xi32, #tpu.memory_space<hbm>>
        tpu.enqueue_dma source(%dma_start3A_515 : memref<80xi32, #tpu.memory_space<hbm>>) target(%arg21 : memref<80xi32, #tpu.memory_space<vmem>>) target_semaphore(%arg34 : memref<!tpu.dma_semaphore, #tpu.memory_space<semaphore_mem>>)
      } else {
      }
      %dma_wait3A_331 = arith.constant 0 : i32
      %dma_wait3A_332 = tpu.memref_slice %arg3[%dma_wait3A_331] : memref<655360xi32, #tpu.memory_space<hbm>> -> memref<80xi32, #tpu.memory_space<hbm>>
      %dma_wait3A_333 = arith.constant 0 : i32
      %dma_wait3A_334 = tpu.memref_slice %arg3[%dma_wait3A_333] : memref<655360xi32, #tpu.memory_space<hbm>> -> memref<80xi32, #tpu.memory_space<hbm>>
      tpu.wait_dma2 semaphore(%arg30 : memref<!tpu.dma_semaphore, #tpu.memory_space<semaphore_mem>>) src(%dma_wait3A_334 : memref<80xi32, #tpu.memory_space<hbm>>) dst(%arg9 : memref<80xi32, #tpu.memory_space<vmem>>)
      %dma_wait3A_335 = arith.constant 0 : i32
      %dma_wait3A_336 = tpu.memref_slice %arg4[%dma_wait3A_335] : memref<655360xi32, #tpu.memory_space<hbm>> -> memref<80xi32, #tpu.memory_space<hbm>>
      %dma_wait3A_337 = arith.constant 0 : i32
      %dma_wait3A_338 = tpu.memref_slice %arg4[%dma_wait3A_337] : memref<655360xi32, #tpu.memory_space<hbm>> -> memref<80xi32, #tpu.memory_space<hbm>>
      tpu.wait_dma2 semaphore(%arg30 : memref<!tpu.dma_semaphore, #tpu.memory_space<semaphore_mem>>) src(%dma_wait3A_338 : memref<80xi32, #tpu.memory_space<hbm>>) dst(%arg17 : memref<80xi32, #tpu.memory_space<vmem>>)
      %dma_start3A_339 = arith.constant 0 : i32
      %dma_start3A_340 = arith.constant 0 : i32
      %dma_start3A_341 = tpu.memref_slice %arg2[%dma_start3A_339, %dma_start3A_340] : memref<20000x128xf32, #tpu.memory_space<hbm>> -> memref<20000x128xf32, #tpu.memory_space<hbm>>
      tpu.enqueue_indirect_dma source(%dma_start3A_341 : memref<20000x128xf32, #tpu.memory_space<hbm>>) target(%arg25 : memref<80x128xf32, #tpu.memory_space<vmem>>) offsets(%arg9 : memref<80xi32, #tpu.memory_space<vmem>>) semaphore(%arg38 : memref<!tpu.dma_semaphore, #tpu.memory_space<semaphore_mem>>)
      %dma_wait3A_342 = arith.constant 0 : i32
      %dma_wait3A_343 = arith.constant 0 : i32
      %dma_wait3A_344 = tpu.memref_slice %arg2[%dma_wait3A_342, %dma_wait3A_343] : memref<20000x128xf32, #tpu.memory_space<hbm>> -> memref<20000x128xf32, #tpu.memory_space<hbm>>
      tpu.wait_indirect_dma semaphore(%arg36 : memref<!tpu.dma_semaphore, #tpu.memory_space<semaphore_mem>>) src(%dma_wait3A_344 : memref<20000x128xf32, #tpu.memory_space<hbm>>) dst(%arg23 : memref<80x128xf32, #tpu.memory_space<vmem>>)
      %dma_start3A_345 = arith.constant 0 : i32
      %dma_start3A_346 = arith.constant 0 : i32
      %dma_start3A_347 = tpu.memref_slice %arg27[%dma_start3A_345, %dma_start3A_346] : memref<10256x128xf32, #tpu.memory_space<vmem_shared>> -> memref<10256x128xf32, #tpu.memory_space<vmem_shared>>
      tpu.enqueue_indirect_dma source(%arg23 : memref<80x128xf32, #tpu.memory_space<vmem>>) target(%dma_start3A_347 : memref<10256x128xf32, #tpu.memory_space<vmem_shared>>) offsets(%arg15 : memref<80xi32, #tpu.memory_space<vmem>>) semaphore(%arg40 : memref<!tpu.dma_semaphore, #tpu.memory_space<semaphore_mem>>) {add = true}
      %dma_wait3A_348 = arith.constant 0 : i32
      %dma_wait3A_349 = arith.constant 0 : i32
      %dma_wait3A_350 = tpu.memref_slice %arg27[%dma_wait3A_348, %dma_wait3A_349] : memref<10256x128xf32, #tpu.memory_space<vmem_shared>> -> memref<10256x128xf32, #tpu.memory_space<vmem_shared>>
      tpu.wait_indirect_dma semaphore(%arg43 : memref<!tpu.dma_semaphore, #tpu.memory_space<semaphore_mem>>) src(%arg26 : memref<80x128xf32, #tpu.memory_space<vmem>>) dst(%dma_wait3A_350 : memref<10256x128xf32, #tpu.memory_space<vmem_shared>>)
      %mul3A_351 = arith.constant 8 : i32
      %mul3A_352 = arith.muli %add3A_254, %mul3A_351 : i32
      %add3A_353 = arith.constant 3 : i32
      %add3A_354 = arith.addi %mul3A_352, %add3A_353 : i32
      %add3A_355 = arith.constant 4 : i32
      %add3A_356 = arith.addi %add3A_354, %add3A_355 : i32
      %lt3A_357 = arith.constant 256 : i32
      %lt3A_358 = arith.cmpi slt, %add3A_356, %lt3A_357 : i32
      %convert_element_type3A_359 = arith.extui %lt3A_358 : i1 to i32
      %cond3A_360 = arith.constant 0 : i32
      %cond3A_361 = arith.cmpi ne, %convert_element_type3A_359, %cond3A_360 : i32
      scf.if %cond3A_361 {
        %mul3A_503 = arith.constant 8 : i32
        %mul3A_504 = arith.muli %add3A_254, %mul3A_503 : i32
        %add3A_505 = arith.constant 3 : i32
        %add3A_506 = arith.addi %mul3A_504, %add3A_505 : i32
        %add3A_507 = arith.constant 4 : i32
        %add3A_508 = arith.addi %add3A_506, %add3A_507 : i32
        %mul3A_509 = arith.constant 80 : i32
        %mul3A_510 = arith.muli %add3A_508, %mul3A_509 : i32
        %add3A_511 = arith.addi %add3A, %mul3A_510 : i32
        %dma_start3A_512 = tpu.memref_slice %arg3[%add3A_511] : memref<655360xi32, #tpu.memory_space<hbm>> -> memref<80xi32, #tpu.memory_space<hbm>>
        %dma_start3A_513 = tpu.memref_slice %arg3[%add3A_511] : memref<655360xi32, #tpu.memory_space<hbm>> -> memref<80xi32, #tpu.memory_space<hbm>>
        tpu.enqueue_dma source(%dma_start3A_513 : memref<80xi32, #tpu.memory_space<hbm>>) target(%arg14 : memref<80xi32, #tpu.memory_space<vmem>>) target_semaphore(%arg35 : memref<!tpu.dma_semaphore, #tpu.memory_space<semaphore_mem>>)
        %dma_start3A_514 = tpu.memref_slice %arg4[%add3A_511] : memref<655360xi32, #tpu.memory_space<hbm>> -> memref<80xi32, #tpu.memory_space<hbm>>
        %dma_start3A_515 = tpu.memref_slice %arg4[%add3A_511] : memref<655360xi32, #tpu.memory_space<hbm>> -> memref<80xi32, #tpu.memory_space<hbm>>
        tpu.enqueue_dma source(%dma_start3A_515 : memref<80xi32, #tpu.memory_space<hbm>>) target(%arg22 : memref<80xi32, #tpu.memory_space<vmem>>) target_semaphore(%arg35 : memref<!tpu.dma_semaphore, #tpu.memory_space<semaphore_mem>>)
      } else {
      }
      %dma_wait3A_362 = arith.constant 0 : i32
      %dma_wait3A_363 = tpu.memref_slice %arg3[%dma_wait3A_362] : memref<655360xi32, #tpu.memory_space<hbm>> -> memref<80xi32, #tpu.memory_space<hbm>>
      %dma_wait3A_364 = arith.constant 0 : i32
      %dma_wait3A_365 = tpu.memref_slice %arg3[%dma_wait3A_364] : memref<655360xi32, #tpu.memory_space<hbm>> -> memref<80xi32, #tpu.memory_space<hbm>>
      tpu.wait_dma2 semaphore(%arg31 : memref<!tpu.dma_semaphore, #tpu.memory_space<semaphore_mem>>) src(%dma_wait3A_365 : memref<80xi32, #tpu.memory_space<hbm>>) dst(%arg10 : memref<80xi32, #tpu.memory_space<vmem>>)
      %dma_wait3A_366 = arith.constant 0 : i32
      %dma_wait3A_367 = tpu.memref_slice %arg4[%dma_wait3A_366] : memref<655360xi32, #tpu.memory_space<hbm>> -> memref<80xi32, #tpu.memory_space<hbm>>
      %dma_wait3A_368 = arith.constant 0 : i32
      %dma_wait3A_369 = tpu.memref_slice %arg4[%dma_wait3A_368] : memref<655360xi32, #tpu.memory_space<hbm>> -> memref<80xi32, #tpu.memory_space<hbm>>
      tpu.wait_dma2 semaphore(%arg31 : memref<!tpu.dma_semaphore, #tpu.memory_space<semaphore_mem>>) src(%dma_wait3A_369 : memref<80xi32, #tpu.memory_space<hbm>>) dst(%arg18 : memref<80xi32, #tpu.memory_space<vmem>>)
      %dma_start3A_370 = arith.constant 0 : i32
      %dma_start3A_371 = arith.constant 0 : i32
      %dma_start3A_372 = tpu.memref_slice %arg2[%dma_start3A_370, %dma_start3A_371] : memref<20000x128xf32, #tpu.memory_space<hbm>> -> memref<20000x128xf32, #tpu.memory_space<hbm>>
      tpu.enqueue_indirect_dma source(%dma_start3A_372 : memref<20000x128xf32, #tpu.memory_space<hbm>>) target(%arg26 : memref<80x128xf32, #tpu.memory_space<vmem>>) offsets(%arg10 : memref<80xi32, #tpu.memory_space<vmem>>) semaphore(%arg39 : memref<!tpu.dma_semaphore, #tpu.memory_space<semaphore_mem>>)
      %dma_wait3A_373 = arith.constant 0 : i32
      %dma_wait3A_374 = arith.constant 0 : i32
      %dma_wait3A_375 = tpu.memref_slice %arg2[%dma_wait3A_373, %dma_wait3A_374] : memref<20000x128xf32, #tpu.memory_space<hbm>> -> memref<20000x128xf32, #tpu.memory_space<hbm>>
      tpu.wait_indirect_dma semaphore(%arg37 : memref<!tpu.dma_semaphore, #tpu.memory_space<semaphore_mem>>) src(%dma_wait3A_375 : memref<20000x128xf32, #tpu.memory_space<hbm>>) dst(%arg24 : memref<80x128xf32, #tpu.memory_space<vmem>>)
      %dma_start3A_376 = arith.constant 0 : i32
      %dma_start3A_377 = arith.constant 0 : i32
      %dma_start3A_378 = tpu.memref_slice %arg27[%dma_start3A_376, %dma_start3A_377] : memref<10256x128xf32, #tpu.memory_space<vmem_shared>> -> memref<10256x128xf32, #tpu.memory_space<vmem_shared>>
      tpu.enqueue_indirect_dma source(%arg24 : memref<80x128xf32, #tpu.memory_space<vmem>>) target(%dma_start3A_378 : memref<10256x128xf32, #tpu.memory_space<vmem_shared>>) offsets(%arg16 : memref<80xi32, #tpu.memory_space<vmem>>) semaphore(%arg41 : memref<!tpu.dma_semaphore, #tpu.memory_space<semaphore_mem>>) {add = true}
      %dma_wait3A_379 = arith.constant 0 : i32
      %dma_wait3A_380 = arith.constant 0 : i32
      %dma_wait3A_381 = tpu.memref_slice %arg27[%dma_wait3A_379, %dma_wait3A_380] : memref<10256x128xf32, #tpu.memory_space<vmem_shared>> -> memref<10256x128xf32, #tpu.memory_space<vmem_shared>>
      tpu.wait_indirect_dma semaphore(%arg40 : memref<!tpu.dma_semaphore, #tpu.memory_space<semaphore_mem>>) src(%arg23 : memref<80x128xf32, #tpu.memory_space<vmem>>) dst(%dma_wait3A_381 : memref<10256x128xf32, #tpu.memory_space<vmem_shared>>)
      %mul3A_382 = arith.constant 8 : i32
      %mul3A_383 = arith.muli %add3A_254, %mul3A_382 : i32
      %add3A_384 = arith.constant 4 : i32
      %add3A_385 = arith.addi %mul3A_383, %add3A_384 : i32
      %add3A_386 = arith.constant 4 : i32
      %add3A_387 = arith.addi %add3A_385, %add3A_386 : i32
      %lt3A_388 = arith.constant 256 : i32
      %lt3A_389 = arith.cmpi slt, %add3A_387, %lt3A_388 : i32
      %convert_element_type3A_390 = arith.extui %lt3A_389 : i1 to i32
      %cond3A_391 = arith.constant 0 : i32
      %cond3A_392 = arith.cmpi ne, %convert_element_type3A_390, %cond3A_391 : i32
      scf.if %cond3A_392 {
        %mul3A_503 = arith.constant 8 : i32
        %mul3A_504 = arith.muli %add3A_254, %mul3A_503 : i32
        %add3A_505 = arith.constant 4 : i32
        %add3A_506 = arith.addi %mul3A_504, %add3A_505 : i32
        %add3A_507 = arith.constant 4 : i32
        %add3A_508 = arith.addi %add3A_506, %add3A_507 : i32
        %mul3A_509 = arith.constant 80 : i32
        %mul3A_510 = arith.muli %add3A_508, %mul3A_509 : i32
        %add3A_511 = arith.addi %add3A, %mul3A_510 : i32
        %dma_start3A_512 = tpu.memref_slice %arg3[%add3A_511] : memref<655360xi32, #tpu.memory_space<hbm>> -> memref<80xi32, #tpu.memory_space<hbm>>
        %dma_start3A_513 = tpu.memref_slice %arg3[%add3A_511] : memref<655360xi32, #tpu.memory_space<hbm>> -> memref<80xi32, #tpu.memory_space<hbm>>
        tpu.enqueue_dma source(%dma_start3A_513 : memref<80xi32, #tpu.memory_space<hbm>>) target(%arg7 : memref<80xi32, #tpu.memory_space<vmem>>) target_semaphore(%arg28 : memref<!tpu.dma_semaphore, #tpu.memory_space<semaphore_mem>>)
        %dma_start3A_514 = tpu.memref_slice %arg4[%add3A_511] : memref<655360xi32, #tpu.memory_space<hbm>> -> memref<80xi32, #tpu.memory_space<hbm>>
        %dma_start3A_515 = tpu.memref_slice %arg4[%add3A_511] : memref<655360xi32, #tpu.memory_space<hbm>> -> memref<80xi32, #tpu.memory_space<hbm>>
        tpu.enqueue_dma source(%dma_start3A_515 : memref<80xi32, #tpu.memory_space<hbm>>) target(%arg15 : memref<80xi32, #tpu.memory_space<vmem>>) target_semaphore(%arg28 : memref<!tpu.dma_semaphore, #tpu.memory_space<semaphore_mem>>)
      } else {
      }
      %dma_wait3A_393 = arith.constant 0 : i32
      %dma_wait3A_394 = tpu.memref_slice %arg3[%dma_wait3A_393] : memref<655360xi32, #tpu.memory_space<hbm>> -> memref<80xi32, #tpu.memory_space<hbm>>
      %dma_wait3A_395 = arith.constant 0 : i32
      %dma_wait3A_396 = tpu.memref_slice %arg3[%dma_wait3A_395] : memref<655360xi32, #tpu.memory_space<hbm>> -> memref<80xi32, #tpu.memory_space<hbm>>
      tpu.wait_dma2 semaphore(%arg32 : memref<!tpu.dma_semaphore, #tpu.memory_space<semaphore_mem>>) src(%dma_wait3A_396 : memref<80xi32, #tpu.memory_space<hbm>>) dst(%arg11 : memref<80xi32, #tpu.memory_space<vmem>>)
      %dma_wait3A_397 = arith.constant 0 : i32
      %dma_wait3A_398 = tpu.memref_slice %arg4[%dma_wait3A_397] : memref<655360xi32, #tpu.memory_space<hbm>> -> memref<80xi32, #tpu.memory_space<hbm>>
      %dma_wait3A_399 = arith.constant 0 : i32
      %dma_wait3A_400 = tpu.memref_slice %arg4[%dma_wait3A_399] : memref<655360xi32, #tpu.memory_space<hbm>> -> memref<80xi32, #tpu.memory_space<hbm>>
      tpu.wait_dma2 semaphore(%arg32 : memref<!tpu.dma_semaphore, #tpu.memory_space<semaphore_mem>>) src(%dma_wait3A_400 : memref<80xi32, #tpu.memory_space<hbm>>) dst(%arg19 : memref<80xi32, #tpu.memory_space<vmem>>)
      %dma_start3A_401 = arith.constant 0 : i32
      %dma_start3A_402 = arith.constant 0 : i32
      %dma_start3A_403 = tpu.memref_slice %arg2[%dma_start3A_401, %dma_start3A_402] : memref<20000x128xf32, #tpu.memory_space<hbm>> -> memref<20000x128xf32, #tpu.memory_space<hbm>>
      tpu.enqueue_indirect_dma source(%dma_start3A_403 : memref<20000x128xf32, #tpu.memory_space<hbm>>) target(%arg23 : memref<80x128xf32, #tpu.memory_space<vmem>>) offsets(%arg11 : memref<80xi32, #tpu.memory_space<vmem>>) semaphore(%arg36 : memref<!tpu.dma_semaphore, #tpu.memory_space<semaphore_mem>>)
      %dma_wait3A_404 = arith.constant 0 : i32
      %dma_wait3A_405 = arith.constant 0 : i32
      %dma_wait3A_406 = tpu.memref_slice %arg2[%dma_wait3A_404, %dma_wait3A_405] : memref<20000x128xf32, #tpu.memory_space<hbm>> -> memref<20000x128xf32, #tpu.memory_space<hbm>>
      tpu.wait_indirect_dma semaphore(%arg38 : memref<!tpu.dma_semaphore, #tpu.memory_space<semaphore_mem>>) src(%dma_wait3A_406 : memref<20000x128xf32, #tpu.memory_space<hbm>>) dst(%arg25 : memref<80x128xf32, #tpu.memory_space<vmem>>)
      %dma_start3A_407 = arith.constant 0 : i32
      %dma_start3A_408 = arith.constant 0 : i32
      %dma_start3A_409 = tpu.memref_slice %arg27[%dma_start3A_407, %dma_start3A_408] : memref<10256x128xf32, #tpu.memory_space<vmem_shared>> -> memref<10256x128xf32, #tpu.memory_space<vmem_shared>>
      tpu.enqueue_indirect_dma source(%arg25 : memref<80x128xf32, #tpu.memory_space<vmem>>) target(%dma_start3A_409 : memref<10256x128xf32, #tpu.memory_space<vmem_shared>>) offsets(%arg17 : memref<80xi32, #tpu.memory_space<vmem>>) semaphore(%arg42 : memref<!tpu.dma_semaphore, #tpu.memory_space<semaphore_mem>>) {add = true}
      %dma_wait3A_410 = arith.constant 0 : i32
      %dma_wait3A_411 = arith.constant 0 : i32
      %dma_wait3A_412 = tpu.memref_slice %arg27[%dma_wait3A_410, %dma_wait3A_411] : memref<10256x128xf32, #tpu.memory_space<vmem_shared>> -> memref<10256x128xf32, #tpu.memory_space<vmem_shared>>
      tpu.wait_indirect_dma semaphore(%arg41 : memref<!tpu.dma_semaphore, #tpu.memory_space<semaphore_mem>>) src(%arg24 : memref<80x128xf32, #tpu.memory_space<vmem>>) dst(%dma_wait3A_412 : memref<10256x128xf32, #tpu.memory_space<vmem_shared>>)
      %mul3A_413 = arith.constant 8 : i32
      %mul3A_414 = arith.muli %add3A_254, %mul3A_413 : i32
      %add3A_415 = arith.constant 5 : i32
      %add3A_416 = arith.addi %mul3A_414, %add3A_415 : i32
      %add3A_417 = arith.constant 4 : i32
      %add3A_418 = arith.addi %add3A_416, %add3A_417 : i32
      %lt3A_419 = arith.constant 256 : i32
      %lt3A_420 = arith.cmpi slt, %add3A_418, %lt3A_419 : i32
      %convert_element_type3A_421 = arith.extui %lt3A_420 : i1 to i32
      %cond3A_422 = arith.constant 0 : i32
      %cond3A_423 = arith.cmpi ne, %convert_element_type3A_421, %cond3A_422 : i32
      scf.if %cond3A_423 {
        %mul3A_503 = arith.constant 8 : i32
        %mul3A_504 = arith.muli %add3A_254, %mul3A_503 : i32
        %add3A_505 = arith.constant 5 : i32
        %add3A_506 = arith.addi %mul3A_504, %add3A_505 : i32
        %add3A_507 = arith.constant 4 : i32
        %add3A_508 = arith.addi %add3A_506, %add3A_507 : i32
        %mul3A_509 = arith.constant 80 : i32
        %mul3A_510 = arith.muli %add3A_508, %mul3A_509 : i32
        %add3A_511 = arith.addi %add3A, %mul3A_510 : i32
        %dma_start3A_512 = tpu.memref_slice %arg3[%add3A_511] : memref<655360xi32, #tpu.memory_space<hbm>> -> memref<80xi32, #tpu.memory_space<hbm>>
        %dma_start3A_513 = tpu.memref_slice %arg3[%add3A_511] : memref<655360xi32, #tpu.memory_space<hbm>> -> memref<80xi32, #tpu.memory_space<hbm>>
        tpu.enqueue_dma source(%dma_start3A_513 : memref<80xi32, #tpu.memory_space<hbm>>) target(%arg8 : memref<80xi32, #tpu.memory_space<vmem>>) target_semaphore(%arg29 : memref<!tpu.dma_semaphore, #tpu.memory_space<semaphore_mem>>)
        %dma_start3A_514 = tpu.memref_slice %arg4[%add3A_511] : memref<655360xi32, #tpu.memory_space<hbm>> -> memref<80xi32, #tpu.memory_space<hbm>>
        %dma_start3A_515 = tpu.memref_slice %arg4[%add3A_511] : memref<655360xi32, #tpu.memory_space<hbm>> -> memref<80xi32, #tpu.memory_space<hbm>>
        tpu.enqueue_dma source(%dma_start3A_515 : memref<80xi32, #tpu.memory_space<hbm>>) target(%arg16 : memref<80xi32, #tpu.memory_space<vmem>>) target_semaphore(%arg29 : memref<!tpu.dma_semaphore, #tpu.memory_space<semaphore_mem>>)
      } else {
      }
      %dma_wait3A_424 = arith.constant 0 : i32
      %dma_wait3A_425 = tpu.memref_slice %arg3[%dma_wait3A_424] : memref<655360xi32, #tpu.memory_space<hbm>> -> memref<80xi32, #tpu.memory_space<hbm>>
      %dma_wait3A_426 = arith.constant 0 : i32
      %dma_wait3A_427 = tpu.memref_slice %arg3[%dma_wait3A_426] : memref<655360xi32, #tpu.memory_space<hbm>> -> memref<80xi32, #tpu.memory_space<hbm>>
      tpu.wait_dma2 semaphore(%arg33 : memref<!tpu.dma_semaphore, #tpu.memory_space<semaphore_mem>>) src(%dma_wait3A_427 : memref<80xi32, #tpu.memory_space<hbm>>) dst(%arg12 : memref<80xi32, #tpu.memory_space<vmem>>)
      %dma_wait3A_428 = arith.constant 0 : i32
      %dma_wait3A_429 = tpu.memref_slice %arg4[%dma_wait3A_428] : memref<655360xi32, #tpu.memory_space<hbm>> -> memref<80xi32, #tpu.memory_space<hbm>>
      %dma_wait3A_430 = arith.constant 0 : i32
      %dma_wait3A_431 = tpu.memref_slice %arg4[%dma_wait3A_430] : memref<655360xi32, #tpu.memory_space<hbm>> -> memref<80xi32, #tpu.memory_space<hbm>>
      tpu.wait_dma2 semaphore(%arg33 : memref<!tpu.dma_semaphore, #tpu.memory_space<semaphore_mem>>) src(%dma_wait3A_431 : memref<80xi32, #tpu.memory_space<hbm>>) dst(%arg20 : memref<80xi32, #tpu.memory_space<vmem>>)
      %dma_start3A_432 = arith.constant 0 : i32
      %dma_start3A_433 = arith.constant 0 : i32
      %dma_start3A_434 = tpu.memref_slice %arg2[%dma_start3A_432, %dma_start3A_433] : memref<20000x128xf32, #tpu.memory_space<hbm>> -> memref<20000x128xf32, #tpu.memory_space<hbm>>
      tpu.enqueue_indirect_dma source(%dma_start3A_434 : memref<20000x128xf32, #tpu.memory_space<hbm>>) target(%arg24 : memref<80x128xf32, #tpu.memory_space<vmem>>) offsets(%arg12 : memref<80xi32, #tpu.memory_space<vmem>>) semaphore(%arg37 : memref<!tpu.dma_semaphore, #tpu.memory_space<semaphore_mem>>)
      %dma_wait3A_435 = arith.constant 0 : i32
      %dma_wait3A_436 = arith.constant 0 : i32
      %dma_wait3A_437 = tpu.memref_slice %arg2[%dma_wait3A_435, %dma_wait3A_436] : memref<20000x128xf32, #tpu.memory_space<hbm>> -> memref<20000x128xf32, #tpu.memory_space<hbm>>
      tpu.wait_indirect_dma semaphore(%arg39 : memref<!tpu.dma_semaphore, #tpu.memory_space<semaphore_mem>>) src(%dma_wait3A_437 : memref<20000x128xf32, #tpu.memory_space<hbm>>) dst(%arg26 : memref<80x128xf32, #tpu.memory_space<vmem>>)
      %dma_start3A_438 = arith.constant 0 : i32
      %dma_start3A_439 = arith.constant 0 : i32
      %dma_start3A_440 = tpu.memref_slice %arg27[%dma_start3A_438, %dma_start3A_439] : memref<10256x128xf32, #tpu.memory_space<vmem_shared>> -> memref<10256x128xf32, #tpu.memory_space<vmem_shared>>
      tpu.enqueue_indirect_dma source(%arg26 : memref<80x128xf32, #tpu.memory_space<vmem>>) target(%dma_start3A_440 : memref<10256x128xf32, #tpu.memory_space<vmem_shared>>) offsets(%arg18 : memref<80xi32, #tpu.memory_space<vmem>>) semaphore(%arg43 : memref<!tpu.dma_semaphore, #tpu.memory_space<semaphore_mem>>) {add = true}
      %dma_wait3A_441 = arith.constant 0 : i32
      %dma_wait3A_442 = arith.constant 0 : i32
      %dma_wait3A_443 = tpu.memref_slice %arg27[%dma_wait3A_441, %dma_wait3A_442] : memref<10256x128xf32, #tpu.memory_space<vmem_shared>> -> memref<10256x128xf32, #tpu.memory_space<vmem_shared>>
      tpu.wait_indirect_dma semaphore(%arg42 : memref<!tpu.dma_semaphore, #tpu.memory_space<semaphore_mem>>) src(%arg25 : memref<80x128xf32, #tpu.memory_space<vmem>>) dst(%dma_wait3A_443 : memref<10256x128xf32, #tpu.memory_space<vmem_shared>>)
      %mul3A_444 = arith.constant 8 : i32
      %mul3A_445 = arith.muli %add3A_254, %mul3A_444 : i32
      %add3A_446 = arith.constant 6 : i32
      %add3A_447 = arith.addi %mul3A_445, %add3A_446 : i32
      %add3A_448 = arith.constant 4 : i32
      %add3A_449 = arith.addi %add3A_447, %add3A_448 : i32
      %lt3A_450 = arith.constant 256 : i32
      %lt3A_451 = arith.cmpi slt, %add3A_449, %lt3A_450 : i32
      %convert_element_type3A_452 = arith.extui %lt3A_451 : i1 to i32
      %cond3A_453 = arith.constant 0 : i32
      %cond3A_454 = arith.cmpi ne, %convert_element_type3A_452, %cond3A_453 : i32
      scf.if %cond3A_454 {
        %mul3A_503 = arith.constant 8 : i32
        %mul3A_504 = arith.muli %add3A_254, %mul3A_503 : i32
        %add3A_505 = arith.constant 6 : i32
        %add3A_506 = arith.addi %mul3A_504, %add3A_505 : i32
        %add3A_507 = arith.constant 4 : i32
        %add3A_508 = arith.addi %add3A_506, %add3A_507 : i32
        %mul3A_509 = arith.constant 80 : i32
        %mul3A_510 = arith.muli %add3A_508, %mul3A_509 : i32
        %add3A_511 = arith.addi %add3A, %mul3A_510 : i32
        %dma_start3A_512 = tpu.memref_slice %arg3[%add3A_511] : memref<655360xi32, #tpu.memory_space<hbm>> -> memref<80xi32, #tpu.memory_space<hbm>>
        %dma_start3A_513 = tpu.memref_slice %arg3[%add3A_511] : memref<655360xi32, #tpu.memory_space<hbm>> -> memref<80xi32, #tpu.memory_space<hbm>>
        tpu.enqueue_dma source(%dma_start3A_513 : memref<80xi32, #tpu.memory_space<hbm>>) target(%arg9 : memref<80xi32, #tpu.memory_space<vmem>>) target_semaphore(%arg30 : memref<!tpu.dma_semaphore, #tpu.memory_space<semaphore_mem>>)
        %dma_start3A_514 = tpu.memref_slice %arg4[%add3A_511] : memref<655360xi32, #tpu.memory_space<hbm>> -> memref<80xi32, #tpu.memory_space<hbm>>
        %dma_start3A_515 = tpu.memref_slice %arg4[%add3A_511] : memref<655360xi32, #tpu.memory_space<hbm>> -> memref<80xi32, #tpu.memory_space<hbm>>
        tpu.enqueue_dma source(%dma_start3A_515 : memref<80xi32, #tpu.memory_space<hbm>>) target(%arg17 : memref<80xi32, #tpu.memory_space<vmem>>) target_semaphore(%arg30 : memref<!tpu.dma_semaphore, #tpu.memory_space<semaphore_mem>>)
      } else {
      }
      %dma_wait3A_455 = arith.constant 0 : i32
      %dma_wait3A_456 = tpu.memref_slice %arg3[%dma_wait3A_455] : memref<655360xi32, #tpu.memory_space<hbm>> -> memref<80xi32, #tpu.memory_space<hbm>>
      %dma_wait3A_457 = arith.constant 0 : i32
      %dma_wait3A_458 = tpu.memref_slice %arg3[%dma_wait3A_457] : memref<655360xi32, #tpu.memory_space<hbm>> -> memref<80xi32, #tpu.memory_space<hbm>>
      tpu.wait_dma2 semaphore(%arg34 : memref<!tpu.dma_semaphore, #tpu.memory_space<semaphore_mem>>) src(%dma_wait3A_458 : memref<80xi32, #tpu.memory_space<hbm>>) dst(%arg13 : memref<80xi32, #tpu.memory_space<vmem>>)
      %dma_wait3A_459 = arith.constant 0 : i32
      %dma_wait3A_460 = tpu.memref_slice %arg4[%dma_wait3A_459] : memref<655360xi32, #tpu.memory_space<hbm>> -> memref<80xi32, #tpu.memory_space<hbm>>
      %dma_wait3A_461 = arith.constant 0 : i32
      %dma_wait3A_462 = tpu.memref_slice %arg4[%dma_wait3A_461] : memref<655360xi32, #tpu.memory_space<hbm>> -> memref<80xi32, #tpu.memory_space<hbm>>
      tpu.wait_dma2 semaphore(%arg34 : memref<!tpu.dma_semaphore, #tpu.memory_space<semaphore_mem>>) src(%dma_wait3A_462 : memref<80xi32, #tpu.memory_space<hbm>>) dst(%arg21 : memref<80xi32, #tpu.memory_space<vmem>>)
      %dma_start3A_463 = arith.constant 0 : i32
      %dma_start3A_464 = arith.constant 0 : i32
      %dma_start3A_465 = tpu.memref_slice %arg2[%dma_start3A_463, %dma_start3A_464] : memref<20000x128xf32, #tpu.memory_space<hbm>> -> memref<20000x128xf32, #tpu.memory_space<hbm>>
      tpu.enqueue_indirect_dma source(%dma_start3A_465 : memref<20000x128xf32, #tpu.memory_space<hbm>>) target(%arg25 : memref<80x128xf32, #tpu.memory_space<vmem>>) offsets(%arg13 : memref<80xi32, #tpu.memory_space<vmem>>) semaphore(%arg38 : memref<!tpu.dma_semaphore, #tpu.memory_space<semaphore_mem>>)
      %dma_wait3A_466 = arith.constant 0 : i32
      %dma_wait3A_467 = arith.constant 0 : i32
      %dma_wait3A_468 = tpu.memref_slice %arg2[%dma_wait3A_466, %dma_wait3A_467] : memref<20000x128xf32, #tpu.memory_space<hbm>> -> memref<20000x128xf32, #tpu.memory_space<hbm>>
      tpu.wait_indirect_dma semaphore(%arg36 : memref<!tpu.dma_semaphore, #tpu.memory_space<semaphore_mem>>) src(%dma_wait3A_468 : memref<20000x128xf32, #tpu.memory_space<hbm>>) dst(%arg23 : memref<80x128xf32, #tpu.memory_space<vmem>>)
      %dma_start3A_469 = arith.constant 0 : i32
      %dma_start3A_470 = arith.constant 0 : i32
      %dma_start3A_471 = tpu.memref_slice %arg27[%dma_start3A_469, %dma_start3A_470] : memref<10256x128xf32, #tpu.memory_space<vmem_shared>> -> memref<10256x128xf32, #tpu.memory_space<vmem_shared>>
      tpu.enqueue_indirect_dma source(%arg23 : memref<80x128xf32, #tpu.memory_space<vmem>>) target(%dma_start3A_471 : memref<10256x128xf32, #tpu.memory_space<vmem_shared>>) offsets(%arg19 : memref<80xi32, #tpu.memory_space<vmem>>) semaphore(%arg40 : memref<!tpu.dma_semaphore, #tpu.memory_space<semaphore_mem>>) {add = true}
      %dma_wait3A_472 = arith.constant 0 : i32
      %dma_wait3A_473 = arith.constant 0 : i32
      %dma_wait3A_474 = tpu.memref_slice %arg27[%dma_wait3A_472, %dma_wait3A_473] : memref<10256x128xf32, #tpu.memory_space<vmem_shared>> -> memref<10256x128xf32, #tpu.memory_space<vmem_shared>>
      tpu.wait_indirect_dma semaphore(%arg43 : memref<!tpu.dma_semaphore, #tpu.memory_space<semaphore_mem>>) src(%arg26 : memref<80x128xf32, #tpu.memory_space<vmem>>) dst(%dma_wait3A_474 : memref<10256x128xf32, #tpu.memory_space<vmem_shared>>)
      %mul3A_475 = arith.constant 8 : i32
      %mul3A_476 = arith.muli %add3A_254, %mul3A_475 : i32
      %add3A_477 = arith.constant 7 : i32
      %add3A_478 = arith.addi %mul3A_476, %add3A_477 : i32
      %add3A_479 = arith.constant 4 : i32
      %add3A_480 = arith.addi %add3A_478, %add3A_479 : i32
      %lt3A_481 = arith.constant 256 : i32
      %lt3A_482 = arith.cmpi slt, %add3A_480, %lt3A_481 : i32
      %convert_element_type3A_483 = arith.extui %lt3A_482 : i1 to i32
      %cond3A_484 = arith.constant 0 : i32
      %cond3A_485 = arith.cmpi ne, %convert_element_type3A_483, %cond3A_484 : i32
      scf.if %cond3A_485 {
        %mul3A_503 = arith.constant 8 : i32
        %mul3A_504 = arith.muli %add3A_254, %mul3A_503 : i32
        %add3A_505 = arith.constant 7 : i32
        %add3A_506 = arith.addi %mul3A_504, %add3A_505 : i32
        %add3A_507 = arith.constant 4 : i32
        %add3A_508 = arith.addi %add3A_506, %add3A_507 : i32
        %mul3A_509 = arith.constant 80 : i32
        %mul3A_510 = arith.muli %add3A_508, %mul3A_509 : i32
        %add3A_511 = arith.addi %add3A, %mul3A_510 : i32
        %dma_start3A_512 = tpu.memref_slice %arg3[%add3A_511] : memref<655360xi32, #tpu.memory_space<hbm>> -> memref<80xi32, #tpu.memory_space<hbm>>
        %dma_start3A_513 = tpu.memref_slice %arg3[%add3A_511] : memref<655360xi32, #tpu.memory_space<hbm>> -> memref<80xi32, #tpu.memory_space<hbm>>
        tpu.enqueue_dma source(%dma_start3A_513 : memref<80xi32, #tpu.memory_space<hbm>>) target(%arg10 : memref<80xi32, #tpu.memory_space<vmem>>) target_semaphore(%arg31 : memref<!tpu.dma_semaphore, #tpu.memory_space<semaphore_mem>>)
        %dma_start3A_514 = tpu.memref_slice %arg4[%add3A_511] : memref<655360xi32, #tpu.memory_space<hbm>> -> memref<80xi32, #tpu.memory_space<hbm>>
        %dma_start3A_515 = tpu.memref_slice %arg4[%add3A_511] : memref<655360xi32, #tpu.memory_space<hbm>> -> memref<80xi32, #tpu.memory_space<hbm>>
        tpu.enqueue_dma source(%dma_start3A_515 : memref<80xi32, #tpu.memory_space<hbm>>) target(%arg18 : memref<80xi32, #tpu.memory_space<vmem>>) target_semaphore(%arg31 : memref<!tpu.dma_semaphore, #tpu.memory_space<semaphore_mem>>)
      } else {
      }
      %dma_wait3A_486 = arith.constant 0 : i32
      %dma_wait3A_487 = tpu.memref_slice %arg3[%dma_wait3A_486] : memref<655360xi32, #tpu.memory_space<hbm>> -> memref<80xi32, #tpu.memory_space<hbm>>
      %dma_wait3A_488 = arith.constant 0 : i32
      %dma_wait3A_489 = tpu.memref_slice %arg3[%dma_wait3A_488] : memref<655360xi32, #tpu.memory_space<hbm>> -> memref<80xi32, #tpu.memory_space<hbm>>
      tpu.wait_dma2 semaphore(%arg35 : memref<!tpu.dma_semaphore, #tpu.memory_space<semaphore_mem>>) src(%dma_wait3A_489 : memref<80xi32, #tpu.memory_space<hbm>>) dst(%arg14 : memref<80xi32, #tpu.memory_space<vmem>>)
      %dma_wait3A_490 = arith.constant 0 : i32
      %dma_wait3A_491 = tpu.memref_slice %arg4[%dma_wait3A_490] : memref<655360xi32, #tpu.memory_space<hbm>> -> memref<80xi32, #tpu.memory_space<hbm>>
      %dma_wait3A_492 = arith.constant 0 : i32
      %dma_wait3A_493 = tpu.memref_slice %arg4[%dma_wait3A_492] : memref<655360xi32, #tpu.memory_space<hbm>> -> memref<80xi32, #tpu.memory_space<hbm>>
      tpu.wait_dma2 semaphore(%arg35 : memref<!tpu.dma_semaphore, #tpu.memory_space<semaphore_mem>>) src(%dma_wait3A_493 : memref<80xi32, #tpu.memory_space<hbm>>) dst(%arg22 : memref<80xi32, #tpu.memory_space<vmem>>)
      %dma_start3A_494 = arith.constant 0 : i32
      %dma_start3A_495 = arith.constant 0 : i32
      %dma_start3A_496 = tpu.memref_slice %arg2[%dma_start3A_494, %dma_start3A_495] : memref<20000x128xf32, #tpu.memory_space<hbm>> -> memref<20000x128xf32, #tpu.memory_space<hbm>>
      tpu.enqueue_indirect_dma source(%dma_start3A_496 : memref<20000x128xf32, #tpu.memory_space<hbm>>) target(%arg26 : memref<80x128xf32, #tpu.memory_space<vmem>>) offsets(%arg14 : memref<80xi32, #tpu.memory_space<vmem>>) semaphore(%arg39 : memref<!tpu.dma_semaphore, #tpu.memory_space<semaphore_mem>>)
      %dma_wait3A_497 = arith.constant 0 : i32
      %dma_wait3A_498 = arith.constant 0 : i32
      %dma_wait3A_499 = tpu.memref_slice %arg2[%dma_wait3A_497, %dma_wait3A_498] : memref<20000x128xf32, #tpu.memory_space<hbm>> -> memref<20000x128xf32, #tpu.memory_space<hbm>>
      tpu.wait_indirect_dma semaphore(%arg37 : memref<!tpu.dma_semaphore, #tpu.memory_space<semaphore_mem>>) src(%dma_wait3A_499 : memref<20000x128xf32, #tpu.memory_space<hbm>>) dst(%arg24 : memref<80x128xf32, #tpu.memory_space<vmem>>)
      %dma_start3A_500 = arith.constant 0 : i32
      %dma_start3A_501 = arith.constant 0 : i32
      %dma_start3A_502 = tpu.memref_slice %arg27[%dma_start3A_500, %dma_start3A_501] : memref<10256x128xf32, #tpu.memory_space<vmem_shared>> -> memref<10256x128xf32, #tpu.memory_space<vmem_shared>>
      tpu.enqueue_indirect_dma source(%arg24 : memref<80x128xf32, #tpu.memory_space<vmem>>) target(%dma_start3A_502 : memref<10256x128xf32, #tpu.memory_space<vmem_shared>>) offsets(%arg20 : memref<80xi32, #tpu.memory_space<vmem>>) semaphore(%arg41 : memref<!tpu.dma_semaphore, #tpu.memory_space<semaphore_mem>>) {add = true}
    }
    %scan3A_219 = arith.constant 31 : i32
    %dma_wait3A_220 = arith.constant 0 : i32
    %dma_wait3A_221 = arith.constant 0 : i32
    %dma_wait3A_222 = tpu.memref_slice %arg2[%dma_wait3A_220, %dma_wait3A_221] : memref<20000x128xf32, #tpu.memory_space<hbm>> -> memref<20000x128xf32, #tpu.memory_space<hbm>>
    tpu.wait_indirect_dma semaphore(%arg38 : memref<!tpu.dma_semaphore, #tpu.memory_space<semaphore_mem>>) src(%dma_wait3A_222 : memref<20000x128xf32, #tpu.memory_space<hbm>>) dst(%arg25 : memref<80x128xf32, #tpu.memory_space<vmem>>)
    %dma_start3A_223 = arith.constant 0 : i32
    %dma_start3A_224 = arith.constant 0 : i32
    %dma_start3A_225 = tpu.memref_slice %arg27[%dma_start3A_223, %dma_start3A_224] : memref<10256x128xf32, #tpu.memory_space<vmem_shared>> -> memref<10256x128xf32, #tpu.memory_space<vmem_shared>>
    tpu.enqueue_indirect_dma source(%arg25 : memref<80x128xf32, #tpu.memory_space<vmem>>) target(%dma_start3A_225 : memref<10256x128xf32, #tpu.memory_space<vmem_shared>>) offsets(%arg21 : memref<80xi32, #tpu.memory_space<vmem>>) semaphore(%arg42 : memref<!tpu.dma_semaphore, #tpu.memory_space<semaphore_mem>>) {add = true}
    %dma_wait3A_226 = arith.constant 0 : i32
    %dma_wait3A_227 = arith.constant 0 : i32
    %dma_wait3A_228 = tpu.memref_slice %arg2[%dma_wait3A_226, %dma_wait3A_227] : memref<20000x128xf32, #tpu.memory_space<hbm>> -> memref<20000x128xf32, #tpu.memory_space<hbm>>
    tpu.wait_indirect_dma semaphore(%arg39 : memref<!tpu.dma_semaphore, #tpu.memory_space<semaphore_mem>>) src(%dma_wait3A_228 : memref<20000x128xf32, #tpu.memory_space<hbm>>) dst(%arg26 : memref<80x128xf32, #tpu.memory_space<vmem>>)
    %dma_start3A_229 = arith.constant 0 : i32
    %dma_start3A_230 = arith.constant 0 : i32
    %dma_start3A_231 = tpu.memref_slice %arg27[%dma_start3A_229, %dma_start3A_230] : memref<10256x128xf32, #tpu.memory_space<vmem_shared>> -> memref<10256x128xf32, #tpu.memory_space<vmem_shared>>
    tpu.enqueue_indirect_dma source(%arg26 : memref<80x128xf32, #tpu.memory_space<vmem>>) target(%dma_start3A_231 : memref<10256x128xf32, #tpu.memory_space<vmem_shared>>) offsets(%arg22 : memref<80xi32, #tpu.memory_space<vmem>>) semaphore(%arg43 : memref<!tpu.dma_semaphore, #tpu.memory_space<semaphore_mem>>) {add = true}
    %dma_wait3A_232 = arith.constant 0 : i32
    %dma_wait3A_233 = arith.constant 0 : i32
    %dma_wait3A_234 = tpu.memref_slice %arg27[%dma_wait3A_232, %dma_wait3A_233] : memref<10256x128xf32, #tpu.memory_space<vmem_shared>> -> memref<10256x128xf32, #tpu.memory_space<vmem_shared>>
    tpu.wait_indirect_dma semaphore(%arg40 : memref<!tpu.dma_semaphore, #tpu.memory_space<semaphore_mem>>) src(%arg23 : memref<80x128xf32, #tpu.memory_space<vmem>>) dst(%dma_wait3A_234 : memref<10256x128xf32, #tpu.memory_space<vmem_shared>>)
    %dma_wait3A_235 = arith.constant 0 : i32
    %dma_wait3A_236 = arith.constant 0 : i32
    %dma_wait3A_237 = tpu.memref_slice %arg27[%dma_wait3A_235, %dma_wait3A_236] : memref<10256x128xf32, #tpu.memory_space<vmem_shared>> -> memref<10256x128xf32, #tpu.memory_space<vmem_shared>>
    tpu.wait_indirect_dma semaphore(%arg41 : memref<!tpu.dma_semaphore, #tpu.memory_space<semaphore_mem>>) src(%arg24 : memref<80x128xf32, #tpu.memory_space<vmem>>) dst(%dma_wait3A_237 : memref<10256x128xf32, #tpu.memory_space<vmem_shared>>)
    %dma_wait3A_238 = arith.constant 0 : i32
    %dma_wait3A_239 = arith.constant 0 : i32
    %dma_wait3A_240 = tpu.memref_slice %arg27[%dma_wait3A_238, %dma_wait3A_239] : memref<10256x128xf32, #tpu.memory_space<vmem_shared>> -> memref<10256x128xf32, #tpu.memory_space<vmem_shared>>
    tpu.wait_indirect_dma semaphore(%arg42 : memref<!tpu.dma_semaphore, #tpu.memory_space<semaphore_mem>>) src(%arg25 : memref<80x128xf32, #tpu.memory_space<vmem>>) dst(%dma_wait3A_240 : memref<10256x128xf32, #tpu.memory_space<vmem_shared>>)
    %dma_wait3A_241 = arith.constant 0 : i32
    %dma_wait3A_242 = arith.constant 0 : i32
    %dma_wait3A_243 = tpu.memref_slice %arg27[%dma_wait3A_241, %dma_wait3A_242] : memref<10256x128xf32, #tpu.memory_space<vmem_shared>> -> memref<10256x128xf32, #tpu.memory_space<vmem_shared>>
    tpu.wait_indirect_dma semaphore(%arg43 : memref<!tpu.dma_semaphore, #tpu.memory_space<semaphore_mem>>) src(%arg26 : memref<80x128xf32, #tpu.memory_space<vmem>>) dst(%dma_wait3A_243 : memref<10256x128xf32, #tpu.memory_space<vmem_shared>>)
    %barrier3A_244 = arith.constant 0 : index
    tpu.barrier barrier_id(%barrier3A_244)
    %scan3A_245 = arith.constant 0 : i32
    %scan3A_246 = arith.constant 8 : i32
    %scan3A_247 = arith.addi %scan3A_245, %scan3A_246 : i32
    %scan3A_248 = arith.constant 1 : i32
    scf.for %scan3A_250 = %scan3A_245 to %scan3A_247 step %scan3A_248  : i32 {
      %mul3A_251 = arith.constant 1 : i32
      %mul3A_252 = arith.muli %scan3A_250, %mul3A_251 : i32
      %add3A_253 = arith.constant 0 : i32
      %add3A_254 = arith.addi %add3A_253, %mul3A_252 : i32
      %mul3A_255 = arith.constant 16 : i32
      %mul3A_256 = arith.muli %add3A_254, %mul3A_255 : i32
      %add3A_257 = arith.addi %mul3A_256, %arg1 : i32
      %lt3A_258 = arith.constant 125 : i32
      %lt3A_259 = arith.cmpi slt, %add3A_257, %lt3A_258 : i32
      %convert_element_type3A_260 = arith.extui %lt3A_259 : i1 to i32
      %cond3A_261 = arith.constant 0 : i32
      %cond3A_262 = arith.cmpi ne, %convert_element_type3A_260, %cond3A_261 : i32
      scf.if %cond3A_262 {
        %mul3A_263 = arith.constant 80 : i32
        %mul3A_264 = arith.muli %add3A_257, %mul3A_263 : i32
        %mul3A_265 = arith.constant 10000 : i32
        %mul3A_266 = arith.muli %arg0, %mul3A_265 : i32
        %mul3A_267 = arith.constant 80 : i32
        %mul3A_268 = arith.muli %add3A_257, %mul3A_267 : i32
        %add3A_269 = arith.addi %mul3A_266, %mul3A_268 : i32
        "tpu.region"() ({
          %run_scoped3A = tpu.sem_alloc : memref<!tpu.dma_semaphore, #tpu.memory_space<semaphore_mem>>
          %dma_start3A_270 = arith.constant 0 : i32
          %dma_start3A_271 = tpu.memref_slice %arg6[%add3A_269, %dma_start3A_270] : memref<20000x128xf32, #tpu.memory_space<hbm>> -> memref<80x128xf32, #tpu.memory_space<hbm>>
          %dma_start3A_272 = arith.constant 0 : i32
          %dma_start3A_273 = tpu.memref_slice %arg27[%mul3A_264, %dma_start3A_272] : memref<10256x128xf32, #tpu.memory_space<vmem_shared>> -> memref<80x128xf32, #tpu.memory_space<vmem_shared>>
          tpu.enqueue_dma source(%dma_start3A_273 : memref<80x128xf32, #tpu.memory_space<vmem_shared>>) target(%dma_start3A_271 : memref<80x128xf32, #tpu.memory_space<hbm>>) target_semaphore(%run_scoped3A : memref<!tpu.dma_semaphore, #tpu.memory_space<semaphore_mem>>)
          %dma_wait3A_274 = arith.constant 0 : i32
          %dma_wait3A_275 = tpu.memref_slice %arg6[%add3A_269, %dma_wait3A_274] : memref<20000x128xf32, #tpu.memory_space<hbm>> -> memref<80x128xf32, #tpu.memory_space<hbm>>
          %dma_wait3A_276 = arith.constant 0 : i32
          %dma_wait3A_277 = tpu.memref_slice %arg27[%mul3A_264, %dma_wait3A_276] : memref<10256x128xf32, #tpu.memory_space<vmem_shared>> -> memref<80x128xf32, #tpu.memory_space<vmem_shared>>
          tpu.wait_dma2 semaphore(%run_scoped3A : memref<!tpu.dma_semaphore, #tpu.memory_space<semaphore_mem>>) src(%dma_wait3A_277 : memref<80x128xf32, #tpu.memory_space<vmem_shared>>) dst(%dma_wait3A_275 : memref<80x128xf32, #tpu.memory_space<hbm>>)
          tpu.yield
        }) : () -> ()
      } else {
      }
    }
    %scan3A_249 = arith.constant 8 : i32
    return
  }
}

#map = affine_map<(d0, d1) -> (0, 0)>
#map1 = affine_map<(d0, d1) -> (0)>
module attributes {stable_mosaic.version = 14 : i64} {
  func.func @k(%arg0: i32, %arg1: i32, %arg2: memref<20000x128xf32, #tpu.memory_space<hbm>>, %arg3: memref<655360xi32, #tpu.memory_space<hbm>>, %arg4: memref<655360xi32, #tpu.memory_space<hbm>>, %arg5: memref<128x128xf32, #tpu.memory_space<hbm>>, %arg6: memref<20000x128xf32, #tpu.memory_space<hbm>>, %arg7: memref<80xi32, #tpu.memory_space<vmem>>, %arg8: memref<80xi32, #tpu.memory_space<vmem>>, %arg9: memref<80xi32, #tpu.memory_space<vmem>>, %arg10: memref<80xi32, #tpu.memory_space<vmem>>, %arg11: memref<80xi32, #tpu.memory_space<vmem>>, %arg12: memref<80xi32, #tpu.memory_space<vmem>>, %arg13: memref<80xi32, #tpu.memory_space<vmem>>, %arg14: memref<80xi32, #tpu.memory_space<vmem>>, %arg15: memref<80xi32, #tpu.memory_space<vmem>>, %arg16: memref<80xi32, #tpu.memory_space<vmem>>, %arg17: memref<80xi32, #tpu.memory_space<vmem>>, %arg18: memref<80xi32, #tpu.memory_space<vmem>>, %arg19: memref<80xi32, #tpu.memory_space<vmem>>, %arg20: memref<80xi32, #tpu.memory_space<vmem>>, %arg21: memref<80xi32, #tpu.memory_space<vmem>>, %arg22: memref<80xi32, #tpu.memory_space<vmem>>, %arg23: memref<80x128xf32, #tpu.memory_space<vmem>>, %arg24: memref<80x128xf32, #tpu.memory_space<vmem>>, %arg25: memref<80x128xf32, #tpu.memory_space<vmem>>, %arg26: memref<80x128xf32, #tpu.memory_space<vmem>>, %arg27: memref<10256x128xf32, #tpu.memory_space<vmem_shared>>, %arg28: memref<!tpu.dma_semaphore, #tpu.memory_space<semaphore_mem>>, %arg29: memref<!tpu.dma_semaphore, #tpu.memory_space<semaphore_mem>>, %arg30: memref<!tpu.dma_semaphore, #tpu.memory_space<semaphore_mem>>, %arg31: memref<!tpu.dma_semaphore, #tpu.memory_space<semaphore_mem>>, %arg32: memref<!tpu.dma_semaphore, #tpu.memory_space<semaphore_mem>>, %arg33: memref<!tpu.dma_semaphore, #tpu.memory_space<semaphore_mem>>, %arg34: memref<!tpu.dma_semaphore, #tpu.memory_space<semaphore_mem>>, %arg35: memref<!tpu.dma_semaphore, #tpu.memory_space<semaphore_mem>>, %arg36: memref<!tpu.dma_semaphore, #tpu.memory_space<semaphore_mem>>, %arg37: memref<!tpu.dma_semaphore, #tpu.memory_space<semaphore_mem>>, %arg38: memref<!tpu.dma_semaphore, #tpu.memory_space<semaphore_mem>>, %arg39: memref<!tpu.dma_semaphore, #tpu.memory_space<semaphore_mem>>, %arg40: memref<!tpu.dma_semaphore, #tpu.memory_space<semaphore_mem>>, %arg41: memref<!tpu.dma_semaphore, #tpu.memory_space<semaphore_mem>>, %arg42: memref<!tpu.dma_semaphore, #tpu.memory_space<semaphore_mem>>, %arg43: memref<!tpu.dma_semaphore, #tpu.memory_space<semaphore_mem>>) attributes {dimension_semantics = [#tpu.dimension_semantics<core_parallel>, #tpu.dimension_semantics<subcore_parallel>], iteration_bounds = array<i64: 2, 16>, scalar_prefetch = 0 : i64, scratch_operands = 37 : i64, tpu.core_type = #tpu.core_type<sc_vector_subcore>, window_params = [{transform_indices = #map}, {transform_indices = #map1}, {transform_indices = #map1}, {transform_indices = #map}, {transform_indices = #map}]} {
    %scan3A = arith.constant 0 : i32
    %scan3A_0 = arith.constant 8 : i32
    %scan3A_1 = arith.addi %scan3A, %scan3A_0 : i32
    %scan3A_2 = arith.constant 1 : i32
    scf.for %scan3A_250 = %scan3A to %scan3A_1 step %scan3A_2  : i32 {
      %mul3A_251 = arith.constant 1 : i32
      %mul3A_252 = arith.muli %scan3A_250, %mul3A_251 : i32
      %add3A_253 = arith.constant 0 : i32
      %add3A_254 = arith.addi %add3A_253, %mul3A_252 : i32
      %mul3A_255 = arith.constant 16 : i32
      %mul3A_256 = arith.muli %add3A_254, %mul3A_255 : i32
      %add3A_257 = arith.addi %mul3A_256, %arg1 : i32
      %lt3A_258 = arith.constant 125 : i32
      %lt3A_259 = arith.cmpi slt, %add3A_257, %lt3A_258 : i32
      %convert_element_type3A_260 = arith.extui %lt3A_259 : i1 to i32
      %cond3A_261 = arith.constant 0 : i32
      %cond3A_262 = arith.cmpi ne, %convert_element_type3A_260, %cond3A_261 : i32
      scf.if %cond3A_262 {
        %mul3A_263 = arith.constant 80 : i32
        %mul3A_264 = arith.muli %add3A_257, %mul3A_263 : i32
        "tpu.region"() ({
          %run_scoped3A = tpu.sem_alloc : memref<!tpu.dma_semaphore, #tpu.memory_space<semaphore_mem>>
          %dma_start3A_265 = arith.constant 0 : i32
          %dma_start3A_266 = tpu.memref_slice %arg27[%mul3A_264, %dma_start3A_265] : memref<10256x128xf32, #tpu.memory_space<vmem_shared>> -> memref<80x128xf32, #tpu.memory_space<vmem_shared>>
          %dma_start3A_267 = arith.constant 0 : i32
          %dma_start3A_268 = arith.constant 0 : i32
          %dma_start3A_269 = tpu.memref_slice %arg5[%dma_start3A_267, %dma_start3A_268] : memref<128x128xf32, #tpu.memory_space<hbm>> -> memref<80x128xf32, #tpu.memory_space<hbm>>
          tpu.enqueue_dma source(%dma_start3A_269 : memref<80x128xf32, #tpu.memory_space<hbm>>) target(%dma_start3A_266 : memref<80x128xf32, #tpu.memory_space<vmem_shared>>) target_semaphore(%run_scoped3A : memref<!tpu.dma_semaphore, #tpu.memory_space<semaphore_mem>>)
          %dma_wait3A_270 = arith.constant 0 : i32
          %dma_wait3A_271 = tpu.memref_slice %arg27[%mul3A_264, %dma_wait3A_270] : memref<10256x128xf32, #tpu.memory_space<vmem_shared>> -> memref<80x128xf32, #tpu.memory_space<vmem_shared>>
          %dma_wait3A_272 = arith.constant 0 : i32
          %dma_wait3A_273 = arith.constant 0 : i32
          %dma_wait3A_274 = tpu.memref_slice %arg5[%dma_wait3A_272, %dma_wait3A_273] : memref<128x128xf32, #tpu.memory_space<hbm>> -> memref<80x128xf32, #tpu.memory_space<hbm>>
          tpu.wait_dma2 semaphore(%run_scoped3A : memref<!tpu.dma_semaphore, #tpu.memory_space<semaphore_mem>>) src(%dma_wait3A_274 : memref<80x128xf32, #tpu.memory_space<hbm>>) dst(%dma_wait3A_271 : memref<80x128xf32, #tpu.memory_space<vmem_shared>>)
          tpu.yield
        }) : () -> ()
      } else {
      }
    }
    %scan3A_3 = arith.constant 8 : i32
    %lt3A = arith.constant 2 : i32
    %lt3A_4 = arith.cmpi slt, %arg1, %lt3A : i32
    %convert_element_type3A = arith.extui %lt3A_4 : i1 to i32
    %cond3A = arith.constant 0 : i32
    %cond3A_5 = arith.cmpi ne, %convert_element_type3A, %cond3A : i32
    scf.if %cond3A_5 {
      %mul3A_250 = arith.constant 128 : i32
      %mul3A_251 = arith.muli %arg1, %mul3A_250 : i32
      %add3A_252 = arith.constant 10000 : i32
      %add3A_253 = arith.addi %add3A_252, %mul3A_251 : i32
      "tpu.region"() ({
        %run_scoped3A = tpu.sem_alloc : memref<!tpu.dma_semaphore, #tpu.memory_space<semaphore_mem>>
        %dma_start3A_254 = arith.constant 0 : i32
        %dma_start3A_255 = tpu.memref_slice %arg27[%add3A_253, %dma_start3A_254] : memref<10256x128xf32, #tpu.memory_space<vmem_shared>> -> memref<128x128xf32, #tpu.memory_space<vmem_shared>>
        tpu.enqueue_dma source(%arg5 : memref<128x128xf32, #tpu.memory_space<hbm>>) target(%dma_start3A_255 : memref<128x128xf32, #tpu.memory_space<vmem_shared>>) target_semaphore(%run_scoped3A : memref<!tpu.dma_semaphore, #tpu.memory_space<semaphore_mem>>)
        %dma_wait3A_256 = arith.constant 0 : i32
        %dma_wait3A_257 = tpu.memref_slice %arg27[%add3A_253, %dma_wait3A_256] : memref<10256x128xf32, #tpu.memory_space<vmem_shared>> -> memref<128x128xf32, #tpu.memory_space<vmem_shared>>
        tpu.wait_dma2 semaphore(%run_scoped3A : memref<!tpu.dma_semaphore, #tpu.memory_space<semaphore_mem>>) src(%arg5 : memref<128x128xf32, #tpu.memory_space<hbm>>) dst(%dma_wait3A_257 : memref<128x128xf32, #tpu.memory_space<vmem_shared>>)
        tpu.yield
      }) : () -> ()
    } else {
    }
    %barrier3A = arith.constant 0 : index
    tpu.barrier barrier_id(%barrier3A)
    %mul3A = arith.constant 327680 : i32
    %mul3A_6 = arith.muli %arg0, %mul3A : i32
    %mul3A_7 = arith.constant 20480 : i32
    %mul3A_8 = arith.muli %arg1, %mul3A_7 : i32
    %add3A = arith.addi %mul3A_6, %mul3A_8 : i32
    %add3A_9 = arith.constant 0 : i32
    %add3A_10 = arith.addi %add3A, %add3A_9 : i32
    %dma_start3A = tpu.memref_slice %arg3[%add3A_10] : memref<655360xi32, #tpu.memory_space<hbm>> -> memref<80xi32, #tpu.memory_space<hbm>>
    %dma_start3A_11 = tpu.memref_slice %arg3[%add3A_10] : memref<655360xi32, #tpu.memory_space<hbm>> -> memref<80xi32, #tpu.memory_space<hbm>>
    tpu.enqueue_dma source(%dma_start3A_11 : memref<80xi32, #tpu.memory_space<hbm>>) target(%arg7 : memref<80xi32, #tpu.memory_space<vmem>>) target_semaphore(%arg28 : memref<!tpu.dma_semaphore, #tpu.memory_space<semaphore_mem>>)
    %dma_start3A_12 = tpu.memref_slice %arg4[%add3A_10] : memref<655360xi32, #tpu.memory_space<hbm>> -> memref<80xi32, #tpu.memory_space<hbm>>
    %dma_start3A_13 = tpu.memref_slice %arg4[%add3A_10] : memref<655360xi32, #tpu.memory_space<hbm>> -> memref<80xi32, #tpu.memory_space<hbm>>
    tpu.enqueue_dma source(%dma_start3A_13 : memref<80xi32, #tpu.memory_space<hbm>>) target(%arg15 : memref<80xi32, #tpu.memory_space<vmem>>) target_semaphore(%arg28 : memref<!tpu.dma_semaphore, #tpu.memory_space<semaphore_mem>>)
    %add3A_14 = arith.constant 80 : i32
    %add3A_15 = arith.addi %add3A, %add3A_14 : i32
    %dma_start3A_16 = tpu.memref_slice %arg3[%add3A_15] : memref<655360xi32, #tpu.memory_space<hbm>> -> memref<80xi32, #tpu.memory_space<hbm>>
    %dma_start3A_17 = tpu.memref_slice %arg3[%add3A_15] : memref<655360xi32, #tpu.memory_space<hbm>> -> memref<80xi32, #tpu.memory_space<hbm>>
    tpu.enqueue_dma source(%dma_start3A_17 : memref<80xi32, #tpu.memory_space<hbm>>) target(%arg8 : memref<80xi32, #tpu.memory_space<vmem>>) target_semaphore(%arg29 : memref<!tpu.dma_semaphore, #tpu.memory_space<semaphore_mem>>)
    %dma_start3A_18 = tpu.memref_slice %arg4[%add3A_15] : memref<655360xi32, #tpu.memory_space<hbm>> -> memref<80xi32, #tpu.memory_space<hbm>>
    %dma_start3A_19 = tpu.memref_slice %arg4[%add3A_15] : memref<655360xi32, #tpu.memory_space<hbm>> -> memref<80xi32, #tpu.memory_space<hbm>>
    tpu.enqueue_dma source(%dma_start3A_19 : memref<80xi32, #tpu.memory_space<hbm>>) target(%arg16 : memref<80xi32, #tpu.memory_space<vmem>>) target_semaphore(%arg29 : memref<!tpu.dma_semaphore, #tpu.memory_space<semaphore_mem>>)
    %add3A_20 = arith.constant 160 : i32
    %add3A_21 = arith.addi %add3A, %add3A_20 : i32
    %dma_start3A_22 = tpu.memref_slice %arg3[%add3A_21] : memref<655360xi32, #tpu.memory_space<hbm>> -> memref<80xi32, #tpu.memory_space<hbm>>
    %dma_start3A_23 = tpu.memref_slice %arg3[%add3A_21] : memref<655360xi32, #tpu.memory_space<hbm>> -> memref<80xi32, #tpu.memory_space<hbm>>
    tpu.enqueue_dma source(%dma_start3A_23 : memref<80xi32, #tpu.memory_space<hbm>>) target(%arg9 : memref<80xi32, #tpu.memory_space<vmem>>) target_semaphore(%arg30 : memref<!tpu.dma_semaphore, #tpu.memory_space<semaphore_mem>>)
    %dma_start3A_24 = tpu.memref_slice %arg4[%add3A_21] : memref<655360xi32, #tpu.memory_space<hbm>> -> memref<80xi32, #tpu.memory_space<hbm>>
    %dma_start3A_25 = tpu.memref_slice %arg4[%add3A_21] : memref<655360xi32, #tpu.memory_space<hbm>> -> memref<80xi32, #tpu.memory_space<hbm>>
    tpu.enqueue_dma source(%dma_start3A_25 : memref<80xi32, #tpu.memory_space<hbm>>) target(%arg17 : memref<80xi32, #tpu.memory_space<vmem>>) target_semaphore(%arg30 : memref<!tpu.dma_semaphore, #tpu.memory_space<semaphore_mem>>)
    %add3A_26 = arith.constant 240 : i32
    %add3A_27 = arith.addi %add3A, %add3A_26 : i32
    %dma_start3A_28 = tpu.memref_slice %arg3[%add3A_27] : memref<655360xi32, #tpu.memory_space<hbm>> -> memref<80xi32, #tpu.memory_space<hbm>>
    %dma_start3A_29 = tpu.memref_slice %arg3[%add3A_27] : memref<655360xi32, #tpu.memory_space<hbm>> -> memref<80xi32, #tpu.memory_space<hbm>>
    tpu.enqueue_dma source(%dma_start3A_29 : memref<80xi32, #tpu.memory_space<hbm>>) target(%arg10 : memref<80xi32, #tpu.memory_space<vmem>>) target_semaphore(%arg31 : memref<!tpu.dma_semaphore, #tpu.memory_space<semaphore_mem>>)
    %dma_start3A_30 = tpu.memref_slice %arg4[%add3A_27] : memref<655360xi32, #tpu.memory_space<hbm>> -> memref<80xi32, #tpu.memory_space<hbm>>
    %dma_start3A_31 = tpu.memref_slice %arg4[%add3A_27] : memref<655360xi32, #tpu.memory_space<hbm>> -> memref<80xi32, #tpu.memory_space<hbm>>
    tpu.enqueue_dma source(%dma_start3A_31 : memref<80xi32, #tpu.memory_space<hbm>>) target(%arg18 : memref<80xi32, #tpu.memory_space<vmem>>) target_semaphore(%arg31 : memref<!tpu.dma_semaphore, #tpu.memory_space<semaphore_mem>>)
    %add3A_32 = arith.constant 320 : i32
    %add3A_33 = arith.addi %add3A, %add3A_32 : i32
    %dma_start3A_34 = tpu.memref_slice %arg3[%add3A_33] : memref<655360xi32, #tpu.memory_space<hbm>> -> memref<80xi32, #tpu.memory_space<hbm>>
    %dma_start3A_35 = tpu.memref_slice %arg3[%add3A_33] : memref<655360xi32, #tpu.memory_space<hbm>> -> memref<80xi32, #tpu.memory_space<hbm>>
    tpu.enqueue_dma source(%dma_start3A_35 : memref<80xi32, #tpu.memory_space<hbm>>) target(%arg11 : memref<80xi32, #tpu.memory_space<vmem>>) target_semaphore(%arg32 : memref<!tpu.dma_semaphore, #tpu.memory_space<semaphore_mem>>)
    %dma_start3A_36 = tpu.memref_slice %arg4[%add3A_33] : memref<655360xi32, #tpu.memory_space<hbm>> -> memref<80xi32, #tpu.memory_space<hbm>>
    %dma_start3A_37 = tpu.memref_slice %arg4[%add3A_33] : memref<655360xi32, #tpu.memory_space<hbm>> -> memref<80xi32, #tpu.memory_space<hbm>>
    tpu.enqueue_dma source(%dma_start3A_37 : memref<80xi32, #tpu.memory_space<hbm>>) target(%arg19 : memref<80xi32, #tpu.memory_space<vmem>>) target_semaphore(%arg32 : memref<!tpu.dma_semaphore, #tpu.memory_space<semaphore_mem>>)
    %dma_wait3A = arith.constant 0 : i32
    %dma_wait3A_38 = tpu.memref_slice %arg3[%dma_wait3A] : memref<655360xi32, #tpu.memory_space<hbm>> -> memref<80xi32, #tpu.memory_space<hbm>>
    %dma_wait3A_39 = arith.constant 0 : i32
    %dma_wait3A_40 = tpu.memref_slice %arg3[%dma_wait3A_39] : memref<655360xi32, #tpu.memory_space<hbm>> -> memref<80xi32, #tpu.memory_space<hbm>>
    tpu.wait_dma2 semaphore(%arg28 : memref<!tpu.dma_semaphore, #tpu.memory_space<semaphore_mem>>) src(%dma_wait3A_40 : memref<80xi32, #tpu.memory_space<hbm>>) dst(%arg7 : memref<80xi32, #tpu.memory_space<vmem>>)
    %dma_wait3A_41 = arith.constant 0 : i32
    %dma_wait3A_42 = tpu.memref_slice %arg4[%dma_wait3A_41] : memref<655360xi32, #tpu.memory_space<hbm>> -> memref<80xi32, #tpu.memory_space<hbm>>
    %dma_wait3A_43 = arith.constant 0 : i32
    %dma_wait3A_44 = tpu.memref_slice %arg4[%dma_wait3A_43] : memref<655360xi32, #tpu.memory_space<hbm>> -> memref<80xi32, #tpu.memory_space<hbm>>
    tpu.wait_dma2 semaphore(%arg28 : memref<!tpu.dma_semaphore, #tpu.memory_space<semaphore_mem>>) src(%dma_wait3A_44 : memref<80xi32, #tpu.memory_space<hbm>>) dst(%arg15 : memref<80xi32, #tpu.memory_space<vmem>>)
    %dma_start3A_45 = arith.constant 0 : i32
    %dma_start3A_46 = arith.constant 0 : i32
    %dma_start3A_47 = tpu.memref_slice %arg2[%dma_start3A_45, %dma_start3A_46] : memref<20000x128xf32, #tpu.memory_space<hbm>> -> memref<20000x128xf32, #tpu.memory_space<hbm>>
    tpu.enqueue_indirect_dma source(%dma_start3A_47 : memref<20000x128xf32, #tpu.memory_space<hbm>>) target(%arg23 : memref<80x128xf32, #tpu.memory_space<vmem>>) offsets(%arg7 : memref<80xi32, #tpu.memory_space<vmem>>) semaphore(%arg36 : memref<!tpu.dma_semaphore, #tpu.memory_space<semaphore_mem>>)
    %add3A_48 = arith.constant 400 : i32
    %add3A_49 = arith.addi %add3A, %add3A_48 : i32
    %dma_start3A_50 = tpu.memref_slice %arg3[%add3A_49] : memref<655360xi32, #tpu.memory_space<hbm>> -> memref<80xi32, #tpu.memory_space<hbm>>
    %dma_start3A_51 = tpu.memref_slice %arg3[%add3A_49] : memref<655360xi32, #tpu.memory_space<hbm>> -> memref<80xi32, #tpu.memory_space<hbm>>
    tpu.enqueue_dma source(%dma_start3A_51 : memref<80xi32, #tpu.memory_space<hbm>>) target(%arg12 : memref<80xi32, #tpu.memory_space<vmem>>) target_semaphore(%arg33 : memref<!tpu.dma_semaphore, #tpu.memory_space<semaphore_mem>>)
    %dma_start3A_52 = tpu.memref_slice %arg4[%add3A_49] : memref<655360xi32, #tpu.memory_space<hbm>> -> memref<80xi32, #tpu.memory_space<hbm>>
    %dma_start3A_53 = tpu.memref_slice %arg4[%add3A_49] : memref<655360xi32, #tpu.memory_space<hbm>> -> memref<80xi32, #tpu.memory_space<hbm>>
    tpu.enqueue_dma source(%dma_start3A_53 : memref<80xi32, #tpu.memory_space<hbm>>) target(%arg20 : memref<80xi32, #tpu.memory_space<vmem>>) target_semaphore(%arg33 : memref<!tpu.dma_semaphore, #tpu.memory_space<semaphore_mem>>)
    %dma_wait3A_54 = arith.constant 0 : i32
    %dma_wait3A_55 = tpu.memref_slice %arg3[%dma_wait3A_54] : memref<655360xi32, #tpu.memory_space<hbm>> -> memref<80xi32, #tpu.memory_space<hbm>>
    %dma_wait3A_56 = arith.constant 0 : i32
    %dma_wait3A_57 = tpu.memref_slice %arg3[%dma_wait3A_56] : memref<655360xi32, #tpu.memory_space<hbm>> -> memref<80xi32, #tpu.memory_space<hbm>>
    tpu.wait_dma2 semaphore(%arg29 : memref<!tpu.dma_semaphore, #tpu.memory_space<semaphore_mem>>) src(%dma_wait3A_57 : memref<80xi32, #tpu.memory_space<hbm>>) dst(%arg8 : memref<80xi32, #tpu.memory_space<vmem>>)
    %dma_wait3A_58 = arith.constant 0 : i32
    %dma_wait3A_59 = tpu.memref_slice %arg4[%dma_wait3A_58] : memref<655360xi32, #tpu.memory_space<hbm>> -> memref<80xi32, #tpu.memory_space<hbm>>
    %dma_wait3A_60 = arith.constant 0 : i32
    %dma_wait3A_61 = tpu.memref_slice %arg4[%dma_wait3A_60] : memref<655360xi32, #tpu.memory_space<hbm>> -> memref<80xi32, #tpu.memory_space<hbm>>
    tpu.wait_dma2 semaphore(%arg29 : memref<!tpu.dma_semaphore, #tpu.memory_space<semaphore_mem>>) src(%dma_wait3A_61 : memref<80xi32, #tpu.memory_space<hbm>>) dst(%arg16 : memref<80xi32, #tpu.memory_space<vmem>>)
    %dma_start3A_62 = arith.constant 0 : i32
    %dma_start3A_63 = arith.constant 0 : i32
    %dma_start3A_64 = tpu.memref_slice %arg2[%dma_start3A_62, %dma_start3A_63] : memref<20000x128xf32, #tpu.memory_space<hbm>> -> memref<20000x128xf32, #tpu.memory_space<hbm>>
    tpu.enqueue_indirect_dma source(%dma_start3A_64 : memref<20000x128xf32, #tpu.memory_space<hbm>>) target(%arg24 : memref<80x128xf32, #tpu.memory_space<vmem>>) offsets(%arg8 : memref<80xi32, #tpu.memory_space<vmem>>) semaphore(%arg37 : memref<!tpu.dma_semaphore, #tpu.memory_space<semaphore_mem>>)
    %add3A_65 = arith.constant 480 : i32
    %add3A_66 = arith.addi %add3A, %add3A_65 : i32
    %dma_start3A_67 = tpu.memref_slice %arg3[%add3A_66] : memref<655360xi32, #tpu.memory_space<hbm>> -> memref<80xi32, #tpu.memory_space<hbm>>
    %dma_start3A_68 = tpu.memref_slice %arg3[%add3A_66] : memref<655360xi32, #tpu.memory_space<hbm>> -> memref<80xi32, #tpu.memory_space<hbm>>
    tpu.enqueue_dma source(%dma_start3A_68 : memref<80xi32, #tpu.memory_space<hbm>>) target(%arg13 : memref<80xi32, #tpu.memory_space<vmem>>) target_semaphore(%arg34 : memref<!tpu.dma_semaphore, #tpu.memory_space<semaphore_mem>>)
    %dma_start3A_69 = tpu.memref_slice %arg4[%add3A_66] : memref<655360xi32, #tpu.memory_space<hbm>> -> memref<80xi32, #tpu.memory_space<hbm>>
    %dma_start3A_70 = tpu.memref_slice %arg4[%add3A_66] : memref<655360xi32, #tpu.memory_space<hbm>> -> memref<80xi32, #tpu.memory_space<hbm>>
    tpu.enqueue_dma source(%dma_start3A_70 : memref<80xi32, #tpu.memory_space<hbm>>) target(%arg21 : memref<80xi32, #tpu.memory_space<vmem>>) target_semaphore(%arg34 : memref<!tpu.dma_semaphore, #tpu.memory_space<semaphore_mem>>)
    %dma_wait3A_71 = arith.constant 0 : i32
    %dma_wait3A_72 = tpu.memref_slice %arg3[%dma_wait3A_71] : memref<655360xi32, #tpu.memory_space<hbm>> -> memref<80xi32, #tpu.memory_space<hbm>>
    %dma_wait3A_73 = arith.constant 0 : i32
    %dma_wait3A_74 = tpu.memref_slice %arg3[%dma_wait3A_73] : memref<655360xi32, #tpu.memory_space<hbm>> -> memref<80xi32, #tpu.memory_space<hbm>>
    tpu.wait_dma2 semaphore(%arg30 : memref<!tpu.dma_semaphore, #tpu.memory_space<semaphore_mem>>) src(%dma_wait3A_74 : memref<80xi32, #tpu.memory_space<hbm>>) dst(%arg9 : memref<80xi32, #tpu.memory_space<vmem>>)
    %dma_wait3A_75 = arith.constant 0 : i32
    %dma_wait3A_76 = tpu.memref_slice %arg4[%dma_wait3A_75] : memref<655360xi32, #tpu.memory_space<hbm>> -> memref<80xi32, #tpu.memory_space<hbm>>
    %dma_wait3A_77 = arith.constant 0 : i32
    %dma_wait3A_78 = tpu.memref_slice %arg4[%dma_wait3A_77] : memref<655360xi32, #tpu.memory_space<hbm>> -> memref<80xi32, #tpu.memory_space<hbm>>
    tpu.wait_dma2 semaphore(%arg30 : memref<!tpu.dma_semaphore, #tpu.memory_space<semaphore_mem>>) src(%dma_wait3A_78 : memref<80xi32, #tpu.memory_space<hbm>>) dst(%arg17 : memref<80xi32, #tpu.memory_space<vmem>>)
    %dma_start3A_79 = arith.constant 0 : i32
    %dma_start3A_80 = arith.constant 0 : i32
    %dma_start3A_81 = tpu.memref_slice %arg2[%dma_start3A_79, %dma_start3A_80] : memref<20000x128xf32, #tpu.memory_space<hbm>> -> memref<20000x128xf32, #tpu.memory_space<hbm>>
    tpu.enqueue_indirect_dma source(%dma_start3A_81 : memref<20000x128xf32, #tpu.memory_space<hbm>>) target(%arg25 : memref<80x128xf32, #tpu.memory_space<vmem>>) offsets(%arg9 : memref<80xi32, #tpu.memory_space<vmem>>) semaphore(%arg38 : memref<!tpu.dma_semaphore, #tpu.memory_space<semaphore_mem>>)
    %dma_wait3A_82 = arith.constant 0 : i32
    %dma_wait3A_83 = arith.constant 0 : i32
    %dma_wait3A_84 = tpu.memref_slice %arg2[%dma_wait3A_82, %dma_wait3A_83] : memref<20000x128xf32, #tpu.memory_space<hbm>> -> memref<20000x128xf32, #tpu.memory_space<hbm>>
    tpu.wait_indirect_dma semaphore(%arg36 : memref<!tpu.dma_semaphore, #tpu.memory_space<semaphore_mem>>) src(%dma_wait3A_84 : memref<20000x128xf32, #tpu.memory_space<hbm>>) dst(%arg23 : memref<80x128xf32, #tpu.memory_space<vmem>>)
    %dma_start3A_85 = arith.constant 0 : i32
    %dma_start3A_86 = arith.constant 0 : i32
    %dma_start3A_87 = tpu.memref_slice %arg27[%dma_start3A_85, %dma_start3A_86] : memref<10256x128xf32, #tpu.memory_space<vmem_shared>> -> memref<10256x128xf32, #tpu.memory_space<vmem_shared>>
    tpu.enqueue_indirect_dma source(%arg23 : memref<80x128xf32, #tpu.memory_space<vmem>>) target(%dma_start3A_87 : memref<10256x128xf32, #tpu.memory_space<vmem_shared>>) offsets(%arg15 : memref<80xi32, #tpu.memory_space<vmem>>) semaphore(%arg40 : memref<!tpu.dma_semaphore, #tpu.memory_space<semaphore_mem>>) {add = true}
    %add3A_88 = arith.constant 560 : i32
    %add3A_89 = arith.addi %add3A, %add3A_88 : i32
    %dma_start3A_90 = tpu.memref_slice %arg3[%add3A_89] : memref<655360xi32, #tpu.memory_space<hbm>> -> memref<80xi32, #tpu.memory_space<hbm>>
    %dma_start3A_91 = tpu.memref_slice %arg3[%add3A_89] : memref<655360xi32, #tpu.memory_space<hbm>> -> memref<80xi32, #tpu.memory_space<hbm>>
    tpu.enqueue_dma source(%dma_start3A_91 : memref<80xi32, #tpu.memory_space<hbm>>) target(%arg14 : memref<80xi32, #tpu.memory_space<vmem>>) target_semaphore(%arg35 : memref<!tpu.dma_semaphore, #tpu.memory_space<semaphore_mem>>)
    %dma_start3A_92 = tpu.memref_slice %arg4[%add3A_89] : memref<655360xi32, #tpu.memory_space<hbm>> -> memref<80xi32, #tpu.memory_space<hbm>>
    %dma_start3A_93 = tpu.memref_slice %arg4[%add3A_89] : memref<655360xi32, #tpu.memory_space<hbm>> -> memref<80xi32, #tpu.memory_space<hbm>>
    tpu.enqueue_dma source(%dma_start3A_93 : memref<80xi32, #tpu.memory_space<hbm>>) target(%arg22 : memref<80xi32, #tpu.memory_space<vmem>>) target_semaphore(%arg35 : memref<!tpu.dma_semaphore, #tpu.memory_space<semaphore_mem>>)
    %dma_wait3A_94 = arith.constant 0 : i32
    %dma_wait3A_95 = tpu.memref_slice %arg3[%dma_wait3A_94] : memref<655360xi32, #tpu.memory_space<hbm>> -> memref<80xi32, #tpu.memory_space<hbm>>
    %dma_wait3A_96 = arith.constant 0 : i32
    %dma_wait3A_97 = tpu.memref_slice %arg3[%dma_wait3A_96] : memref<655360xi32, #tpu.memory_space<hbm>> -> memref<80xi32, #tpu.memory_space<hbm>>
    tpu.wait_dma2 semaphore(%arg31 : memref<!tpu.dma_semaphore, #tpu.memory_space<semaphore_mem>>) src(%dma_wait3A_97 : memref<80xi32, #tpu.memory_space<hbm>>) dst(%arg10 : memref<80xi32, #tpu.memory_space<vmem>>)
    %dma_wait3A_98 = arith.constant 0 : i32
    %dma_wait3A_99 = tpu.memref_slice %arg4[%dma_wait3A_98] : memref<655360xi32, #tpu.memory_space<hbm>> -> memref<80xi32, #tpu.memory_space<hbm>>
    %dma_wait3A_100 = arith.constant 0 : i32
    %dma_wait3A_101 = tpu.memref_slice %arg4[%dma_wait3A_100] : memref<655360xi32, #tpu.memory_space<hbm>> -> memref<80xi32, #tpu.memory_space<hbm>>
    tpu.wait_dma2 semaphore(%arg31 : memref<!tpu.dma_semaphore, #tpu.memory_space<semaphore_mem>>) src(%dma_wait3A_101 : memref<80xi32, #tpu.memory_space<hbm>>) dst(%arg18 : memref<80xi32, #tpu.memory_space<vmem>>)
    %dma_start3A_102 = arith.constant 0 : i32
    %dma_start3A_103 = arith.constant 0 : i32
    %dma_start3A_104 = tpu.memref_slice %arg2[%dma_start3A_102, %dma_start3A_103] : memref<20000x128xf32, #tpu.memory_space<hbm>> -> memref<20000x128xf32, #tpu.memory_space<hbm>>
    tpu.enqueue_indirect_dma source(%dma_start3A_104 : memref<20000x128xf32, #tpu.memory_space<hbm>>) target(%arg26 : memref<80x128xf32, #tpu.memory_space<vmem>>) offsets(%arg10 : memref<80xi32, #tpu.memory_space<vmem>>) semaphore(%arg39 : memref<!tpu.dma_semaphore, #tpu.memory_space<semaphore_mem>>)
    %dma_wait3A_105 = arith.constant 0 : i32
    %dma_wait3A_106 = arith.constant 0 : i32
    %dma_wait3A_107 = tpu.memref_slice %arg2[%dma_wait3A_105, %dma_wait3A_106] : memref<20000x128xf32, #tpu.memory_space<hbm>> -> memref<20000x128xf32, #tpu.memory_space<hbm>>
    tpu.wait_indirect_dma semaphore(%arg37 : memref<!tpu.dma_semaphore, #tpu.memory_space<semaphore_mem>>) src(%dma_wait3A_107 : memref<20000x128xf32, #tpu.memory_space<hbm>>) dst(%arg24 : memref<80x128xf32, #tpu.memory_space<vmem>>)
    %dma_start3A_108 = arith.constant 0 : i32
    %dma_start3A_109 = arith.constant 0 : i32
    %dma_start3A_110 = tpu.memref_slice %arg27[%dma_start3A_108, %dma_start3A_109] : memref<10256x128xf32, #tpu.memory_space<vmem_shared>> -> memref<10256x128xf32, #tpu.memory_space<vmem_shared>>
    tpu.enqueue_indirect_dma source(%arg24 : memref<80x128xf32, #tpu.memory_space<vmem>>) target(%dma_start3A_110 : memref<10256x128xf32, #tpu.memory_space<vmem_shared>>) offsets(%arg16 : memref<80xi32, #tpu.memory_space<vmem>>) semaphore(%arg41 : memref<!tpu.dma_semaphore, #tpu.memory_space<semaphore_mem>>) {add = true}
    %dma_wait3A_111 = arith.constant 0 : i32
    %dma_wait3A_112 = arith.constant 0 : i32
    %dma_wait3A_113 = tpu.memref_slice %arg27[%dma_wait3A_111, %dma_wait3A_112] : memref<10256x128xf32, #tpu.memory_space<vmem_shared>> -> memref<10256x128xf32, #tpu.memory_space<vmem_shared>>
    tpu.wait_indirect_dma semaphore(%arg40 : memref<!tpu.dma_semaphore, #tpu.memory_space<semaphore_mem>>) src(%arg23 : memref<80x128xf32, #tpu.memory_space<vmem>>) dst(%dma_wait3A_113 : memref<10256x128xf32, #tpu.memory_space<vmem_shared>>)
    %add3A_114 = arith.constant 640 : i32
    %add3A_115 = arith.addi %add3A, %add3A_114 : i32
    %dma_start3A_116 = tpu.memref_slice %arg3[%add3A_115] : memref<655360xi32, #tpu.memory_space<hbm>> -> memref<80xi32, #tpu.memory_space<hbm>>
    %dma_start3A_117 = tpu.memref_slice %arg3[%add3A_115] : memref<655360xi32, #tpu.memory_space<hbm>> -> memref<80xi32, #tpu.memory_space<hbm>>
    tpu.enqueue_dma source(%dma_start3A_117 : memref<80xi32, #tpu.memory_space<hbm>>) target(%arg7 : memref<80xi32, #tpu.memory_space<vmem>>) target_semaphore(%arg28 : memref<!tpu.dma_semaphore, #tpu.memory_space<semaphore_mem>>)
    %dma_start3A_118 = tpu.memref_slice %arg4[%add3A_115] : memref<655360xi32, #tpu.memory_space<hbm>> -> memref<80xi32, #tpu.memory_space<hbm>>
    %dma_start3A_119 = tpu.memref_slice %arg4[%add3A_115] : memref<655360xi32, #tpu.memory_space<hbm>> -> memref<80xi32, #tpu.memory_space<hbm>>
    tpu.enqueue_dma source(%dma_start3A_119 : memref<80xi32, #tpu.memory_space<hbm>>) target(%arg15 : memref<80xi32, #tpu.memory_space<vmem>>) target_semaphore(%arg28 : memref<!tpu.dma_semaphore, #tpu.memory_space<semaphore_mem>>)
    %dma_wait3A_120 = arith.constant 0 : i32
    %dma_wait3A_121 = tpu.memref_slice %arg3[%dma_wait3A_120] : memref<655360xi32, #tpu.memory_space<hbm>> -> memref<80xi32, #tpu.memory_space<hbm>>
    %dma_wait3A_122 = arith.constant 0 : i32
    %dma_wait3A_123 = tpu.memref_slice %arg3[%dma_wait3A_122] : memref<655360xi32, #tpu.memory_space<hbm>> -> memref<80xi32, #tpu.memory_space<hbm>>
    tpu.wait_dma2 semaphore(%arg32 : memref<!tpu.dma_semaphore, #tpu.memory_space<semaphore_mem>>) src(%dma_wait3A_123 : memref<80xi32, #tpu.memory_space<hbm>>) dst(%arg11 : memref<80xi32, #tpu.memory_space<vmem>>)
    %dma_wait3A_124 = arith.constant 0 : i32
    %dma_wait3A_125 = tpu.memref_slice %arg4[%dma_wait3A_124] : memref<655360xi32, #tpu.memory_space<hbm>> -> memref<80xi32, #tpu.memory_space<hbm>>
    %dma_wait3A_126 = arith.constant 0 : i32
    %dma_wait3A_127 = tpu.memref_slice %arg4[%dma_wait3A_126] : memref<655360xi32, #tpu.memory_space<hbm>> -> memref<80xi32, #tpu.memory_space<hbm>>
    tpu.wait_dma2 semaphore(%arg32 : memref<!tpu.dma_semaphore, #tpu.memory_space<semaphore_mem>>) src(%dma_wait3A_127 : memref<80xi32, #tpu.memory_space<hbm>>) dst(%arg19 : memref<80xi32, #tpu.memory_space<vmem>>)
    %dma_start3A_128 = arith.constant 0 : i32
    %dma_start3A_129 = arith.constant 0 : i32
    %dma_start3A_130 = tpu.memref_slice %arg2[%dma_start3A_128, %dma_start3A_129] : memref<20000x128xf32, #tpu.memory_space<hbm>> -> memref<20000x128xf32, #tpu.memory_space<hbm>>
    tpu.enqueue_indirect_dma source(%dma_start3A_130 : memref<20000x128xf32, #tpu.memory_space<hbm>>) target(%arg23 : memref<80x128xf32, #tpu.memory_space<vmem>>) offsets(%arg11 : memref<80xi32, #tpu.memory_space<vmem>>) semaphore(%arg36 : memref<!tpu.dma_semaphore, #tpu.memory_space<semaphore_mem>>)
    %dma_wait3A_131 = arith.constant 0 : i32
    %dma_wait3A_132 = arith.constant 0 : i32
    %dma_wait3A_133 = tpu.memref_slice %arg2[%dma_wait3A_131, %dma_wait3A_132] : memref<20000x128xf32, #tpu.memory_space<hbm>> -> memref<20000x128xf32, #tpu.memory_space<hbm>>
    tpu.wait_indirect_dma semaphore(%arg38 : memref<!tpu.dma_semaphore, #tpu.memory_space<semaphore_mem>>) src(%dma_wait3A_133 : memref<20000x128xf32, #tpu.memory_space<hbm>>) dst(%arg25 : memref<80x128xf32, #tpu.memory_space<vmem>>)
    %dma_start3A_134 = arith.constant 0 : i32
    %dma_start3A_135 = arith.constant 0 : i32
    %dma_start3A_136 = tpu.memref_slice %arg27[%dma_start3A_134, %dma_start3A_135] : memref<10256x128xf32, #tpu.memory_space<vmem_shared>> -> memref<10256x128xf32, #tpu.memory_space<vmem_shared>>
    tpu.enqueue_indirect_dma source(%arg25 : memref<80x128xf32, #tpu.memory_space<vmem>>) target(%dma_start3A_136 : memref<10256x128xf32, #tpu.memory_space<vmem_shared>>) offsets(%arg17 : memref<80xi32, #tpu.memory_space<vmem>>) semaphore(%arg42 : memref<!tpu.dma_semaphore, #tpu.memory_space<semaphore_mem>>) {add = true}
    %dma_wait3A_137 = arith.constant 0 : i32
    %dma_wait3A_138 = arith.constant 0 : i32
    %dma_wait3A_139 = tpu.memref_slice %arg27[%dma_wait3A_137, %dma_wait3A_138] : memref<10256x128xf32, #tpu.memory_space<vmem_shared>> -> memref<10256x128xf32, #tpu.memory_space<vmem_shared>>
    tpu.wait_indirect_dma semaphore(%arg41 : memref<!tpu.dma_semaphore, #tpu.memory_space<semaphore_mem>>) src(%arg24 : memref<80x128xf32, #tpu.memory_space<vmem>>) dst(%dma_wait3A_139 : memref<10256x128xf32, #tpu.memory_space<vmem_shared>>)
    %add3A_140 = arith.constant 720 : i32
    %add3A_141 = arith.addi %add3A, %add3A_140 : i32
    %dma_start3A_142 = tpu.memref_slice %arg3[%add3A_141] : memref<655360xi32, #tpu.memory_space<hbm>> -> memref<80xi32, #tpu.memory_space<hbm>>
    %dma_start3A_143 = tpu.memref_slice %arg3[%add3A_141] : memref<655360xi32, #tpu.memory_space<hbm>> -> memref<80xi32, #tpu.memory_space<hbm>>
    tpu.enqueue_dma source(%dma_start3A_143 : memref<80xi32, #tpu.memory_space<hbm>>) target(%arg8 : memref<80xi32, #tpu.memory_space<vmem>>) target_semaphore(%arg29 : memref<!tpu.dma_semaphore, #tpu.memory_space<semaphore_mem>>)
    %dma_start3A_144 = tpu.memref_slice %arg4[%add3A_141] : memref<655360xi32, #tpu.memory_space<hbm>> -> memref<80xi32, #tpu.memory_space<hbm>>
    %dma_start3A_145 = tpu.memref_slice %arg4[%add3A_141] : memref<655360xi32, #tpu.memory_space<hbm>> -> memref<80xi32, #tpu.memory_space<hbm>>
    tpu.enqueue_dma source(%dma_start3A_145 : memref<80xi32, #tpu.memory_space<hbm>>) target(%arg16 : memref<80xi32, #tpu.memory_space<vmem>>) target_semaphore(%arg29 : memref<!tpu.dma_semaphore, #tpu.memory_space<semaphore_mem>>)
    %dma_wait3A_146 = arith.constant 0 : i32
    %dma_wait3A_147 = tpu.memref_slice %arg3[%dma_wait3A_146] : memref<655360xi32, #tpu.memory_space<hbm>> -> memref<80xi32, #tpu.memory_space<hbm>>
    %dma_wait3A_148 = arith.constant 0 : i32
    %dma_wait3A_149 = tpu.memref_slice %arg3[%dma_wait3A_148] : memref<655360xi32, #tpu.memory_space<hbm>> -> memref<80xi32, #tpu.memory_space<hbm>>
    tpu.wait_dma2 semaphore(%arg33 : memref<!tpu.dma_semaphore, #tpu.memory_space<semaphore_mem>>) src(%dma_wait3A_149 : memref<80xi32, #tpu.memory_space<hbm>>) dst(%arg12 : memref<80xi32, #tpu.memory_space<vmem>>)
    %dma_wait3A_150 = arith.constant 0 : i32
    %dma_wait3A_151 = tpu.memref_slice %arg4[%dma_wait3A_150] : memref<655360xi32, #tpu.memory_space<hbm>> -> memref<80xi32, #tpu.memory_space<hbm>>
    %dma_wait3A_152 = arith.constant 0 : i32
    %dma_wait3A_153 = tpu.memref_slice %arg4[%dma_wait3A_152] : memref<655360xi32, #tpu.memory_space<hbm>> -> memref<80xi32, #tpu.memory_space<hbm>>
    tpu.wait_dma2 semaphore(%arg33 : memref<!tpu.dma_semaphore, #tpu.memory_space<semaphore_mem>>) src(%dma_wait3A_153 : memref<80xi32, #tpu.memory_space<hbm>>) dst(%arg20 : memref<80xi32, #tpu.memory_space<vmem>>)
    %dma_start3A_154 = arith.constant 0 : i32
    %dma_start3A_155 = arith.constant 0 : i32
    %dma_start3A_156 = tpu.memref_slice %arg2[%dma_start3A_154, %dma_start3A_155] : memref<20000x128xf32, #tpu.memory_space<hbm>> -> memref<20000x128xf32, #tpu.memory_space<hbm>>
    tpu.enqueue_indirect_dma source(%dma_start3A_156 : memref<20000x128xf32, #tpu.memory_space<hbm>>) target(%arg24 : memref<80x128xf32, #tpu.memory_space<vmem>>) offsets(%arg12 : memref<80xi32, #tpu.memory_space<vmem>>) semaphore(%arg37 : memref<!tpu.dma_semaphore, #tpu.memory_space<semaphore_mem>>)
    %dma_wait3A_157 = arith.constant 0 : i32
    %dma_wait3A_158 = arith.constant 0 : i32
    %dma_wait3A_159 = tpu.memref_slice %arg2[%dma_wait3A_157, %dma_wait3A_158] : memref<20000x128xf32, #tpu.memory_space<hbm>> -> memref<20000x128xf32, #tpu.memory_space<hbm>>
    tpu.wait_indirect_dma semaphore(%arg39 : memref<!tpu.dma_semaphore, #tpu.memory_space<semaphore_mem>>) src(%dma_wait3A_159 : memref<20000x128xf32, #tpu.memory_space<hbm>>) dst(%arg26 : memref<80x128xf32, #tpu.memory_space<vmem>>)
    %dma_start3A_160 = arith.constant 0 : i32
    %dma_start3A_161 = arith.constant 0 : i32
    %dma_start3A_162 = tpu.memref_slice %arg27[%dma_start3A_160, %dma_start3A_161] : memref<10256x128xf32, #tpu.memory_space<vmem_shared>> -> memref<10256x128xf32, #tpu.memory_space<vmem_shared>>
    tpu.enqueue_indirect_dma source(%arg26 : memref<80x128xf32, #tpu.memory_space<vmem>>) target(%dma_start3A_162 : memref<10256x128xf32, #tpu.memory_space<vmem_shared>>) offsets(%arg18 : memref<80xi32, #tpu.memory_space<vmem>>) semaphore(%arg43 : memref<!tpu.dma_semaphore, #tpu.memory_space<semaphore_mem>>) {add = true}
    %dma_wait3A_163 = arith.constant 0 : i32
    %dma_wait3A_164 = arith.constant 0 : i32
    %dma_wait3A_165 = tpu.memref_slice %arg27[%dma_wait3A_163, %dma_wait3A_164] : memref<10256x128xf32, #tpu.memory_space<vmem_shared>> -> memref<10256x128xf32, #tpu.memory_space<vmem_shared>>
    tpu.wait_indirect_dma semaphore(%arg42 : memref<!tpu.dma_semaphore, #tpu.memory_space<semaphore_mem>>) src(%arg25 : memref<80x128xf32, #tpu.memory_space<vmem>>) dst(%dma_wait3A_165 : memref<10256x128xf32, #tpu.memory_space<vmem_shared>>)
    %add3A_166 = arith.constant 800 : i32
    %add3A_167 = arith.addi %add3A, %add3A_166 : i32
    %dma_start3A_168 = tpu.memref_slice %arg3[%add3A_167] : memref<655360xi32, #tpu.memory_space<hbm>> -> memref<80xi32, #tpu.memory_space<hbm>>
    %dma_start3A_169 = tpu.memref_slice %arg3[%add3A_167] : memref<655360xi32, #tpu.memory_space<hbm>> -> memref<80xi32, #tpu.memory_space<hbm>>
    tpu.enqueue_dma source(%dma_start3A_169 : memref<80xi32, #tpu.memory_space<hbm>>) target(%arg9 : memref<80xi32, #tpu.memory_space<vmem>>) target_semaphore(%arg30 : memref<!tpu.dma_semaphore, #tpu.memory_space<semaphore_mem>>)
    %dma_start3A_170 = tpu.memref_slice %arg4[%add3A_167] : memref<655360xi32, #tpu.memory_space<hbm>> -> memref<80xi32, #tpu.memory_space<hbm>>
    %dma_start3A_171 = tpu.memref_slice %arg4[%add3A_167] : memref<655360xi32, #tpu.memory_space<hbm>> -> memref<80xi32, #tpu.memory_space<hbm>>
    tpu.enqueue_dma source(%dma_start3A_171 : memref<80xi32, #tpu.memory_space<hbm>>) target(%arg17 : memref<80xi32, #tpu.memory_space<vmem>>) target_semaphore(%arg30 : memref<!tpu.dma_semaphore, #tpu.memory_space<semaphore_mem>>)
    %dma_wait3A_172 = arith.constant 0 : i32
    %dma_wait3A_173 = tpu.memref_slice %arg3[%dma_wait3A_172] : memref<655360xi32, #tpu.memory_space<hbm>> -> memref<80xi32, #tpu.memory_space<hbm>>
    %dma_wait3A_174 = arith.constant 0 : i32
    %dma_wait3A_175 = tpu.memref_slice %arg3[%dma_wait3A_174] : memref<655360xi32, #tpu.memory_space<hbm>> -> memref<80xi32, #tpu.memory_space<hbm>>
    tpu.wait_dma2 semaphore(%arg34 : memref<!tpu.dma_semaphore, #tpu.memory_space<semaphore_mem>>) src(%dma_wait3A_175 : memref<80xi32, #tpu.memory_space<hbm>>) dst(%arg13 : memref<80xi32, #tpu.memory_space<vmem>>)
    %dma_wait3A_176 = arith.constant 0 : i32
    %dma_wait3A_177 = tpu.memref_slice %arg4[%dma_wait3A_176] : memref<655360xi32, #tpu.memory_space<hbm>> -> memref<80xi32, #tpu.memory_space<hbm>>
    %dma_wait3A_178 = arith.constant 0 : i32
    %dma_wait3A_179 = tpu.memref_slice %arg4[%dma_wait3A_178] : memref<655360xi32, #tpu.memory_space<hbm>> -> memref<80xi32, #tpu.memory_space<hbm>>
    tpu.wait_dma2 semaphore(%arg34 : memref<!tpu.dma_semaphore, #tpu.memory_space<semaphore_mem>>) src(%dma_wait3A_179 : memref<80xi32, #tpu.memory_space<hbm>>) dst(%arg21 : memref<80xi32, #tpu.memory_space<vmem>>)
    %dma_start3A_180 = arith.constant 0 : i32
    %dma_start3A_181 = arith.constant 0 : i32
    %dma_start3A_182 = tpu.memref_slice %arg2[%dma_start3A_180, %dma_start3A_181] : memref<20000x128xf32, #tpu.memory_space<hbm>> -> memref<20000x128xf32, #tpu.memory_space<hbm>>
    tpu.enqueue_indirect_dma source(%dma_start3A_182 : memref<20000x128xf32, #tpu.memory_space<hbm>>) target(%arg25 : memref<80x128xf32, #tpu.memory_space<vmem>>) offsets(%arg13 : memref<80xi32, #tpu.memory_space<vmem>>) semaphore(%arg38 : memref<!tpu.dma_semaphore, #tpu.memory_space<semaphore_mem>>)
    %dma_wait3A_183 = arith.constant 0 : i32
    %dma_wait3A_184 = arith.constant 0 : i32
    %dma_wait3A_185 = tpu.memref_slice %arg2[%dma_wait3A_183, %dma_wait3A_184] : memref<20000x128xf32, #tpu.memory_space<hbm>> -> memref<20000x128xf32, #tpu.memory_space<hbm>>
    tpu.wait_indirect_dma semaphore(%arg36 : memref<!tpu.dma_semaphore, #tpu.memory_space<semaphore_mem>>) src(%dma_wait3A_185 : memref<20000x128xf32, #tpu.memory_space<hbm>>) dst(%arg23 : memref<80x128xf32, #tpu.memory_space<vmem>>)
    %dma_start3A_186 = arith.constant 0 : i32
    %dma_start3A_187 = arith.constant 0 : i32
    %dma_start3A_188 = tpu.memref_slice %arg27[%dma_start3A_186, %dma_start3A_187] : memref<10256x128xf32, #tpu.memory_space<vmem_shared>> -> memref<10256x128xf32, #tpu.memory_space<vmem_shared>>
    tpu.enqueue_indirect_dma source(%arg23 : memref<80x128xf32, #tpu.memory_space<vmem>>) target(%dma_start3A_188 : memref<10256x128xf32, #tpu.memory_space<vmem_shared>>) offsets(%arg19 : memref<80xi32, #tpu.memory_space<vmem>>) semaphore(%arg40 : memref<!tpu.dma_semaphore, #tpu.memory_space<semaphore_mem>>) {add = true}
    %dma_wait3A_189 = arith.constant 0 : i32
    %dma_wait3A_190 = arith.constant 0 : i32
    %dma_wait3A_191 = tpu.memref_slice %arg27[%dma_wait3A_189, %dma_wait3A_190] : memref<10256x128xf32, #tpu.memory_space<vmem_shared>> -> memref<10256x128xf32, #tpu.memory_space<vmem_shared>>
    tpu.wait_indirect_dma semaphore(%arg43 : memref<!tpu.dma_semaphore, #tpu.memory_space<semaphore_mem>>) src(%arg26 : memref<80x128xf32, #tpu.memory_space<vmem>>) dst(%dma_wait3A_191 : memref<10256x128xf32, #tpu.memory_space<vmem_shared>>)
    %add3A_192 = arith.constant 880 : i32
    %add3A_193 = arith.addi %add3A, %add3A_192 : i32
    %dma_start3A_194 = tpu.memref_slice %arg3[%add3A_193] : memref<655360xi32, #tpu.memory_space<hbm>> -> memref<80xi32, #tpu.memory_space<hbm>>
    %dma_start3A_195 = tpu.memref_slice %arg3[%add3A_193] : memref<655360xi32, #tpu.memory_space<hbm>> -> memref<80xi32, #tpu.memory_space<hbm>>
    tpu.enqueue_dma source(%dma_start3A_195 : memref<80xi32, #tpu.memory_space<hbm>>) target(%arg10 : memref<80xi32, #tpu.memory_space<vmem>>) target_semaphore(%arg31 : memref<!tpu.dma_semaphore, #tpu.memory_space<semaphore_mem>>)
    %dma_start3A_196 = tpu.memref_slice %arg4[%add3A_193] : memref<655360xi32, #tpu.memory_space<hbm>> -> memref<80xi32, #tpu.memory_space<hbm>>
    %dma_start3A_197 = tpu.memref_slice %arg4[%add3A_193] : memref<655360xi32, #tpu.memory_space<hbm>> -> memref<80xi32, #tpu.memory_space<hbm>>
    tpu.enqueue_dma source(%dma_start3A_197 : memref<80xi32, #tpu.memory_space<hbm>>) target(%arg18 : memref<80xi32, #tpu.memory_space<vmem>>) target_semaphore(%arg31 : memref<!tpu.dma_semaphore, #tpu.memory_space<semaphore_mem>>)
    %dma_wait3A_198 = arith.constant 0 : i32
    %dma_wait3A_199 = tpu.memref_slice %arg3[%dma_wait3A_198] : memref<655360xi32, #tpu.memory_space<hbm>> -> memref<80xi32, #tpu.memory_space<hbm>>
    %dma_wait3A_200 = arith.constant 0 : i32
    %dma_wait3A_201 = tpu.memref_slice %arg3[%dma_wait3A_200] : memref<655360xi32, #tpu.memory_space<hbm>> -> memref<80xi32, #tpu.memory_space<hbm>>
    tpu.wait_dma2 semaphore(%arg35 : memref<!tpu.dma_semaphore, #tpu.memory_space<semaphore_mem>>) src(%dma_wait3A_201 : memref<80xi32, #tpu.memory_space<hbm>>) dst(%arg14 : memref<80xi32, #tpu.memory_space<vmem>>)
    %dma_wait3A_202 = arith.constant 0 : i32
    %dma_wait3A_203 = tpu.memref_slice %arg4[%dma_wait3A_202] : memref<655360xi32, #tpu.memory_space<hbm>> -> memref<80xi32, #tpu.memory_space<hbm>>
    %dma_wait3A_204 = arith.constant 0 : i32
    %dma_wait3A_205 = tpu.memref_slice %arg4[%dma_wait3A_204] : memref<655360xi32, #tpu.memory_space<hbm>> -> memref<80xi32, #tpu.memory_space<hbm>>
    tpu.wait_dma2 semaphore(%arg35 : memref<!tpu.dma_semaphore, #tpu.memory_space<semaphore_mem>>) src(%dma_wait3A_205 : memref<80xi32, #tpu.memory_space<hbm>>) dst(%arg22 : memref<80xi32, #tpu.memory_space<vmem>>)
    %dma_start3A_206 = arith.constant 0 : i32
    %dma_start3A_207 = arith.constant 0 : i32
    %dma_start3A_208 = tpu.memref_slice %arg2[%dma_start3A_206, %dma_start3A_207] : memref<20000x128xf32, #tpu.memory_space<hbm>> -> memref<20000x128xf32, #tpu.memory_space<hbm>>
    tpu.enqueue_indirect_dma source(%dma_start3A_208 : memref<20000x128xf32, #tpu.memory_space<hbm>>) target(%arg26 : memref<80x128xf32, #tpu.memory_space<vmem>>) offsets(%arg14 : memref<80xi32, #tpu.memory_space<vmem>>) semaphore(%arg39 : memref<!tpu.dma_semaphore, #tpu.memory_space<semaphore_mem>>)
    %dma_wait3A_209 = arith.constant 0 : i32
    %dma_wait3A_210 = arith.constant 0 : i32
    %dma_wait3A_211 = tpu.memref_slice %arg2[%dma_wait3A_209, %dma_wait3A_210] : memref<20000x128xf32, #tpu.memory_space<hbm>> -> memref<20000x128xf32, #tpu.memory_space<hbm>>
    tpu.wait_indirect_dma semaphore(%arg37 : memref<!tpu.dma_semaphore, #tpu.memory_space<semaphore_mem>>) src(%dma_wait3A_211 : memref<20000x128xf32, #tpu.memory_space<hbm>>) dst(%arg24 : memref<80x128xf32, #tpu.memory_space<vmem>>)
    %dma_start3A_212 = arith.constant 0 : i32
    %dma_start3A_213 = arith.constant 0 : i32
    %dma_start3A_214 = tpu.memref_slice %arg27[%dma_start3A_212, %dma_start3A_213] : memref<10256x128xf32, #tpu.memory_space<vmem_shared>> -> memref<10256x128xf32, #tpu.memory_space<vmem_shared>>
    tpu.enqueue_indirect_dma source(%arg24 : memref<80x128xf32, #tpu.memory_space<vmem>>) target(%dma_start3A_214 : memref<10256x128xf32, #tpu.memory_space<vmem_shared>>) offsets(%arg20 : memref<80xi32, #tpu.memory_space<vmem>>) semaphore(%arg41 : memref<!tpu.dma_semaphore, #tpu.memory_space<semaphore_mem>>) {add = true}
    %scan3A_215 = arith.constant 0 : i32
    %scan3A_216 = arith.constant 31 : i32
    %scan3A_217 = arith.addi %scan3A_215, %scan3A_216 : i32
    %scan3A_218 = arith.constant 1 : i32
    scf.for %scan3A_250 = %scan3A_215 to %scan3A_217 step %scan3A_218  : i32 {
      %mul3A_251 = arith.constant 1 : i32
      %mul3A_252 = arith.muli %scan3A_250, %mul3A_251 : i32
      %add3A_253 = arith.constant 1 : i32
      %add3A_254 = arith.addi %add3A_253, %mul3A_252 : i32
      %dma_wait3A_255 = arith.constant 0 : i32
      %dma_wait3A_256 = arith.constant 0 : i32
      %dma_wait3A_257 = tpu.memref_slice %arg27[%dma_wait3A_255, %dma_wait3A_256] : memref<10256x128xf32, #tpu.memory_space<vmem_shared>> -> memref<10256x128xf32, #tpu.memory_space<vmem_shared>>
      tpu.wait_indirect_dma semaphore(%arg40 : memref<!tpu.dma_semaphore, #tpu.memory_space<semaphore_mem>>) src(%arg23 : memref<80x128xf32, #tpu.memory_space<vmem>>) dst(%dma_wait3A_257 : memref<10256x128xf32, #tpu.memory_space<vmem_shared>>)
      %mul3A_258 = arith.constant 8 : i32
      %mul3A_259 = arith.muli %add3A_254, %mul3A_258 : i32
      %add3A_260 = arith.constant 0 : i32
      %add3A_261 = arith.addi %mul3A_259, %add3A_260 : i32
      %add3A_262 = arith.constant 4 : i32
      %add3A_263 = arith.addi %add3A_261, %add3A_262 : i32
      %lt3A_264 = arith.constant 256 : i32
      %lt3A_265 = arith.cmpi slt, %add3A_263, %lt3A_264 : i32
      %convert_element_type3A_266 = arith.extui %lt3A_265 : i1 to i32
      %cond3A_267 = arith.constant 0 : i32
      %cond3A_268 = arith.cmpi ne, %convert_element_type3A_266, %cond3A_267 : i32
      scf.if %cond3A_268 {
        %mul3A_503 = arith.constant 8 : i32
        %mul3A_504 = arith.muli %add3A_254, %mul3A_503 : i32
        %add3A_505 = arith.constant 0 : i32
        %add3A_506 = arith.addi %mul3A_504, %add3A_505 : i32
        %add3A_507 = arith.constant 4 : i32
        %add3A_508 = arith.addi %add3A_506, %add3A_507 : i32
        %mul3A_509 = arith.constant 80 : i32
        %mul3A_510 = arith.muli %add3A_508, %mul3A_509 : i32
        %add3A_511 = arith.addi %add3A, %mul3A_510 : i32
        %dma_start3A_512 = tpu.memref_slice %arg3[%add3A_511] : memref<655360xi32, #tpu.memory_space<hbm>> -> memref<80xi32, #tpu.memory_space<hbm>>
        %dma_start3A_513 = tpu.memref_slice %arg3[%add3A_511] : memref<655360xi32, #tpu.memory_space<hbm>> -> memref<80xi32, #tpu.memory_space<hbm>>
        tpu.enqueue_dma source(%dma_start3A_513 : memref<80xi32, #tpu.memory_space<hbm>>) target(%arg11 : memref<80xi32, #tpu.memory_space<vmem>>) target_semaphore(%arg32 : memref<!tpu.dma_semaphore, #tpu.memory_space<semaphore_mem>>)
        %dma_start3A_514 = tpu.memref_slice %arg4[%add3A_511] : memref<655360xi32, #tpu.memory_space<hbm>> -> memref<80xi32, #tpu.memory_space<hbm>>
        %dma_start3A_515 = tpu.memref_slice %arg4[%add3A_511] : memref<655360xi32, #tpu.memory_space<hbm>> -> memref<80xi32, #tpu.memory_space<hbm>>
        tpu.enqueue_dma source(%dma_start3A_515 : memref<80xi32, #tpu.memory_space<hbm>>) target(%arg19 : memref<80xi32, #tpu.memory_space<vmem>>) target_semaphore(%arg32 : memref<!tpu.dma_semaphore, #tpu.memory_space<semaphore_mem>>)
      } else {
      }
      %dma_wait3A_269 = arith.constant 0 : i32
      %dma_wait3A_270 = tpu.memref_slice %arg3[%dma_wait3A_269] : memref<655360xi32, #tpu.memory_space<hbm>> -> memref<80xi32, #tpu.memory_space<hbm>>
      %dma_wait3A_271 = arith.constant 0 : i32
      %dma_wait3A_272 = tpu.memref_slice %arg3[%dma_wait3A_271] : memref<655360xi32, #tpu.memory_space<hbm>> -> memref<80xi32, #tpu.memory_space<hbm>>
      tpu.wait_dma2 semaphore(%arg28 : memref<!tpu.dma_semaphore, #tpu.memory_space<semaphore_mem>>) src(%dma_wait3A_272 : memref<80xi32, #tpu.memory_space<hbm>>) dst(%arg7 : memref<80xi32, #tpu.memory_space<vmem>>)
      %dma_wait3A_273 = arith.constant 0 : i32
      %dma_wait3A_274 = tpu.memref_slice %arg4[%dma_wait3A_273] : memref<655360xi32, #tpu.memory_space<hbm>> -> memref<80xi32, #tpu.memory_space<hbm>>
      %dma_wait3A_275 = arith.constant 0 : i32
      %dma_wait3A_276 = tpu.memref_slice %arg4[%dma_wait3A_275] : memref<655360xi32, #tpu.memory_space<hbm>> -> memref<80xi32, #tpu.memory_space<hbm>>
      tpu.wait_dma2 semaphore(%arg28 : memref<!tpu.dma_semaphore, #tpu.memory_space<semaphore_mem>>) src(%dma_wait3A_276 : memref<80xi32, #tpu.memory_space<hbm>>) dst(%arg15 : memref<80xi32, #tpu.memory_space<vmem>>)
      %dma_start3A_277 = arith.constant 0 : i32
      %dma_start3A_278 = arith.constant 0 : i32
      %dma_start3A_279 = tpu.memref_slice %arg2[%dma_start3A_277, %dma_start3A_278] : memref<20000x128xf32, #tpu.memory_space<hbm>> -> memref<20000x128xf32, #tpu.memory_space<hbm>>
      tpu.enqueue_indirect_dma source(%dma_start3A_279 : memref<20000x128xf32, #tpu.memory_space<hbm>>) target(%arg23 : memref<80x128xf32, #tpu.memory_space<vmem>>) offsets(%arg7 : memref<80xi32, #tpu.memory_space<vmem>>) semaphore(%arg36 : memref<!tpu.dma_semaphore, #tpu.memory_space<semaphore_mem>>)
      %dma_wait3A_280 = arith.constant 0 : i32
      %dma_wait3A_281 = arith.constant 0 : i32
      %dma_wait3A_282 = tpu.memref_slice %arg2[%dma_wait3A_280, %dma_wait3A_281] : memref<20000x128xf32, #tpu.memory_space<hbm>> -> memref<20000x128xf32, #tpu.memory_space<hbm>>
      tpu.wait_indirect_dma semaphore(%arg38 : memref<!tpu.dma_semaphore, #tpu.memory_space<semaphore_mem>>) src(%dma_wait3A_282 : memref<20000x128xf32, #tpu.memory_space<hbm>>) dst(%arg25 : memref<80x128xf32, #tpu.memory_space<vmem>>)
      %dma_start3A_283 = arith.constant 0 : i32
      %dma_start3A_284 = arith.constant 0 : i32
      %dma_start3A_285 = tpu.memref_slice %arg27[%dma_start3A_283, %dma_start3A_284] : memref<10256x128xf32, #tpu.memory_space<vmem_shared>> -> memref<10256x128xf32, #tpu.memory_space<vmem_shared>>
      tpu.enqueue_indirect_dma source(%arg25 : memref<80x128xf32, #tpu.memory_space<vmem>>) target(%dma_start3A_285 : memref<10256x128xf32, #tpu.memory_space<vmem_shared>>) offsets(%arg21 : memref<80xi32, #tpu.memory_space<vmem>>) semaphore(%arg42 : memref<!tpu.dma_semaphore, #tpu.memory_space<semaphore_mem>>) {add = true}
      %dma_wait3A_286 = arith.constant 0 : i32
      %dma_wait3A_287 = arith.constant 0 : i32
      %dma_wait3A_288 = tpu.memref_slice %arg27[%dma_wait3A_286, %dma_wait3A_287] : memref<10256x128xf32, #tpu.memory_space<vmem_shared>> -> memref<10256x128xf32, #tpu.memory_space<vmem_shared>>
      tpu.wait_indirect_dma semaphore(%arg41 : memref<!tpu.dma_semaphore, #tpu.memory_space<semaphore_mem>>) src(%arg24 : memref<80x128xf32, #tpu.memory_space<vmem>>) dst(%dma_wait3A_288 : memref<10256x128xf32, #tpu.memory_space<vmem_shared>>)
      %mul3A_289 = arith.constant 8 : i32
      %mul3A_290 = arith.muli %add3A_254, %mul3A_289 : i32
      %add3A_291 = arith.constant 1 : i32
      %add3A_292 = arith.addi %mul3A_290, %add3A_291 : i32
      %add3A_293 = arith.constant 4 : i32
      %add3A_294 = arith.addi %add3A_292, %add3A_293 : i32
      %lt3A_295 = arith.constant 256 : i32
      %lt3A_296 = arith.cmpi slt, %add3A_294, %lt3A_295 : i32
      %convert_element_type3A_297 = arith.extui %lt3A_296 : i1 to i32
      %cond3A_298 = arith.constant 0 : i32
      %cond3A_299 = arith.cmpi ne, %convert_element_type3A_297, %cond3A_298 : i32
      scf.if %cond3A_299 {
        %mul3A_503 = arith.constant 8 : i32
        %mul3A_504 = arith.muli %add3A_254, %mul3A_503 : i32
        %add3A_505 = arith.constant 1 : i32
        %add3A_506 = arith.addi %mul3A_504, %add3A_505 : i32
        %add3A_507 = arith.constant 4 : i32
        %add3A_508 = arith.addi %add3A_506, %add3A_507 : i32
        %mul3A_509 = arith.constant 80 : i32
        %mul3A_510 = arith.muli %add3A_508, %mul3A_509 : i32
        %add3A_511 = arith.addi %add3A, %mul3A_510 : i32
        %dma_start3A_512 = tpu.memref_slice %arg3[%add3A_511] : memref<655360xi32, #tpu.memory_space<hbm>> -> memref<80xi32, #tpu.memory_space<hbm>>
        %dma_start3A_513 = tpu.memref_slice %arg3[%add3A_511] : memref<655360xi32, #tpu.memory_space<hbm>> -> memref<80xi32, #tpu.memory_space<hbm>>
        tpu.enqueue_dma source(%dma_start3A_513 : memref<80xi32, #tpu.memory_space<hbm>>) target(%arg12 : memref<80xi32, #tpu.memory_space<vmem>>) target_semaphore(%arg33 : memref<!tpu.dma_semaphore, #tpu.memory_space<semaphore_mem>>)
        %dma_start3A_514 = tpu.memref_slice %arg4[%add3A_511] : memref<655360xi32, #tpu.memory_space<hbm>> -> memref<80xi32, #tpu.memory_space<hbm>>
        %dma_start3A_515 = tpu.memref_slice %arg4[%add3A_511] : memref<655360xi32, #tpu.memory_space<hbm>> -> memref<80xi32, #tpu.memory_space<hbm>>
        tpu.enqueue_dma source(%dma_start3A_515 : memref<80xi32, #tpu.memory_space<hbm>>) target(%arg20 : memref<80xi32, #tpu.memory_space<vmem>>) target_semaphore(%arg33 : memref<!tpu.dma_semaphore, #tpu.memory_space<semaphore_mem>>)
      } else {
      }
      %dma_wait3A_300 = arith.constant 0 : i32
      %dma_wait3A_301 = tpu.memref_slice %arg3[%dma_wait3A_300] : memref<655360xi32, #tpu.memory_space<hbm>> -> memref<80xi32, #tpu.memory_space<hbm>>
      %dma_wait3A_302 = arith.constant 0 : i32
      %dma_wait3A_303 = tpu.memref_slice %arg3[%dma_wait3A_302] : memref<655360xi32, #tpu.memory_space<hbm>> -> memref<80xi32, #tpu.memory_space<hbm>>
      tpu.wait_dma2 semaphore(%arg29 : memref<!tpu.dma_semaphore, #tpu.memory_space<semaphore_mem>>) src(%dma_wait3A_303 : memref<80xi32, #tpu.memory_space<hbm>>) dst(%arg8 : memref<80xi32, #tpu.memory_space<vmem>>)
      %dma_wait3A_304 = arith.constant 0 : i32
      %dma_wait3A_305 = tpu.memref_slice %arg4[%dma_wait3A_304] : memref<655360xi32, #tpu.memory_space<hbm>> -> memref<80xi32, #tpu.memory_space<hbm>>
      %dma_wait3A_306 = arith.constant 0 : i32
      %dma_wait3A_307 = tpu.memref_slice %arg4[%dma_wait3A_306] : memref<655360xi32, #tpu.memory_space<hbm>> -> memref<80xi32, #tpu.memory_space<hbm>>
      tpu.wait_dma2 semaphore(%arg29 : memref<!tpu.dma_semaphore, #tpu.memory_space<semaphore_mem>>) src(%dma_wait3A_307 : memref<80xi32, #tpu.memory_space<hbm>>) dst(%arg16 : memref<80xi32, #tpu.memory_space<vmem>>)
      %dma_start3A_308 = arith.constant 0 : i32
      %dma_start3A_309 = arith.constant 0 : i32
      %dma_start3A_310 = tpu.memref_slice %arg2[%dma_start3A_308, %dma_start3A_309] : memref<20000x128xf32, #tpu.memory_space<hbm>> -> memref<20000x128xf32, #tpu.memory_space<hbm>>
      tpu.enqueue_indirect_dma source(%dma_start3A_310 : memref<20000x128xf32, #tpu.memory_space<hbm>>) target(%arg24 : memref<80x128xf32, #tpu.memory_space<vmem>>) offsets(%arg8 : memref<80xi32, #tpu.memory_space<vmem>>) semaphore(%arg37 : memref<!tpu.dma_semaphore, #tpu.memory_space<semaphore_mem>>)
      %dma_wait3A_311 = arith.constant 0 : i32
      %dma_wait3A_312 = arith.constant 0 : i32
      %dma_wait3A_313 = tpu.memref_slice %arg2[%dma_wait3A_311, %dma_wait3A_312] : memref<20000x128xf32, #tpu.memory_space<hbm>> -> memref<20000x128xf32, #tpu.memory_space<hbm>>
      tpu.wait_indirect_dma semaphore(%arg39 : memref<!tpu.dma_semaphore, #tpu.memory_space<semaphore_mem>>) src(%dma_wait3A_313 : memref<20000x128xf32, #tpu.memory_space<hbm>>) dst(%arg26 : memref<80x128xf32, #tpu.memory_space<vmem>>)
      %dma_start3A_314 = arith.constant 0 : i32
      %dma_start3A_315 = arith.constant 0 : i32
      %dma_start3A_316 = tpu.memref_slice %arg27[%dma_start3A_314, %dma_start3A_315] : memref<10256x128xf32, #tpu.memory_space<vmem_shared>> -> memref<10256x128xf32, #tpu.memory_space<vmem_shared>>
      tpu.enqueue_indirect_dma source(%arg26 : memref<80x128xf32, #tpu.memory_space<vmem>>) target(%dma_start3A_316 : memref<10256x128xf32, #tpu.memory_space<vmem_shared>>) offsets(%arg22 : memref<80xi32, #tpu.memory_space<vmem>>) semaphore(%arg43 : memref<!tpu.dma_semaphore, #tpu.memory_space<semaphore_mem>>) {add = true}
      %dma_wait3A_317 = arith.constant 0 : i32
      %dma_wait3A_318 = arith.constant 0 : i32
      %dma_wait3A_319 = tpu.memref_slice %arg27[%dma_wait3A_317, %dma_wait3A_318] : memref<10256x128xf32, #tpu.memory_space<vmem_shared>> -> memref<10256x128xf32, #tpu.memory_space<vmem_shared>>
      tpu.wait_indirect_dma semaphore(%arg42 : memref<!tpu.dma_semaphore, #tpu.memory_space<semaphore_mem>>) src(%arg25 : memref<80x128xf32, #tpu.memory_space<vmem>>) dst(%dma_wait3A_319 : memref<10256x128xf32, #tpu.memory_space<vmem_shared>>)
      %mul3A_320 = arith.constant 8 : i32
      %mul3A_321 = arith.muli %add3A_254, %mul3A_320 : i32
      %add3A_322 = arith.constant 2 : i32
      %add3A_323 = arith.addi %mul3A_321, %add3A_322 : i32
      %add3A_324 = arith.constant 4 : i32
      %add3A_325 = arith.addi %add3A_323, %add3A_324 : i32
      %lt3A_326 = arith.constant 256 : i32
      %lt3A_327 = arith.cmpi slt, %add3A_325, %lt3A_326 : i32
      %convert_element_type3A_328 = arith.extui %lt3A_327 : i1 to i32
      %cond3A_329 = arith.constant 0 : i32
      %cond3A_330 = arith.cmpi ne, %convert_element_type3A_328, %cond3A_329 : i32
      scf.if %cond3A_330 {
        %mul3A_503 = arith.constant 8 : i32
        %mul3A_504 = arith.muli %add3A_254, %mul3A_503 : i32
        %add3A_505 = arith.constant 2 : i32
        %add3A_506 = arith.addi %mul3A_504, %add3A_505 : i32
        %add3A_507 = arith.constant 4 : i32
        %add3A_508 = arith.addi %add3A_506, %add3A_507 : i32
        %mul3A_509 = arith.constant 80 : i32
        %mul3A_510 = arith.muli %add3A_508, %mul3A_509 : i32
        %add3A_511 = arith.addi %add3A, %mul3A_510 : i32
        %dma_start3A_512 = tpu.memref_slice %arg3[%add3A_511] : memref<655360xi32, #tpu.memory_space<hbm>> -> memref<80xi32, #tpu.memory_space<hbm>>
        %dma_start3A_513 = tpu.memref_slice %arg3[%add3A_511] : memref<655360xi32, #tpu.memory_space<hbm>> -> memref<80xi32, #tpu.memory_space<hbm>>
        tpu.enqueue_dma source(%dma_start3A_513 : memref<80xi32, #tpu.memory_space<hbm>>) target(%arg13 : memref<80xi32, #tpu.memory_space<vmem>>) target_semaphore(%arg34 : memref<!tpu.dma_semaphore, #tpu.memory_space<semaphore_mem>>)
        %dma_start3A_514 = tpu.memref_slice %arg4[%add3A_511] : memref<655360xi32, #tpu.memory_space<hbm>> -> memref<80xi32, #tpu.memory_space<hbm>>
        %dma_start3A_515 = tpu.memref_slice %arg4[%add3A_511] : memref<655360xi32, #tpu.memory_space<hbm>> -> memref<80xi32, #tpu.memory_space<hbm>>
        tpu.enqueue_dma source(%dma_start3A_515 : memref<80xi32, #tpu.memory_space<hbm>>) target(%arg21 : memref<80xi32, #tpu.memory_space<vmem>>) target_semaphore(%arg34 : memref<!tpu.dma_semaphore, #tpu.memory_space<semaphore_mem>>)
      } else {
      }
      %dma_wait3A_331 = arith.constant 0 : i32
      %dma_wait3A_332 = tpu.memref_slice %arg3[%dma_wait3A_331] : memref<655360xi32, #tpu.memory_space<hbm>> -> memref<80xi32, #tpu.memory_space<hbm>>
      %dma_wait3A_333 = arith.constant 0 : i32
      %dma_wait3A_334 = tpu.memref_slice %arg3[%dma_wait3A_333] : memref<655360xi32, #tpu.memory_space<hbm>> -> memref<80xi32, #tpu.memory_space<hbm>>
      tpu.wait_dma2 semaphore(%arg30 : memref<!tpu.dma_semaphore, #tpu.memory_space<semaphore_mem>>) src(%dma_wait3A_334 : memref<80xi32, #tpu.memory_space<hbm>>) dst(%arg9 : memref<80xi32, #tpu.memory_space<vmem>>)
      %dma_wait3A_335 = arith.constant 0 : i32
      %dma_wait3A_336 = tpu.memref_slice %arg4[%dma_wait3A_335] : memref<655360xi32, #tpu.memory_space<hbm>> -> memref<80xi32, #tpu.memory_space<hbm>>
      %dma_wait3A_337 = arith.constant 0 : i32
      %dma_wait3A_338 = tpu.memref_slice %arg4[%dma_wait3A_337] : memref<655360xi32, #tpu.memory_space<hbm>> -> memref<80xi32, #tpu.memory_space<hbm>>
      tpu.wait_dma2 semaphore(%arg30 : memref<!tpu.dma_semaphore, #tpu.memory_space<semaphore_mem>>) src(%dma_wait3A_338 : memref<80xi32, #tpu.memory_space<hbm>>) dst(%arg17 : memref<80xi32, #tpu.memory_space<vmem>>)
      %dma_start3A_339 = arith.constant 0 : i32
      %dma_start3A_340 = arith.constant 0 : i32
      %dma_start3A_341 = tpu.memref_slice %arg2[%dma_start3A_339, %dma_start3A_340] : memref<20000x128xf32, #tpu.memory_space<hbm>> -> memref<20000x128xf32, #tpu.memory_space<hbm>>
      tpu.enqueue_indirect_dma source(%dma_start3A_341 : memref<20000x128xf32, #tpu.memory_space<hbm>>) target(%arg25 : memref<80x128xf32, #tpu.memory_space<vmem>>) offsets(%arg9 : memref<80xi32, #tpu.memory_space<vmem>>) semaphore(%arg38 : memref<!tpu.dma_semaphore, #tpu.memory_space<semaphore_mem>>)
      %dma_wait3A_342 = arith.constant 0 : i32
      %dma_wait3A_343 = arith.constant 0 : i32
      %dma_wait3A_344 = tpu.memref_slice %arg2[%dma_wait3A_342, %dma_wait3A_343] : memref<20000x128xf32, #tpu.memory_space<hbm>> -> memref<20000x128xf32, #tpu.memory_space<hbm>>
      tpu.wait_indirect_dma semaphore(%arg36 : memref<!tpu.dma_semaphore, #tpu.memory_space<semaphore_mem>>) src(%dma_wait3A_344 : memref<20000x128xf32, #tpu.memory_space<hbm>>) dst(%arg23 : memref<80x128xf32, #tpu.memory_space<vmem>>)
      %dma_start3A_345 = arith.constant 0 : i32
      %dma_start3A_346 = arith.constant 0 : i32
      %dma_start3A_347 = tpu.memref_slice %arg27[%dma_start3A_345, %dma_start3A_346] : memref<10256x128xf32, #tpu.memory_space<vmem_shared>> -> memref<10256x128xf32, #tpu.memory_space<vmem_shared>>
      tpu.enqueue_indirect_dma source(%arg23 : memref<80x128xf32, #tpu.memory_space<vmem>>) target(%dma_start3A_347 : memref<10256x128xf32, #tpu.memory_space<vmem_shared>>) offsets(%arg15 : memref<80xi32, #tpu.memory_space<vmem>>) semaphore(%arg40 : memref<!tpu.dma_semaphore, #tpu.memory_space<semaphore_mem>>) {add = true}
      %dma_wait3A_348 = arith.constant 0 : i32
      %dma_wait3A_349 = arith.constant 0 : i32
      %dma_wait3A_350 = tpu.memref_slice %arg27[%dma_wait3A_348, %dma_wait3A_349] : memref<10256x128xf32, #tpu.memory_space<vmem_shared>> -> memref<10256x128xf32, #tpu.memory_space<vmem_shared>>
      tpu.wait_indirect_dma semaphore(%arg43 : memref<!tpu.dma_semaphore, #tpu.memory_space<semaphore_mem>>) src(%arg26 : memref<80x128xf32, #tpu.memory_space<vmem>>) dst(%dma_wait3A_350 : memref<10256x128xf32, #tpu.memory_space<vmem_shared>>)
      %mul3A_351 = arith.constant 8 : i32
      %mul3A_352 = arith.muli %add3A_254, %mul3A_351 : i32
      %add3A_353 = arith.constant 3 : i32
      %add3A_354 = arith.addi %mul3A_352, %add3A_353 : i32
      %add3A_355 = arith.constant 4 : i32
      %add3A_356 = arith.addi %add3A_354, %add3A_355 : i32
      %lt3A_357 = arith.constant 256 : i32
      %lt3A_358 = arith.cmpi slt, %add3A_356, %lt3A_357 : i32
      %convert_element_type3A_359 = arith.extui %lt3A_358 : i1 to i32
      %cond3A_360 = arith.constant 0 : i32
      %cond3A_361 = arith.cmpi ne, %convert_element_type3A_359, %cond3A_360 : i32
      scf.if %cond3A_361 {
        %mul3A_503 = arith.constant 8 : i32
        %mul3A_504 = arith.muli %add3A_254, %mul3A_503 : i32
        %add3A_505 = arith.constant 3 : i32
        %add3A_506 = arith.addi %mul3A_504, %add3A_505 : i32
        %add3A_507 = arith.constant 4 : i32
        %add3A_508 = arith.addi %add3A_506, %add3A_507 : i32
        %mul3A_509 = arith.constant 80 : i32
        %mul3A_510 = arith.muli %add3A_508, %mul3A_509 : i32
        %add3A_511 = arith.addi %add3A, %mul3A_510 : i32
        %dma_start3A_512 = tpu.memref_slice %arg3[%add3A_511] : memref<655360xi32, #tpu.memory_space<hbm>> -> memref<80xi32, #tpu.memory_space<hbm>>
        %dma_start3A_513 = tpu.memref_slice %arg3[%add3A_511] : memref<655360xi32, #tpu.memory_space<hbm>> -> memref<80xi32, #tpu.memory_space<hbm>>
        tpu.enqueue_dma source(%dma_start3A_513 : memref<80xi32, #tpu.memory_space<hbm>>) target(%arg14 : memref<80xi32, #tpu.memory_space<vmem>>) target_semaphore(%arg35 : memref<!tpu.dma_semaphore, #tpu.memory_space<semaphore_mem>>)
        %dma_start3A_514 = tpu.memref_slice %arg4[%add3A_511] : memref<655360xi32, #tpu.memory_space<hbm>> -> memref<80xi32, #tpu.memory_space<hbm>>
        %dma_start3A_515 = tpu.memref_slice %arg4[%add3A_511] : memref<655360xi32, #tpu.memory_space<hbm>> -> memref<80xi32, #tpu.memory_space<hbm>>
        tpu.enqueue_dma source(%dma_start3A_515 : memref<80xi32, #tpu.memory_space<hbm>>) target(%arg22 : memref<80xi32, #tpu.memory_space<vmem>>) target_semaphore(%arg35 : memref<!tpu.dma_semaphore, #tpu.memory_space<semaphore_mem>>)
      } else {
      }
      %dma_wait3A_362 = arith.constant 0 : i32
      %dma_wait3A_363 = tpu.memref_slice %arg3[%dma_wait3A_362] : memref<655360xi32, #tpu.memory_space<hbm>> -> memref<80xi32, #tpu.memory_space<hbm>>
      %dma_wait3A_364 = arith.constant 0 : i32
      %dma_wait3A_365 = tpu.memref_slice %arg3[%dma_wait3A_364] : memref<655360xi32, #tpu.memory_space<hbm>> -> memref<80xi32, #tpu.memory_space<hbm>>
      tpu.wait_dma2 semaphore(%arg31 : memref<!tpu.dma_semaphore, #tpu.memory_space<semaphore_mem>>) src(%dma_wait3A_365 : memref<80xi32, #tpu.memory_space<hbm>>) dst(%arg10 : memref<80xi32, #tpu.memory_space<vmem>>)
      %dma_wait3A_366 = arith.constant 0 : i32
      %dma_wait3A_367 = tpu.memref_slice %arg4[%dma_wait3A_366] : memref<655360xi32, #tpu.memory_space<hbm>> -> memref<80xi32, #tpu.memory_space<hbm>>
      %dma_wait3A_368 = arith.constant 0 : i32
      %dma_wait3A_369 = tpu.memref_slice %arg4[%dma_wait3A_368] : memref<655360xi32, #tpu.memory_space<hbm>> -> memref<80xi32, #tpu.memory_space<hbm>>
      tpu.wait_dma2 semaphore(%arg31 : memref<!tpu.dma_semaphore, #tpu.memory_space<semaphore_mem>>) src(%dma_wait3A_369 : memref<80xi32, #tpu.memory_space<hbm>>) dst(%arg18 : memref<80xi32, #tpu.memory_space<vmem>>)
      %dma_start3A_370 = arith.constant 0 : i32
      %dma_start3A_371 = arith.constant 0 : i32
      %dma_start3A_372 = tpu.memref_slice %arg2[%dma_start3A_370, %dma_start3A_371] : memref<20000x128xf32, #tpu.memory_space<hbm>> -> memref<20000x128xf32, #tpu.memory_space<hbm>>
      tpu.enqueue_indirect_dma source(%dma_start3A_372 : memref<20000x128xf32, #tpu.memory_space<hbm>>) target(%arg26 : memref<80x128xf32, #tpu.memory_space<vmem>>) offsets(%arg10 : memref<80xi32, #tpu.memory_space<vmem>>) semaphore(%arg39 : memref<!tpu.dma_semaphore, #tpu.memory_space<semaphore_mem>>)
      %dma_wait3A_373 = arith.constant 0 : i32
      %dma_wait3A_374 = arith.constant 0 : i32
      %dma_wait3A_375 = tpu.memref_slice %arg2[%dma_wait3A_373, %dma_wait3A_374] : memref<20000x128xf32, #tpu.memory_space<hbm>> -> memref<20000x128xf32, #tpu.memory_space<hbm>>
      tpu.wait_indirect_dma semaphore(%arg37 : memref<!tpu.dma_semaphore, #tpu.memory_space<semaphore_mem>>) src(%dma_wait3A_375 : memref<20000x128xf32, #tpu.memory_space<hbm>>) dst(%arg24 : memref<80x128xf32, #tpu.memory_space<vmem>>)
      %dma_start3A_376 = arith.constant 0 : i32
      %dma_start3A_377 = arith.constant 0 : i32
      %dma_start3A_378 = tpu.memref_slice %arg27[%dma_start3A_376, %dma_start3A_377] : memref<10256x128xf32, #tpu.memory_space<vmem_shared>> -> memref<10256x128xf32, #tpu.memory_space<vmem_shared>>
      tpu.enqueue_indirect_dma source(%arg24 : memref<80x128xf32, #tpu.memory_space<vmem>>) target(%dma_start3A_378 : memref<10256x128xf32, #tpu.memory_space<vmem_shared>>) offsets(%arg16 : memref<80xi32, #tpu.memory_space<vmem>>) semaphore(%arg41 : memref<!tpu.dma_semaphore, #tpu.memory_space<semaphore_mem>>) {add = true}
      %dma_wait3A_379 = arith.constant 0 : i32
      %dma_wait3A_380 = arith.constant 0 : i32
      %dma_wait3A_381 = tpu.memref_slice %arg27[%dma_wait3A_379, %dma_wait3A_380] : memref<10256x128xf32, #tpu.memory_space<vmem_shared>> -> memref<10256x128xf32, #tpu.memory_space<vmem_shared>>
      tpu.wait_indirect_dma semaphore(%arg40 : memref<!tpu.dma_semaphore, #tpu.memory_space<semaphore_mem>>) src(%arg23 : memref<80x128xf32, #tpu.memory_space<vmem>>) dst(%dma_wait3A_381 : memref<10256x128xf32, #tpu.memory_space<vmem_shared>>)
      %mul3A_382 = arith.constant 8 : i32
      %mul3A_383 = arith.muli %add3A_254, %mul3A_382 : i32
      %add3A_384 = arith.constant 4 : i32
      %add3A_385 = arith.addi %mul3A_383, %add3A_384 : i32
      %add3A_386 = arith.constant 4 : i32
      %add3A_387 = arith.addi %add3A_385, %add3A_386 : i32
      %lt3A_388 = arith.constant 256 : i32
      %lt3A_389 = arith.cmpi slt, %add3A_387, %lt3A_388 : i32
      %convert_element_type3A_390 = arith.extui %lt3A_389 : i1 to i32
      %cond3A_391 = arith.constant 0 : i32
      %cond3A_392 = arith.cmpi ne, %convert_element_type3A_390, %cond3A_391 : i32
      scf.if %cond3A_392 {
        %mul3A_503 = arith.constant 8 : i32
        %mul3A_504 = arith.muli %add3A_254, %mul3A_503 : i32
        %add3A_505 = arith.constant 4 : i32
        %add3A_506 = arith.addi %mul3A_504, %add3A_505 : i32
        %add3A_507 = arith.constant 4 : i32
        %add3A_508 = arith.addi %add3A_506, %add3A_507 : i32
        %mul3A_509 = arith.constant 80 : i32
        %mul3A_510 = arith.muli %add3A_508, %mul3A_509 : i32
        %add3A_511 = arith.addi %add3A, %mul3A_510 : i32
        %dma_start3A_512 = tpu.memref_slice %arg3[%add3A_511] : memref<655360xi32, #tpu.memory_space<hbm>> -> memref<80xi32, #tpu.memory_space<hbm>>
        %dma_start3A_513 = tpu.memref_slice %arg3[%add3A_511] : memref<655360xi32, #tpu.memory_space<hbm>> -> memref<80xi32, #tpu.memory_space<hbm>>
        tpu.enqueue_dma source(%dma_start3A_513 : memref<80xi32, #tpu.memory_space<hbm>>) target(%arg7 : memref<80xi32, #tpu.memory_space<vmem>>) target_semaphore(%arg28 : memref<!tpu.dma_semaphore, #tpu.memory_space<semaphore_mem>>)
        %dma_start3A_514 = tpu.memref_slice %arg4[%add3A_511] : memref<655360xi32, #tpu.memory_space<hbm>> -> memref<80xi32, #tpu.memory_space<hbm>>
        %dma_start3A_515 = tpu.memref_slice %arg4[%add3A_511] : memref<655360xi32, #tpu.memory_space<hbm>> -> memref<80xi32, #tpu.memory_space<hbm>>
        tpu.enqueue_dma source(%dma_start3A_515 : memref<80xi32, #tpu.memory_space<hbm>>) target(%arg15 : memref<80xi32, #tpu.memory_space<vmem>>) target_semaphore(%arg28 : memref<!tpu.dma_semaphore, #tpu.memory_space<semaphore_mem>>)
      } else {
      }
      %dma_wait3A_393 = arith.constant 0 : i32
      %dma_wait3A_394 = tpu.memref_slice %arg3[%dma_wait3A_393] : memref<655360xi32, #tpu.memory_space<hbm>> -> memref<80xi32, #tpu.memory_space<hbm>>
      %dma_wait3A_395 = arith.constant 0 : i32
      %dma_wait3A_396 = tpu.memref_slice %arg3[%dma_wait3A_395] : memref<655360xi32, #tpu.memory_space<hbm>> -> memref<80xi32, #tpu.memory_space<hbm>>
      tpu.wait_dma2 semaphore(%arg32 : memref<!tpu.dma_semaphore, #tpu.memory_space<semaphore_mem>>) src(%dma_wait3A_396 : memref<80xi32, #tpu.memory_space<hbm>>) dst(%arg11 : memref<80xi32, #tpu.memory_space<vmem>>)
      %dma_wait3A_397 = arith.constant 0 : i32
      %dma_wait3A_398 = tpu.memref_slice %arg4[%dma_wait3A_397] : memref<655360xi32, #tpu.memory_space<hbm>> -> memref<80xi32, #tpu.memory_space<hbm>>
      %dma_wait3A_399 = arith.constant 0 : i32
      %dma_wait3A_400 = tpu.memref_slice %arg4[%dma_wait3A_399] : memref<655360xi32, #tpu.memory_space<hbm>> -> memref<80xi32, #tpu.memory_space<hbm>>
      tpu.wait_dma2 semaphore(%arg32 : memref<!tpu.dma_semaphore, #tpu.memory_space<semaphore_mem>>) src(%dma_wait3A_400 : memref<80xi32, #tpu.memory_space<hbm>>) dst(%arg19 : memref<80xi32, #tpu.memory_space<vmem>>)
      %dma_start3A_401 = arith.constant 0 : i32
      %dma_start3A_402 = arith.constant 0 : i32
      %dma_start3A_403 = tpu.memref_slice %arg2[%dma_start3A_401, %dma_start3A_402] : memref<20000x128xf32, #tpu.memory_space<hbm>> -> memref<20000x128xf32, #tpu.memory_space<hbm>>
      tpu.enqueue_indirect_dma source(%dma_start3A_403 : memref<20000x128xf32, #tpu.memory_space<hbm>>) target(%arg23 : memref<80x128xf32, #tpu.memory_space<vmem>>) offsets(%arg11 : memref<80xi32, #tpu.memory_space<vmem>>) semaphore(%arg36 : memref<!tpu.dma_semaphore, #tpu.memory_space<semaphore_mem>>)
      %dma_wait3A_404 = arith.constant 0 : i32
      %dma_wait3A_405 = arith.constant 0 : i32
      %dma_wait3A_406 = tpu.memref_slice %arg2[%dma_wait3A_404, %dma_wait3A_405] : memref<20000x128xf32, #tpu.memory_space<hbm>> -> memref<20000x128xf32, #tpu.memory_space<hbm>>
      tpu.wait_indirect_dma semaphore(%arg38 : memref<!tpu.dma_semaphore, #tpu.memory_space<semaphore_mem>>) src(%dma_wait3A_406 : memref<20000x128xf32, #tpu.memory_space<hbm>>) dst(%arg25 : memref<80x128xf32, #tpu.memory_space<vmem>>)
      %dma_start3A_407 = arith.constant 0 : i32
      %dma_start3A_408 = arith.constant 0 : i32
      %dma_start3A_409 = tpu.memref_slice %arg27[%dma_start3A_407, %dma_start3A_408] : memref<10256x128xf32, #tpu.memory_space<vmem_shared>> -> memref<10256x128xf32, #tpu.memory_space<vmem_shared>>
      tpu.enqueue_indirect_dma source(%arg25 : memref<80x128xf32, #tpu.memory_space<vmem>>) target(%dma_start3A_409 : memref<10256x128xf32, #tpu.memory_space<vmem_shared>>) offsets(%arg17 : memref<80xi32, #tpu.memory_space<vmem>>) semaphore(%arg42 : memref<!tpu.dma_semaphore, #tpu.memory_space<semaphore_mem>>) {add = true}
      %dma_wait3A_410 = arith.constant 0 : i32
      %dma_wait3A_411 = arith.constant 0 : i32
      %dma_wait3A_412 = tpu.memref_slice %arg27[%dma_wait3A_410, %dma_wait3A_411] : memref<10256x128xf32, #tpu.memory_space<vmem_shared>> -> memref<10256x128xf32, #tpu.memory_space<vmem_shared>>
      tpu.wait_indirect_dma semaphore(%arg41 : memref<!tpu.dma_semaphore, #tpu.memory_space<semaphore_mem>>) src(%arg24 : memref<80x128xf32, #tpu.memory_space<vmem>>) dst(%dma_wait3A_412 : memref<10256x128xf32, #tpu.memory_space<vmem_shared>>)
      %mul3A_413 = arith.constant 8 : i32
      %mul3A_414 = arith.muli %add3A_254, %mul3A_413 : i32
      %add3A_415 = arith.constant 5 : i32
      %add3A_416 = arith.addi %mul3A_414, %add3A_415 : i32
      %add3A_417 = arith.constant 4 : i32
      %add3A_418 = arith.addi %add3A_416, %add3A_417 : i32
      %lt3A_419 = arith.constant 256 : i32
      %lt3A_420 = arith.cmpi slt, %add3A_418, %lt3A_419 : i32
      %convert_element_type3A_421 = arith.extui %lt3A_420 : i1 to i32
      %cond3A_422 = arith.constant 0 : i32
      %cond3A_423 = arith.cmpi ne, %convert_element_type3A_421, %cond3A_422 : i32
      scf.if %cond3A_423 {
        %mul3A_503 = arith.constant 8 : i32
        %mul3A_504 = arith.muli %add3A_254, %mul3A_503 : i32
        %add3A_505 = arith.constant 5 : i32
        %add3A_506 = arith.addi %mul3A_504, %add3A_505 : i32
        %add3A_507 = arith.constant 4 : i32
        %add3A_508 = arith.addi %add3A_506, %add3A_507 : i32
        %mul3A_509 = arith.constant 80 : i32
        %mul3A_510 = arith.muli %add3A_508, %mul3A_509 : i32
        %add3A_511 = arith.addi %add3A, %mul3A_510 : i32
        %dma_start3A_512 = tpu.memref_slice %arg3[%add3A_511] : memref<655360xi32, #tpu.memory_space<hbm>> -> memref<80xi32, #tpu.memory_space<hbm>>
        %dma_start3A_513 = tpu.memref_slice %arg3[%add3A_511] : memref<655360xi32, #tpu.memory_space<hbm>> -> memref<80xi32, #tpu.memory_space<hbm>>
        tpu.enqueue_dma source(%dma_start3A_513 : memref<80xi32, #tpu.memory_space<hbm>>) target(%arg8 : memref<80xi32, #tpu.memory_space<vmem>>) target_semaphore(%arg29 : memref<!tpu.dma_semaphore, #tpu.memory_space<semaphore_mem>>)
        %dma_start3A_514 = tpu.memref_slice %arg4[%add3A_511] : memref<655360xi32, #tpu.memory_space<hbm>> -> memref<80xi32, #tpu.memory_space<hbm>>
        %dma_start3A_515 = tpu.memref_slice %arg4[%add3A_511] : memref<655360xi32, #tpu.memory_space<hbm>> -> memref<80xi32, #tpu.memory_space<hbm>>
        tpu.enqueue_dma source(%dma_start3A_515 : memref<80xi32, #tpu.memory_space<hbm>>) target(%arg16 : memref<80xi32, #tpu.memory_space<vmem>>) target_semaphore(%arg29 : memref<!tpu.dma_semaphore, #tpu.memory_space<semaphore_mem>>)
      } else {
      }
      %dma_wait3A_424 = arith.constant 0 : i32
      %dma_wait3A_425 = tpu.memref_slice %arg3[%dma_wait3A_424] : memref<655360xi32, #tpu.memory_space<hbm>> -> memref<80xi32, #tpu.memory_space<hbm>>
      %dma_wait3A_426 = arith.constant 0 : i32
      %dma_wait3A_427 = tpu.memref_slice %arg3[%dma_wait3A_426] : memref<655360xi32, #tpu.memory_space<hbm>> -> memref<80xi32, #tpu.memory_space<hbm>>
      tpu.wait_dma2 semaphore(%arg33 : memref<!tpu.dma_semaphore, #tpu.memory_space<semaphore_mem>>) src(%dma_wait3A_427 : memref<80xi32, #tpu.memory_space<hbm>>) dst(%arg12 : memref<80xi32, #tpu.memory_space<vmem>>)
      %dma_wait3A_428 = arith.constant 0 : i32
      %dma_wait3A_429 = tpu.memref_slice %arg4[%dma_wait3A_428] : memref<655360xi32, #tpu.memory_space<hbm>> -> memref<80xi32, #tpu.memory_space<hbm>>
      %dma_wait3A_430 = arith.constant 0 : i32
      %dma_wait3A_431 = tpu.memref_slice %arg4[%dma_wait3A_430] : memref<655360xi32, #tpu.memory_space<hbm>> -> memref<80xi32, #tpu.memory_space<hbm>>
      tpu.wait_dma2 semaphore(%arg33 : memref<!tpu.dma_semaphore, #tpu.memory_space<semaphore_mem>>) src(%dma_wait3A_431 : memref<80xi32, #tpu.memory_space<hbm>>) dst(%arg20 : memref<80xi32, #tpu.memory_space<vmem>>)
      %dma_start3A_432 = arith.constant 0 : i32
      %dma_start3A_433 = arith.constant 0 : i32
      %dma_start3A_434 = tpu.memref_slice %arg2[%dma_start3A_432, %dma_start3A_433] : memref<20000x128xf32, #tpu.memory_space<hbm>> -> memref<20000x128xf32, #tpu.memory_space<hbm>>
      tpu.enqueue_indirect_dma source(%dma_start3A_434 : memref<20000x128xf32, #tpu.memory_space<hbm>>) target(%arg24 : memref<80x128xf32, #tpu.memory_space<vmem>>) offsets(%arg12 : memref<80xi32, #tpu.memory_space<vmem>>) semaphore(%arg37 : memref<!tpu.dma_semaphore, #tpu.memory_space<semaphore_mem>>)
      %dma_wait3A_435 = arith.constant 0 : i32
      %dma_wait3A_436 = arith.constant 0 : i32
      %dma_wait3A_437 = tpu.memref_slice %arg2[%dma_wait3A_435, %dma_wait3A_436] : memref<20000x128xf32, #tpu.memory_space<hbm>> -> memref<20000x128xf32, #tpu.memory_space<hbm>>
      tpu.wait_indirect_dma semaphore(%arg39 : memref<!tpu.dma_semaphore, #tpu.memory_space<semaphore_mem>>) src(%dma_wait3A_437 : memref<20000x128xf32, #tpu.memory_space<hbm>>) dst(%arg26 : memref<80x128xf32, #tpu.memory_space<vmem>>)
      %dma_start3A_438 = arith.constant 0 : i32
      %dma_start3A_439 = arith.constant 0 : i32
      %dma_start3A_440 = tpu.memref_slice %arg27[%dma_start3A_438, %dma_start3A_439] : memref<10256x128xf32, #tpu.memory_space<vmem_shared>> -> memref<10256x128xf32, #tpu.memory_space<vmem_shared>>
      tpu.enqueue_indirect_dma source(%arg26 : memref<80x128xf32, #tpu.memory_space<vmem>>) target(%dma_start3A_440 : memref<10256x128xf32, #tpu.memory_space<vmem_shared>>) offsets(%arg18 : memref<80xi32, #tpu.memory_space<vmem>>) semaphore(%arg43 : memref<!tpu.dma_semaphore, #tpu.memory_space<semaphore_mem>>) {add = true}
      %dma_wait3A_441 = arith.constant 0 : i32
      %dma_wait3A_442 = arith.constant 0 : i32
      %dma_wait3A_443 = tpu.memref_slice %arg27[%dma_wait3A_441, %dma_wait3A_442] : memref<10256x128xf32, #tpu.memory_space<vmem_shared>> -> memref<10256x128xf32, #tpu.memory_space<vmem_shared>>
      tpu.wait_indirect_dma semaphore(%arg42 : memref<!tpu.dma_semaphore, #tpu.memory_space<semaphore_mem>>) src(%arg25 : memref<80x128xf32, #tpu.memory_space<vmem>>) dst(%dma_wait3A_443 : memref<10256x128xf32, #tpu.memory_space<vmem_shared>>)
      %mul3A_444 = arith.constant 8 : i32
      %mul3A_445 = arith.muli %add3A_254, %mul3A_444 : i32
      %add3A_446 = arith.constant 6 : i32
      %add3A_447 = arith.addi %mul3A_445, %add3A_446 : i32
      %add3A_448 = arith.constant 4 : i32
      %add3A_449 = arith.addi %add3A_447, %add3A_448 : i32
      %lt3A_450 = arith.constant 256 : i32
      %lt3A_451 = arith.cmpi slt, %add3A_449, %lt3A_450 : i32
      %convert_element_type3A_452 = arith.extui %lt3A_451 : i1 to i32
      %cond3A_453 = arith.constant 0 : i32
      %cond3A_454 = arith.cmpi ne, %convert_element_type3A_452, %cond3A_453 : i32
      scf.if %cond3A_454 {
        %mul3A_503 = arith.constant 8 : i32
        %mul3A_504 = arith.muli %add3A_254, %mul3A_503 : i32
        %add3A_505 = arith.constant 6 : i32
        %add3A_506 = arith.addi %mul3A_504, %add3A_505 : i32
        %add3A_507 = arith.constant 4 : i32
        %add3A_508 = arith.addi %add3A_506, %add3A_507 : i32
        %mul3A_509 = arith.constant 80 : i32
        %mul3A_510 = arith.muli %add3A_508, %mul3A_509 : i32
        %add3A_511 = arith.addi %add3A, %mul3A_510 : i32
        %dma_start3A_512 = tpu.memref_slice %arg3[%add3A_511] : memref<655360xi32, #tpu.memory_space<hbm>> -> memref<80xi32, #tpu.memory_space<hbm>>
        %dma_start3A_513 = tpu.memref_slice %arg3[%add3A_511] : memref<655360xi32, #tpu.memory_space<hbm>> -> memref<80xi32, #tpu.memory_space<hbm>>
        tpu.enqueue_dma source(%dma_start3A_513 : memref<80xi32, #tpu.memory_space<hbm>>) target(%arg9 : memref<80xi32, #tpu.memory_space<vmem>>) target_semaphore(%arg30 : memref<!tpu.dma_semaphore, #tpu.memory_space<semaphore_mem>>)
        %dma_start3A_514 = tpu.memref_slice %arg4[%add3A_511] : memref<655360xi32, #tpu.memory_space<hbm>> -> memref<80xi32, #tpu.memory_space<hbm>>
        %dma_start3A_515 = tpu.memref_slice %arg4[%add3A_511] : memref<655360xi32, #tpu.memory_space<hbm>> -> memref<80xi32, #tpu.memory_space<hbm>>
        tpu.enqueue_dma source(%dma_start3A_515 : memref<80xi32, #tpu.memory_space<hbm>>) target(%arg17 : memref<80xi32, #tpu.memory_space<vmem>>) target_semaphore(%arg30 : memref<!tpu.dma_semaphore, #tpu.memory_space<semaphore_mem>>)
      } else {
      }
      %dma_wait3A_455 = arith.constant 0 : i32
      %dma_wait3A_456 = tpu.memref_slice %arg3[%dma_wait3A_455] : memref<655360xi32, #tpu.memory_space<hbm>> -> memref<80xi32, #tpu.memory_space<hbm>>
      %dma_wait3A_457 = arith.constant 0 : i32
      %dma_wait3A_458 = tpu.memref_slice %arg3[%dma_wait3A_457] : memref<655360xi32, #tpu.memory_space<hbm>> -> memref<80xi32, #tpu.memory_space<hbm>>
      tpu.wait_dma2 semaphore(%arg34 : memref<!tpu.dma_semaphore, #tpu.memory_space<semaphore_mem>>) src(%dma_wait3A_458 : memref<80xi32, #tpu.memory_space<hbm>>) dst(%arg13 : memref<80xi32, #tpu.memory_space<vmem>>)
      %dma_wait3A_459 = arith.constant 0 : i32
      %dma_wait3A_460 = tpu.memref_slice %arg4[%dma_wait3A_459] : memref<655360xi32, #tpu.memory_space<hbm>> -> memref<80xi32, #tpu.memory_space<hbm>>
      %dma_wait3A_461 = arith.constant 0 : i32
      %dma_wait3A_462 = tpu.memref_slice %arg4[%dma_wait3A_461] : memref<655360xi32, #tpu.memory_space<hbm>> -> memref<80xi32, #tpu.memory_space<hbm>>
      tpu.wait_dma2 semaphore(%arg34 : memref<!tpu.dma_semaphore, #tpu.memory_space<semaphore_mem>>) src(%dma_wait3A_462 : memref<80xi32, #tpu.memory_space<hbm>>) dst(%arg21 : memref<80xi32, #tpu.memory_space<vmem>>)
      %dma_start3A_463 = arith.constant 0 : i32
      %dma_start3A_464 = arith.constant 0 : i32
      %dma_start3A_465 = tpu.memref_slice %arg2[%dma_start3A_463, %dma_start3A_464] : memref<20000x128xf32, #tpu.memory_space<hbm>> -> memref<20000x128xf32, #tpu.memory_space<hbm>>
      tpu.enqueue_indirect_dma source(%dma_start3A_465 : memref<20000x128xf32, #tpu.memory_space<hbm>>) target(%arg25 : memref<80x128xf32, #tpu.memory_space<vmem>>) offsets(%arg13 : memref<80xi32, #tpu.memory_space<vmem>>) semaphore(%arg38 : memref<!tpu.dma_semaphore, #tpu.memory_space<semaphore_mem>>)
      %dma_wait3A_466 = arith.constant 0 : i32
      %dma_wait3A_467 = arith.constant 0 : i32
      %dma_wait3A_468 = tpu.memref_slice %arg2[%dma_wait3A_466, %dma_wait3A_467] : memref<20000x128xf32, #tpu.memory_space<hbm>> -> memref<20000x128xf32, #tpu.memory_space<hbm>>
      tpu.wait_indirect_dma semaphore(%arg36 : memref<!tpu.dma_semaphore, #tpu.memory_space<semaphore_mem>>) src(%dma_wait3A_468 : memref<20000x128xf32, #tpu.memory_space<hbm>>) dst(%arg23 : memref<80x128xf32, #tpu.memory_space<vmem>>)
      %dma_start3A_469 = arith.constant 0 : i32
      %dma_start3A_470 = arith.constant 0 : i32
      %dma_start3A_471 = tpu.memref_slice %arg27[%dma_start3A_469, %dma_start3A_470] : memref<10256x128xf32, #tpu.memory_space<vmem_shared>> -> memref<10256x128xf32, #tpu.memory_space<vmem_shared>>
      tpu.enqueue_indirect_dma source(%arg23 : memref<80x128xf32, #tpu.memory_space<vmem>>) target(%dma_start3A_471 : memref<10256x128xf32, #tpu.memory_space<vmem_shared>>) offsets(%arg19 : memref<80xi32, #tpu.memory_space<vmem>>) semaphore(%arg40 : memref<!tpu.dma_semaphore, #tpu.memory_space<semaphore_mem>>) {add = true}
      %dma_wait3A_472 = arith.constant 0 : i32
      %dma_wait3A_473 = arith.constant 0 : i32
      %dma_wait3A_474 = tpu.memref_slice %arg27[%dma_wait3A_472, %dma_wait3A_473] : memref<10256x128xf32, #tpu.memory_space<vmem_shared>> -> memref<10256x128xf32, #tpu.memory_space<vmem_shared>>
      tpu.wait_indirect_dma semaphore(%arg43 : memref<!tpu.dma_semaphore, #tpu.memory_space<semaphore_mem>>) src(%arg26 : memref<80x128xf32, #tpu.memory_space<vmem>>) dst(%dma_wait3A_474 : memref<10256x128xf32, #tpu.memory_space<vmem_shared>>)
      %mul3A_475 = arith.constant 8 : i32
      %mul3A_476 = arith.muli %add3A_254, %mul3A_475 : i32
      %add3A_477 = arith.constant 7 : i32
      %add3A_478 = arith.addi %mul3A_476, %add3A_477 : i32
      %add3A_479 = arith.constant 4 : i32
      %add3A_480 = arith.addi %add3A_478, %add3A_479 : i32
      %lt3A_481 = arith.constant 256 : i32
      %lt3A_482 = arith.cmpi slt, %add3A_480, %lt3A_481 : i32
      %convert_element_type3A_483 = arith.extui %lt3A_482 : i1 to i32
      %cond3A_484 = arith.constant 0 : i32
      %cond3A_485 = arith.cmpi ne, %convert_element_type3A_483, %cond3A_484 : i32
      scf.if %cond3A_485 {
        %mul3A_503 = arith.constant 8 : i32
        %mul3A_504 = arith.muli %add3A_254, %mul3A_503 : i32
        %add3A_505 = arith.constant 7 : i32
        %add3A_506 = arith.addi %mul3A_504, %add3A_505 : i32
        %add3A_507 = arith.constant 4 : i32
        %add3A_508 = arith.addi %add3A_506, %add3A_507 : i32
        %mul3A_509 = arith.constant 80 : i32
        %mul3A_510 = arith.muli %add3A_508, %mul3A_509 : i32
        %add3A_511 = arith.addi %add3A, %mul3A_510 : i32
        %dma_start3A_512 = tpu.memref_slice %arg3[%add3A_511] : memref<655360xi32, #tpu.memory_space<hbm>> -> memref<80xi32, #tpu.memory_space<hbm>>
        %dma_start3A_513 = tpu.memref_slice %arg3[%add3A_511] : memref<655360xi32, #tpu.memory_space<hbm>> -> memref<80xi32, #tpu.memory_space<hbm>>
        tpu.enqueue_dma source(%dma_start3A_513 : memref<80xi32, #tpu.memory_space<hbm>>) target(%arg10 : memref<80xi32, #tpu.memory_space<vmem>>) target_semaphore(%arg31 : memref<!tpu.dma_semaphore, #tpu.memory_space<semaphore_mem>>)
        %dma_start3A_514 = tpu.memref_slice %arg4[%add3A_511] : memref<655360xi32, #tpu.memory_space<hbm>> -> memref<80xi32, #tpu.memory_space<hbm>>
        %dma_start3A_515 = tpu.memref_slice %arg4[%add3A_511] : memref<655360xi32, #tpu.memory_space<hbm>> -> memref<80xi32, #tpu.memory_space<hbm>>
        tpu.enqueue_dma source(%dma_start3A_515 : memref<80xi32, #tpu.memory_space<hbm>>) target(%arg18 : memref<80xi32, #tpu.memory_space<vmem>>) target_semaphore(%arg31 : memref<!tpu.dma_semaphore, #tpu.memory_space<semaphore_mem>>)
      } else {
      }
      %dma_wait3A_486 = arith.constant 0 : i32
      %dma_wait3A_487 = tpu.memref_slice %arg3[%dma_wait3A_486] : memref<655360xi32, #tpu.memory_space<hbm>> -> memref<80xi32, #tpu.memory_space<hbm>>
      %dma_wait3A_488 = arith.constant 0 : i32
      %dma_wait3A_489 = tpu.memref_slice %arg3[%dma_wait3A_488] : memref<655360xi32, #tpu.memory_space<hbm>> -> memref<80xi32, #tpu.memory_space<hbm>>
      tpu.wait_dma2 semaphore(%arg35 : memref<!tpu.dma_semaphore, #tpu.memory_space<semaphore_mem>>) src(%dma_wait3A_489 : memref<80xi32, #tpu.memory_space<hbm>>) dst(%arg14 : memref<80xi32, #tpu.memory_space<vmem>>)
      %dma_wait3A_490 = arith.constant 0 : i32
      %dma_wait3A_491 = tpu.memref_slice %arg4[%dma_wait3A_490] : memref<655360xi32, #tpu.memory_space<hbm>> -> memref<80xi32, #tpu.memory_space<hbm>>
      %dma_wait3A_492 = arith.constant 0 : i32
      %dma_wait3A_493 = tpu.memref_slice %arg4[%dma_wait3A_492] : memref<655360xi32, #tpu.memory_space<hbm>> -> memref<80xi32, #tpu.memory_space<hbm>>
      tpu.wait_dma2 semaphore(%arg35 : memref<!tpu.dma_semaphore, #tpu.memory_space<semaphore_mem>>) src(%dma_wait3A_493 : memref<80xi32, #tpu.memory_space<hbm>>) dst(%arg22 : memref<80xi32, #tpu.memory_space<vmem>>)
      %dma_start3A_494 = arith.constant 0 : i32
      %dma_start3A_495 = arith.constant 0 : i32
      %dma_start3A_496 = tpu.memref_slice %arg2[%dma_start3A_494, %dma_start3A_495] : memref<20000x128xf32, #tpu.memory_space<hbm>> -> memref<20000x128xf32, #tpu.memory_space<hbm>>
      tpu.enqueue_indirect_dma source(%dma_start3A_496 : memref<20000x128xf32, #tpu.memory_space<hbm>>) target(%arg26 : memref<80x128xf32, #tpu.memory_space<vmem>>) offsets(%arg14 : memref<80xi32, #tpu.memory_space<vmem>>) semaphore(%arg39 : memref<!tpu.dma_semaphore, #tpu.memory_space<semaphore_mem>>)
      %dma_wait3A_497 = arith.constant 0 : i32
      %dma_wait3A_498 = arith.constant 0 : i32
      %dma_wait3A_499 = tpu.memref_slice %arg2[%dma_wait3A_497, %dma_wait3A_498] : memref<20000x128xf32, #tpu.memory_space<hbm>> -> memref<20000x128xf32, #tpu.memory_space<hbm>>
      tpu.wait_indirect_dma semaphore(%arg37 : memref<!tpu.dma_semaphore, #tpu.memory_space<semaphore_mem>>) src(%dma_wait3A_499 : memref<20000x128xf32, #tpu.memory_space<hbm>>) dst(%arg24 : memref<80x128xf32, #tpu.memory_space<vmem>>)
      %dma_start3A_500 = arith.constant 0 : i32
      %dma_start3A_501 = arith.constant 0 : i32
      %dma_start3A_502 = tpu.memref_slice %arg27[%dma_start3A_500, %dma_start3A_501] : memref<10256x128xf32, #tpu.memory_space<vmem_shared>> -> memref<10256x128xf32, #tpu.memory_space<vmem_shared>>
      tpu.enqueue_indirect_dma source(%arg24 : memref<80x128xf32, #tpu.memory_space<vmem>>) target(%dma_start3A_502 : memref<10256x128xf32, #tpu.memory_space<vmem_shared>>) offsets(%arg20 : memref<80xi32, #tpu.memory_space<vmem>>) semaphore(%arg41 : memref<!tpu.dma_semaphore, #tpu.memory_space<semaphore_mem>>) {add = true}
    }
    %scan3A_219 = arith.constant 31 : i32
    %dma_wait3A_220 = arith.constant 0 : i32
    %dma_wait3A_221 = arith.constant 0 : i32
    %dma_wait3A_222 = tpu.memref_slice %arg2[%dma_wait3A_220, %dma_wait3A_221] : memref<20000x128xf32, #tpu.memory_space<hbm>> -> memref<20000x128xf32, #tpu.memory_space<hbm>>
    tpu.wait_indirect_dma semaphore(%arg38 : memref<!tpu.dma_semaphore, #tpu.memory_space<semaphore_mem>>) src(%dma_wait3A_222 : memref<20000x128xf32, #tpu.memory_space<hbm>>) dst(%arg25 : memref<80x128xf32, #tpu.memory_space<vmem>>)
    %dma_start3A_223 = arith.constant 0 : i32
    %dma_start3A_224 = arith.constant 0 : i32
    %dma_start3A_225 = tpu.memref_slice %arg27[%dma_start3A_223, %dma_start3A_224] : memref<10256x128xf32, #tpu.memory_space<vmem_shared>> -> memref<10256x128xf32, #tpu.memory_space<vmem_shared>>
    tpu.enqueue_indirect_dma source(%arg25 : memref<80x128xf32, #tpu.memory_space<vmem>>) target(%dma_start3A_225 : memref<10256x128xf32, #tpu.memory_space<vmem_shared>>) offsets(%arg21 : memref<80xi32, #tpu.memory_space<vmem>>) semaphore(%arg42 : memref<!tpu.dma_semaphore, #tpu.memory_space<semaphore_mem>>) {add = true}
    %dma_wait3A_226 = arith.constant 0 : i32
    %dma_wait3A_227 = arith.constant 0 : i32
    %dma_wait3A_228 = tpu.memref_slice %arg2[%dma_wait3A_226, %dma_wait3A_227] : memref<20000x128xf32, #tpu.memory_space<hbm>> -> memref<20000x128xf32, #tpu.memory_space<hbm>>
    tpu.wait_indirect_dma semaphore(%arg39 : memref<!tpu.dma_semaphore, #tpu.memory_space<semaphore_mem>>) src(%dma_wait3A_228 : memref<20000x128xf32, #tpu.memory_space<hbm>>) dst(%arg26 : memref<80x128xf32, #tpu.memory_space<vmem>>)
    %dma_start3A_229 = arith.constant 0 : i32
    %dma_start3A_230 = arith.constant 0 : i32
    %dma_start3A_231 = tpu.memref_slice %arg27[%dma_start3A_229, %dma_start3A_230] : memref<10256x128xf32, #tpu.memory_space<vmem_shared>> -> memref<10256x128xf32, #tpu.memory_space<vmem_shared>>
    tpu.enqueue_indirect_dma source(%arg26 : memref<80x128xf32, #tpu.memory_space<vmem>>) target(%dma_start3A_231 : memref<10256x128xf32, #tpu.memory_space<vmem_shared>>) offsets(%arg22 : memref<80xi32, #tpu.memory_space<vmem>>) semaphore(%arg43 : memref<!tpu.dma_semaphore, #tpu.memory_space<semaphore_mem>>) {add = true}
    %dma_wait3A_232 = arith.constant 0 : i32
    %dma_wait3A_233 = arith.constant 0 : i32
    %dma_wait3A_234 = tpu.memref_slice %arg27[%dma_wait3A_232, %dma_wait3A_233] : memref<10256x128xf32, #tpu.memory_space<vmem_shared>> -> memref<10256x128xf32, #tpu.memory_space<vmem_shared>>
    tpu.wait_indirect_dma semaphore(%arg40 : memref<!tpu.dma_semaphore, #tpu.memory_space<semaphore_mem>>) src(%arg23 : memref<80x128xf32, #tpu.memory_space<vmem>>) dst(%dma_wait3A_234 : memref<10256x128xf32, #tpu.memory_space<vmem_shared>>)
    %dma_wait3A_235 = arith.constant 0 : i32
    %dma_wait3A_236 = arith.constant 0 : i32
    %dma_wait3A_237 = tpu.memref_slice %arg27[%dma_wait3A_235, %dma_wait3A_236] : memref<10256x128xf32, #tpu.memory_space<vmem_shared>> -> memref<10256x128xf32, #tpu.memory_space<vmem_shared>>
    tpu.wait_indirect_dma semaphore(%arg41 : memref<!tpu.dma_semaphore, #tpu.memory_space<semaphore_mem>>) src(%arg24 : memref<80x128xf32, #tpu.memory_space<vmem>>) dst(%dma_wait3A_237 : memref<10256x128xf32, #tpu.memory_space<vmem_shared>>)
    %dma_wait3A_238 = arith.constant 0 : i32
    %dma_wait3A_239 = arith.constant 0 : i32
    %dma_wait3A_240 = tpu.memref_slice %arg27[%dma_wait3A_238, %dma_wait3A_239] : memref<10256x128xf32, #tpu.memory_space<vmem_shared>> -> memref<10256x128xf32, #tpu.memory_space<vmem_shared>>
    tpu.wait_indirect_dma semaphore(%arg42 : memref<!tpu.dma_semaphore, #tpu.memory_space<semaphore_mem>>) src(%arg25 : memref<80x128xf32, #tpu.memory_space<vmem>>) dst(%dma_wait3A_240 : memref<10256x128xf32, #tpu.memory_space<vmem_shared>>)
    %dma_wait3A_241 = arith.constant 0 : i32
    %dma_wait3A_242 = arith.constant 0 : i32
    %dma_wait3A_243 = tpu.memref_slice %arg27[%dma_wait3A_241, %dma_wait3A_242] : memref<10256x128xf32, #tpu.memory_space<vmem_shared>> -> memref<10256x128xf32, #tpu.memory_space<vmem_shared>>
    tpu.wait_indirect_dma semaphore(%arg43 : memref<!tpu.dma_semaphore, #tpu.memory_space<semaphore_mem>>) src(%arg26 : memref<80x128xf32, #tpu.memory_space<vmem>>) dst(%dma_wait3A_243 : memref<10256x128xf32, #tpu.memory_space<vmem_shared>>)
    %barrier3A_244 = arith.constant 0 : index
    tpu.barrier barrier_id(%barrier3A_244)
    %scan3A_245 = arith.constant 0 : i32
    %scan3A_246 = arith.constant 8 : i32
    %scan3A_247 = arith.addi %scan3A_245, %scan3A_246 : i32
    %scan3A_248 = arith.constant 1 : i32
    scf.for %scan3A_250 = %scan3A_245 to %scan3A_247 step %scan3A_248  : i32 {
      %mul3A_251 = arith.constant 1 : i32
      %mul3A_252 = arith.muli %scan3A_250, %mul3A_251 : i32
      %add3A_253 = arith.constant 0 : i32
      %add3A_254 = arith.addi %add3A_253, %mul3A_252 : i32
      %mul3A_255 = arith.constant 16 : i32
      %mul3A_256 = arith.muli %add3A_254, %mul3A_255 : i32
      %add3A_257 = arith.addi %mul3A_256, %arg1 : i32
      %lt3A_258 = arith.constant 125 : i32
      %lt3A_259 = arith.cmpi slt, %add3A_257, %lt3A_258 : i32
      %convert_element_type3A_260 = arith.extui %lt3A_259 : i1 to i32
      %cond3A_261 = arith.constant 0 : i32
      %cond3A_262 = arith.cmpi ne, %convert_element_type3A_260, %cond3A_261 : i32
      scf.if %cond3A_262 {
        %mul3A_263 = arith.constant 80 : i32
        %mul3A_264 = arith.muli %add3A_257, %mul3A_263 : i32
        %mul3A_265 = arith.constant 10000 : i32
        %mul3A_266 = arith.muli %arg0, %mul3A_265 : i32
        %mul3A_267 = arith.constant 80 : i32
        %mul3A_268 = arith.muli %add3A_257, %mul3A_267 : i32
        %add3A_269 = arith.addi %mul3A_266, %mul3A_268 : i32
        "tpu.region"() ({
          %run_scoped3A = tpu.sem_alloc : memref<!tpu.dma_semaphore, #tpu.memory_space<semaphore_mem>>
          %dma_start3A_270 = arith.constant 0 : i32
          %dma_start3A_271 = tpu.memref_slice %arg6[%add3A_269, %dma_start3A_270] : memref<20000x128xf32, #tpu.memory_space<hbm>> -> memref<80x128xf32, #tpu.memory_space<hbm>>
          %dma_start3A_272 = arith.constant 0 : i32
          %dma_start3A_273 = tpu.memref_slice %arg27[%mul3A_264, %dma_start3A_272] : memref<10256x128xf32, #tpu.memory_space<vmem_shared>> -> memref<80x128xf32, #tpu.memory_space<vmem_shared>>
          tpu.enqueue_dma source(%dma_start3A_273 : memref<80x128xf32, #tpu.memory_space<vmem_shared>>) target(%dma_start3A_271 : memref<80x128xf32, #tpu.memory_space<hbm>>) target_semaphore(%run_scoped3A : memref<!tpu.dma_semaphore, #tpu.memory_space<semaphore_mem>>)
          %dma_wait3A_274 = arith.constant 0 : i32
          %dma_wait3A_275 = tpu.memref_slice %arg6[%add3A_269, %dma_wait3A_274] : memref<20000x128xf32, #tpu.memory_space<hbm>> -> memref<80x128xf32, #tpu.memory_space<hbm>>
          %dma_wait3A_276 = arith.constant 0 : i32
          %dma_wait3A_277 = tpu.memref_slice %arg27[%mul3A_264, %dma_wait3A_276] : memref<10256x128xf32, #tpu.memory_space<vmem_shared>> -> memref<80x128xf32, #tpu.memory_space<vmem_shared>>
          tpu.wait_dma2 semaphore(%run_scoped3A : memref<!tpu.dma_semaphore, #tpu.memory_space<semaphore_mem>>) src(%dma_wait3A_277 : memref<80x128xf32, #tpu.memory_space<vmem_shared>>) dst(%dma_wait3A_275 : memref<80x128xf32, #tpu.memory_space<hbm>>)
          tpu.yield
        }) : () -> ()
      } else {
      }
    }
    %scan3A_249 = arith.constant 8 : i32
    return
  }
}

#map = affine_map<(d0, d1) -> (0)>
#map1 = affine_map<(d0, d1) -> (0, 0)>
module attributes {stable_mosaic.version = 14 : i64} {
  func.func @k(%arg0: i32, %arg1: i32, %arg2: memref<655360xi32, #tpu.memory_space<hbm>>, %arg3: memref<20000xi32, #tpu.memory_space<hbm>>, %arg4: memref<128x128xf32, #tpu.memory_space<hbm>>, %arg5: memref<128x128xf32, #tpu.memory_space<hbm>>, %arg6: memref<20000x128xf32, #tpu.memory_space<hbm>>, %arg7: memref<128x128xf32, #tpu.memory_space<hbm>>, %arg8: memref<128xi32, #tpu.memory_space<vmem>>, %arg9: memref<128xi32, #tpu.memory_space<vmem>>, %arg10: memref<128xi32, #tpu.memory_space<vmem>>, %arg11: memref<128xi32, #tpu.memory_space<vmem>>, %arg12: memref<80xi32, #tpu.memory_space<vmem>>, %arg13: memref<128x128xf32, #tpu.memory_space<vmem>>, %arg14: memref<10256x128xf32, #tpu.memory_space<vmem_shared>>, %arg15: memref<64x128xf32, #tpu.memory_space<vmem_shared>>, %arg16: memref<!tpu.dma_semaphore, #tpu.memory_space<semaphore_mem>>, %arg17: memref<!tpu.dma_semaphore, #tpu.memory_space<semaphore_mem>>, %arg18: memref<!tpu.dma_semaphore, #tpu.memory_space<semaphore_mem>>, %arg19: memref<!tpu.dma_semaphore, #tpu.memory_space<semaphore_mem>>, %arg20: memref<!tpu.dma_semaphore, #tpu.memory_space<semaphore_mem>>, %arg21: memref<!tpu.dma_semaphore, #tpu.memory_space<semaphore_mem>>, %arg22: memref<!tpu.dma_semaphore, #tpu.memory_space<semaphore_mem>>, %arg23: memref<!tpu.dma_semaphore, #tpu.memory_space<semaphore_mem>>) attributes {dimension_semantics = [#tpu.dimension_semantics<core_parallel>, #tpu.dimension_semantics<subcore_parallel>], iteration_bounds = array<i64: 2, 16>, scalar_prefetch = 0 : i64, scratch_operands = 16 : i64, tpu.core_type = #tpu.core_type<sc_vector_subcore>, window_params = [{transform_indices = #map}, {transform_indices = #map}, {transform_indices = #map1}, {transform_indices = #map1}, {transform_indices = #map1}, {transform_indices = #map1}]} {
    "tpu.region"() ({
      %run_scoped3A = tpu.sem_alloc : memref<!tpu.dma_semaphore, #tpu.memory_space<semaphore_mem>>
      tpu.enqueue_dma source(%arg5 : memref<128x128xf32, #tpu.memory_space<hbm>>) target(%arg13 : memref<128x128xf32, #tpu.memory_space<vmem>>) target_semaphore(%run_scoped3A : memref<!tpu.dma_semaphore, #tpu.memory_space<semaphore_mem>>)
      tpu.wait_dma2 semaphore(%run_scoped3A : memref<!tpu.dma_semaphore, #tpu.memory_space<semaphore_mem>>) src(%arg5 : memref<128x128xf32, #tpu.memory_space<hbm>>) dst(%arg13 : memref<128x128xf32, #tpu.memory_space<vmem>>)
      tpu.yield
    }) : () -> ()
    %scan3A = arith.constant 0 : i32
    %scan3A_0 = arith.constant 8 : i32
    %scan3A_1 = arith.addi %scan3A, %scan3A_0 : i32
    %scan3A_2 = arith.constant 1 : i32
    scf.for %scan3A_49 = %scan3A to %scan3A_1 step %scan3A_2  : i32 {
      %mul3A_50 = arith.constant 1 : i32
      %mul3A_51 = arith.muli %scan3A_49, %mul3A_50 : i32
      %add3A_52 = arith.constant 0 : i32
      %add3A_53 = arith.addi %add3A_52, %mul3A_51 : i32
      %mul3A_54 = arith.constant 16 : i32
      %mul3A_55 = arith.muli %add3A_53, %mul3A_54 : i32
      %add3A_56 = arith.addi %mul3A_55, %arg1 : i32
      %lt3A_57 = arith.constant 125 : i32
      %lt3A_58 = arith.cmpi slt, %add3A_56, %lt3A_57 : i32
      %convert_element_type3A_59 = arith.extui %lt3A_58 : i1 to i32
      %cond3A_60 = arith.constant 0 : i32
      %cond3A_61 = arith.cmpi ne, %convert_element_type3A_59, %cond3A_60 : i32
      scf.if %cond3A_61 {
        %mul3A_62 = arith.constant 80 : i32
        %mul3A_63 = arith.muli %add3A_56, %mul3A_62 : i32
        "tpu.region"() ({
          %run_scoped3A = tpu.sem_alloc : memref<!tpu.dma_semaphore, #tpu.memory_space<semaphore_mem>>
          %dma_start3A_64 = arith.constant 0 : i32
          %dma_start3A_65 = arith.constant 0 : i32
          %dma_start3A_66 = tpu.memref_slice %arg13[%dma_start3A_64, %dma_start3A_65] : memref<128x128xf32, #tpu.memory_space<vmem>> -> memref<80x128xf32, #tpu.memory_space<vmem>>
          %dma_start3A_67 = arith.constant 0 : i32
          %dma_start3A_68 = tpu.memref_slice %arg14[%mul3A_63, %dma_start3A_67] : memref<10256x128xf32, #tpu.memory_space<vmem_shared>> -> memref<80x128xf32, #tpu.memory_space<vmem_shared>>
          %dma_start3A_69 = arith.constant 0 : i32
          %dma_start3A_70 = tpu.memref_slice %arg14[%mul3A_63, %dma_start3A_69] : memref<10256x128xf32, #tpu.memory_space<vmem_shared>> -> memref<80x128xf32, #tpu.memory_space<vmem_shared>>
          %dma_start3A_71 = arith.constant 0 : i32
          %dma_start3A_72 = arith.constant 0 : i32
          %dma_start3A_73 = tpu.memref_slice %arg13[%dma_start3A_71, %dma_start3A_72] : memref<128x128xf32, #tpu.memory_space<vmem>> -> memref<80x128xf32, #tpu.memory_space<vmem>>
          tpu.enqueue_dma source(%dma_start3A_73 : memref<80x128xf32, #tpu.memory_space<vmem>>) target(%dma_start3A_70 : memref<80x128xf32, #tpu.memory_space<vmem_shared>>) target_semaphore(%run_scoped3A : memref<!tpu.dma_semaphore, #tpu.memory_space<semaphore_mem>>)
          %dma_wait3A = arith.constant 0 : i32
          %dma_wait3A_74 = arith.constant 0 : i32
          %dma_wait3A_75 = tpu.memref_slice %arg13[%dma_wait3A, %dma_wait3A_74] : memref<128x128xf32, #tpu.memory_space<vmem>> -> memref<80x128xf32, #tpu.memory_space<vmem>>
          %dma_wait3A_76 = arith.constant 0 : i32
          %dma_wait3A_77 = tpu.memref_slice %arg14[%mul3A_63, %dma_wait3A_76] : memref<10256x128xf32, #tpu.memory_space<vmem_shared>> -> memref<80x128xf32, #tpu.memory_space<vmem_shared>>
          %dma_wait3A_78 = arith.constant 0 : i32
          %dma_wait3A_79 = tpu.memref_slice %arg14[%mul3A_63, %dma_wait3A_78] : memref<10256x128xf32, #tpu.memory_space<vmem_shared>> -> memref<80x128xf32, #tpu.memory_space<vmem_shared>>
          %dma_wait3A_80 = arith.constant 0 : i32
          %dma_wait3A_81 = arith.constant 0 : i32
          %dma_wait3A_82 = tpu.memref_slice %arg13[%dma_wait3A_80, %dma_wait3A_81] : memref<128x128xf32, #tpu.memory_space<vmem>> -> memref<80x128xf32, #tpu.memory_space<vmem>>
          tpu.wait_dma2 semaphore(%run_scoped3A : memref<!tpu.dma_semaphore, #tpu.memory_space<semaphore_mem>>) src(%dma_wait3A_82 : memref<80x128xf32, #tpu.memory_space<vmem>>) dst(%dma_wait3A_79 : memref<80x128xf32, #tpu.memory_space<vmem_shared>>)
          tpu.yield
        }) : () -> ()
      } else {
      }
    }
    %scan3A_3 = arith.constant 8 : i32
    %eq3A = arith.constant 0 : i32
    %eq3A_4 = arith.cmpi eq, %arg1, %eq3A : i32
    %convert_element_type3A = arith.extui %eq3A_4 : i1 to i32
    %cond3A = arith.constant 0 : i32
    %cond3A_5 = arith.cmpi ne, %convert_element_type3A, %cond3A : i32
    scf.if %cond3A_5 {
      "tpu.region"() ({
        %run_scoped3A = tpu.sem_alloc : memref<!tpu.dma_semaphore, #tpu.memory_space<semaphore_mem>>
        %dma_start3A_49 = arith.constant 0 : i32
        %dma_start3A_50 = arith.constant 0 : i32
        %dma_start3A_51 = tpu.memref_slice %arg13[%dma_start3A_49, %dma_start3A_50] : memref<128x128xf32, #tpu.memory_space<vmem>> -> memref<64x128xf32, #tpu.memory_space<vmem>>
        %dma_start3A_52 = arith.constant 0 : i32
        %dma_start3A_53 = arith.constant 0 : i32
        %dma_start3A_54 = tpu.memref_slice %arg13[%dma_start3A_52, %dma_start3A_53] : memref<128x128xf32, #tpu.memory_space<vmem>> -> memref<64x128xf32, #tpu.memory_space<vmem>>
        tpu.enqueue_dma source(%dma_start3A_54 : memref<64x128xf32, #tpu.memory_space<vmem>>) target(%arg15 : memref<64x128xf32, #tpu.memory_space<vmem_shared>>) target_semaphore(%run_scoped3A : memref<!tpu.dma_semaphore, #tpu.memory_space<semaphore_mem>>)
        %dma_wait3A = arith.constant 0 : i32
        %dma_wait3A_55 = arith.constant 0 : i32
        %dma_wait3A_56 = tpu.memref_slice %arg13[%dma_wait3A, %dma_wait3A_55] : memref<128x128xf32, #tpu.memory_space<vmem>> -> memref<64x128xf32, #tpu.memory_space<vmem>>
        %dma_wait3A_57 = arith.constant 0 : i32
        %dma_wait3A_58 = arith.constant 0 : i32
        %dma_wait3A_59 = tpu.memref_slice %arg13[%dma_wait3A_57, %dma_wait3A_58] : memref<128x128xf32, #tpu.memory_space<vmem>> -> memref<64x128xf32, #tpu.memory_space<vmem>>
        tpu.wait_dma2 semaphore(%run_scoped3A : memref<!tpu.dma_semaphore, #tpu.memory_space<semaphore_mem>>) src(%dma_wait3A_59 : memref<64x128xf32, #tpu.memory_space<vmem>>) dst(%arg15 : memref<64x128xf32, #tpu.memory_space<vmem_shared>>)
        tpu.yield
      }) : () -> ()
    } else {
    }
    %lt3A = arith.constant 2 : i32
    %lt3A_6 = arith.cmpi slt, %arg1, %lt3A : i32
    %convert_element_type3A_7 = arith.extui %lt3A_6 : i1 to i32
    %cond3A_8 = arith.constant 0 : i32
    %cond3A_9 = arith.cmpi ne, %convert_element_type3A_7, %cond3A_8 : i32
    scf.if %cond3A_9 {
      %mul3A_49 = arith.constant 128 : i32
      %mul3A_50 = arith.muli %arg1, %mul3A_49 : i32
      %add3A_51 = arith.constant 10000 : i32
      %add3A_52 = arith.addi %add3A_51, %mul3A_50 : i32
      "tpu.region"() ({
        %run_scoped3A = tpu.sem_alloc : memref<!tpu.dma_semaphore, #tpu.memory_space<semaphore_mem>>
        %dma_start3A_53 = arith.constant 0 : i32
        %dma_start3A_54 = tpu.memref_slice %arg14[%add3A_52, %dma_start3A_53] : memref<10256x128xf32, #tpu.memory_space<vmem_shared>> -> memref<128x128xf32, #tpu.memory_space<vmem_shared>>
        %dma_start3A_55 = arith.constant 0 : i32
        %dma_start3A_56 = tpu.memref_slice %arg14[%add3A_52, %dma_start3A_55] : memref<10256x128xf32, #tpu.memory_space<vmem_shared>> -> memref<128x128xf32, #tpu.memory_space<vmem_shared>>
        tpu.enqueue_dma source(%arg13 : memref<128x128xf32, #tpu.memory_space<vmem>>) target(%dma_start3A_56 : memref<128x128xf32, #tpu.memory_space<vmem_shared>>) target_semaphore(%run_scoped3A : memref<!tpu.dma_semaphore, #tpu.memory_space<semaphore_mem>>)
        %dma_wait3A = arith.constant 0 : i32
        %dma_wait3A_57 = tpu.memref_slice %arg14[%add3A_52, %dma_wait3A] : memref<10256x128xf32, #tpu.memory_space<vmem_shared>> -> memref<128x128xf32, #tpu.memory_space<vmem_shared>>
        %dma_wait3A_58 = arith.constant 0 : i32
        %dma_wait3A_59 = tpu.memref_slice %arg14[%add3A_52, %dma_wait3A_58] : memref<10256x128xf32, #tpu.memory_space<vmem_shared>> -> memref<128x128xf32, #tpu.memory_space<vmem_shared>>
        tpu.wait_dma2 semaphore(%run_scoped3A : memref<!tpu.dma_semaphore, #tpu.memory_space<semaphore_mem>>) src(%arg13 : memref<128x128xf32, #tpu.memory_space<vmem>>) dst(%dma_wait3A_59 : memref<128x128xf32, #tpu.memory_space<vmem_shared>>)
        tpu.yield
      }) : () -> ()
    } else {
    }
    "tpu.region"() ({
      %run_scoped3A = tpu.sem_alloc : memref<!tpu.dma_semaphore, #tpu.memory_space<semaphore_mem>>
      tpu.enqueue_dma source(%arg4 : memref<128x128xf32, #tpu.memory_space<hbm>>) target(%arg13 : memref<128x128xf32, #tpu.memory_space<vmem>>) target_semaphore(%run_scoped3A : memref<!tpu.dma_semaphore, #tpu.memory_space<semaphore_mem>>)
      tpu.wait_dma2 semaphore(%run_scoped3A : memref<!tpu.dma_semaphore, #tpu.memory_space<semaphore_mem>>) src(%arg4 : memref<128x128xf32, #tpu.memory_space<hbm>>) dst(%arg13 : memref<128x128xf32, #tpu.memory_space<vmem>>)
      tpu.yield
    }) : () -> ()
    %barrier3A = arith.constant 0 : index
    tpu.barrier barrier_id(%barrier3A)
    %mul3A = arith.constant 327680 : i32
    %mul3A_10 = arith.muli %arg0, %mul3A : i32
    %mul3A_11 = arith.constant 20480 : i32
    %mul3A_12 = arith.muli %arg1, %mul3A_11 : i32
    %add3A = arith.addi %mul3A_10, %mul3A_12 : i32
    %add3A_13 = arith.constant 0 : i32
    %add3A_14 = arith.addi %add3A, %add3A_13 : i32
    %dma_start3A = tpu.memref_slice %arg2[%add3A_14] : memref<655360xi32, #tpu.memory_space<hbm>> -> memref<128xi32, #tpu.memory_space<hbm>>
    %dma_start3A_15 = tpu.memref_slice %arg2[%add3A_14] : memref<655360xi32, #tpu.memory_space<hbm>> -> memref<128xi32, #tpu.memory_space<hbm>>
    tpu.enqueue_dma source(%dma_start3A_15 : memref<128xi32, #tpu.memory_space<hbm>>) target(%arg8 : memref<128xi32, #tpu.memory_space<vmem>>) target_semaphore(%arg16 : memref<!tpu.dma_semaphore, #tpu.memory_space<semaphore_mem>>)
    %add3A_16 = arith.constant 128 : i32
    %add3A_17 = arith.addi %add3A, %add3A_16 : i32
    %dma_start3A_18 = tpu.memref_slice %arg2[%add3A_17] : memref<655360xi32, #tpu.memory_space<hbm>> -> memref<128xi32, #tpu.memory_space<hbm>>
    %dma_start3A_19 = tpu.memref_slice %arg2[%add3A_17] : memref<655360xi32, #tpu.memory_space<hbm>> -> memref<128xi32, #tpu.memory_space<hbm>>
    tpu.enqueue_dma source(%dma_start3A_19 : memref<128xi32, #tpu.memory_space<hbm>>) target(%arg9 : memref<128xi32, #tpu.memory_space<vmem>>) target_semaphore(%arg17 : memref<!tpu.dma_semaphore, #tpu.memory_space<semaphore_mem>>)
    %add3A_20 = arith.constant 256 : i32
    %add3A_21 = arith.addi %add3A, %add3A_20 : i32
    %dma_start3A_22 = tpu.memref_slice %arg2[%add3A_21] : memref<655360xi32, #tpu.memory_space<hbm>> -> memref<128xi32, #tpu.memory_space<hbm>>
    %dma_start3A_23 = tpu.memref_slice %arg2[%add3A_21] : memref<655360xi32, #tpu.memory_space<hbm>> -> memref<128xi32, #tpu.memory_space<hbm>>
    tpu.enqueue_dma source(%dma_start3A_23 : memref<128xi32, #tpu.memory_space<hbm>>) target(%arg10 : memref<128xi32, #tpu.memory_space<vmem>>) target_semaphore(%arg18 : memref<!tpu.dma_semaphore, #tpu.memory_space<semaphore_mem>>)
    %add3A_24 = arith.constant 384 : i32
    %add3A_25 = arith.addi %add3A, %add3A_24 : i32
    %dma_start3A_26 = tpu.memref_slice %arg2[%add3A_25] : memref<655360xi32, #tpu.memory_space<hbm>> -> memref<128xi32, #tpu.memory_space<hbm>>
    %dma_start3A_27 = tpu.memref_slice %arg2[%add3A_25] : memref<655360xi32, #tpu.memory_space<hbm>> -> memref<128xi32, #tpu.memory_space<hbm>>
    tpu.enqueue_dma source(%dma_start3A_27 : memref<128xi32, #tpu.memory_space<hbm>>) target(%arg11 : memref<128xi32, #tpu.memory_space<vmem>>) target_semaphore(%arg19 : memref<!tpu.dma_semaphore, #tpu.memory_space<semaphore_mem>>)
    %scan3A_28 = arith.constant 0 : i32
    %scan3A_29 = arith.constant 40 : i32
    %scan3A_30 = arith.addi %scan3A_28, %scan3A_29 : i32
    %scan3A_31 = arith.constant 1 : i32
    scf.for %scan3A_49 = %scan3A_28 to %scan3A_30 step %scan3A_31  : i32 {
      %mul3A_50 = arith.constant 1 : i32
      %mul3A_51 = arith.muli %scan3A_49, %mul3A_50 : i32
      %add3A_52 = arith.constant 0 : i32
      %add3A_53 = arith.addi %add3A_52, %mul3A_51 : i32
      %dma_wait3A = arith.constant 0 : i32
      %dma_wait3A_54 = tpu.memref_slice %arg2[%dma_wait3A] : memref<655360xi32, #tpu.memory_space<hbm>> -> memref<128xi32, #tpu.memory_space<hbm>>
      %dma_wait3A_55 = arith.constant 0 : i32
      %dma_wait3A_56 = tpu.memref_slice %arg2[%dma_wait3A_55] : memref<655360xi32, #tpu.memory_space<hbm>> -> memref<128xi32, #tpu.memory_space<hbm>>
      tpu.wait_dma2 semaphore(%arg16 : memref<!tpu.dma_semaphore, #tpu.memory_space<semaphore_mem>>) src(%dma_wait3A_56 : memref<128xi32, #tpu.memory_space<hbm>>) dst(%arg8 : memref<128xi32, #tpu.memory_space<vmem>>)
      %dma_start3A_57 = arith.constant 0 : i32
      %dma_start3A_58 = arith.constant 0 : i32
      %dma_start3A_59 = tpu.memref_slice %arg14[%dma_start3A_57, %dma_start3A_58] : memref<10256x128xf32, #tpu.memory_space<vmem_shared>> -> memref<10256x128xf32, #tpu.memory_space<vmem_shared>>
      tpu.enqueue_indirect_dma source(%arg13 : memref<128x128xf32, #tpu.memory_space<vmem>>) target(%dma_start3A_59 : memref<10256x128xf32, #tpu.memory_space<vmem_shared>>) offsets(%arg8 : memref<128xi32, #tpu.memory_space<vmem>>) semaphore(%arg20 : memref<!tpu.dma_semaphore, #tpu.memory_space<semaphore_mem>>) {add = true}
      %dma_wait3A_60 = arith.constant 0 : i32
      %dma_wait3A_61 = tpu.memref_slice %arg2[%dma_wait3A_60] : memref<655360xi32, #tpu.memory_space<hbm>> -> memref<128xi32, #tpu.memory_space<hbm>>
      %dma_wait3A_62 = arith.constant 0 : i32
      %dma_wait3A_63 = tpu.memref_slice %arg2[%dma_wait3A_62] : memref<655360xi32, #tpu.memory_space<hbm>> -> memref<128xi32, #tpu.memory_space<hbm>>
      tpu.wait_dma2 semaphore(%arg17 : memref<!tpu.dma_semaphore, #tpu.memory_space<semaphore_mem>>) src(%dma_wait3A_63 : memref<128xi32, #tpu.memory_space<hbm>>) dst(%arg9 : memref<128xi32, #tpu.memory_space<vmem>>)
      %dma_start3A_64 = arith.constant 0 : i32
      %dma_start3A_65 = arith.constant 0 : i32
      %dma_start3A_66 = tpu.memref_slice %arg14[%dma_start3A_64, %dma_start3A_65] : memref<10256x128xf32, #tpu.memory_space<vmem_shared>> -> memref<10256x128xf32, #tpu.memory_space<vmem_shared>>
      tpu.enqueue_indirect_dma source(%arg13 : memref<128x128xf32, #tpu.memory_space<vmem>>) target(%dma_start3A_66 : memref<10256x128xf32, #tpu.memory_space<vmem_shared>>) offsets(%arg9 : memref<128xi32, #tpu.memory_space<vmem>>) semaphore(%arg21 : memref<!tpu.dma_semaphore, #tpu.memory_space<semaphore_mem>>) {add = true}
      %dma_wait3A_67 = arith.constant 0 : i32
      %dma_wait3A_68 = tpu.memref_slice %arg2[%dma_wait3A_67] : memref<655360xi32, #tpu.memory_space<hbm>> -> memref<128xi32, #tpu.memory_space<hbm>>
      %dma_wait3A_69 = arith.constant 0 : i32
      %dma_wait3A_70 = tpu.memref_slice %arg2[%dma_wait3A_69] : memref<655360xi32, #tpu.memory_space<hbm>> -> memref<128xi32, #tpu.memory_space<hbm>>
      tpu.wait_dma2 semaphore(%arg18 : memref<!tpu.dma_semaphore, #tpu.memory_space<semaphore_mem>>) src(%dma_wait3A_70 : memref<128xi32, #tpu.memory_space<hbm>>) dst(%arg10 : memref<128xi32, #tpu.memory_space<vmem>>)
      %dma_start3A_71 = arith.constant 0 : i32
      %dma_start3A_72 = arith.constant 0 : i32
      %dma_start3A_73 = tpu.memref_slice %arg14[%dma_start3A_71, %dma_start3A_72] : memref<10256x128xf32, #tpu.memory_space<vmem_shared>> -> memref<10256x128xf32, #tpu.memory_space<vmem_shared>>
      tpu.enqueue_indirect_dma source(%arg13 : memref<128x128xf32, #tpu.memory_space<vmem>>) target(%dma_start3A_73 : memref<10256x128xf32, #tpu.memory_space<vmem_shared>>) offsets(%arg10 : memref<128xi32, #tpu.memory_space<vmem>>) semaphore(%arg22 : memref<!tpu.dma_semaphore, #tpu.memory_space<semaphore_mem>>) {add = true}
      %dma_wait3A_74 = arith.constant 0 : i32
      %dma_wait3A_75 = tpu.memref_slice %arg2[%dma_wait3A_74] : memref<655360xi32, #tpu.memory_space<hbm>> -> memref<128xi32, #tpu.memory_space<hbm>>
      %dma_wait3A_76 = arith.constant 0 : i32
      %dma_wait3A_77 = tpu.memref_slice %arg2[%dma_wait3A_76] : memref<655360xi32, #tpu.memory_space<hbm>> -> memref<128xi32, #tpu.memory_space<hbm>>
      tpu.wait_dma2 semaphore(%arg19 : memref<!tpu.dma_semaphore, #tpu.memory_space<semaphore_mem>>) src(%dma_wait3A_77 : memref<128xi32, #tpu.memory_space<hbm>>) dst(%arg11 : memref<128xi32, #tpu.memory_space<vmem>>)
      %dma_start3A_78 = arith.constant 0 : i32
      %dma_start3A_79 = arith.constant 0 : i32
      %dma_start3A_80 = tpu.memref_slice %arg14[%dma_start3A_78, %dma_start3A_79] : memref<10256x128xf32, #tpu.memory_space<vmem_shared>> -> memref<10256x128xf32, #tpu.memory_space<vmem_shared>>
      tpu.enqueue_indirect_dma source(%arg13 : memref<128x128xf32, #tpu.memory_space<vmem>>) target(%dma_start3A_80 : memref<10256x128xf32, #tpu.memory_space<vmem_shared>>) offsets(%arg11 : memref<128xi32, #tpu.memory_space<vmem>>) semaphore(%arg23 : memref<!tpu.dma_semaphore, #tpu.memory_space<semaphore_mem>>) {add = true}
      %dma_wait3A_81 = arith.constant 0 : i32
      %dma_wait3A_82 = arith.constant 0 : i32
      %dma_wait3A_83 = tpu.memref_slice %arg14[%dma_wait3A_81, %dma_wait3A_82] : memref<10256x128xf32, #tpu.memory_space<vmem_shared>> -> memref<10256x128xf32, #tpu.memory_space<vmem_shared>>
      tpu.wait_indirect_dma semaphore(%arg20 : memref<!tpu.dma_semaphore, #tpu.memory_space<semaphore_mem>>) src(%arg13 : memref<128x128xf32, #tpu.memory_space<vmem>>) dst(%dma_wait3A_83 : memref<10256x128xf32, #tpu.memory_space<vmem_shared>>)
      %lt3A_84 = arith.constant 39 : i32
      %lt3A_85 = arith.cmpi slt, %add3A_53, %lt3A_84 : i32
      %convert_element_type3A_86 = arith.extui %lt3A_85 : i1 to i32
      %cond3A_87 = arith.constant 0 : i32
      %cond3A_88 = arith.cmpi ne, %convert_element_type3A_86, %cond3A_87 : i32
      scf.if %cond3A_88 {
        %add3A_113 = arith.constant 1 : i32
        %add3A_114 = arith.addi %add3A_53, %add3A_113 : i32
        %mul3A_115 = arith.constant 4 : i32
        %mul3A_116 = arith.muli %add3A_114, %mul3A_115 : i32
        %add3A_117 = arith.constant 0 : i32
        %add3A_118 = arith.addi %mul3A_116, %add3A_117 : i32
        %mul3A_119 = arith.constant 128 : i32
        %mul3A_120 = arith.muli %add3A_118, %mul3A_119 : i32
        %add3A_121 = arith.addi %add3A, %mul3A_120 : i32
        %dma_start3A_122 = tpu.memref_slice %arg2[%add3A_121] : memref<655360xi32, #tpu.memory_space<hbm>> -> memref<128xi32, #tpu.memory_space<hbm>>
        %dma_start3A_123 = tpu.memref_slice %arg2[%add3A_121] : memref<655360xi32, #tpu.memory_space<hbm>> -> memref<128xi32, #tpu.memory_space<hbm>>
        tpu.enqueue_dma source(%dma_start3A_123 : memref<128xi32, #tpu.memory_space<hbm>>) target(%arg8 : memref<128xi32, #tpu.memory_space<vmem>>) target_semaphore(%arg16 : memref<!tpu.dma_semaphore, #tpu.memory_space<semaphore_mem>>)
      } else {
      }
      %dma_wait3A_89 = arith.constant 0 : i32
      %dma_wait3A_90 = arith.constant 0 : i32
      %dma_wait3A_91 = tpu.memref_slice %arg14[%dma_wait3A_89, %dma_wait3A_90] : memref<10256x128xf32, #tpu.memory_space<vmem_shared>> -> memref<10256x128xf32, #tpu.memory_space<vmem_shared>>
      tpu.wait_indirect_dma semaphore(%arg21 : memref<!tpu.dma_semaphore, #tpu.memory_space<semaphore_mem>>) src(%arg13 : memref<128x128xf32, #tpu.memory_space<vmem>>) dst(%dma_wait3A_91 : memref<10256x128xf32, #tpu.memory_space<vmem_shared>>)
      %lt3A_92 = arith.constant 39 : i32
      %lt3A_93 = arith.cmpi slt, %add3A_53, %lt3A_92 : i32
      %convert_element_type3A_94 = arith.extui %lt3A_93 : i1 to i32
      %cond3A_95 = arith.constant 0 : i32
      %cond3A_96 = arith.cmpi ne, %convert_element_type3A_94, %cond3A_95 : i32
      scf.if %cond3A_96 {
        %add3A_113 = arith.constant 1 : i32
        %add3A_114 = arith.addi %add3A_53, %add3A_113 : i32
        %mul3A_115 = arith.constant 4 : i32
        %mul3A_116 = arith.muli %add3A_114, %mul3A_115 : i32
        %add3A_117 = arith.constant 1 : i32
        %add3A_118 = arith.addi %mul3A_116, %add3A_117 : i32
        %mul3A_119 = arith.constant 128 : i32
        %mul3A_120 = arith.muli %add3A_118, %mul3A_119 : i32
        %add3A_121 = arith.addi %add3A, %mul3A_120 : i32
        %dma_start3A_122 = tpu.memref_slice %arg2[%add3A_121] : memref<655360xi32, #tpu.memory_space<hbm>> -> memref<128xi32, #tpu.memory_space<hbm>>
        %dma_start3A_123 = tpu.memref_slice %arg2[%add3A_121] : memref<655360xi32, #tpu.memory_space<hbm>> -> memref<128xi32, #tpu.memory_space<hbm>>
        tpu.enqueue_dma source(%dma_start3A_123 : memref<128xi32, #tpu.memory_space<hbm>>) target(%arg9 : memref<128xi32, #tpu.memory_space<vmem>>) target_semaphore(%arg17 : memref<!tpu.dma_semaphore, #tpu.memory_space<semaphore_mem>>)
      } else {
      }
      %dma_wait3A_97 = arith.constant 0 : i32
      %dma_wait3A_98 = arith.constant 0 : i32
      %dma_wait3A_99 = tpu.memref_slice %arg14[%dma_wait3A_97, %dma_wait3A_98] : memref<10256x128xf32, #tpu.memory_space<vmem_shared>> -> memref<10256x128xf32, #tpu.memory_space<vmem_shared>>
      tpu.wait_indirect_dma semaphore(%arg22 : memref<!tpu.dma_semaphore, #tpu.memory_space<semaphore_mem>>) src(%arg13 : memref<128x128xf32, #tpu.memory_space<vmem>>) dst(%dma_wait3A_99 : memref<10256x128xf32, #tpu.memory_space<vmem_shared>>)
      %lt3A_100 = arith.constant 39 : i32
      %lt3A_101 = arith.cmpi slt, %add3A_53, %lt3A_100 : i32
      %convert_element_type3A_102 = arith.extui %lt3A_101 : i1 to i32
      %cond3A_103 = arith.constant 0 : i32
      %cond3A_104 = arith.cmpi ne, %convert_element_type3A_102, %cond3A_103 : i32
      scf.if %cond3A_104 {
        %add3A_113 = arith.constant 1 : i32
        %add3A_114 = arith.addi %add3A_53, %add3A_113 : i32
        %mul3A_115 = arith.constant 4 : i32
        %mul3A_116 = arith.muli %add3A_114, %mul3A_115 : i32
        %add3A_117 = arith.constant 2 : i32
        %add3A_118 = arith.addi %mul3A_116, %add3A_117 : i32
        %mul3A_119 = arith.constant 128 : i32
        %mul3A_120 = arith.muli %add3A_118, %mul3A_119 : i32
        %add3A_121 = arith.addi %add3A, %mul3A_120 : i32
        %dma_start3A_122 = tpu.memref_slice %arg2[%add3A_121] : memref<655360xi32, #tpu.memory_space<hbm>> -> memref<128xi32, #tpu.memory_space<hbm>>
        %dma_start3A_123 = tpu.memref_slice %arg2[%add3A_121] : memref<655360xi32, #tpu.memory_space<hbm>> -> memref<128xi32, #tpu.memory_space<hbm>>
        tpu.enqueue_dma source(%dma_start3A_123 : memref<128xi32, #tpu.memory_space<hbm>>) target(%arg10 : memref<128xi32, #tpu.memory_space<vmem>>) target_semaphore(%arg18 : memref<!tpu.dma_semaphore, #tpu.memory_space<semaphore_mem>>)
      } else {
      }
      %dma_wait3A_105 = arith.constant 0 : i32
      %dma_wait3A_106 = arith.constant 0 : i32
      %dma_wait3A_107 = tpu.memref_slice %arg14[%dma_wait3A_105, %dma_wait3A_106] : memref<10256x128xf32, #tpu.memory_space<vmem_shared>> -> memref<10256x128xf32, #tpu.memory_space<vmem_shared>>
      tpu.wait_indirect_dma semaphore(%arg23 : memref<!tpu.dma_semaphore, #tpu.memory_space<semaphore_mem>>) src(%arg13 : memref<128x128xf32, #tpu.memory_space<vmem>>) dst(%dma_wait3A_107 : memref<10256x128xf32, #tpu.memory_space<vmem_shared>>)
      %lt3A_108 = arith.constant 39 : i32
      %lt3A_109 = arith.cmpi slt, %add3A_53, %lt3A_108 : i32
      %convert_element_type3A_110 = arith.extui %lt3A_109 : i1 to i32
      %cond3A_111 = arith.constant 0 : i32
      %cond3A_112 = arith.cmpi ne, %convert_element_type3A_110, %cond3A_111 : i32
      scf.if %cond3A_112 {
        %add3A_113 = arith.constant 1 : i32
        %add3A_114 = arith.addi %add3A_53, %add3A_113 : i32
        %mul3A_115 = arith.constant 4 : i32
        %mul3A_116 = arith.muli %add3A_114, %mul3A_115 : i32
        %add3A_117 = arith.constant 3 : i32
        %add3A_118 = arith.addi %mul3A_116, %add3A_117 : i32
        %mul3A_119 = arith.constant 128 : i32
        %mul3A_120 = arith.muli %add3A_118, %mul3A_119 : i32
        %add3A_121 = arith.addi %add3A, %mul3A_120 : i32
        %dma_start3A_122 = tpu.memref_slice %arg2[%add3A_121] : memref<655360xi32, #tpu.memory_space<hbm>> -> memref<128xi32, #tpu.memory_space<hbm>>
        %dma_start3A_123 = tpu.memref_slice %arg2[%add3A_121] : memref<655360xi32, #tpu.memory_space<hbm>> -> memref<128xi32, #tpu.memory_space<hbm>>
        tpu.enqueue_dma source(%dma_start3A_123 : memref<128xi32, #tpu.memory_space<hbm>>) target(%arg11 : memref<128xi32, #tpu.memory_space<vmem>>) target_semaphore(%arg19 : memref<!tpu.dma_semaphore, #tpu.memory_space<semaphore_mem>>)
      } else {
      }
    }
    %scan3A_32 = arith.constant 40 : i32
    %scan3A_33 = arith.constant 0 : i32
    %scan3A_34 = arith.constant 8 : i32
    %scan3A_35 = arith.addi %scan3A_33, %scan3A_34 : i32
    %scan3A_36 = arith.constant 1 : i32
    scf.for %scan3A_49 = %scan3A_33 to %scan3A_35 step %scan3A_36  : i32 {
      %mul3A_50 = arith.constant 1 : i32
      %mul3A_51 = arith.muli %scan3A_49, %mul3A_50 : i32
      %add3A_52 = arith.constant 0 : i32
      %add3A_53 = arith.addi %add3A_52, %mul3A_51 : i32
      %mul3A_54 = arith.constant 16 : i32
      %mul3A_55 = arith.muli %add3A_53, %mul3A_54 : i32
      %add3A_56 = arith.addi %mul3A_55, %arg1 : i32
      %lt3A_57 = arith.constant 125 : i32
      %lt3A_58 = arith.cmpi slt, %add3A_56, %lt3A_57 : i32
      %convert_element_type3A_59 = arith.extui %lt3A_58 : i1 to i32
      %cond3A_60 = arith.constant 0 : i32
      %cond3A_61 = arith.cmpi ne, %convert_element_type3A_59, %cond3A_60 : i32
      scf.if %cond3A_61 {
        %mul3A_62 = arith.constant 10000 : i32
        %mul3A_63 = arith.muli %arg0, %mul3A_62 : i32
        %mul3A_64 = arith.constant 80 : i32
        %mul3A_65 = arith.muli %add3A_56, %mul3A_64 : i32
        %add3A_66 = arith.addi %mul3A_63, %mul3A_65 : i32
        "tpu.region"() ({
          %run_scoped3A = tpu.sem_alloc : memref<!tpu.dma_semaphore, #tpu.memory_space<semaphore_mem>>
          %dma_start3A_67 = tpu.memref_slice %arg3[%add3A_66] : memref<20000xi32, #tpu.memory_space<hbm>> -> memref<80xi32, #tpu.memory_space<hbm>>
          %dma_start3A_68 = tpu.memref_slice %arg3[%add3A_66] : memref<20000xi32, #tpu.memory_space<hbm>> -> memref<80xi32, #tpu.memory_space<hbm>>
          tpu.enqueue_dma source(%dma_start3A_68 : memref<80xi32, #tpu.memory_space<hbm>>) target(%arg12 : memref<80xi32, #tpu.memory_space<vmem>>) target_semaphore(%run_scoped3A : memref<!tpu.dma_semaphore, #tpu.memory_space<semaphore_mem>>)
          %dma_wait3A = tpu.memref_slice %arg3[%add3A_66] : memref<20000xi32, #tpu.memory_space<hbm>> -> memref<80xi32, #tpu.memory_space<hbm>>
          %dma_wait3A_69 = tpu.memref_slice %arg3[%add3A_66] : memref<20000xi32, #tpu.memory_space<hbm>> -> memref<80xi32, #tpu.memory_space<hbm>>
          tpu.wait_dma2 semaphore(%run_scoped3A : memref<!tpu.dma_semaphore, #tpu.memory_space<semaphore_mem>>) src(%dma_wait3A_69 : memref<80xi32, #tpu.memory_space<hbm>>) dst(%arg12 : memref<80xi32, #tpu.memory_space<vmem>>)
          tpu.yield
        }) : () -> ()
        "tpu.region"() ({
          %run_scoped3A = tpu.sem_alloc : memref<!tpu.dma_semaphore, #tpu.memory_space<semaphore_mem>>
          %dma_start3A_67 = arith.constant 0 : i32
          %dma_start3A_68 = arith.constant 0 : i32
          %dma_start3A_69 = tpu.memref_slice %arg13[%dma_start3A_67, %dma_start3A_68] : memref<128x128xf32, #tpu.memory_space<vmem>> -> memref<80x128xf32, #tpu.memory_space<vmem>>
          %dma_start3A_70 = arith.constant 0 : i32
          %dma_start3A_71 = arith.constant 0 : i32
          %dma_start3A_72 = tpu.memref_slice %arg15[%dma_start3A_70, %dma_start3A_71] : memref<64x128xf32, #tpu.memory_space<vmem_shared>> -> memref<64x128xf32, #tpu.memory_space<vmem_shared>>
          tpu.enqueue_indirect_dma source(%dma_start3A_69 : memref<80x128xf32, #tpu.memory_space<vmem>>) target(%dma_start3A_72 : memref<64x128xf32, #tpu.memory_space<vmem_shared>>) offsets(%arg12 : memref<80xi32, #tpu.memory_space<vmem>>) semaphore(%run_scoped3A : memref<!tpu.dma_semaphore, #tpu.memory_space<semaphore_mem>>) {add = true}
          %dma_wait3A = arith.constant 0 : i32
          %dma_wait3A_73 = arith.constant 0 : i32
          %dma_wait3A_74 = tpu.memref_slice %arg13[%dma_wait3A, %dma_wait3A_73] : memref<128x128xf32, #tpu.memory_space<vmem>> -> memref<80x128xf32, #tpu.memory_space<vmem>>
          %dma_wait3A_75 = arith.constant 0 : i32
          %dma_wait3A_76 = arith.constant 0 : i32
          %dma_wait3A_77 = tpu.memref_slice %arg15[%dma_wait3A_75, %dma_wait3A_76] : memref<64x128xf32, #tpu.memory_space<vmem_shared>> -> memref<64x128xf32, #tpu.memory_space<vmem_shared>>
          tpu.wait_indirect_dma semaphore(%run_scoped3A : memref<!tpu.dma_semaphore, #tpu.memory_space<semaphore_mem>>) src(%dma_wait3A_74 : memref<80x128xf32, #tpu.memory_space<vmem>>) dst(%dma_wait3A_77 : memref<64x128xf32, #tpu.memory_space<vmem_shared>>)
          tpu.yield
        }) : () -> ()
      } else {
      }
    }
    %scan3A_37 = arith.constant 8 : i32
    %barrier3A_38 = arith.constant 0 : index
    tpu.barrier barrier_id(%barrier3A_38)
    %scan3A_39 = arith.constant 0 : i32
    %scan3A_40 = arith.constant 8 : i32
    %scan3A_41 = arith.addi %scan3A_39, %scan3A_40 : i32
    %scan3A_42 = arith.constant 1 : i32
    scf.for %scan3A_49 = %scan3A_39 to %scan3A_41 step %scan3A_42  : i32 {
      %mul3A_50 = arith.constant 1 : i32
      %mul3A_51 = arith.muli %scan3A_49, %mul3A_50 : i32
      %add3A_52 = arith.constant 0 : i32
      %add3A_53 = arith.addi %add3A_52, %mul3A_51 : i32
      %mul3A_54 = arith.constant 16 : i32
      %mul3A_55 = arith.muli %add3A_53, %mul3A_54 : i32
      %add3A_56 = arith.addi %mul3A_55, %arg1 : i32
      %lt3A_57 = arith.constant 125 : i32
      %lt3A_58 = arith.cmpi slt, %add3A_56, %lt3A_57 : i32
      %convert_element_type3A_59 = arith.extui %lt3A_58 : i1 to i32
      %cond3A_60 = arith.constant 0 : i32
      %cond3A_61 = arith.cmpi ne, %convert_element_type3A_59, %cond3A_60 : i32
      scf.if %cond3A_61 {
        %mul3A_62 = arith.constant 80 : i32
        %mul3A_63 = arith.muli %add3A_56, %mul3A_62 : i32
        %mul3A_64 = arith.constant 10000 : i32
        %mul3A_65 = arith.muli %arg0, %mul3A_64 : i32
        %mul3A_66 = arith.constant 80 : i32
        %mul3A_67 = arith.muli %add3A_56, %mul3A_66 : i32
        %add3A_68 = arith.addi %mul3A_65, %mul3A_67 : i32
        "tpu.region"() ({
          %run_scoped3A = tpu.sem_alloc : memref<!tpu.dma_semaphore, #tpu.memory_space<semaphore_mem>>
          %dma_start3A_69 = arith.constant 0 : i32
          %dma_start3A_70 = tpu.memref_slice %arg6[%add3A_68, %dma_start3A_69] : memref<20000x128xf32, #tpu.memory_space<hbm>> -> memref<80x128xf32, #tpu.memory_space<hbm>>
          %dma_start3A_71 = arith.constant 0 : i32
          %dma_start3A_72 = tpu.memref_slice %arg14[%mul3A_63, %dma_start3A_71] : memref<10256x128xf32, #tpu.memory_space<vmem_shared>> -> memref<80x128xf32, #tpu.memory_space<vmem_shared>>
          tpu.enqueue_dma source(%dma_start3A_72 : memref<80x128xf32, #tpu.memory_space<vmem_shared>>) target(%dma_start3A_70 : memref<80x128xf32, #tpu.memory_space<hbm>>) target_semaphore(%run_scoped3A : memref<!tpu.dma_semaphore, #tpu.memory_space<semaphore_mem>>)
          %dma_wait3A = arith.constant 0 : i32
          %dma_wait3A_73 = tpu.memref_slice %arg6[%add3A_68, %dma_wait3A] : memref<20000x128xf32, #tpu.memory_space<hbm>> -> memref<80x128xf32, #tpu.memory_space<hbm>>
          %dma_wait3A_74 = arith.constant 0 : i32
          %dma_wait3A_75 = tpu.memref_slice %arg14[%mul3A_63, %dma_wait3A_74] : memref<10256x128xf32, #tpu.memory_space<vmem_shared>> -> memref<80x128xf32, #tpu.memory_space<vmem_shared>>
          tpu.wait_dma2 semaphore(%run_scoped3A : memref<!tpu.dma_semaphore, #tpu.memory_space<semaphore_mem>>) src(%dma_wait3A_75 : memref<80x128xf32, #tpu.memory_space<vmem_shared>>) dst(%dma_wait3A_73 : memref<80x128xf32, #tpu.memory_space<hbm>>)
          tpu.yield
        }) : () -> ()
      } else {
      }
    }
    %scan3A_43 = arith.constant 8 : i32
    %eq3A_44 = arith.constant 0 : i32
    %eq3A_45 = arith.cmpi eq, %arg1, %eq3A_44 : i32
    %convert_element_type3A_46 = arith.extui %eq3A_45 : i1 to i32
    %cond3A_47 = arith.constant 0 : i32
    %cond3A_48 = arith.cmpi ne, %convert_element_type3A_46, %cond3A_47 : i32
    scf.if %cond3A_48 {
      %mul3A_49 = arith.constant 64 : i32
      %mul3A_50 = arith.muli %arg0, %mul3A_49 : i32
      "tpu.region"() ({
        %run_scoped3A = tpu.sem_alloc : memref<!tpu.dma_semaphore, #tpu.memory_space<semaphore_mem>>
        %dma_start3A_51 = arith.constant 0 : i32
        %dma_start3A_52 = tpu.memref_slice %arg7[%mul3A_50, %dma_start3A_51] : memref<128x128xf32, #tpu.memory_space<hbm>> -> memref<64x128xf32, #tpu.memory_space<hbm>>
        tpu.enqueue_dma source(%arg15 : memref<64x128xf32, #tpu.memory_space<vmem_shared>>) target(%dma_start3A_52 : memref<64x128xf32, #tpu.memory_space<hbm>>) target_semaphore(%run_scoped3A : memref<!tpu.dma_semaphore, #tpu.memory_space<semaphore_mem>>)
        %dma_wait3A = arith.constant 0 : i32
        %dma_wait3A_53 = tpu.memref_slice %arg7[%mul3A_50, %dma_wait3A] : memref<128x128xf32, #tpu.memory_space<hbm>> -> memref<64x128xf32, #tpu.memory_space<hbm>>
        tpu.wait_dma2 semaphore(%run_scoped3A : memref<!tpu.dma_semaphore, #tpu.memory_space<semaphore_mem>>) src(%arg15 : memref<64x128xf32, #tpu.memory_space<vmem_shared>>) dst(%dma_wait3A_53 : memref<64x128xf32, #tpu.memory_space<hbm>>)
        tpu.yield
      }) : () -> ()
    } else {
    }
    return
  }
}

module attributes {stable_mosaic.version = 14 : i64} {
  func.func @body(%arg0: i32, %arg1: memref<2000x128xf32, #tpu.memory_space<vmem>>, %arg2: memref<1x128x128xf32, #tpu.memory_space<vmem>>, %arg3: memref<2000x128xf32, #tpu.memory_space<vmem>>) attributes {dimension_semantics = [#tpu.dimension_semantics<arbitrary>], iteration_bounds = array<i64: 10>, scalar_prefetch = 0 : i64, scratch_operands = 0 : i64, tpu.core_type = #tpu.core_type<tc>, window_params = [{transform_indices = @transform_0, window_bounds = array<i64: 2000, 128>}, {transform_indices = @transform_1, window_bounds = array<i64: 1, 128, 128>}, {transform_indices = @transform_2, window_bounds = array<i64: 2000, 128>}]} {
    %get3A = arith.constant 0 : index
    %get3A_0 = arith.constant 0 : index
    %get3A_1 = vector.load %arg1[%get3A, %get3A_0] : memref<2000x128xf32, #tpu.memory_space<vmem>>, vector<2000x128xf32>
    %get3A_2 = arith.constant 0 : index
    %get3A_3 = arith.constant 0 : index
    %get3A_4 = arith.constant 0 : index
    %get3A_5 = vector.load %arg2[%get3A_2, %get3A_3, %get3A_4] : memref<1x128x128xf32, #tpu.memory_space<vmem>>, vector<1x128x128xf32>
    %get3A_6 = vector.shape_cast %get3A_5 : vector<1x128x128xf32> to vector<128x128xf32>
    %transpose3A = tpu.transpose %get3A_6, [1, 0] : vector<128x128xf32> -> vector<128x128xf32>
    %convert_element_type3A = arith.truncf %get3A_1 : vector<2000x128xf32> to vector<2000x128xbf16>
    %convert_element_type3A_7 = arith.truncf %transpose3A : vector<128x128xf32> to vector<128x128xbf16>
    %dot_general3A = arith.constant dense<0.000000e+00> : vector<2000x128xf32>
    %dot_general3A_8 = tpu.matmul %convert_element_type3A, %convert_element_type3A_7, %dot_general3A {dimension_numbers = #tpu.dot_dimension_numbers<[1], [0], [0], [1], [0, 0, 1, 1], [], []>, transpose_lhs_hint = false} : vector<2000x128xbf16>, vector<128x128xbf16>, vector<2000x128xf32> -> vector<2000x128xf32>
    %swap3A = arith.constant 0 : index
    %swap3A_9 = arith.constant 0 : index
    %swap3A_10 = vector.load %arg3[%swap3A, %swap3A_9] : memref<2000x128xf32, #tpu.memory_space<vmem>>, vector<2000x128xf32>
    tpu.vector_store %arg3[%swap3A, %swap3A_9], %dot_general3A_8 {strides = array<i32>} : memref<2000x128xf32, #tpu.memory_space<vmem>>, vector<2000x128xf32>,
    return
  }
  func.func @transform_0(%arg0: i32) -> (i32, i32) {
    %c0_i32 = arith.constant 0 : i32
    %c0_i32_0 = arith.constant 0 : i32
    return %arg0, %c0_i32 : i32, i32
  }
  func.func @transform_1(%arg0: i32) -> (i32, i32, i32) {
    %jit3A = arith.constant 5 : i32
    %div3A = arith.divsi %arg0, %jit3A : i32
    %sign3A = arith.constant 0 : i32
    %sign3A_0 = arith.cmpi sgt, %arg0, %sign3A : i32
    %sign3A_1 = arith.extui %sign3A_0 : i1 to i32
    %sign3A_2 = arith.constant 0 : i32
    %sign3A_3 = arith.cmpi slt, %arg0, %sign3A_2 : i32
    %sign3A_4 = arith.extui %sign3A_3 : i1 to i32
    %sign3A_5 = arith.subi %sign3A_1, %sign3A_4 : i32
    %sign3A_6 = arith.constant 0 : i32
    %sign3A_7 = arith.cmpi sgt, %jit3A, %sign3A_6 : i32
    %sign3A_8 = arith.extui %sign3A_7 : i1 to i32
    %sign3A_9 = arith.constant 0 : i32
    %sign3A_10 = arith.cmpi slt, %jit3A, %sign3A_9 : i32
    %sign3A_11 = arith.extui %sign3A_10 : i1 to i32
    %sign3A_12 = arith.subi %sign3A_8, %sign3A_11 : i32
    %ne3A = arith.cmpi ne, %sign3A_5, %sign3A_12 : i32
    %rem3A = arith.remsi %arg0, %jit3A : i32
    %ne3A_13 = arith.constant 0 : i32
    %ne3A_14 = arith.cmpi ne, %rem3A, %ne3A_13 : i32
    %and3A = arith.andi %ne3A, %ne3A_14 : i1
    %sub3A = arith.constant 1 : i32
    %sub3A_15 = arith.subi %div3A, %sub3A : i32
    %select_n3A = arith.select %and3A, %sub3A_15, %div3A : i32
    %c0_i32 = arith.constant 0 : i32
    %c0_i32_16 = arith.constant 0 : i32
    %c0_i32_17 = arith.constant 0 : i32
    return %select_n3A, %c0_i32, %c0_i32_16 : i32, i32, i32
  }
  func.func @transform_2(%arg0: i32) -> (i32, i32) {
    %c0_i32 = arith.constant 0 : i32
    %c0_i32_0 = arith.constant 0 : i32
    return %arg0, %c0_i32 : i32, i32
  }
}

module attributes {stable_mosaic.version = 14 : i64} {
  func.func @body(%arg0: i32, %arg1: memref<2000x128xf32, #tpu.memory_space<vmem>>, %arg2: memref<2000x128xf32, #tpu.memory_space<vmem>>, %arg3: memref<2000x128xf32, #tpu.memory_space<vmem>>, %arg4: memref<2000x1xf32, #tpu.memory_space<vmem>>) attributes {dimension_semantics = [#tpu.dimension_semantics<arbitrary>], iteration_bounds = array<i64: 10>, scalar_prefetch = 0 : i64, scratch_operands = 0 : i64, tpu.core_type = #tpu.core_type<tc>, window_params = [{transform_indices = @transform_0, window_bounds = array<i64: 2000, 128>}, {transform_indices = @transform_1, window_bounds = array<i64: 2000, 128>}, {transform_indices = @transform_2, window_bounds = array<i64: 2000, 128>}, {transform_indices = @transform_3, window_bounds = array<i64: 2000, 1>}]} {
    %get3A = arith.constant 0 : index
    %get3A_0 = arith.constant 0 : index
    %get3A_1 = vector.load %arg1[%get3A, %get3A_0] : memref<2000x128xf32, #tpu.memory_space<vmem>>, vector<2000x1xf32>
    %add3A = arith.constant 1.000000e+00 : f32
    %add3A_2 = vector.broadcast %add3A : f32 to vector<2000x1xf32>
    %add3A_3 = arith.addf %get3A_1, %add3A_2 : vector<2000x1xf32>
    %rsqrt3A = math.rsqrt %add3A_3 : vector<2000x1xf32>
    %swap3A = arith.constant 0 : index
    %swap3A_4 = arith.constant 0 : index
    %swap3A_5 = vector.load %arg4[%swap3A, %swap3A_4] : memref<2000x1xf32, #tpu.memory_space<vmem>>, vector<2000x1xf32>
    tpu.vector_store %arg4[%swap3A, %swap3A_4], %rsqrt3A {strides = array<i32>} : memref<2000x1xf32, #tpu.memory_space<vmem>>, vector<2000x1xf32>,
    %get3A_6 = arith.constant 0 : index
    %get3A_7 = arith.constant 0 : index
    %get3A_8 = vector.load %arg2[%get3A_6, %get3A_7] : memref<2000x128xf32, #tpu.memory_space<vmem>>, vector<2000x128xf32>
    %mul3A = vector.broadcast %rsqrt3A : vector<2000x1xf32> to vector<2000x128xf32>
    %mul3A_9 = arith.mulf %get3A_8, %mul3A : vector<2000x128xf32>
    %swap3A_10 = arith.constant 0 : index
    %swap3A_11 = arith.constant 0 : index
    %swap3A_12 = vector.load %arg3[%swap3A_10, %swap3A_11] : memref<2000x128xf32, #tpu.memory_space<vmem>>, vector<2000x128xf32>
    tpu.vector_store %arg3[%swap3A_10, %swap3A_11], %mul3A_9 {strides = array<i32>} : memref<2000x128xf32, #tpu.memory_space<vmem>>, vector<2000x128xf32>,
    return
  }
  func.func @transform_0(%arg0: i32) -> (i32, i32) {
    %c0_i32 = arith.constant 0 : i32
    %c0_i32_0 = arith.constant 0 : i32
    return %arg0, %c0_i32 : i32, i32
  }
  func.func @transform_1(%arg0: i32) -> (i32, i32) {
    %c0_i32 = arith.constant 0 : i32
    %c0_i32_0 = arith.constant 0 : i32
    return %arg0, %c0_i32 : i32, i32
  }
  func.func @transform_2(%arg0: i32) -> (i32, i32) {
    %c0_i32 = arith.constant 0 : i32
    %c0_i32_0 = arith.constant 0 : i32
    return %arg0, %c0_i32 : i32, i32
  }
  func.func @transform_3(%arg0: i32) -> (i32, i32) {
    %c0_i32 = arith.constant 0 : i32
    %c0_i32_0 = arith.constant 0 : i32
    return %arg0, %c0_i32 : i32, i32
  }
}

module attributes {stable_mosaic.version = 14 : i64} {
  func.func @body(%arg0: i32, %arg1: memref<2000x128xf32, #tpu.memory_space<vmem>>, %arg2: memref<2000x128xf32, #tpu.memory_space<vmem>>, %arg3: memref<2000x1xf32, #tpu.memory_space<vmem>>, %arg4: memref<1x1x128xf32, #tpu.memory_space<vmem>>, %arg5: memref<1x128x128xf32, #tpu.memory_space<vmem>>, %arg6: memref<2000x128xf32, #tpu.memory_space<vmem>>) attributes {dimension_semantics = [#tpu.dimension_semantics<arbitrary>], iteration_bounds = array<i64: 10>, scalar_prefetch = 0 : i64, scratch_operands = 0 : i64, tpu.core_type = #tpu.core_type<tc>, window_params = [{transform_indices = @transform_0, window_bounds = array<i64: 2000, 128>}, {transform_indices = @transform_1, window_bounds = array<i64: 2000, 128>}, {transform_indices = @transform_2, window_bounds = array<i64: 2000, 1>}, {transform_indices = @transform_3, window_bounds = array<i64: 1, 1, 128>}, {transform_indices = @transform_4, window_bounds = array<i64: 1, 128, 128>}, {transform_indices = @transform_5, window_bounds = array<i64: 2000, 128>}]} {
    %get3A = arith.constant 0 : index
    %get3A_0 = arith.constant 0 : index
    %get3A_1 = vector.load %arg3[%get3A, %get3A_0] : memref<2000x1xf32, #tpu.memory_space<vmem>>, vector<2000x1xf32>
    %get3A_2 = arith.constant 0 : index
    %get3A_3 = arith.constant 0 : index
    %get3A_4 = vector.load %arg1[%get3A_2, %get3A_3] : memref<2000x128xf32, #tpu.memory_space<vmem>>, vector<2000x128xf32>
    %get3A_5 = arith.constant 0 : index
    %get3A_6 = arith.constant 0 : index
    %get3A_7 = vector.load %arg2[%get3A_5, %get3A_6] : memref<2000x128xf32, #tpu.memory_space<vmem>>, vector<2000x128xf32>
    %add3A = arith.addf %get3A_4, %get3A_7 : vector<2000x128xf32>
    %mul3A = vector.broadcast %get3A_1 : vector<2000x1xf32> to vector<2000x128xf32>
    %mul3A_8 = arith.mulf %mul3A, %add3A : vector<2000x128xf32>
    %get3A_9 = arith.constant 0 : index
    %get3A_10 = arith.constant 0 : index
    %get3A_11 = arith.constant 0 : index
    %get3A_12 = vector.load %arg4[%get3A_9, %get3A_10, %get3A_11] : memref<1x1x128xf32, #tpu.memory_space<vmem>>, vector<1x1x128xf32>
    %get3A_13 = vector.shape_cast %get3A_12 : vector<1x1x128xf32> to vector<1x128xf32>
    %add3A_14 = vector.broadcast %get3A_13 : vector<1x128xf32> to vector<2000x128xf32>
    %add3A_15 = arith.addf %mul3A_8, %add3A_14 : vector<2000x128xf32>
    %max3A = arith.constant 0.000000e+00 : f32
    %max3A_16 = vector.broadcast %max3A : f32 to vector<2000x128xf32>
    %max3A_17 = arith.maximumf %add3A_15, %max3A_16 : vector<2000x128xf32>
    %get3A_18 = arith.constant 0 : index
    %get3A_19 = arith.constant 0 : index
    %get3A_20 = arith.constant 0 : index
    %get3A_21 = vector.load %arg5[%get3A_18, %get3A_19, %get3A_20] : memref<1x128x128xf32, #tpu.memory_space<vmem>>, vector<1x128x128xf32>
    %get3A_22 = vector.shape_cast %get3A_21 : vector<1x128x128xf32> to vector<128x128xf32>
    %transpose3A = tpu.transpose %get3A_22, [1, 0] : vector<128x128xf32> -> vector<128x128xf32>
    %convert_element_type3A = arith.truncf %max3A_17 : vector<2000x128xf32> to vector<2000x128xbf16>
    %convert_element_type3A_23 = arith.truncf %transpose3A : vector<128x128xf32> to vector<128x128xbf16>
    %dot_general3A = arith.constant dense<0.000000e+00> : vector<2000x128xf32>
    %dot_general3A_24 = tpu.matmul %convert_element_type3A, %convert_element_type3A_23, %dot_general3A {dimension_numbers = #tpu.dot_dimension_numbers<[1], [0], [0], [1], [0, 0, 1, 1], [], []>, transpose_lhs_hint = false} : vector<2000x128xbf16>, vector<128x128xbf16>, vector<2000x128xf32> -> vector<2000x128xf32>
    %mul3A_25 = vector.broadcast %get3A_1 : vector<2000x1xf32> to vector<2000x128xf32>
    %mul3A_26 = arith.mulf %mul3A_25, %dot_general3A_24 : vector<2000x128xf32>
    %swap3A = arith.constant 0 : index
    %swap3A_27 = arith.constant 0 : index
    %swap3A_28 = vector.load %arg6[%swap3A, %swap3A_27] : memref<2000x128xf32, #tpu.memory_space<vmem>>, vector<2000x128xf32>
    tpu.vector_store %arg6[%swap3A, %swap3A_27], %mul3A_26 {strides = array<i32>} : memref<2000x128xf32, #tpu.memory_space<vmem>>, vector<2000x128xf32>,
    return
  }
  func.func @transform_0(%arg0: i32) -> (i32, i32) {
    %c0_i32 = arith.constant 0 : i32
    %c0_i32_0 = arith.constant 0 : i32
    return %arg0, %c0_i32 : i32, i32
  }
  func.func @transform_1(%arg0: i32) -> (i32, i32) {
    %c0_i32 = arith.constant 0 : i32
    %c0_i32_0 = arith.constant 0 : i32
    return %arg0, %c0_i32 : i32, i32
  }
  func.func @transform_2(%arg0: i32) -> (i32, i32) {
    %c0_i32 = arith.constant 0 : i32
    %c0_i32_0 = arith.constant 0 : i32
    return %arg0, %c0_i32 : i32, i32
  }
  func.func @transform_3(%arg0: i32) -> (i32, i32, i32) {
    %jit3A = arith.constant 5 : i32
    %div3A = arith.divsi %arg0, %jit3A : i32
    %sign3A = arith.constant 0 : i32
    %sign3A_0 = arith.cmpi sgt, %arg0, %sign3A : i32
    %sign3A_1 = arith.extui %sign3A_0 : i1 to i32
    %sign3A_2 = arith.constant 0 : i32
    %sign3A_3 = arith.cmpi slt, %arg0, %sign3A_2 : i32
    %sign3A_4 = arith.extui %sign3A_3 : i1 to i32
    %sign3A_5 = arith.subi %sign3A_1, %sign3A_4 : i32
    %sign3A_6 = arith.constant 0 : i32
    %sign3A_7 = arith.cmpi sgt, %jit3A, %sign3A_6 : i32
    %sign3A_8 = arith.extui %sign3A_7 : i1 to i32
    %sign3A_9 = arith.constant 0 : i32
    %sign3A_10 = arith.cmpi slt, %jit3A, %sign3A_9 : i32
    %sign3A_11 = arith.extui %sign3A_10 : i1 to i32
    %sign3A_12 = arith.subi %sign3A_8, %sign3A_11 : i32
    %ne3A = arith.cmpi ne, %sign3A_5, %sign3A_12 : i32
    %rem3A = arith.remsi %arg0, %jit3A : i32
    %ne3A_13 = arith.constant 0 : i32
    %ne3A_14 = arith.cmpi ne, %rem3A, %ne3A_13 : i32
    %and3A = arith.andi %ne3A, %ne3A_14 : i1
    %sub3A = arith.constant 1 : i32
    %sub3A_15 = arith.subi %div3A, %sub3A : i32
    %select_n3A = arith.select %and3A, %sub3A_15, %div3A : i32
    %c0_i32 = arith.constant 0 : i32
    %c0_i32_16 = arith.constant 0 : i32
    %c0_i32_17 = arith.constant 0 : i32
    return %select_n3A, %c0_i32, %c0_i32_16 : i32, i32, i32
  }
  func.func @transform_4(%arg0: i32) -> (i32, i32, i32) {
    %jit3A = arith.constant 5 : i32
    %div3A = arith.divsi %arg0, %jit3A : i32
    %sign3A = arith.constant 0 : i32
    %sign3A_0 = arith.cmpi sgt, %arg0, %sign3A : i32
    %sign3A_1 = arith.extui %sign3A_0 : i1 to i32
    %sign3A_2 = arith.constant 0 : i32
    %sign3A_3 = arith.cmpi slt, %arg0, %sign3A_2 : i32
    %sign3A_4 = arith.extui %sign3A_3 : i1 to i32
    %sign3A_5 = arith.subi %sign3A_1, %sign3A_4 : i32
    %sign3A_6 = arith.constant 0 : i32
    %sign3A_7 = arith.cmpi sgt, %jit3A, %sign3A_6 : i32
    %sign3A_8 = arith.extui %sign3A_7 : i1 to i32
    %sign3A_9 = arith.constant 0 : i32
    %sign3A_10 = arith.cmpi slt, %jit3A, %sign3A_9 : i32
    %sign3A_11 = arith.extui %sign3A_10 : i1 to i32
    %sign3A_12 = arith.subi %sign3A_8, %sign3A_11 : i32
    %ne3A = arith.cmpi ne, %sign3A_5, %sign3A_12 : i32
    %rem3A = arith.remsi %arg0, %jit3A : i32
    %ne3A_13 = arith.constant 0 : i32
    %ne3A_14 = arith.cmpi ne, %rem3A, %ne3A_13 : i32
    %and3A = arith.andi %ne3A, %ne3A_14 : i1
    %sub3A = arith.constant 1 : i32
    %sub3A_15 = arith.subi %div3A, %sub3A : i32
    %select_n3A = arith.select %and3A, %sub3A_15, %div3A : i32
    %c0_i32 = arith.constant 0 : i32
    %c0_i32_16 = arith.constant 0 : i32
    %c0_i32_17 = arith.constant 0 : i32
    return %select_n3A, %c0_i32, %c0_i32_16 : i32, i32, i32
  }
  func.func @transform_5(%arg0: i32) -> (i32, i32) {
    %c0_i32 = arith.constant 0 : i32
    %c0_i32_0 = arith.constant 0 : i32
    return %arg0, %c0_i32 : i32, i32
  }
}

module attributes {stable_mosaic.version = 14 : i64} {
  func.func @body(%arg0: i32, %arg1: memref<2000x128xf32, #tpu.memory_space<vmem>>, %arg2: memref<2000x128xf32, #tpu.memory_space<vmem>>, %arg3: memref<2000x1xf32, #tpu.memory_space<vmem>>, %arg4: memref<1x1x128xf32, #tpu.memory_space<vmem>>, %arg5: memref<1x1x2000xf32, #tpu.memory_space<vmem>>, %arg6: memref<1x64x128xf32, #tpu.memory_space<vmem>>) attributes {dimension_semantics = [#tpu.dimension_semantics<arbitrary>], iteration_bounds = array<i64: 10>, scalar_prefetch = 0 : i64, scratch_operands = 0 : i64, tpu.core_type = #tpu.core_type<tc>, window_params = [{transform_indices = @transform_0, window_bounds = array<i64: 2000, 128>}, {transform_indices = @transform_1, window_bounds = array<i64: 2000, 128>}, {transform_indices = @transform_2, window_bounds = array<i64: 2000, 1>}, {transform_indices = @transform_3, window_bounds = array<i64: 1, 1, 128>}, {transform_indices = @transform_4, window_bounds = array<i64: 1, 1, 2000>}, {transform_indices = @transform_5, window_bounds = array<i64: 1, 64, 128>}]} {
    %get3A = arith.constant 0 : index
    %get3A_0 = arith.constant 0 : index
    %get3A_1 = vector.load %arg3[%get3A, %get3A_0] : memref<2000x1xf32, #tpu.memory_space<vmem>>, vector<2000x1xf32>
    %get3A_2 = arith.constant 0 : index
    %get3A_3 = arith.constant 0 : index
    %get3A_4 = vector.load %arg1[%get3A_2, %get3A_3] : memref<2000x128xf32, #tpu.memory_space<vmem>>, vector<2000x128xf32>
    %get3A_5 = arith.constant 0 : index
    %get3A_6 = arith.constant 0 : index
    %get3A_7 = vector.load %arg2[%get3A_5, %get3A_6] : memref<2000x128xf32, #tpu.memory_space<vmem>>, vector<2000x128xf32>
    %add3A = arith.addf %get3A_4, %get3A_7 : vector<2000x128xf32>
    %mul3A = vector.broadcast %get3A_1 : vector<2000x1xf32> to vector<2000x128xf32>
    %mul3A_8 = arith.mulf %mul3A, %add3A : vector<2000x128xf32>
    %get3A_9 = arith.constant 0 : index
    %get3A_10 = arith.constant 0 : index
    %get3A_11 = arith.constant 0 : index
    %get3A_12 = vector.load %arg4[%get3A_9, %get3A_10, %get3A_11] : memref<1x1x128xf32, #tpu.memory_space<vmem>>, vector<1x1x128xf32>
    %get3A_13 = vector.shape_cast %get3A_12 : vector<1x1x128xf32> to vector<1x128xf32>
    %add3A_14 = vector.broadcast %get3A_13 : vector<1x128xf32> to vector<2000x128xf32>
    %add3A_15 = arith.addf %mul3A_8, %add3A_14 : vector<2000x128xf32>
    %max3A = arith.constant 0.000000e+00 : f32
    %max3A_16 = vector.broadcast %max3A : f32 to vector<2000x128xf32>
    %max3A_17 = arith.maximumf %add3A_15, %max3A_16 : vector<2000x128xf32>
    %iota3A = tpu.iota {dimensions = array<i32: 0>} : vector<64x1xi32>
    %convert_element_type3A = arith.sitofp %iota3A : vector<64x1xi32> to vector<64x1xf32>
    %get3A_18 = arith.constant 0 : index
    %get3A_19 = arith.constant 0 : index
    %get3A_20 = arith.constant 0 : index
    %get3A_21 = vector.load %arg5[%get3A_18, %get3A_19, %get3A_20] : memref<1x1x2000xf32, #tpu.memory_space<vmem>>, vector<1x1x2000xf32>
    %get3A_22 = vector.shape_cast %get3A_21 : vector<1x1x2000xf32> to vector<1x2000xf32>
    %eq3A = vector.broadcast %get3A_22 : vector<1x2000xf32> to vector<64x2000xf32>
    %eq3A_23 = vector.broadcast %convert_element_type3A : vector<64x1xf32> to vector<64x2000xf32>
    %eq3A_24 = arith.cmpf oeq, %eq3A, %eq3A_23 : vector<64x2000xf32>
    %convert_element_type3A_25 = arith.extui %eq3A_24 : vector<64x2000xi1> to vector<64x2000xi32>
    %convert_element_type3A_26 = arith.sitofp %convert_element_type3A_25 : vector<64x2000xi32> to vector<64x2000xf32>
    %dot_general3A = arith.constant dense<0.000000e+00> : vector<64x128xf32>
    %dot_general3A_27 = tpu.matmul %convert_element_type3A_26, %max3A_17, %dot_general3A {dimension_numbers = #tpu.dot_dimension_numbers<[1], [0], [0], [1], [0, 0, 1, 1], [], []>, precision = #tpu.contract_precision<fp32>, transpose_lhs_hint = false} : vector<64x2000xf32>, vector<2000x128xf32>, vector<64x128xf32> -> vector<64x128xf32>
    %jit3A = arith.constant 5 : i32
    %eq3A_28 = arith.constant 0 : i32
    %eq3A_29 = arith.cmpi eq, %jit3A, %eq3A_28 : i32
    %jit3A_30 = arith.constant 1 : i32
    %select_n3A = arith.select %eq3A_29, %jit3A_30, %jit3A : i32
    %rem3A = arith.remsi %arg0, %select_n3A : i32
    %ne3A = arith.constant 0 : i32
    %ne3A_31 = arith.cmpi ne, %rem3A, %ne3A : i32
    %lt3A = arith.constant 0 : i32
    %lt3A_32 = arith.cmpi slt, %rem3A, %lt3A : i32
    %lt3A_33 = arith.constant 0 : i32
    %lt3A_34 = arith.cmpi slt, %select_n3A, %lt3A_33 : i32
    %ne3A_35 = arith.xori %lt3A_32, %lt3A_34 : i1
    %and3A = arith.andi %ne3A_35, %ne3A_31 : i1
    %add3A_36 = arith.addi %rem3A, %select_n3A : i32
    %select_n3A_37 = arith.select %and3A, %add3A_36, %rem3A : i32
    %eq3A_38 = arith.constant 0 : i32
    %eq3A_39 = arith.cmpi eq, %select_n3A_37, %eq3A_38 : i32
    %convert_element_type3A_40 = arith.extui %eq3A_39 : i1 to i32
    %cond3A = arith.constant 0 : i32
    %cond3A_41 = arith.cmpi ne, %convert_element_type3A_40, %cond3A : i32
    scf.if %cond3A_41 {
      %broadcast_in_dim3A = arith.constant 0.000000e+00 : f32
      %broadcast_in_dim3A_53 = vector.broadcast %broadcast_in_dim3A : f32 to vector<1x64x128xf32>
      %swap3A_54 = arith.constant 0 : index
      %swap3A_55 = arith.constant 0 : index
      %swap3A_56 = arith.constant 0 : index
      %swap3A_57 = vector.load %arg6[%swap3A_54, %swap3A_55, %swap3A_56] : memref<1x64x128xf32, #tpu.memory_space<vmem>>, vector<1x64x128xf32>
      tpu.vector_store %arg6[%swap3A_54, %swap3A_55, %swap3A_56], %broadcast_in_dim3A_53 {strides = array<i32>} : memref<1x64x128xf32, #tpu.memory_space<vmem>>, vector<1x64x128xf32>,
    } else {
    }
    %get3A_42 = arith.constant 0 : index
    %get3A_43 = arith.constant 0 : index
    %get3A_44 = arith.constant 0 : index
    %get3A_45 = vector.load %arg6[%get3A_42, %get3A_43, %get3A_44] : memref<1x64x128xf32, #tpu.memory_space<vmem>>, vector<1x64x128xf32>
    %get3A_46 = vector.shape_cast %get3A_45 : vector<1x64x128xf32> to vector<64x128xf32>
    %add3A_47 = arith.addf %get3A_46, %dot_general3A_27 : vector<64x128xf32>
    %swap3A = arith.constant 0 : index
    %swap3A_48 = arith.constant 0 : index
    %swap3A_49 = arith.constant 0 : index
    %swap3A_50 = vector.load %arg6[%swap3A, %swap3A_48, %swap3A_49] : memref<1x64x128xf32, #tpu.memory_space<vmem>>, vector<1x64x128xf32>
    %swap3A_51 = vector.shape_cast %swap3A_50 : vector<1x64x128xf32> to vector<64x128xf32>
    %swap3A_52 = vector.shape_cast %add3A_47 : vector<64x128xf32> to vector<1x64x128xf32>
    tpu.vector_store %arg6[%swap3A, %swap3A_48, %swap3A_49], %swap3A_52 {strides = array<i32>} : memref<1x64x128xf32, #tpu.memory_space<vmem>>, vector<1x64x128xf32>,
    return
  }
  func.func @transform_0(%arg0: i32) -> (i32, i32) {
    %c0_i32 = arith.constant 0 : i32
    %c0_i32_0 = arith.constant 0 : i32
    return %arg0, %c0_i32 : i32, i32
  }
  func.func @transform_1(%arg0: i32) -> (i32, i32) {
    %c0_i32 = arith.constant 0 : i32
    %c0_i32_0 = arith.constant 0 : i32
    return %arg0, %c0_i32 : i32, i32
  }
  func.func @transform_2(%arg0: i32) -> (i32, i32) {
    %c0_i32 = arith.constant 0 : i32
    %c0_i32_0 = arith.constant 0 : i32
    return %arg0, %c0_i32 : i32, i32
  }
  func.func @transform_3(%arg0: i32) -> (i32, i32, i32) {
    %jit3A = arith.constant 5 : i32
    %div3A = arith.divsi %arg0, %jit3A : i32
    %sign3A = arith.constant 0 : i32
    %sign3A_0 = arith.cmpi sgt, %arg0, %sign3A : i32
    %sign3A_1 = arith.extui %sign3A_0 : i1 to i32
    %sign3A_2 = arith.constant 0 : i32
    %sign3A_3 = arith.cmpi slt, %arg0, %sign3A_2 : i32
    %sign3A_4 = arith.extui %sign3A_3 : i1 to i32
    %sign3A_5 = arith.subi %sign3A_1, %sign3A_4 : i32
    %sign3A_6 = arith.constant 0 : i32
    %sign3A_7 = arith.cmpi sgt, %jit3A, %sign3A_6 : i32
    %sign3A_8 = arith.extui %sign3A_7 : i1 to i32
    %sign3A_9 = arith.constant 0 : i32
    %sign3A_10 = arith.cmpi slt, %jit3A, %sign3A_9 : i32
    %sign3A_11 = arith.extui %sign3A_10 : i1 to i32
    %sign3A_12 = arith.subi %sign3A_8, %sign3A_11 : i32
    %ne3A = arith.cmpi ne, %sign3A_5, %sign3A_12 : i32
    %rem3A = arith.remsi %arg0, %jit3A : i32
    %ne3A_13 = arith.constant 0 : i32
    %ne3A_14 = arith.cmpi ne, %rem3A, %ne3A_13 : i32
    %and3A = arith.andi %ne3A, %ne3A_14 : i1
    %sub3A = arith.constant 1 : i32
    %sub3A_15 = arith.subi %div3A, %sub3A : i32
    %select_n3A = arith.select %and3A, %sub3A_15, %div3A : i32
    %c0_i32 = arith.constant 0 : i32
    %c0_i32_16 = arith.constant 0 : i32
    %c0_i32_17 = arith.constant 0 : i32
    return %select_n3A, %c0_i32, %c0_i32_16 : i32, i32, i32
  }
  func.func @transform_4(%arg0: i32) -> (i32, i32, i32) {
    %c0_i32 = arith.constant 0 : i32
    %c0_i32_0 = arith.constant 0 : i32
    %c0_i32_1 = arith.constant 0 : i32
    return %arg0, %c0_i32, %c0_i32_0 : i32, i32, i32
  }
  func.func @transform_5(%arg0: i32) -> (i32, i32, i32) {
    %jit3A = arith.constant 5 : i32
    %div3A = arith.divsi %arg0, %jit3A : i32
    %sign3A = arith.constant 0 : i32
    %sign3A_0 = arith.cmpi sgt, %arg0, %sign3A : i32
    %sign3A_1 = arith.extui %sign3A_0 : i1 to i32
    %sign3A_2 = arith.constant 0 : i32
    %sign3A_3 = arith.cmpi slt, %arg0, %sign3A_2 : i32
    %sign3A_4 = arith.extui %sign3A_3 : i1 to i32
    %sign3A_5 = arith.subi %sign3A_1, %sign3A_4 : i32
    %sign3A_6 = arith.constant 0 : i32
    %sign3A_7 = arith.cmpi sgt, %jit3A, %sign3A_6 : i32
    %sign3A_8 = arith.extui %sign3A_7 : i1 to i32
    %sign3A_9 = arith.constant 0 : i32
    %sign3A_10 = arith.cmpi slt, %jit3A, %sign3A_9 : i32
    %sign3A_11 = arith.extui %sign3A_10 : i1 to i32
    %sign3A_12 = arith.subi %sign3A_8, %sign3A_11 : i32
    %ne3A = arith.cmpi ne, %sign3A_5, %sign3A_12 : i32
    %rem3A = arith.remsi %arg0, %jit3A : i32
    %ne3A_13 = arith.constant 0 : i32
    %ne3A_14 = arith.cmpi ne, %rem3A, %ne3A_13 : i32
    %and3A = arith.andi %ne3A, %ne3A_14 : i1
    %sub3A = arith.constant 1 : i32
    %sub3A_15 = arith.subi %div3A, %sub3A : i32
    %select_n3A = arith.select %and3A, %sub3A_15, %div3A : i32
    %c0_i32 = arith.constant 0 : i32
    %c0_i32_16 = arith.constant 0 : i32
    %c0_i32_17 = arith.constant 0 : i32
    return %select_n3A, %c0_i32, %c0_i32_16 : i32, i32, i32
  }
}

module attributes {stable_mosaic.version = 14 : i64} {
  func.func @body(%arg0: memref<2x64x128xf32, #tpu.memory_space<vmem>>, %arg1: memref<128x128xf32, #tpu.memory_space<vmem>>, %arg2: memref<128x256xf32, #tpu.memory_space<vmem>>, %arg3: memref<128xf32, #tpu.memory_space<vmem>>, %arg4: memref<128x128xf32, #tpu.memory_space<vmem>>, %arg5: memref<128xf32, #tpu.memory_space<vmem>>, %arg6: memref<128x128xf32, #tpu.memory_space<vmem>>, %arg7: memref<128xf32, #tpu.memory_space<vmem>>, %arg8: memref<4x128xf32, #tpu.memory_space<vmem>>, %arg9: memref<4xf32, #tpu.memory_space<vmem>>, %arg10: memref<64x4xf32, #tpu.memory_space<vmem>>) attributes {dimension_semantics = [], scalar_prefetch = 0 : i64, scratch_operands = 0 : i64, tpu.core_type = #tpu.core_type<tc>} {
    %get3A = arith.constant 0 : index
    %get3A_0 = arith.constant 0 : index
    %get3A_1 = arith.constant 0 : index
    %get3A_2 = vector.load %arg0[%get3A, %get3A_0, %get3A_1] : memref<2x64x128xf32, #tpu.memory_space<vmem>>, vector<1x64x128xf32>
    %get3A_3 = vector.shape_cast %get3A_2 : vector<1x64x128xf32> to vector<64x128xf32>
    %get3A_4 = arith.constant 0 : index
    %get3A_5 = arith.constant 0 : index
    %get3A_6 = vector.load %arg1[%get3A_4, %get3A_5] : memref<128x128xf32, #tpu.memory_space<vmem>>, vector<64x1xf32>
    %max3A = arith.constant 1.000000e+00 : f32
    %max3A_7 = vector.broadcast %max3A : f32 to vector<64x1xf32>
    %max3A_8 = arith.maximumf %get3A_6, %max3A_7 : vector<64x1xf32>
    %div3A = vector.broadcast %max3A_8 : vector<64x1xf32> to vector<64x128xf32>
    %div3A_9 = arith.divf %get3A_3, %div3A : vector<64x128xf32>
    %get3A_10 = arith.constant 1 : index
    %get3A_11 = arith.constant 0 : index
    %get3A_12 = arith.constant 0 : index
    %get3A_13 = vector.load %arg0[%get3A_10, %get3A_11, %get3A_12] : memref<2x64x128xf32, #tpu.memory_space<vmem>>, vector<1x64x128xf32>
    %get3A_14 = vector.shape_cast %get3A_13 : vector<1x64x128xf32> to vector<64x128xf32>
    %get3A_15 = arith.constant 64 : index
    %get3A_16 = arith.constant 0 : index
    %get3A_17 = vector.load %arg1[%get3A_15, %get3A_16] : memref<128x128xf32, #tpu.memory_space<vmem>>, vector<64x1xf32>
    %max3A_18 = arith.constant 1.000000e+00 : f32
    %max3A_19 = vector.broadcast %max3A_18 : f32 to vector<64x1xf32>
    %max3A_20 = arith.maximumf %get3A_17, %max3A_19 : vector<64x1xf32>
    %div3A_21 = vector.broadcast %max3A_20 : vector<64x1xf32> to vector<64x128xf32>
    %div3A_22 = arith.divf %get3A_14, %div3A_21 : vector<64x128xf32>
    %concatenate3A = tpu.concatenate %div3A_9, %div3A_22 in 1 : vector<64x128xf32>, vector<64x128xf32> -> vector<64x256xf32>
    %get3A_23 = arith.constant 0 : index
    %get3A_24 = arith.constant 0 : index
    %get3A_25 = vector.load %arg2[%get3A_23, %get3A_24] : memref<128x256xf32, #tpu.memory_space<vmem>>, vector<128x256xf32>
    %transpose3A = tpu.transpose %get3A_25, [1, 0] : vector<128x256xf32> -> vector<256x128xf32>
    %convert_element_type3A = arith.truncf %concatenate3A : vector<64x256xf32> to vector<64x256xbf16>
    %convert_element_type3A_26 = arith.truncf %transpose3A : vector<256x128xf32> to vector<256x128xbf16>
    %dot_general3A = arith.constant dense<0.000000e+00> : vector<64x128xf32>
    %dot_general3A_27 = tpu.matmul %convert_element_type3A, %convert_element_type3A_26, %dot_general3A {dimension_numbers = #tpu.dot_dimension_numbers<[1], [0], [0], [1], [0, 0, 1, 1], [], []>, transpose_lhs_hint = false} : vector<64x256xbf16>, vector<256x128xbf16>, vector<64x128xf32> -> vector<64x128xf32>
    %get3A_28 = arith.constant 0 : index
    %get3A_29 = vector.load %arg3[%get3A_28] : memref<128xf32, #tpu.memory_space<vmem>>, vector<128xf32>
    %broadcast_in_dim3A = vector.shape_cast %get3A_29 : vector<128xf32> to vector<1x128xf32>
    %add3A = vector.broadcast %broadcast_in_dim3A : vector<1x128xf32> to vector<64x128xf32>
    %add3A_30 = arith.addf %dot_general3A_27, %add3A : vector<64x128xf32>
    %max3A_31 = arith.constant 0.000000e+00 : f32
    %max3A_32 = vector.broadcast %max3A_31 : f32 to vector<64x128xf32>
    %max3A_33 = arith.maximumf %add3A_30, %max3A_32 : vector<64x128xf32>
    %get3A_34 = arith.constant 0 : index
    %get3A_35 = arith.constant 0 : index
    %get3A_36 = vector.load %arg4[%get3A_34, %get3A_35] : memref<128x128xf32, #tpu.memory_space<vmem>>, vector<128x128xf32>
    %transpose3A_37 = tpu.transpose %get3A_36, [1, 0] : vector<128x128xf32> -> vector<128x128xf32>
    %convert_element_type3A_38 = arith.truncf %max3A_33 : vector<64x128xf32> to vector<64x128xbf16>
    %convert_element_type3A_39 = arith.truncf %transpose3A_37 : vector<128x128xf32> to vector<128x128xbf16>
    %dot_general3A_40 = arith.constant dense<0.000000e+00> : vector<64x128xf32>
    %dot_general3A_41 = tpu.matmul %convert_element_type3A_38, %convert_element_type3A_39, %dot_general3A_40 {dimension_numbers = #tpu.dot_dimension_numbers<[1], [0], [0], [1], [0, 0, 1, 1], [], []>, transpose_lhs_hint = false} : vector<64x128xbf16>, vector<128x128xbf16>, vector<64x128xf32> -> vector<64x128xf32>
    %get3A_42 = arith.constant 0 : index
    %get3A_43 = vector.load %arg5[%get3A_42] : memref<128xf32, #tpu.memory_space<vmem>>, vector<128xf32>
    %broadcast_in_dim3A_44 = vector.shape_cast %get3A_43 : vector<128xf32> to vector<1x128xf32>
    %add3A_45 = vector.broadcast %broadcast_in_dim3A_44 : vector<1x128xf32> to vector<64x128xf32>
    %add3A_46 = arith.addf %dot_general3A_41, %add3A_45 : vector<64x128xf32>
    %max3A_47 = arith.constant 0.000000e+00 : f32
    %max3A_48 = vector.broadcast %max3A_47 : f32 to vector<64x128xf32>
    %max3A_49 = arith.maximumf %add3A_46, %max3A_48 : vector<64x128xf32>
    %get3A_50 = arith.constant 0 : index
    %get3A_51 = arith.constant 0 : index
    %get3A_52 = vector.load %arg6[%get3A_50, %get3A_51] : memref<128x128xf32, #tpu.memory_space<vmem>>, vector<128x128xf32>
    %transpose3A_53 = tpu.transpose %get3A_52, [1, 0] : vector<128x128xf32> -> vector<128x128xf32>
    %convert_element_type3A_54 = arith.truncf %max3A_49 : vector<64x128xf32> to vector<64x128xbf16>
    %convert_element_type3A_55 = arith.truncf %transpose3A_53 : vector<128x128xf32> to vector<128x128xbf16>
    %dot_general3A_56 = arith.constant dense<0.000000e+00> : vector<64x128xf32>
    %dot_general3A_57 = tpu.matmul %convert_element_type3A_54, %convert_element_type3A_55, %dot_general3A_56 {dimension_numbers = #tpu.dot_dimension_numbers<[1], [0], [0], [1], [0, 0, 1, 1], [], []>, transpose_lhs_hint = false} : vector<64x128xbf16>, vector<128x128xbf16>, vector<64x128xf32> -> vector<64x128xf32>
    %get3A_58 = arith.constant 0 : index
    %get3A_59 = vector.load %arg7[%get3A_58] : memref<128xf32, #tpu.memory_space<vmem>>, vector<128xf32>
    %broadcast_in_dim3A_60 = vector.shape_cast %get3A_59 : vector<128xf32> to vector<1x128xf32>
    %add3A_61 = vector.broadcast %broadcast_in_dim3A_60 : vector<1x128xf32> to vector<64x128xf32>
    %add3A_62 = arith.addf %dot_general3A_57, %add3A_61 : vector<64x128xf32>
    %max3A_63 = arith.constant 0.000000e+00 : f32
    %max3A_64 = vector.broadcast %max3A_63 : f32 to vector<64x128xf32>
    %max3A_65 = arith.maximumf %add3A_62, %max3A_64 : vector<64x128xf32>
    %get3A_66 = arith.constant 0 : index
    %get3A_67 = arith.constant 0 : index
    %get3A_68 = vector.load %arg8[%get3A_66, %get3A_67] : memref<4x128xf32, #tpu.memory_space<vmem>>, vector<4x128xf32>
    %transpose3A_69 = tpu.transpose %get3A_68, [1, 0] : vector<4x128xf32> -> vector<128x4xf32>
    %convert_element_type3A_70 = arith.truncf %max3A_65 : vector<64x128xf32> to vector<64x128xbf16>
    %convert_element_type3A_71 = arith.truncf %transpose3A_69 : vector<128x4xf32> to vector<128x4xbf16>
    %dot_general3A_72 = arith.constant dense<0.000000e+00> : vector<64x4xf32>
    %dot_general3A_73 = tpu.matmul %convert_element_type3A_70, %convert_element_type3A_71, %dot_general3A_72 {dimension_numbers = #tpu.dot_dimension_numbers<[1], [0], [0], [1], [0, 0, 1, 1], [], []>, transpose_lhs_hint = false} : vector<64x128xbf16>, vector<128x4xbf16>, vector<64x4xf32> -> vector<64x4xf32>
    %get3A_74 = arith.constant 0 : index
    %get3A_75 = vector.load %arg9[%get3A_74] : memref<4xf32, #tpu.memory_space<vmem>>, vector<4xf32>
    %broadcast_in_dim3A_76 = vector.shape_cast %get3A_75 : vector<4xf32> to vector<1x4xf32>
    %add3A_77 = vector.broadcast %broadcast_in_dim3A_76 : vector<1x4xf32> to vector<64x4xf32>
    %add3A_78 = arith.addf %dot_general3A_73, %add3A_77 : vector<64x4xf32>
    %swap3A = arith.constant 0 : index
    %swap3A_79 = arith.constant 0 : index
    %swap3A_80 = vector.load %arg10[%swap3A, %swap3A_79] : memref<64x4xf32, #tpu.memory_space<vmem>>, vector<64x4xf32>
    tpu.vector_store %arg10[%swap3A, %swap3A_79], %add3A_78 {strides = array<i32>} : memref<64x4xf32, #tpu.memory_space<vmem>>, vector<64x4xf32>,
    return
  }
}

</mosaic_0001>

<sc_bundles>
// kernel: kernel.10.cloned.1.call-start
scs
__scs_entry_jumppad:
0x0: {  	(pc) =	sbr.rel $0x88, $3  }
0x1: {  	(tag) =	ssettag $0x0;
	lr =	simm.s32 $0x1  }
0x2: {  	[smem:$0x3F8B] =	sst lr;
	_ =	strace $0xD0000000  }
0x3: {  	_ = 	snop  }
0x4: {  	_ = 	snop  }
0x5: {  	_ = 	snop  }
0x6: {  	_ = 	snop  }
0x7: {  	_ = 	snop  }
__scs_overlays_trampoline_lowered:
0x8: {  	[smem:$0x3F9A] =	sst s0  }
0x9: {  	[smem:$0x3F9B] =	sst s1  }
0xa: {  	[smem:$0x3F9C] =	sst s2  }
0xb: {  	[smem:$0x3F9D] =	sst s3  }
0xc: {  	[smem:$0x3F9E] =	sst s4  }
0xd: {  	[smem:$0x3F9F] =	sst s5  }
0xe: {  	[smem:$0x3FA0] =	sst s6  }
0xf: {  	[smem:$0x3FA1] =	sst s7  }
0x10: {  	[smem:$0x3FA2] =	sst s8  }
0x11: {  	[smem:$0x3FA3] =	sst s9;
	s0 =	simm.s32 @!p0 $0x0  }
0x12: {  	s1 =	sld [smem:$0x3F89];
	s0 =	simm.s32 @p0 $0x1  }
0x13: {  	[smem:$0x3FA4] =	sst s0;
	s0 =	simm.s32 @!p1 $0x0  }
0x14: {  	s2 =	sld [smem:$0x3F88];
	s0 =	simm.s32 @p1 $0x1  }
0x15: {  	[smem:$0x3FA5] =	sst s0;
	s0 =	simm.s32 @!p2 $0x0  }
0x16: {  	s3 =	sld [smem:$0x3FDB];
	s0 =	simm.s32 @p2 $0x1  }
0x17: {  	s4 =	simm.s32 $0x1BF5;
	[smem:$0x3FA7] =	sst s0  }
0x18: {  	s0 =	sld [smem:$0x3F8A];
	_ =	swait.ge [sflag:s4], $0x0  }
0x19: {  	s7 =	sld [smem:$0x3F8B]  }
0x1a: {  	s8 =	sadd.s32 $0xFFFFE003, lr  }
0x1b: {  	s9 =	sadd.s32 $0xFFFFFEF7, lr;
	s5 =	simm.s32 $0xFFFFFFFF;
	p2 =	slt.u32 s8, $0xFFFFF086  }
0x1c: {  	p1 =	slt.u32 s9, $0xF7A;
	s5 =	simm.s32 @!p2 $0x0  }
0x1d: {  	s5 =	simm.s32 @p1 $0x1;
	p0 =	seq.s32 s7, s2  }
0x1e: {  	s7 =	smul.u32 @!p0 $0xF7A, s2;
	p2 =	seq.s32 @!p0 s5, $0x0  }
0x1f: {  	s9 =	smul.u32 $0xF7A, s1;
	s8 =	simm.s32 @!p0 $0x1BF5;
	p2 =	por !p2, p0  }
0x20: {  	[sflag:s8] =	ssyncset.s32 @!p0 $0xFFFFF086;
	s6 =	sadd.s32 @!p0 s3, s7;
	s7 =	simm.s32 @!p0 $0x108  }
0x21: {  	s3 =	sadd.s32 s3, s9;
	s6 =	sadd.s32 @!p0 $0x88, s6;
	s7 =	simm.s32 @p2 $0x1082  }
0x22: {  	[simem:s7], [sflag:s8] =	dma.local @!p0 [hbm:s6], $0xF7A  }
0x23: {  	s9 =	sor.u32 $0xD0000000, s2;
	s6 =	simm.s32 $0x108;
	_ =	swait.ge @!p0 [sflag:s8], $0x0  }
0x24: {  	s3 =	sadd.s32 $0x88, s3;
	s6 =	simm.s32 @!p1 $0x1082;
	[sflag:s4] =	ssyncset.s32 $0xFFFFF086  }
0x25: {  	[simem:s6], [sflag:s4] =	dma.local [hbm:s3], $0xF7A  }
0x26: {  	[smem:$0x3F8B] =	sst s1;
	(tag) =	ssettag s2;
	_ =	strace s9  }
0x27: {  	s1 =	sld [smem:$0x3F9B]  }
0x28: {  	s2 =	sld [smem:$0x3F9C]  }
0x29: {  	s4 =	sld [smem:$0x3F9E]  }
0x2a: {  	p0 =	seq.s32 s5, $0x0;
	s5 =	sld [smem:$0x3F9F]  }
0x2b: {  	s6 =	sld [smem:$0x3FA0]  }
0x2c: {  	s7 =	sld [smem:$0x3FA1]  }
0x2d: {  	s3 =	simm.s32 $0x108;
	s8 =	sld [smem:$0x3FA2]  }
0x2e: {  	s3 =	simm.s32 @!p0 $0x1082;
	s9 =	sld [smem:$0x3FA3]  }
0x2f: {  	lr =	sadd.s32 s0, s3;
	s0 =	sld [smem:$0x3F9A]  }
0x30: {  	s3 =	sld [smem:$0x3F9D]  }
0x31: {  	[smem:$0x3FA6] =	sst s10  }
0x32: {  	s10 =	sld [smem:$0x3FA4];
	_ =	sdelay $0x3  }
0x33: {  	p0 =	seq.s32 s10, $0x1;
	s10 =	sld [smem:$0x3FA6];
	_ =	sdelay $0x3  }
0x34: {  	[smem:$0x3FA6] =	sst s10  }
0x35: {  	s10 =	sld [smem:$0x3FA5];
	_ =	sdelay $0x3  }
0x36: {  	p1 =	seq.s32 s10, $0x1;
	s10 =	sld [smem:$0x3FA6];
	_ =	sdelay $0x3  }
0x37: {  	[smem:$0x3FA6] =	sst s10  }
0x38: {  	s10 =	sld [smem:$0x3FA7]  }
0x39: {  	_ = 	snop;
	(pc) =	sbr.ind lr, $3  }
0x3a: {  	_ = 	snop  }
0x3b: {  	_ = 	snop  }
0x3c: {  	p2 =	seq.s32 s10, $0x1;
	s10 =	sld [smem:$0x3FA6]  }
0x3d: {  	_ =	shalt  }
0x3e: {  	_ =	shalt  }
0x3f: {  	_ =	shalt  }
0x40: {  	_ =	shalt  }
0x41: {  	_ =	shalt  }
0x42: {  	_ =	shalt  }
0x43: {  	_ =	shalt  }
0x44: {  	_ =	shalt  }
0x45: {  	_ =	shalt  }
0x46: {  	_ =	shalt  }
0x47: {  	_ =	shalt  }
0x48: {  	_ =	shalt  }
0x49: {  	_ =	shalt  }
0x4a: {  	_ =	shalt  }
0x4b: {  	_ =	shalt  }
0x4c: {  	_ =	shalt  }
0x4d: {  	_ =	shalt  }
0x4e: {  	_ =	shalt  }
0x4f: {  	_ =	shalt  }
0x50: {  	_ =	shalt  }
0x51: {  	_ =	shalt  }
0x52: {  	_ =	shalt  }
0x53: {  	_ =	shalt  }
0x54: {  	_ =	shalt  }
0x55: {  	_ =	shalt  }
0x56: {  	_ =	shalt  }
0x57: {  	_ =	shalt  }
0x58: {  	_ =	shalt  }
0x59: {  	_ =	shalt  }
0x5a: {  	_ =	shalt  }
0x5b: {  	_ =	shalt  }
0x5c: {  	_ =	shalt  }
0x5d: {  	_ =	shalt  }
0x5e: {  	_ =	shalt  }
0x5f: {  	_ =	shalt  }
0x60: {  	_ =	shalt  }
0x61: {  	_ =	shalt  }
0x62: {  	_ =	shalt  }
0x63: {  	_ =	shalt  }
0x64: {  	_ =	shalt  }
0x65: {  	_ =	shalt  }
0x66: {  	_ =	shalt  }
0x67: {  	_ =	shalt  }
0x68: {  	_ =	shalt  }
0x69: {  	_ =	shalt  }
0x6a: {  	_ =	shalt  }
0x6b: {  	_ =	shalt  }
0x6c: {  	_ =	shalt  }
0x6d: {  	_ =	shalt  }
0x6e: {  	_ =	shalt  }
0x6f: {  	_ =	shalt  }
0x70: {  	_ =	shalt  }
0x71: {  	_ =	shalt  }
0x72: {  	_ =	shalt  }
0x73: {  	_ =	shalt  }
0x74: {  	_ =	shalt  }
0x75: {  	_ =	shalt  }
0x76: {  	_ =	shalt  }
0x77: {  	_ =	shalt  }
0x78: {  	_ =	shalt  }
0x79: {  	_ =	shalt  }
0x7a: {  	_ =	shalt  }
0x7b: {  	_ =	shalt  }
0x7c: {  	_ =	shalt  }
0x7d: {  	_ =	shalt  }
0x7e: {  	_ =	shalt  }
0x7f: {  	_ =	shalt  }
0x80: {  	_ =	shalt  }
0x81: {  	_ =	shalt  }
0x82: {  	_ =	shalt  }
0x83: {  	_ =	shalt  }
0x84: {  	_ =	shalt  }
0x85: {  	_ =	shalt  }
0x86: {  	_ =	shalt  }
0x87: {  	_ =	shalt  }
.Lfunc_end0:
.L_simem_size_0:
called_computation_lowered:
.L_overlay_start_0:
0x88: {  	s2 =	sld [smem:$0x3FD9]  }
0x89: {  	s3 =	sld [smem:$0x3FFE];
	_ =	sdelay $0x1  }
0x8a: {  	s1 =	srdreg.scid  }
0x8b: {  	s0 =	sand.u32 $0x1, s1  }
0x8c: {  	s16 =	sshll.u32 s0, $0xA;
	s2 =	sadd.s32 s3, s2  }
0x8d: {  	s2 =	sadd.s32 s2, s16  }
0x8e: {  	[smem:$0x3FB2] =	sst s2  }
0x8f: {  	_ = 	snop  }
0x90: {  	(tm) =	ssettm $0x1  }
0x91: {  	s17 =	sld [smem:$0x3FFB];
	_ =	sdelay $0x3  }
0x92: {  	_ =	strace s17  }
0x93: {  	s2 =	sld [smem:$0x3FFC];
	_ =	sdelay $0x3  }
0x94: {  	_ =	strace s2  }
0x95: {  	s2 =	sld [smem:$0x3FFD];
	_ =	sdelay $0x3  }
0x96: {  	_ =	strace s2  }
0x97: {  	_ =	strace $0x8FFFFFFF  }
0x98: {  	s18 =	sld [smem:$0x3FDB];
	_ =	sdelay $0x1  }
0x99: {  	s19 =	simm.s32 $_scs_section_size  }
0x9a: {  	s4 =	simm.s32 $_size__tile_overlayer_lowered;
	s5 =	simm.s32 $_tile_overlayer_lowered  }
0x9b: {  	s22 =	simm.s32 $0x1BFF;
	s21 =	sshll.u32 s5, $0x1;
	s2 =	sadd.s32 s19, s18  }
0x9c: {  	s6 =	simm.s32 $0x0;
	s20 =	sshll.u32 s4, $0x1;
	s4 =	sadd.s32 s21, s2  }
0x9d: {  	[timem:s6], [sflag:s22] =	dma.local [hbm:s4], s20  }
0x9e: {  	_ =	swait.ge [sflag:s22], s20  }
0x9f: {  	s3 =	ssub.s32 $0x0, s20;
	[sflag:s22] =	ssyncset.done $0x0  }
0xa0: {  	[sflag:s22] =	ssyncadd.s32 s3;
	_ =	sdelay $0x1  }
0xa1: {  	s23 =	simm.s32 $0x1B8B  }
0xa2: {  	_ =	swait.ge [sflag:s23], $0x1  }
0xa3: {  	[sflag:s23] =	ssyncset.done $0x0  }
0xa4: {  	s25 =	simm.s32 $0x1B8E;
	s24 =	sld [smem:$0x3FFE];
	[sflag:s23] =	ssyncadd.s32 $0xFFFFFFFF  }
0xa5: {  	s26 =	simm.s32 $execute0_lowered;
	[smem:$0x3FD2] =	sst s25  }
0xa6: {  	s4 =	sshll.u32 s26, $0x1;
	_ =	strace $0x80000046;
	[dreg:$0x1] =	wrdreg $0xFFFFFFFF  }
0xa7: {  	s28 =	simm.s32 $_size_execute0_lowered;
	s2 =	sadd.s32 s2, s4;
	[dreg:$0x0] =	wrdreg $0x0  }
0xa8: {  	s4 =	sshll.u32 s28, $0x1;
	[dreg:$0x2] =	wrdreg s2  }
0xa9: {  	[dreg:$0x3] =	wrdreg s4  }
0xaa: {  	[dreg:$0x4] =	wrdreg $0xC0  }
0xab: {  	_ =	task [dreg:s6], $0x5FFFF  }
0xac: {  	[dreg:$0x1] =	wrdreg $0xFFFFFFFF  }
0xad: {  	[dreg:$0x0] =	wrdreg $0x60  }
0xae: {  	[dreg:$0x2] =	wrdreg s24  }
0xaf: {  	[dreg:$0x3] =	wrdreg $0x42800  }
0xb0: {  	[dreg:$0x4] =	wrdreg $0x183000  }
0xb1: {  	[dreg:$0x5] =	wrdreg $0x9  }
0xb2: {  	_ =	task.clear_ibuf [dreg:s6], $0x6FFFF;
	_ =	strace $0x90000046  }
0xb3: {  	s29 =	simm.s32 $0x9;
	_ =	strace $0x80000048  }
0xb4: {  	_ =	swait.ge [sflag:s29], $0x1  }
0xb5: {  	[sflag:s29] =	ssyncadd.s32 $0xFFFFFFFF  }
0xb6: {  	_ =	strace $0x90000048  }
0xb7: {  	_ =	sfence  }
0xb8: {  	s30 =	sld [smem:$0x0];
	_ =	sdelay $0x2  }
0xb9: {  	s31 =	sshll.u32 s1, $0xD;
	s1 =	sshrl.u32 s1, $0x2  }
0xba: {  	s3 =	sand.u32 $0x4000, s31;
	s1 =	sadd.s32 s1, s30  }
0xbb: {  	s0 =	sor.u32 s3, s0;
	s1 =	sshll.u32 s1, $0x11  }
0xbc: {  	s0 =	sor.u32 s1, s0  }
0xbd: {  	s0 =	sadd.s32 $0x8F2B, s0  }
0xbe: {  	[sflag:s0] =	ssyncadd.remote.s32 $0x1  }
0xbf: {  	_ =	sfence.sel $0xFFFF  }
0xc0: {  	[dreg:$0x0] =	wrdreg $0xFFFFFFFF;
	(pc) =	sbr.abs _section_cstart, $3  }
0xc1: {  	[dreg:$0x1] =	wrdreg $0xFFFFFFFF  }
0xc2: {  	_ =	task.clear_ibuf [dreg:s6], $0x2FFFF;
	_ =	strace $0x9FFFFFFF  }
0xc3: {  	(tm) =	ssettm $0x7FFFFFFF  }
tec
execute0_lowered:
.L_overlay_start_1:
0x0: {  	(tag) =	ssettag $0x1  }
0x1: {  	s0 =	srdreg.scid;
	s22 =	stileid.u32;
	s28 =	simm.s32 $0x5  }
0x2: {  	s30 =	simm.s32 $0x6;
	s31 =	simm.s32 $0x7;
	s5 =	smul.u32 $0x5000, s22  }
0x3: {  	s2 =	sand.u32 $0x1, s0;
	s0 =	rddreg [dreg:$0x0];
	s15 =	smul.u32 $0x50, s22  }
0x4: {  	s9 =	sor.u32 $0x10, s22;
	s8 =	sor.u32 $0x20, s22;
	s1 =	smul.u32 $0x27100, s2  }
0x5: {  	s7 =	sor.u32 $0x30, s22;
	p2 =	seq.s32 s22, $0x1;
	s3 =	smul.u32 $0x50000, s2  }
0x6: {  	p1 =	sne.s32 s22, $0x0;
	s4 =	ssub.s32 $0x2, s2;
	s12 =	smul.u32 $0x2710, s2  }
0x7: {  	s11 =	sadd.s32 $0x19000, s0;
	s17 =	smul.u32 $0x50, s7;
	s2 =	sshll.u32 s2, $0xA  }
0x8: {  	s14 =	sshrl.u32 s4, $0x1;
	s2 =	sadd.s32 s2, s0;
	s6 =	sadd.s32 s1, s0  }
0x9: {  	s1 =	ssub.s32 s4, s14;
	s10 =	sadd.s32 s5, s3;
	s14 =	smul.u32 $0x50, s9  }
0xa: {  	s4 =	sor.u32 $0x50, s22;
	s3 =	sor.u32 $0x60, s22;
	s5 =	sadd.s32 s12, s15  }
0xb: {  	s15 =	smul.u32 $0x50, s8;
	s17 =	sadd.s32 s12, s17;
	s2 =	sadd.s32 $0x68C00, s2  }
0xc: {  	s13 =	sadd.s32 $0x1AA00, s6;
	s6 =	sor.u32 $0x40, s22;
	s19 =	smul.u32 $0x50, s4  }
0xd: {  	s16 =	sshrl.u32 s5, $0x3;
	s5 =	sor.u32 $0x70, s22;
	s21 =	smul.u32 $0x50, s3  }
0xe: {  	s1 =	smax.u32 s1, $0x1;
	s14 =	sadd.s32 s12, s14;
	s18 =	smul.u32 $0x50, s6  }
0xf: {  	s16 =	sadd.s32 s11, s16;
	s25 =	smul.u32 $0x50, s5;
	p0 =	sgt.u32 s5, $0x7C  }
0x10: {  	s14 =	sshrl.u32 s14, $0x3;
	[dreg:$0x4] =	wrdreg s16;
	s16 =	sadd.s32 s12, s15  }
0x11: {  	s15 =	sshrl.u32 s17, $0x3;
	s24 =	sadd.s32 s12, s19;
	s19 =	smul.u32 $0x500, s8  }
0x12: {  	s8 =	smul.u32 $0xA000, s8;
	s14 =	sadd.s32 s11, s14;
	s20 =	sadd.s32 s11, s15  }
0x13: {  	s23 =	sadd.s32 s12, s18;
	s18 =	smul.u32 $0x500, s22;
	[dreg:$0x5] =	wrdreg s14  }
0x14: {  	s14 =	sshrl.u32 s16, $0x3;
	[dreg:$0x7] =	wrdreg s20;
	s15 =	sshrl.u32 s23, $0x3  }
0x15: {  	s16 =	sshrl.u32 s24, $0x3;
	s20 =	smul.u32 $0x500, s7;
	s14 =	sadd.s32 s11, s14  }
0x16: {  	s15 =	sadd.s32 s11, s15;
	s26 =	sadd.s32 s11, s16;
	s16 =	smul.u32 $0x500, s9  }
0x17: {  	s23 =	sadd.s32 s13, s18;
	s18 =	smul.u32 $0x500, s5;
	[dreg:$0x6] =	wrdreg s14  }
0x18: {  	p3 =	sne.s32 @!p0 s22, $0x0;
	s9 =	smul.u32 $0xA000, s9;
	[dreg:$0x8] =	wrdreg s15  }
0x19: {  	p3 =	por p3, p0;
	s5 =	smul.u32 $0xA000, s5;
	[dreg:$0x9] =	wrdreg s26  }
0x1a: {  	s14 =	sadd.s32 s12, s21;
	s12 =	sadd.s32 s12, s25;
	s21 =	smul.u32 $0x500, s6  }
0x1b: {  	[dreg:$0xc] =	wrdreg s23;
	s25 =	smul.u32 $0x500, s4;
	s26 =	sadd.s32 s13, s19  }
0x1c: {  	s15 =	sadd.s32 s13, s20;
	s20 =	sor.u32 $0x300, s10;
	s23 =	sadd.s32 $0x5000, s0  }
0x1d: {  	s6 =	smul.u32 $0xA000, s6;
	s14 =	sshrl.u32 s14, $0x3;
	s12 =	sshrl.u32 s12, $0x3  }
0x1e: {  	s24 =	sadd.s32 s13, s16;
	[dreg:$0xe] =	wrdreg s26;
	s16 =	smul.u32 $0x500, s3  }
0x1f: {  	[dreg:$0xf] =	wrdreg s15;
	s15 =	sshll.u32 s22, $0xE;
	s3 =	smul.u32 $0xA000, s3  }
0x20: {  	s5 =	sshrl.u32 s5, $0x2;
	s14 =	sadd.s32 s11, s14;
	s11 =	sadd.s32 s11, s12  }
0x21: {  	[dreg:$0xd] =	wrdreg s24;
	s17 =	sadd.s32 s13, s25;
	s24 =	sshrl.u32 s10, $0x3  }
0x22: {  	s25 =	sor.u32 $0x380, s10;
	s12 =	sshrl.u32 s8, $0x2;
	[dreg:$0xa] =	wrdreg s14  }
0x23: {  	s6 =	sshrl.u32 s6, $0x2;
	[dreg:$0xb] =	wrdreg s11;
	s11 =	sadd.s32 s13, s21  }
0x24: {  	[dreg:$0x11] =	wrdreg s17;
	s19 =	sadd.s32 s13, s16;
	s16 =	simm.s32 $0x0  }
0x25: {  	s21 =	sshrl.u32 s20, $0x3;
	s26 =	sshrl.u32 s25, $0x3;
	s14 =	sor.u32 $0x280, s10  }
0x26: {  	s10 =	sor.u32 $0x200, s10;
	s17 =	sadd.s32 $0x1A200, s0;
	[dreg:$0x10] =	wrdreg s11  }
0x27: {  	s0 =	sadd.s32 $0x19A00, s0;
	[dreg:$0x12] =	wrdreg s19;
	s11 =	sadd.s32 s13, s18  }
0x28: {  	[smem:$0x7FF] =	sst s16;
	s13 =	sadd.s32 s23, s24;
	s19 =	sadd.s32 s21, s23  }
0x29: {  	s20 =	sadd.s32 s26, s23;
	s21 =	rddreg [dreg:$0x1];
	s10 =	sshrl.u32 s10, $0x3  }
0x2a: {  	s26 =	smul.u32 $0xA000, s7;
	[dreg:$0x13] =	wrdreg s11;
	s11 =	sshrl.u32 s14, $0x3  }
0x2b: {  	s25 =	sadd.s32 s10, s23;
	_ =	strace $0x80000047;
	[dreg:$0x15] =	wrdreg s17  }
0x2c: {  	s10 =	sadd.s32 s15, s21;
	s8 =	sadd.s32 s6, s21;
	[dreg:$0x16] =	wrdreg s0  }
0x2d: {  	s15 =	sshrl.u32 s3, $0x2;
	s24 =	sadd.s32 s11, s23;
	[dreg:$0x18] =	wrdreg s2  }
0x2e: {  	s18 =	sadd.s32 $0x138800, s10;
	s23 =	smul.u32 $0xA000, s22;
	[dreg:$0x19] =	wrdreg s1  }
0x2f: {  	s10 =	sshrl.u32 s9, $0x2;
	s11 =	smul.u32 $0xA000, s4;
	s1 =	sshrl.u32 s26, $0x2  }
0x30: {  	s4 =	sadd.s32 s12, s21;
	s6 =	sadd.s32 s15, s21;
	[dreg:$0x14] =	wrdreg s13  }
0x31: {  	s17 =	sadd.s32 s5, s21;
	s22 =	sadd.s32 $0x20, s13;
	[dreg:$0x1b] =	wrdreg s8  }
0x32: {  	s26 =	sadd.s32 $0x30, s13;
	s9 =	simm.s32 $0x280;
	[dreg:$0x17] =	wrdreg s18  }
0x33: {  	s12 =	simm.s32 $0x100;
	s15 =	simm.s32 $0x2;
	[dreg:$0x1e] =	wrdreg s17  }
0x34: {  	s5 =	simm.s32 $0x0;
	s29 =	sadd.s32 s10, s21;
	[smem:$0x7FC] =	sst s22  }
0x35: {  	s18 =	sadd.s32 $0x10, s13;
	[smem:$0x7FD] =	sst s26;
	s10 =	simm.s32 $0x9  }
0x36: {  	s13 =	simm.s32 $0x180;
	s17 =	simm.s32 $0x3;
	s26 =	simm.s32 $0x4  }
0x37: {  	[dreg:$0x1d] =	wrdreg s6;
	s0 =	sshrl.u32 s23, $0x2;
	s23 =	sadd.s32 s1, s21  }
0x38: {  	s14 =	sshrl.u32 s11, $0x2;
	[dreg:$0x1f] =	wrdreg s18;
	s11 =	simm.s32 $0x80  }
0x39: {  	s18 =	simm.s32 $0x8;
	s3 =	sadd.s32 s14, s21;
	[dreg:$0x1a] =	wrdreg s23  }
0x3a: {  	s2 =	sadd.s32 s0, s21;
	s14 =	simm.s32 $0x1;
	[dreg:$0x1c] =	wrdreg s3  }
.LBB2_1:
0x3b: {  	s0 =	rddreg [dreg:$0x16]  }
0x3c: {  	[tilespmem:s9], [sflag:$0x9] =	stream.linear.gather [hbm4b:s0+s16], $0x4000, $0x38;
	[tilespmem:$0x18500] =	vst v63  }
0x3d: {  	_ =	swait.ge [sflag:s10], $0x4000  }
0x3e: {  	[sflag:s10] =	ssyncset.done $0x0  }
0x3f: {  	[sflag:s10] =	ssyncadd.s32 $0xFFFFC000  }
0x40: {  	[spmem:s2] =	stream.linear.scatter [tilespmem:s9], [sflag:$0x9], $0x2800, $0x38;
	[tilespmem:$0x18500] =	vst v63  }
0x41: {  	_ =	swait.ge [sflag:s10], $0x2800  }
0x42: {  	[sflag:s10] =	ssyncset.done $0x0  }
0x43: {  	[sflag:s10] =	ssyncadd.s32 $0xFFFFD800  }
0x44: {  	[spmem:s29] =	stream.linear.scatter [tilespmem:s9], [sflag:$0x9], $0x2800, $0x38;
	[tilespmem:$0x18500] =	vst v63  }
0x45: {  	_ =	swait.ge [sflag:s10], $0x2800  }
0x46: {  	[sflag:s10] =	ssyncset.done $0x0  }
0x47: {  	[sflag:s10] =	ssyncadd.s32 $0xFFFFD800  }
0x48: {  	[spmem:s4] =	stream.linear.scatter [tilespmem:s9], [sflag:$0x9], $0x2800, $0x38;
	[tilespmem:$0x18500] =	vst v63  }
0x49: {  	_ =	swait.ge [sflag:s10], $0x2800  }
0x4a: {  	[sflag:s10] =	ssyncset.done $0x0  }
0x4b: {  	[sflag:s10] =	ssyncadd.s32 $0xFFFFD800  }
0x4c: {  	[spmem:s23] =	stream.linear.scatter [tilespmem:s9], [sflag:$0x9], $0x2800, $0x38;
	[tilespmem:$0x18500] =	vst v63  }
0x4d: {  	_ =	swait.ge [sflag:s10], $0x2800  }
0x4e: {  	[sflag:s10] =	ssyncset.done $0x0  }
0x4f: {  	[sflag:s10] =	ssyncadd.s32 $0xFFFFD800  }
0x50: {  	[spmem:s8] =	stream.linear.scatter [tilespmem:s9], [sflag:$0x9], $0x2800, $0x38;
	[tilespmem:$0x18500] =	vst v63  }
0x51: {  	_ =	swait.ge [sflag:s10], $0x2800  }
0x52: {  	[sflag:s10] =	ssyncset.done $0x0  }
0x53: {  	[sflag:s10] =	ssyncadd.s32 $0xFFFFD800  }
0x54: {  	[spmem:s3] =	stream.linear.scatter [tilespmem:s9], [sflag:$0x9], $0x2800, $0x38;
	[tilespmem:$0x18500] =	vst v63  }
0x55: {  	_ =	swait.ge [sflag:s10], $0x2800  }
0x56: {  	[sflag:s10] =	ssyncset.done $0x0  }
.Ltmp0:
0x57: {  	[sflag:s10] =	ssyncadd.s32 $0xFFFFD800;
	(pc) =	sbr.rel @p0 .LBB2_6-.Ltmp0, $4  }
0x58: {  	[spmem:s6] =	stream.linear.scatter [tilespmem:s9], [sflag:$0x9], $0x2800, $0x38;
	[tilespmem:$0x18500] =	vst v63  }
0x59: {  	_ =	swait.ge [sflag:s10], $0x2800  }
0x5a: {  	[sflag:s10] =	ssyncset.done $0x0  }
0x5b: {  	s1 =	smov.u32 s2;
	[sflag:s10] =	ssyncadd.s32 $0xFFFFD800  }
.Ltmp1:
0x5c: {  	s0 =	rddreg [dreg:$0x1e];
	(pc) =	sbr.rel @p2 .LBB2_5-.Ltmp1, $4  }
0x5d: {  	[spmem:s0] =	stream.linear.scatter [tilespmem:s9], [sflag:$0x9], $0x2800, $0x38;
	[tilespmem:$0x18500] =	vst v63  }
0x5e: {  	_ =	swait.ge [sflag:s10], $0x2800  }
0x5f: {  	[sflag:s10] =	ssyncset.done $0x0  }
0x60: {  	[sflag:s10] =	ssyncadd.s32 $0xFFFFD800  }
.Ltmp2:
0x61: {  	(pc) =	sbr.rel @p1 .LBB2_6-.Ltmp2, $1  }
0x62: {  	_ =	sdelay $0x3  }
0x63: {  	s0 =	rddreg [dreg:$0x2]  }
0x64: {  	[spmem:s0] =	stream.linear.scatter [tilespmem:s9], [sflag:$0x9], $0x2000, $0x38;
	[tilespmem:$0x18500] =	vst v63  }
0x65: {  	_ =	swait.ge [sflag:s10], $0x2000  }
0x66: {  	[sflag:s10] =	ssyncset.done $0x0  }
0x67: {  	[sflag:s10] =	ssyncadd.s32 $0xFFFFE000  }
.LBB2_5:
0x68: {  	s0 =	rddreg [dreg:$0x17]  }
0x69: {  	[spmem:s0] =	stream.linear.scatter [tilespmem:s9], [sflag:$0x9], $0x4000, $0x38;
	[tilespmem:$0x18500] =	vst v63  }
0x6a: {  	_ =	swait.ge [sflag:s10], $0x4000  }
0x6b: {  	[sflag:s10] =	ssyncset.done $0x0  }
0x6c: {  	[sflag:s10] =	ssyncadd.s32 $0xFFFFC000  }
.LBB2_6:
0x6d: {  	[smem:$0x7FB] =	sst s5  }
0x6e: {  	s22 =	simm.s32 $0x0;
	s0 =	rddreg [dreg:$0x15]  }
0x6f: {  	[tilespmem:s9], [sflag:$0x9] =	stream.linear.gather [hbm4b:s0+s22], $0x4000, $0x38;
	[tilespmem:$0x18500] =	vst v63  }
0x70: {  	_ =	swait.ge [sflag:s10], $0x4000  }
0x71: {  	[sflag:s10] =	ssyncset.done $0x0  }
0x72: {  	[sflag:s10] =	ssyncadd.s32 $0xFFFFC000  }
0x73: {  	[bflag:$0x0] =	sbarrier.arrive $0xFFFF  }
0x74: {  	s23 =	rddreg [dreg:$0x14]  }
0x75: {  	s2 =	rddreg [dreg:$0x1f]  }
0x76: {  	[tilespmem:s22], [sflag:$0x1] =	stream.linear.gather [hbm4b:s23+s22], $0x80, $0x38;
	[tilespmem:$0x18500] =	vst v63  }
0x77: {  	s5 =	sld [smem:$0x7FC]  }
0x78: {  	[tilespmem:s11], [sflag:$0x2] =	stream.linear.gather [hbm4b:s2+s22], $0x80, $0x38;
	[tilespmem:$0x18500] =	vst v63  }
0x79: {  	s6 =	sld [smem:$0x7FD]  }
0x7a: {  	[tilespmem:s12], [sflag:$0x3] =	stream.linear.gather [hbm4b:s5+s22], $0x80, $0x38;
	[tilespmem:$0x18500] =	vst v63  }
0x7b: {  	_ = 	snop  }
0x7c: {  	[tilespmem:s13], [sflag:$0x4] =	stream.linear.gather [hbm4b:s6+s22], $0x80, $0x38;
	[tilespmem:$0x18500] =	vst v63  }
0x7d: {  	_ =	swait.ge [sflag:s14], $0x80  }
0x7e: {  	[sflag:s14] =	ssyncset.done $0x0  }
0x7f: {  	[sflag:s14] =	ssyncadd.s32 $0xFFFFFF80  }
0x80: {  	[spmem:s21] =	stream.indirect.scatter.add.f32 [tilespmem:s9], [sflag:$0x5], $0x80, s16, s11, $0xb8;
	[tilespmem:$0x18500] =	vst v63  }
0x81: {  	_ =	swait.ge [sflag:s15], $0x80  }
0x82: {  	[sflag:s15] =	ssyncset.done $0x0  }
0x83: {  	[sflag:s15] =	ssyncadd.s32 $0xFFFFFF80  }
0x84: {  	[spmem:s21] =	stream.indirect.scatter.add.f32 [tilespmem:s9], [sflag:$0x6], $0x80, s11, s11, $0xb8;
	[tilespmem:$0x18500] =	vst v63  }
0x85: {  	_ =	swait.ge [sflag:s17], $0x80  }
0x86: {  	[sflag:s17] =	ssyncset.done $0x0  }
0x87: {  	[sflag:s17] =	ssyncadd.s32 $0xFFFFFF80  }
0x88: {  	[spmem:s21] =	stream.indirect.scatter.add.f32 [tilespmem:s9], [sflag:$0x7], $0x80, s12, s11, $0xb8;
	[tilespmem:$0x18500] =	vst v63  }
0x89: {  	_ =	swait.ge [sflag:s26], $0x80  }
0x8a: {  	[sflag:s26] =	ssyncset.done $0x0  }
0x8b: {  	[sflag:s26] =	ssyncadd.s32 $0xFFFFFF80  }
0x8c: {  	[spmem:s21] =	stream.indirect.scatter.add.f32 [tilespmem:s9], [sflag:$0x8], $0x80, s13, s11, $0xb8;
	[tilespmem:$0x18500] =	vst v63  }
0x8d: {  	_ =	swait.ge [sflag:s28], $0x4000  }
0x8e: {  	[sflag:s28] =	ssyncset.done $0x0  }
0x8f: {  	s7 =	sadd.s32 $0x0, s25;
	[sflag:s28] =	ssyncadd.s32 $0xFFFFC000  }
0x90: {  	[tilespmem:s16], [sflag:$0x1] =	stream.linear.gather [hbm4b:s7+s16], $0x80, $0x38;
	[tilespmem:$0x18500] =	vst v63  }
0x91: {  	_ =	swait.ge [sflag:s30], $0x4000  }
0x92: {  	[sflag:s30] =	ssyncset.done $0x0  }
0x93: {  	s8 =	sadd.s32 $0x0, s24;
	[sflag:s30] =	ssyncadd.s32 $0xFFFFC000  }
0x94: {  	[tilespmem:s11], [sflag:$0x2] =	stream.linear.gather [hbm4b:s8+s16], $0x80, $0x38;
	[tilespmem:$0x18500] =	vst v63  }
0x95: {  	_ =	swait.ge [sflag:s31], $0x4000  }
0x96: {  	[sflag:s31] =	ssyncset.done $0x0  }
0x97: {  	s23 =	sadd.s32 $0x0, s19;
	[sflag:s31] =	ssyncadd.s32 $0xFFFFC000  }
0x98: {  	[tilespmem:s12], [sflag:$0x3] =	stream.linear.gather [hbm4b:s23+s16], $0x80, $0x38;
	[tilespmem:$0x18500] =	vst v63  }
0x99: {  	_ =	swait.ge [sflag:s18], $0x4000  }
0x9a: {  	s3 =	smov.u32 s29;
	[sflag:s18] =	ssyncset.done $0x0  }
0x9b: {  	s29 =	sadd.s32 $0x0, s20;
	s22 =	simm.s32 $0x40;
	[sflag:s18] =	ssyncadd.s32 $0xFFFFC000  }
.LBB2_7:
0x9c: {  	[tilespmem:s13], [sflag:$0x4] =	stream.linear.gather [hbm4b:s29+s16], $0x80, $0x38;
	[tilespmem:$0x18500] =	vst v63  }
0x9d: {  	s29 =	smov.u32 s22  }
0x9e: {  	p4 =	sne.s32 s22, $0x980;
	s22 =	sadd.s32 $0x40, s22;
	_ =	swait.ge [sflag:s14], $0x80  }
0x9f: {  	[sflag:s14] =	ssyncset.done $0x0  }
0xa0: {  	[sflag:s14] =	ssyncadd.s32 $0xFFFFFF80  }
0xa1: {  	[spmem:s21] =	stream.indirect.scatter.add.f32 [tilespmem:s9], [sflag:$0x5], $0x80, s16, s11, $0xb8;
	[tilespmem:$0x18500] =	vst v63  }
0xa2: {  	_ =	swait.ge [sflag:s15], $0x80  }
0xa3: {  	[sflag:s15] =	ssyncset.done $0x0  }
0xa4: {  	[sflag:s15] =	ssyncadd.s32 $0xFFFFFF80  }
0xa5: {  	[spmem:s21] =	stream.indirect.scatter.add.f32 [tilespmem:s9], [sflag:$0x6], $0x80, s11, s11, $0xb8;
	[tilespmem:$0x18500] =	vst v63  }
0xa6: {  	_ =	swait.ge [sflag:s17], $0x80  }
0xa7: {  	[sflag:s17] =	ssyncset.done $0x0  }
0xa8: {  	[sflag:s17] =	ssyncadd.s32 $0xFFFFFF80  }
0xa9: {  	[spmem:s21] =	stream.indirect.scatter.add.f32 [tilespmem:s9], [sflag:$0x7], $0x80, s12, s11, $0xb8;
	[tilespmem:$0x18500] =	vst v63  }
0xaa: {  	_ =	swait.ge [sflag:s26], $0x80  }
0xab: {  	[sflag:s26] =	ssyncset.done $0x0  }
0xac: {  	[sflag:s26] =	ssyncadd.s32 $0xFFFFFF80  }
0xad: {  	[spmem:s21] =	stream.indirect.scatter.add.f32 [tilespmem:s9], [sflag:$0x8], $0x80, s13, s11, $0xb8;
	[tilespmem:$0x18500] =	vst v63  }
0xae: {  	_ =	swait.ge [sflag:s28], $0x4000  }
0xaf: {  	[sflag:s28] =	ssyncset.done $0x0  }
0xb0: {  	s0 =	sadd.s32 s29, s25;
	[sflag:s28] =	ssyncadd.s32 $0xFFFFC000  }
0xb1: {  	[tilespmem:s16], [sflag:$0x1] =	stream.linear.gather [hbm4b:s0+s16], $0x80, $0x38;
	[tilespmem:$0x18500] =	vst v63  }
0xb2: {  	_ =	swait.ge [sflag:s30], $0x4000  }
0xb3: {  	[sflag:s30] =	ssyncset.done $0x0  }
0xb4: {  	s0 =	sadd.s32 s29, s24;
	[sflag:s30] =	ssyncadd.s32 $0xFFFFC000  }
0xb5: {  	[tilespmem:s11], [sflag:$0x2] =	stream.linear.gather [hbm4b:s0+s16], $0x80, $0x38;
	[tilespmem:$0x18500] =	vst v63  }
0xb6: {  	_ =	swait.ge [sflag:s31], $0x4000  }
0xb7: {  	[sflag:s31] =	ssyncset.done $0x0  }
.Ltmp3:
0xb8: {  	s0 =	sadd.s32 s29, s19;
	[sflag:s31] =	ssyncadd.s32 $0xFFFFC000;
	(pc) =	sbr.rel @p4 .LBB2_7-.Ltmp3, $4  }
0xb9: {  	[tilespmem:s12], [sflag:$0x3] =	stream.linear.gather [hbm4b:s0+s16], $0x80, $0x38;
	[tilespmem:$0x18500] =	vst v63  }
0xba: {  	_ =	swait.ge [sflag:s18], $0x4000  }
0xbb: {  	[sflag:s18] =	ssyncset.done $0x0  }
0xbc: {  	s29 =	sadd.s32 s29, s20;
	[sflag:s18] =	ssyncadd.s32 $0xFFFFC000  }
0xbd: {  	[tilespmem:s13], [sflag:$0x4] =	stream.linear.gather [hbm4b:s29+s16], $0x80, $0x38;
	[tilespmem:$0x18500] =	vst v63  }
0xbe: {  	_ =	swait.ge [sflag:s14], $0x80  }
0xbf: {  	[sflag:s14] =	ssyncset.done $0x0  }
0xc0: {  	[sflag:s14] =	ssyncadd.s32 $0xFFFFFF80  }
0xc1: {  	[spmem:s21] =	stream.indirect.scatter.add.f32 [tilespmem:s9], [sflag:$0x5], $0x80, s16, s11, $0xb8;
	[tilespmem:$0x18500] =	vst v63  }
0xc2: {  	_ =	swait.ge [sflag:s15], $0x80  }
0xc3: {  	[sflag:s15] =	ssyncset.done $0x0  }
0xc4: {  	[sflag:s15] =	ssyncadd.s32 $0xFFFFFF80  }
0xc5: {  	[spmem:s21] =	stream.indirect.scatter.add.f32 [tilespmem:s9], [sflag:$0x6], $0x80, s11, s11, $0xb8;
	[tilespmem:$0x18500] =	vst v63  }
0xc6: {  	_ =	swait.ge [sflag:s17], $0x80  }
0xc7: {  	[sflag:s17] =	ssyncset.done $0x0  }
0xc8: {  	[sflag:s17] =	ssyncadd.s32 $0xFFFFFF80  }
0xc9: {  	[spmem:s21] =	stream.indirect.scatter.add.f32 [tilespmem:s9], [sflag:$0x7], $0x80, s12, s11, $0xb8;
	[tilespmem:$0x18500] =	vst v63  }
0xca: {  	_ =	swait.ge [sflag:s26], $0x80  }
0xcb: {  	[sflag:s26] =	ssyncset.done $0x0  }
0xcc: {  	[sflag:s26] =	ssyncadd.s32 $0xFFFFFF80  }
0xcd: {  	[spmem:s21] =	stream.indirect.scatter.add.f32 [tilespmem:s9], [sflag:$0x8], $0x80, s13, s11, $0xb8;
	[tilespmem:$0x18500] =	vst v63  }
0xce: {  	_ =	swait.ge [sflag:s28], $0x4000  }
0xcf: {  	[sflag:s28] =	ssyncset.done $0x0  }
0xd0: {  	[sflag:s28] =	ssyncadd.s32 $0xFFFFC000  }
0xd1: {  	_ =	swait.ge [sflag:s30], $0x4000  }
0xd2: {  	[sflag:s30] =	ssyncset.done $0x0  }
0xd3: {  	[sflag:s30] =	ssyncadd.s32 $0xFFFFC000  }
0xd4: {  	_ =	swait.ge [sflag:s31], $0x4000  }
0xd5: {  	[sflag:s31] =	ssyncset.done $0x0  }
0xd6: {  	[sflag:s31] =	ssyncadd.s32 $0xFFFFC000  }
0xd7: {  	_ =	swait.ge [sflag:s18], $0x4000  }
0xd8: {  	s2 =	simm.s32 $0x200;
	[sflag:s18] =	ssyncset.done $0x0  }
0xd9: {  	s5 =	simm.s32 $0xA;
	s0 =	rddreg [dreg:$0x4];
	[sflag:s18] =	ssyncadd.s32 $0xFFFFC000  }
0xda: {  	[tilespmem:s2], [sflag:$0xA] =	stream.linear.gather [hbm4b:s0+s16], $0x50, $0x38;
	[tilespmem:$0x18500] =	vst v63  }
0xdb: {  	_ =	swait.ge [sflag:s5], $0x50  }
0xdc: {  	[sflag:s5] =	ssyncset.done $0x0  }
0xdd: {  	[sflag:s5] =	ssyncadd.s32 $0xFFFFFFB0  }
0xde: {  	s6 =	simm.s32 $0x50;
	s7 =	rddreg [dreg:$0x2]  }
0xdf: {  	[spmem:s7] =	stream.indirect.scatter.add.f32 [tilespmem:s9], [sflag:$0x9], $0x80, s2, s6, $0xb8;
	[tilespmem:$0x18500] =	vst v63  }
0xe0: {  	_ =	swait.ge [sflag:s10], $0x2800  }
0xe1: {  	[sflag:s10] =	ssyncset.done $0x0  }
0xe2: {  	s8 =	rddreg [dreg:$0x5];
	[sflag:s10] =	ssyncadd.s32 $0xFFFFD800  }
0xe3: {  	[tilespmem:s2], [sflag:$0xA] =	stream.linear.gather [hbm4b:s8+s16], $0x50, $0x38;
	[tilespmem:$0x18500] =	vst v63  }
0xe4: {  	_ =	swait.ge [sflag:s5], $0x50  }
0xe5: {  	[sflag:s5] =	ssyncset.done $0x0  }
0xe6: {  	[sflag:s5] =	ssyncadd.s32 $0xFFFFFFB0  }
0xe7: {  	[spmem:s7] =	stream.indirect.scatter.add.f32 [tilespmem:s9], [sflag:$0x9], $0x80, s2, s6, $0xb8;
	[tilespmem:$0x18500] =	vst v63  }
0xe8: {  	_ =	swait.ge [sflag:s10], $0x2800  }
0xe9: {  	[sflag:s10] =	ssyncset.done $0x0  }
0xea: {  	s22 =	rddreg [dreg:$0x6];
	[sflag:s10] =	ssyncadd.s32 $0xFFFFD800  }
0xeb: {  	[tilespmem:s2], [sflag:$0xA] =	stream.linear.gather [hbm4b:s22+s16], $0x50, $0x38;
	[tilespmem:$0x18500] =	vst v63  }
0xec: {  	_ =	swait.ge [sflag:s5], $0x50  }
0xed: {  	[sflag:s5] =	ssyncset.done $0x0  }
0xee: {  	[sflag:s5] =	ssyncadd.s32 $0xFFFFFFB0  }
0xef: {  	[spmem:s7] =	stream.indirect.scatter.add.f32 [tilespmem:s9], [sflag:$0x9], $0x80, s2, s6, $0xb8;
	[tilespmem:$0x18500] =	vst v63  }
0xf0: {  	_ =	swait.ge [sflag:s10], $0x2800  }
0xf1: {  	[sflag:s10] =	ssyncset.done $0x0  }
0xf2: {  	s23 =	rddreg [dreg:$0x7];
	[sflag:s10] =	ssyncadd.s32 $0xFFFFD800  }
0xf3: {  	[tilespmem:s2], [sflag:$0xA] =	stream.linear.gather [hbm4b:s23+s16], $0x50, $0x38;
	[tilespmem:$0x18500] =	vst v63  }
0xf4: {  	_ =	swait.ge [sflag:s5], $0x50  }
0xf5: {  	[sflag:s5] =	ssyncset.done $0x0  }
0xf6: {  	[sflag:s5] =	ssyncadd.s32 $0xFFFFFFB0  }
0xf7: {  	[spmem:s7] =	stream.indirect.scatter.add.f32 [tilespmem:s9], [sflag:$0x9], $0x80, s2, s6, $0xb8;
	[tilespmem:$0x18500] =	vst v63  }
0xf8: {  	_ =	swait.ge [sflag:s10], $0x2800  }
0xf9: {  	[sflag:s10] =	ssyncset.done $0x0  }
0xfa: {  	s8 =	rddreg [dreg:$0x8];
	[sflag:s10] =	ssyncadd.s32 $0xFFFFD800  }
0xfb: {  	[tilespmem:s2], [sflag:$0xA] =	stream.linear.gather [hbm4b:s8+s16], $0x50, $0x38;
	[tilespmem:$0x18500] =	vst v63  }
0xfc: {  	_ =	swait.ge [sflag:s5], $0x50  }
0xfd: {  	[sflag:s5] =	ssyncset.done $0x0  }
0xfe: {  	[sflag:s5] =	ssyncadd.s32 $0xFFFFFFB0  }
0xff: {  	[spmem:s7] =	stream.indirect.scatter.add.f32 [tilespmem:s9], [sflag:$0x9], $0x80, s2, s6, $0xb8;
	[tilespmem:$0x18500] =	vst v63  }
0x100: {  	_ =	swait.ge [sflag:s10], $0x2800  }
0x101: {  	[sflag:s10] =	ssyncset.done $0x0  }
0x102: {  	s22 =	rddreg [dreg:$0x9];
	[sflag:s10] =	ssyncadd.s32 $0xFFFFD800  }
0x103: {  	[tilespmem:s2], [sflag:$0xA] =	stream.linear.gather [hbm4b:s22+s16], $0x50, $0x38;
	[tilespmem:$0x18500] =	vst v63  }
0x104: {  	_ =	swait.ge [sflag:s5], $0x50  }
0x105: {  	[sflag:s5] =	ssyncset.done $0x0  }
0x106: {  	[sflag:s5] =	ssyncadd.s32 $0xFFFFFFB0  }
0x107: {  	[spmem:s7] =	stream.indirect.scatter.add.f32 [tilespmem:s9], [sflag:$0x9], $0x80, s2, s6, $0xb8;
	[tilespmem:$0x18500] =	vst v63  }
0x108: {  	_ =	swait.ge [sflag:s10], $0x2800  }
0x109: {  	[sflag:s10] =	ssyncset.done $0x0  }
0x10a: {  	s23 =	rddreg [dreg:$0xa];
	[sflag:s10] =	ssyncadd.s32 $0xFFFFD800  }
0x10b: {  	[tilespmem:s2], [sflag:$0xA] =	stream.linear.gather [hbm4b:s23+s16], $0x50, $0x38;
	[tilespmem:$0x18500] =	vst v63  }
0x10c: {  	_ =	swait.ge [sflag:s5], $0x50  }
0x10d: {  	[sflag:s5] =	ssyncset.done $0x0  }
0x10e: {  	[sflag:s5] =	ssyncadd.s32 $0xFFFFFFB0  }
0x10f: {  	[spmem:s7] =	stream.indirect.scatter.add.f32 [tilespmem:s9], [sflag:$0x9], $0x80, s2, s6, $0xb8;
	[tilespmem:$0x18500] =	vst v63  }
0x110: {  	_ =	swait.ge [sflag:s10], $0x2800  }
0x111: {  	s0 =	simm.s32 @!p0 $0x0;
	[sflag:s10] =	ssyncset.done $0x0  }
0x112: {  	s22 =	simm.s32 @!p0 $0x200;
	s29 =	rddreg [dreg:$0xb];
	[sflag:s10] =	ssyncadd.s32 $0xFFFFD800  }
0x113: {  	[tilespmem:s22], [sflag:$0xA] =	stream.linear.gather @!p0 [hbm4b:s29+s0], $0x50, $0x38;
	[tilespmem:$0x18500] =	vst v63  }
0x114: {  	s0 =	simm.s32 @!p0 $0xA  }
0x115: {  	_ =	swait.ge @!p0 [sflag:s0], $0x50  }
0x116: {  	[sflag:s0] =	ssyncset.done @!p0 $0x0  }
0x117: {  	s29 =	simm.s32 @!p0 $0x280;
	[sflag:s0] =	ssyncadd.s32 @!p0 $0xFFFFFFB0;
	s0 =	simm.s32 @!p0 $0x50  }
0x118: {  	[spmem:s7] =	stream.indirect.scatter.add.f32 @!p0 [tilespmem:s29], [sflag:$0x9], $0x80, s22, s0, $0xb8;
	[tilespmem:$0x18500] =	vst v63  }
0x119: {  	s0 =	simm.s32 @!p0 $0x9  }
0x11a: {  	_ =	swait.ge @!p0 [sflag:s0], $0x2800  }
0x11b: {  	[sflag:s0] =	ssyncset.done @!p0 $0x0  }
0x11c: {  	s8 =	stileid.u32;
	[sflag:s0] =	ssyncadd.s32 @!p0 $0xFFFFD800  }
0x11d: {  	s22 =	sshll.u32 s8, $0x6;
	[bflag:$0x0] =	sbarrier.arrive $0xFFFF  }
0x11e: {  	s29 =	sshrl.u32 s1, $0x3;
	s22 =	sor.u32 $0x1C09, s22;
	s23 =	rddreg [dreg:$0xc]  }
0x11f: {  	[hbm:s23], [sflag:s22] =	dma.local [spmem:s29], $0x500  }
0x120: {  	_ =	swait.ge [sflag:s10], $0x500  }
0x121: {  	s5 =	smov.u32 s3;
	[sflag:s10] =	ssyncset.done $0x0  }
0x122: {  	s29 =	sshrl.u32 s3, $0x3;
	s3 =	rddreg [dreg:$0xd];
	[sflag:s10] =	ssyncadd.s32 $0xFFFFFB00  }
0x123: {  	[hbm:s3], [sflag:s22] =	dma.local [spmem:s29], $0x500  }
0x124: {  	_ =	swait.ge [sflag:s10], $0x500  }
0x125: {  	[sflag:s10] =	ssyncset.done $0x0  }
0x126: {  	s29 =	sshrl.u32 s4, $0x3;
	s6 =	rddreg [dreg:$0xe];
	[sflag:s10] =	ssyncadd.s32 $0xFFFFFB00  }
0x127: {  	[hbm:s6], [sflag:s22] =	dma.local [spmem:s29], $0x500  }
0x128: {  	_ =	swait.ge [sflag:s10], $0x500  }
0x129: {  	[sflag:s10] =	ssyncset.done $0x0;
	s23 =	rddreg [dreg:$0x1a]  }
0x12a: {  	s8 =	rddreg [dreg:$0xf];
	[sflag:s10] =	ssyncadd.s32 $0xFFFFFB00;
	s29 =	sshrl.u32 s23, $0x3  }
0x12b: {  	[hbm:s8], [sflag:s22] =	dma.local [spmem:s29], $0x500  }
0x12c: {  	_ =	swait.ge [sflag:s10], $0x500  }
0x12d: {  	[sflag:s10] =	ssyncset.done $0x0;
	s8 =	rddreg [dreg:$0x1b]  }
0x12e: {  	s3 =	rddreg [dreg:$0x10];
	[sflag:s10] =	ssyncadd.s32 $0xFFFFFB00;
	s29 =	sshrl.u32 s8, $0x3  }
0x12f: {  	[hbm:s3], [sflag:s22] =	dma.local [spmem:s29], $0x500  }
0x130: {  	_ =	swait.ge [sflag:s10], $0x500  }
0x131: {  	[sflag:s10] =	ssyncset.done $0x0;
	s3 =	rddreg [dreg:$0x1c]  }
0x132: {  	s6 =	rddreg [dreg:$0x11];
	[sflag:s10] =	ssyncadd.s32 $0xFFFFFB00;
	s29 =	sshrl.u32 s3, $0x3  }
0x133: {  	[hbm:s6], [sflag:s22] =	dma.local [spmem:s29], $0x500  }
0x134: {  	_ =	swait.ge [sflag:s10], $0x500  }
0x135: {  	s2 =	smov.u32 s1;
	[sflag:s10] =	ssyncset.done $0x0;
	s6 =	rddreg [dreg:$0x1d]  }
0x136: {  	s1 =	rddreg [dreg:$0x12];
	[sflag:s10] =	ssyncadd.s32 $0xFFFFFB00;
	s29 =	sshrl.u32 s6, $0x3  }
0x137: {  	[hbm:s1], [sflag:s22] =	dma.local [spmem:s29], $0x500  }
0x138: {  	_ =	swait.ge [sflag:s10], $0x500  }
0x139: {  	[sflag:s10] =	ssyncset.done $0x0;
	s1 =	rddreg [dreg:$0x1e]  }
0x13a: {  	[sflag:s10] =	ssyncadd.s32 $0xFFFFFB00;
	s29 =	sshrl.u32 @!p0 s1, $0x3;
	s1 =	rddreg [dreg:$0x13]  }
0x13b: {  	[hbm:s1], [sflag:s22] =	dma.local @!p0 [spmem:s29], $0x500  }
0x13c: {  	_ =	swait.ge @!p0 [sflag:s0], $0x500  }
0x13d: {  	s22 =	simm.s32 @!p3 $0x1C09;
	[sflag:s0] =	ssyncset.done @!p0 $0x0  }
0x13e: {  	s1 =	rddreg [dreg:$0x18];
	[sflag:s0] =	ssyncadd.s32 @!p0 $0xFFFFFB00;
	s0 =	sshrl.u32 @!p3 s7, $0x3  }
0x13f: {  	[hbm:s1], [sflag:s22] =	dma.local @!p3 [spmem:s0], $0x400  }
0x140: {  	s0 =	simm.s32 @!p3 $0x9  }
0x141: {  	_ =	swait.ge @!p3 [sflag:s0], $0x400  }
0x142: {  	s7 =	sld [smem:$0x7FB];
	_ =	sdelay $0x2  }
0x143: {  	s29 =	smov.u32 s5;
	s22 =	rddreg [dreg:$0x19];
	s5 =	sadd.s32 $0x1, s7  }
0x144: {  	p4 =	sne.s32 s5, s22  }
.Ltmp4:
0x145: {  	_ = 	snop;
	(pc) =	sbr.rel @p4 .LBB2_1-.Ltmp4, $3  }
0x146: {  	_ =	sdelay $0x1  }
0x147: {  	[sflag:s0] =	ssyncset.done @!p3 $0x0  }
0x148: {  	[sflag:s0] =	ssyncadd.s32 @!p3 $0xFFFFFC00  }
0x149: {  	_ =	sfence.sel $0x180000  }
0x14a: {  	[bflag:$0x0] =	sbarrier.arrive $0xFFFF  }
0x14b: {  	_ =	strace $0x90000047  }
0x14c: {  	[bflag:$0x2] =	sbarrier.arrive $0xFFFF  }
0x14d: {  	s0 =	rddreg [dreg:$0x3]  }
0x14e: {  	s0 =	sadd.s32 @!p1 $0x100000, s0  }
0x14f: {  	[sflag:s0] =	ssyncadd.tile.s32 @!p1 $0x1;
	_ =	shalt  }
.Lfunc_end2:
_tile_overlayer_lowered:
.L_overlay_start_2:
0x150: {  	(tag) =	ssettag $0x2  }
0x151: {  	s0 =	rddreg [dreg:$0x0];
	s2 =	stileid.u32  }
0x152: {  	s1 =	rddreg [dreg:$0x1];
	p0 =	sne.s32 s2, $0x0  }
0x153: {  	s3 =	rddreg [dreg:$0x2];
	[bflag:$0x3] =	sbarrier.arrive $0xFFFF;
	s2 =	simm.s32 @!p0 $0x1C09  }
0x154: {  	[timem:s3], [sflag:s2] =	dma.local @!p0 [hbm:s0], s1  }
0x155: {  	s0 =	simm.s32 @!p0 $0x9  }
0x156: {  	_ =	swait.ge @!p0 [sflag:s0], s1  }
0x157: {  	s1 =	ssub.s32 @!p0 $0x0, s1;
	[sflag:s0] =	ssyncset.done @!p0 $0x0  }
0x158: {  	[sflag:s0] =	ssyncadd.s32 @!p0 s1  }
0x159: {  	[bflag:$0x3] =	sbarrier.arrive $0xFFFF  }
0x15a: {  	_ =	shalt  }

// kernel: kernel.13.cloned.1.call-start
scs
__scs_entry_jumppad:
0x0: {  	(pc) =	sbr.rel $0x88, $3  }
0x1: {  	(tag) =	ssettag $0x0;
	lr =	simm.s32 $0x1  }
0x2: {  	[smem:$0x3F8B] =	sst lr;
	_ =	strace $0xD0000000  }
0x3: {  	_ = 	snop  }
0x4: {  	_ = 	snop  }
0x5: {  	_ = 	snop  }
0x6: {  	_ = 	snop  }
0x7: {  	_ = 	snop  }
__scs_overlays_trampoline_lowered:
0x8: {  	[smem:$0x3F9A] =	sst s0  }
0x9: {  	[smem:$0x3F9B] =	sst s1  }
0xa: {  	[smem:$0x3F9C] =	sst s2  }
0xb: {  	[smem:$0x3F9D] =	sst s3  }
0xc: {  	[smem:$0x3F9E] =	sst s4  }
0xd: {  	[smem:$0x3F9F] =	sst s5  }
0xe: {  	[smem:$0x3FA0] =	sst s6  }
0xf: {  	[smem:$0x3FA1] =	sst s7  }
0x10: {  	[smem:$0x3FA2] =	sst s8  }
0x11: {  	[smem:$0x3FA3] =	sst s9;
	s0 =	simm.s32 @!p0 $0x0  }
0x12: {  	s1 =	sld [smem:$0x3F89];
	s0 =	simm.s32 @p0 $0x1  }
0x13: {  	[smem:$0x3FA4] =	sst s0;
	s0 =	simm.s32 @!p1 $0x0  }
0x14: {  	s2 =	sld [smem:$0x3F88];
	s0 =	simm.s32 @p1 $0x1  }
0x15: {  	[smem:$0x3FA5] =	sst s0;
	s0 =	simm.s32 @!p2 $0x0  }
0x16: {  	s3 =	sld [smem:$0x3FDB];
	s0 =	simm.s32 @p2 $0x1  }
0x17: {  	s4 =	simm.s32 $0x1BF5;
	[smem:$0x3FA7] =	sst s0  }
0x18: {  	s0 =	sld [smem:$0x3F8A];
	_ =	swait.ge [sflag:s4], $0x0  }
0x19: {  	s7 =	sld [smem:$0x3F8B]  }
0x1a: {  	s8 =	sadd.s32 $0xFFFFE003, lr  }
0x1b: {  	s9 =	sadd.s32 $0xFFFFFEF7, lr;
	s5 =	simm.s32 $0xFFFFFFFF;
	p2 =	slt.u32 s8, $0xFFFFF086  }
0x1c: {  	p1 =	slt.u32 s9, $0xF7A;
	s5 =	simm.s32 @!p2 $0x0  }
0x1d: {  	s5 =	simm.s32 @p1 $0x1;
	p0 =	seq.s32 s7, s2  }
0x1e: {  	s7 =	smul.u32 @!p0 $0xF7A, s2;
	p2 =	seq.s32 @!p0 s5, $0x0  }
0x1f: {  	s9 =	smul.u32 $0xF7A, s1;
	s8 =	simm.s32 @!p0 $0x1BF5;
	p2 =	por !p2, p0  }
0x20: {  	[sflag:s8] =	ssyncset.s32 @!p0 $0xFFFFF086;
	s6 =	sadd.s32 @!p0 s3, s7;
	s7 =	simm.s32 @!p0 $0x108  }
0x21: {  	s3 =	sadd.s32 s3, s9;
	s6 =	sadd.s32 @!p0 $0x88, s6;
	s7 =	simm.s32 @p2 $0x1082  }
0x22: {  	[simem:s7], [sflag:s8] =	dma.local @!p0 [hbm:s6], $0xF7A  }
0x23: {  	s9 =	sor.u32 $0xD0000000, s2;
	s6 =	simm.s32 $0x108;
	_ =	swait.ge @!p0 [sflag:s8], $0x0  }
0x24: {  	s3 =	sadd.s32 $0x88, s3;
	s6 =	simm.s32 @!p1 $0x1082;
	[sflag:s4] =	ssyncset.s32 $0xFFFFF086  }
0x25: {  	[simem:s6], [sflag:s4] =	dma.local [hbm:s3], $0xF7A  }
0x26: {  	[smem:$0x3F8B] =	sst s1;
	(tag) =	ssettag s2;
	_ =	strace s9  }
0x27: {  	s1 =	sld [smem:$0x3F9B]  }
0x28: {  	s2 =	sld [smem:$0x3F9C]  }
0x29: {  	s4 =	sld [smem:$0x3F9E]  }
0x2a: {  	p0 =	seq.s32 s5, $0x0;
	s5 =	sld [smem:$0x3F9F]  }
0x2b: {  	s6 =	sld [smem:$0x3FA0]  }
0x2c: {  	s7 =	sld [smem:$0x3FA1]  }
0x2d: {  	s3 =	simm.s32 $0x108;
	s8 =	sld [smem:$0x3FA2]  }
0x2e: {  	s3 =	simm.s32 @!p0 $0x1082;
	s9 =	sld [smem:$0x3FA3]  }
0x2f: {  	lr =	sadd.s32 s0, s3;
	s0 =	sld [smem:$0x3F9A]  }
0x30: {  	s3 =	sld [smem:$0x3F9D]  }
0x31: {  	[smem:$0x3FA6] =	sst s10  }
0x32: {  	s10 =	sld [smem:$0x3FA4];
	_ =	sdelay $0x3  }
0x33: {  	p0 =	seq.s32 s10, $0x1;
	s10 =	sld [smem:$0x3FA6];
	_ =	sdelay $0x3  }
0x34: {  	[smem:$0x3FA6] =	sst s10  }
0x35: {  	s10 =	sld [smem:$0x3FA5];
	_ =	sdelay $0x3  }
0x36: {  	p1 =	seq.s32 s10, $0x1;
	s10 =	sld [smem:$0x3FA6];
	_ =	sdelay $0x3  }
0x37: {  	[smem:$0x3FA6] =	sst s10  }
0x38: {  	s10 =	sld [smem:$0x3FA7]  }
0x39: {  	_ = 	snop;
	(pc) =	sbr.ind lr, $3  }
0x3a: {  	_ = 	snop  }
0x3b: {  	_ = 	snop  }
0x3c: {  	p2 =	seq.s32 s10, $0x1;
	s10 =	sld [smem:$0x3FA6]  }
0x3d: {  	_ =	shalt  }
0x3e: {  	_ =	shalt  }
0x3f: {  	_ =	shalt  }
0x40: {  	_ =	shalt  }
0x41: {  	_ =	shalt  }
0x42: {  	_ =	shalt  }
0x43: {  	_ =	shalt  }
0x44: {  	_ =	shalt  }
0x45: {  	_ =	shalt  }
0x46: {  	_ =	shalt  }
0x47: {  	_ =	shalt  }
0x48: {  	_ =	shalt  }
0x49: {  	_ =	shalt  }
0x4a: {  	_ =	shalt  }
0x4b: {  	_ =	shalt  }
0x4c: {  	_ =	shalt  }
0x4d: {  	_ =	shalt  }
0x4e: {  	_ =	shalt  }
0x4f: {  	_ =	shalt  }
0x50: {  	_ =	shalt  }
0x51: {  	_ =	shalt  }
0x52: {  	_ =	shalt  }
0x53: {  	_ =	shalt  }
0x54: {  	_ =	shalt  }
0x55: {  	_ =	shalt  }
0x56: {  	_ =	shalt  }
0x57: {  	_ =	shalt  }
0x58: {  	_ =	shalt  }
0x59: {  	_ =	shalt  }
0x5a: {  	_ =	shalt  }
0x5b: {  	_ =	shalt  }
0x5c: {  	_ =	shalt  }
0x5d: {  	_ =	shalt  }
0x5e: {  	_ =	shalt  }
0x5f: {  	_ =	shalt  }
0x60: {  	_ =	shalt  }
0x61: {  	_ =	shalt  }
0x62: {  	_ =	shalt  }
0x63: {  	_ =	shalt  }
0x64: {  	_ =	shalt  }
0x65: {  	_ =	shalt  }
0x66: {  	_ =	shalt  }
0x67: {  	_ =	shalt  }
0x68: {  	_ =	shalt  }
0x69: {  	_ =	shalt  }
0x6a: {  	_ =	shalt  }
0x6b: {  	_ =	shalt  }
0x6c: {  	_ =	shalt  }
0x6d: {  	_ =	shalt  }
0x6e: {  	_ =	shalt  }
0x6f: {  	_ =	shalt  }
0x70: {  	_ =	shalt  }
0x71: {  	_ =	shalt  }
0x72: {  	_ =	shalt  }
0x73: {  	_ =	shalt  }
0x74: {  	_ =	shalt  }
0x75: {  	_ =	shalt  }
0x76: {  	_ =	shalt  }
0x77: {  	_ =	shalt  }
0x78: {  	_ =	shalt  }
0x79: {  	_ =	shalt  }
0x7a: {  	_ =	shalt  }
0x7b: {  	_ =	shalt  }
0x7c: {  	_ =	shalt  }
0x7d: {  	_ =	shalt  }
0x7e: {  	_ =	shalt  }
0x7f: {  	_ =	shalt  }
0x80: {  	_ =	shalt  }
0x81: {  	_ =	shalt  }
0x82: {  	_ =	shalt  }
0x83: {  	_ =	shalt  }
0x84: {  	_ =	shalt  }
0x85: {  	_ =	shalt  }
0x86: {  	_ =	shalt  }
0x87: {  	_ =	shalt  }
.Lfunc_end0:
.L_simem_size_0:
called_computation.1_lowered:
.L_overlay_start_0:
0x88: {  	s2 =	sld [smem:$0x3FD9]  }
0x89: {  	s3 =	sld [smem:$0x3FFE];
	_ =	sdelay $0x1  }
0x8a: {  	s1 =	srdreg.scid  }
0x8b: {  	s0 =	sand.u32 $0x1, s1  }
0x8c: {  	s16 =	sshll.u32 s0, $0xA;
	s2 =	sadd.s32 s3, s2  }
0x8d: {  	s2 =	sadd.s32 s2, s16  }
0x8e: {  	[smem:$0x3FB2] =	sst s2  }
0x8f: {  	_ = 	snop  }
0x90: {  	(tm) =	ssettm $0x1  }
0x91: {  	s17 =	sld [smem:$0x3FFB];
	_ =	sdelay $0x3  }
0x92: {  	_ =	strace s17  }
0x93: {  	s2 =	sld [smem:$0x3FFC];
	_ =	sdelay $0x3  }
0x94: {  	_ =	strace s2  }
0x95: {  	s2 =	sld [smem:$0x3FFD];
	_ =	sdelay $0x3  }
0x96: {  	_ =	strace s2  }
0x97: {  	_ =	strace $0x8FFFFFFF  }
0x98: {  	s18 =	sld [smem:$0x3FDB];
	_ =	sdelay $0x1  }
0x99: {  	s19 =	simm.s32 $_scs_section_size  }
0x9a: {  	s4 =	simm.s32 $_size__tile_overlayer_lowered;
	s5 =	simm.s32 $_tile_overlayer_lowered  }
0x9b: {  	s22 =	simm.s32 $0x1BFF;
	s21 =	sshll.u32 s5, $0x1;
	s2 =	sadd.s32 s19, s18  }
0x9c: {  	s6 =	simm.s32 $0x0;
	s20 =	sshll.u32 s4, $0x1;
	s4 =	sadd.s32 s21, s2  }
0x9d: {  	[timem:s6], [sflag:s22] =	dma.local [hbm:s4], s20  }
0x9e: {  	_ =	swait.ge [sflag:s22], s20  }
0x9f: {  	s3 =	ssub.s32 $0x0, s20;
	[sflag:s22] =	ssyncset.done $0x0  }
0xa0: {  	[sflag:s22] =	ssyncadd.s32 s3;
	_ =	sdelay $0x1  }
0xa1: {  	s23 =	simm.s32 $0x1B8B  }
0xa2: {  	_ =	swait.ge [sflag:s23], $0x1  }
0xa3: {  	[sflag:s23] =	ssyncset.done $0x0  }
0xa4: {  	s25 =	simm.s32 $0x1B8E;
	s24 =	sld [smem:$0x3FFE];
	[sflag:s23] =	ssyncadd.s32 $0xFFFFFFFF  }
0xa5: {  	s26 =	simm.s32 $execute0_lowered;
	[smem:$0x3FD2] =	sst s25  }
0xa6: {  	s4 =	sshll.u32 s26, $0x1;
	_ =	strace $0x80000049;
	[dreg:$0x1] =	wrdreg $0xFFFFFFFF  }
0xa7: {  	s28 =	simm.s32 $_size_execute0_lowered;
	s2 =	sadd.s32 s2, s4;
	[dreg:$0x0] =	wrdreg $0x0  }
0xa8: {  	s4 =	sshll.u32 s28, $0x1;
	[dreg:$0x2] =	wrdreg s2  }
0xa9: {  	[dreg:$0x3] =	wrdreg s4  }
0xaa: {  	[dreg:$0x4] =	wrdreg $0xC0  }
0xab: {  	_ =	task [dreg:s6], $0x5FFFF  }
0xac: {  	[dreg:$0x1] =	wrdreg $0xFFFFFFFF  }
0xad: {  	[dreg:$0x0] =	wrdreg $0x60  }
0xae: {  	[dreg:$0x2] =	wrdreg s24  }
0xaf: {  	[dreg:$0x3] =	wrdreg $0xA8000  }
0xb0: {  	[dreg:$0x4] =	wrdreg $0x9  }
0xb1: {  	_ =	task.clear_ibuf [dreg:s6], $0x5FFFF;
	_ =	strace $0x90000049  }
0xb2: {  	s29 =	simm.s32 $0x9;
	_ =	strace $0x8000004B  }
0xb3: {  	_ =	swait.ge [sflag:s29], $0x1  }
0xb4: {  	[sflag:s29] =	ssyncadd.s32 $0xFFFFFFFF  }
0xb5: {  	_ =	strace $0x9000004B  }
0xb6: {  	_ =	sfence  }
0xb7: {  	s30 =	sld [smem:$0x0];
	_ =	sdelay $0x2  }
0xb8: {  	s31 =	sshll.u32 s1, $0xD;
	s1 =	sshrl.u32 s1, $0x2  }
0xb9: {  	s3 =	sand.u32 $0x4000, s31;
	s1 =	sadd.s32 s1, s30  }
0xba: {  	s0 =	sor.u32 s3, s0;
	s1 =	sshll.u32 s1, $0x11  }
0xbb: {  	s0 =	sor.u32 s1, s0  }
0xbc: {  	s0 =	sadd.s32 $0x8F2B, s0  }
0xbd: {  	[sflag:s0] =	ssyncadd.remote.s32 $0x1  }
0xbe: {  	_ =	sfence.sel $0xFFFF  }
0xbf: {  	[dreg:$0x0] =	wrdreg $0xFFFFFFFF;
	(pc) =	sbr.abs _section_cstart, $3  }
0xc0: {  	[dreg:$0x1] =	wrdreg $0xFFFFFFFF  }
0xc1: {  	_ =	task.clear_ibuf [dreg:s6], $0x2FFFF;
	_ =	strace $0x9FFFFFFF  }
0xc2: {  	(tm) =	ssettm $0x7FFFFFFF  }
0xc3: {  	_ =	shalt  }
tec
execute0_lowered:
.L_overlay_start_1:
0x0: {  	(tag) =	ssettag $0x1  }
0x1: {  	s0 =	rddreg [dreg:$0x0]  }
0x2: {  	s1 =	rddreg [dreg:$0x1];
	s19 =	stileid.u32  }
0x3: {  	s2 =	simm.s32 $0x0;
	s3 =	srdreg.scid;
	s9 =	smul.u32 $0x5000, s19  }
0x4: {  	s30 =	simm.s32 $0x80;
	s3 =	sand.u32 $0x1, s3;
	s14 =	smul.u32 $0x500, s19  }
0x5: {  	s31 =	simm.s32 $0x1;
	s29 =	simm.s32 $0x7;
	s4 =	smul.u32 $0x27100, s3  }
0x6: {  	s10 =	sor.u32 $0x10, s19;
	s5 =	ssub.s32 $0x2, s3;
	s3 =	smul.u32 $0x50000, s3  }
0x7: {  	[smem:$0x7FF] =	sst s2;
	s11 =	sor.u32 $0x20, s19;
	s16 =	smul.u32 $0x500, s10  }
0x8: {  	s7 =	sadd.s32 $0xB7600, s0;
	s12 =	sadd.s32 $0x5000, s0;
	s17 =	smul.u32 $0x500, s11  }
0x9: {  	_ =	strace $0x8000004A;
	s11 =	smul.u32 $0xA000, s11;
	s6 =	sshrl.u32 s5, $0x1  }
0xa: {  	s4 =	sadd.s32 s4, s0;
	s8 =	ssub.s32 s5, s6;
	s13 =	sadd.s32 s9, s3  }
0xb: {  	s9 =	sor.u32 $0x30, s19;
	s6 =	sor.u32 $0x40, s19;
	s5 =	sor.u32 $0x50, s19  }
0xc: {  	s3 =	sor.u32 $0x70, s19;
	s15 =	sadd.s32 $0xCB600, s4;
	s18 =	smul.u32 $0x500, s9  }
0xd: {  	s4 =	sor.u32 $0x60, s19;
	s28 =	smul.u32 $0x500, s6;
	s20 =	sor.u32 $0x5F0, s13  }
0xe: {  	s24 =	sor.u32 $0x5A0, s13;
	s8 =	smax.u32 s8, $0x1;
	s9 =	smul.u32 $0xA000, s9  }
0xf: {  	s6 =	smul.u32 $0xA000, s6;
	s14 =	sadd.s32 s15, s14;
	[smem:$0x7F3] =	sst s8  }
0x10: {  	p0 =	sgt.u32 s3, $0x7C;
	s16 =	sadd.s32 s15, s16;
	[dreg:$0x13] =	wrdreg s14  }
0x11: {  	s17 =	sadd.s32 s15, s17;
	s22 =	sshrl.u32 s20, $0x3;
	[dreg:$0x14] =	wrdreg s16  }
0x12: {  	s25 =	sshrl.u32 s24, $0x3;
	[dreg:$0x15] =	wrdreg s17;
	s21 =	sadd.s32 s15, s18  }
0x13: {  	p1 =	sgt.u32 @!p0 s19, $0x1;
	s14 =	sadd.s32 s15, s28;
	[dreg:$0x16] =	wrdreg s21  }
0x14: {  	s16 =	smul.u32 $0x500, s5;
	s23 =	sadd.s32 s22, s12;
	[dreg:$0x17] =	wrdreg s14  }
0x15: {  	s26 =	sadd.s32 s25, s12;
	s28 =	sor.u32 $0x550, s13;
	[dreg:$0x3] =	wrdreg s23  }
0x16: {  	s20 =	sadd.s32 s25, s7;
	s5 =	smul.u32 $0xA000, s5;
	[dreg:$0x5] =	wrdreg s26  }
0x17: {  	s6 =	sshrl.u32 s6, $0x2;
	s14 =	sadd.s32 s22, s7;
	[dreg:$0x6] =	wrdreg s20  }
0x18: {  	s21 =	sshrl.u32 s28, $0x3;
	s6 =	sadd.s32 s6, s1;
	[dreg:$0x4] =	wrdreg s14  }
0x19: {  	s23 =	sor.u32 $0x500, s13;
	s22 =	sadd.s32 s21, s12;
	[smem:$0x7F8] =	sst s6  }
0x1a: {  	s28 =	sor.u32 $0x4B0, s13;
	s24 =	sadd.s32 s21, s7;
	[dreg:$0x7] =	wrdreg s22  }
0x1b: {  	s25 =	sshrl.u32 s23, $0x3;
	s16 =	sadd.s32 s15, s16;
	[dreg:$0x8] =	wrdreg s24  }
0x1c: {  	s18 =	sshrl.u32 s28, $0x3;
	s26 =	sadd.s32 s25, s12;
	[dreg:$0x18] =	wrdreg s16  }
0x1d: {  	s21 =	sor.u32 $0x460, s13;
	s17 =	sadd.s32 s25, s7;
	[dreg:$0x9] =	wrdreg s26  }
0x1e: {  	s28 =	sor.u32 $0x410, s13;
	s20 =	sadd.s32 s18, s12;
	[dreg:$0xa] =	wrdreg s17  }
0x1f: {  	s5 =	sshrl.u32 s5, $0x2;
	s22 =	sadd.s32 s18, s7;
	[dreg:$0xb] =	wrdreg s20  }
0x20: {  	s23 =	sshrl.u32 s21, $0x3;
	s5 =	sadd.s32 s5, s1;
	[dreg:$0xc] =	wrdreg s22  }
0x21: {  	s24 =	smul.u32 $0x500, s4;
	s25 =	sadd.s32 s23, s12;
	[smem:$0x7F9] =	sst s5  }
0x22: {  	s26 =	sadd.s32 s23, s7;
	s20 =	smul.u32 $0x500, s3;
	[dreg:$0xd] =	wrdreg s25  }
0x23: {  	s17 =	sshrl.u32 s28, $0x3;
	[dreg:$0xe] =	wrdreg s26;
	s21 =	sadd.s32 s15, s24  }
0x24: {  	s23 =	sor.u32 $0x3C0, s13;
	s22 =	sadd.s32 s17, s12;
	[dreg:$0x19] =	wrdreg s21  }
0x25: {  	s13 =	sshrl.u32 s13, $0x3;
	s24 =	sadd.s32 s17, s7;
	[dreg:$0xf] =	wrdreg s22  }
0x26: {  	s25 =	sor.u32 $0xA, s13;
	s14 =	sadd.s32 s15, s20;
	[dreg:$0x10] =	wrdreg s24  }
0x27: {  	s4 =	smul.u32 $0xA000, s4;
	s28 =	sadd.s32 s7, s25;
	[dreg:$0x1a] =	wrdreg s14  }
0x28: {  	s17 =	sor.u32 $0x14, s13;
	s15 =	sadd.s32 s12, s25;
	[dreg:$0x1b] =	wrdreg s28  }
0x29: {  	p1 =	por p1, p0;
	s18 =	sadd.s32 s7, s17;
	[dreg:$0x1c] =	wrdreg s15  }
0x2a: {  	s4 =	sshrl.u32 s4, $0x2;
	s16 =	sadd.s32 s12, s17;
	[dreg:$0x1d] =	wrdreg s18  }
0x2b: {  	s20 =	sor.u32 $0x1E, s13;
	s4 =	sadd.s32 s4, s1;
	[dreg:$0x1e] =	wrdreg s16  }
0x2c: {  	s3 =	smul.u32 $0xA000, s3;
	s21 =	sadd.s32 s7, s20;
	[smem:$0x7FA] =	sst s4  }
0x2d: {  	s22 =	sor.u32 $0x28, s13;
	s15 =	sadd.s32 s12, s20;
	[dreg:$0x1f] =	wrdreg s21  }
0x2e: {  	s14 =	sshrl.u32 s23, $0x3;
	s23 =	sadd.s32 s7, s22;
	[smem:$0x7DF] =	sst s15  }
0x2f: {  	s24 =	sor.u32 $0x32, s13;
	s16 =	sadd.s32 s12, s22;
	[smem:$0x7E0] =	sst s23  }
0x30: {  	s17 =	sor.u32 $0x46, s13;
	s25 =	sadd.s32 s7, s24;
	[smem:$0x7E1] =	sst s16  }
0x31: {  	s3 =	sshrl.u32 s3, $0x2;
	s18 =	sadd.s32 s7, s17;
	[smem:$0x7E2] =	sst s25  }
0x32: {  	s6 =	simm.s32 $0x2;
	s3 =	sadd.s32 s3, s1;
	[smem:$0x7E6] =	sst s18  }
0x33: {  	s20 =	sor.u32 $0x50, s13;
	s26 =	sadd.s32 s14, s12;
	[smem:$0x7FB] =	sst s3  }
0x34: {  	s22 =	sor.u32 $0x5A, s13;
	s15 =	sadd.s32 s12, s24;
	[dreg:$0x11] =	wrdreg s26  }
0x35: {  	s21 =	sadd.s32 s7, s20;
	s23 =	sadd.s32 s7, s22;
	[smem:$0x7E3] =	sst s15  }
0x36: {  	s24 =	sor.u32 $0x64, s13;
	s18 =	sshll.u32 s19, $0xE;
	[smem:$0x7E8] =	sst s21  }
0x37: {  	s3 =	simm.s32 $0x800;
	s15 =	sadd.s32 s12, s17;
	[smem:$0x7EA] =	sst s23  }
0x38: {  	s26 =	sor.u32 $0x3C, s13;
	s25 =	sadd.s32 s7, s24;
	[smem:$0x7E7] =	sst s15  }
0x39: {  	s21 =	smul.u32 $0xA000, s19;
	s28 =	sadd.s32 s7, s26;
	[smem:$0x7EC] =	sst s25  }
0x3a: {  	s16 =	sadd.s32 s12, s26;
	s15 =	sadd.s32 s12, s22;
	[smem:$0x7E4] =	sst s28  }
0x3b: {  	s26 =	sadd.s32 s12, s24;
	s22 =	smul.u32 $0xA000, s10;
	[smem:$0x7E5] =	sst s16  }
0x3c: {  	s24 =	sshll.u32 s19, $0x6;
	s25 =	sshrl.u32 s11, $0x2;
	[smem:$0x7EB] =	sst s15  }
0x3d: {  	s16 =	sadd.s32 s12, s20;
	[smem:$0x7ED] =	sst s26;
	s28 =	sadd.s32 s7, s13  }
0x3e: {  	s20 =	sadd.s32 s18, s1;
	s23 =	sshrl.u32 s21, $0x2;
	[smem:$0x7E9] =	sst s16  }
0x3f: {  	s26 =	sadd.s32 s25, s1;
	s15 =	simm.s32 $0x9;
	[smem:$0x7EE] =	sst s28  }
0x40: {  	s16 =	sadd.s32 s12, s13;
	s13 =	sor.u32 $0x6E, s13;
	[smem:$0x7F6] =	sst s26  }
0x41: {  	s10 =	sadd.s32 s23, s1;
	s8 =	sshrl.u32 s22, $0x2;
	[smem:$0x7EF] =	sst s16  }
0x42: {  	s28 =	sshrl.u32 s9, $0x2;
	s12 =	sadd.s32 s12, s13;
	[smem:$0x7F4] =	sst s10  }
0x43: {  	s9 =	simm.s32 $0x380;
	s17 =	sadd.s32 s7, s13;
	[smem:$0x7F0] =	sst s12  }
0x44: {  	s7 =	sadd.s32 s14, s7;
	s8 =	sadd.s32 s8, s1;
	[smem:$0x7F1] =	sst s17  }
0x45: {  	s10 =	simm.s32 $0x11;
	s16 =	simm.s32 $0x400;
	[dreg:$0x12] =	wrdreg s7  }
0x46: {  	s7 =	sadd.s32 $0x69400, s0;
	s0 =	sadd.s32 $0x19A00, s0;
	[smem:$0x7F5] =	sst s8  }
0x47: {  	s13 =	simm.s32 $0x3;
	s8 =	sadd.s32 s28, s1;
	[smem:$0x7F2] =	sst s0  }
0x48: {  	s12 =	sor.u32 $0x1C11, s24;
	s0 =	sadd.s32 $0x138800, s20;
	[smem:$0x7F7] =	sst s8  }
0x49: {  	s17 =	simm.s32 $0x300;
	[smem:$0x7FD] =	sst s12;
	s0 =	sshrl.u32 @!p1 s0, $0x3  }
0x4a: {  	s1 =	simm.s32 $0x0;
	[smem:$0x7FC] =	sst s0;
	s0 =	simm.s32 $0x50  }
.LBB2_1:
0x4b: {  	s4 =	sld [smem:$0x7F4];
	_ =	sdelay $0x1  }
0x4c: {  	s5 =	sld [smem:$0x7F2]  }
0x4d: {  	[smem:$0x7D6] =	sst s1;
	s21 =	sshrl.u32 s4, $0x3  }
0x4e: {  	[smem:$0x7D7] =	sst s21  }
0x4f: {  	[spmem:s21], [sflag:s12] =	dma.local [hbm:s5], $0x500  }
0x50: {  	_ =	swait.ge [sflag:s10], $0x500  }
0x51: {  	s22 =	sld [smem:$0x7F5];
	_ =	sdelay $0x2  }
0x52: {  	[sflag:s10] =	ssyncset.done $0x0;
	s23 =	sshrl.u32 s22, $0x3  }
0x53: {  	[sflag:s10] =	ssyncadd.s32 $0xFFFFFB00;
	[smem:$0x7D8] =	sst s23  }
0x54: {  	[spmem:s23], [sflag:s12] =	dma.local [hbm:s5], $0x500  }
0x55: {  	_ =	swait.ge [sflag:s10], $0x500  }
0x56: {  	s24 =	sld [smem:$0x7F6];
	_ =	sdelay $0x2  }
0x57: {  	[sflag:s10] =	ssyncset.done $0x0;
	s25 =	sshrl.u32 s24, $0x3  }
0x58: {  	[sflag:s10] =	ssyncadd.s32 $0xFFFFFB00;
	[smem:$0x7D9] =	sst s25  }
0x59: {  	[spmem:s25], [sflag:s12] =	dma.local [hbm:s5], $0x500  }
0x5a: {  	_ =	swait.ge [sflag:s10], $0x500  }
0x5b: {  	s26 =	sld [smem:$0x7F7];
	_ =	sdelay $0x2  }
0x5c: {  	[sflag:s10] =	ssyncset.done $0x0;
	s28 =	sshrl.u32 s26, $0x3  }
0x5d: {  	[sflag:s10] =	ssyncadd.s32 $0xFFFFFB00;
	[smem:$0x7DA] =	sst s28  }
0x5e: {  	[spmem:s28], [sflag:s12] =	dma.local [hbm:s5], $0x500  }
0x5f: {  	_ =	swait.ge [sflag:s10], $0x500  }
0x60: {  	s1 =	sld [smem:$0x7F8];
	_ =	sdelay $0x2  }
0x61: {  	[sflag:s10] =	ssyncset.done $0x0;
	s4 =	sshrl.u32 s1, $0x3  }
0x62: {  	[sflag:s10] =	ssyncadd.s32 $0xFFFFFB00;
	[smem:$0x7DB] =	sst s4  }
0x63: {  	[spmem:s4], [sflag:s12] =	dma.local [hbm:s5], $0x500  }
0x64: {  	_ =	swait.ge [sflag:s10], $0x500  }
0x65: {  	s8 =	sld [smem:$0x7F9];
	_ =	sdelay $0x2  }
0x66: {  	[sflag:s10] =	ssyncset.done $0x0;
	s11 =	sshrl.u32 s8, $0x3  }
0x67: {  	[sflag:s10] =	ssyncadd.s32 $0xFFFFFB00;
	[smem:$0x7DC] =	sst s11  }
0x68: {  	[spmem:s11], [sflag:s12] =	dma.local [hbm:s5], $0x500  }
0x69: {  	_ =	swait.ge [sflag:s10], $0x500  }
0x6a: {  	s14 =	sld [smem:$0x7FA];
	_ =	sdelay $0x2  }
0x6b: {  	[sflag:s10] =	ssyncset.done $0x0;
	s18 =	sshrl.u32 s14, $0x3  }
0x6c: {  	[sflag:s10] =	ssyncadd.s32 $0xFFFFFB00;
	[smem:$0x7DD] =	sst s18  }
0x6d: {  	[spmem:s18], [sflag:s12] =	dma.local [hbm:s5], $0x500  }
0x6e: {  	_ =	swait.ge [sflag:s10], $0x500  }
0x6f: {  	s4 =	sld [smem:$0x7FB];
	_ =	sdelay $0x2  }
0x70: {  	[sflag:s10] =	ssyncset.done $0x0;
	s1 =	sshrl.u32 @!p0 s4, $0x3  }
0x71: {  	[sflag:s10] =	ssyncadd.s32 $0xFFFFFB00;
	s4 =	simm.s32 @!p0 $0x11;
	[smem:$0x7DE] =	sst s1  }
0x72: {  	[spmem:s1], [sflag:s12] =	dma.local @!p0 [hbm:s5], $0x500  }
0x73: {  	_ =	swait.ge @!p0 [sflag:s4], $0x500  }
0x74: {  	[sflag:s4] =	ssyncset.done @!p0 $0x0  }
0x75: {  	[sflag:s4] =	ssyncadd.s32 @!p0 $0xFFFFFB00;
	s4 =	sld [smem:$0x7FC];
	_ =	sdelay $0x2  }
0x76: {  	[spmem:s4], [sflag:s12] =	dma.local @!p1 [hbm:s5], $0x800  }
0x77: {  	s4 =	simm.s32 @!p1 $0x11  }
0x78: {  	_ =	swait.ge @!p1 [sflag:s4], $0x800  }
0x79: {  	[sflag:s4] =	ssyncset.done @!p1 $0x0  }
0x7a: {  	[sflag:s4] =	ssyncadd.s32 @!p1 $0xFFFFF800  }
0x7b: {  	[bflag:$0x0] =	sbarrier.arrive $0xFFFF  }
0x7c: {  	s19 =	sld [smem:$0x7EE];
	_ =	sdelay $0x1  }
0x7d: {  	s20 =	sld [smem:$0x7EF]  }
0x7e: {  	[tilespmem:s2], [sflag:$0x1] =	stream.linear.gather [hbm4b:s19+s2], $0x50, $0x38;
	[tilespmem:$0x1E880] =	vst v63  }
0x7f: {  	s21 =	rddreg [dreg:$0x1b]  }
0x80: {  	[tilespmem:s16], [sflag:$0x1] =	stream.linear.gather [hbm4b:s20+s2], $0x50, $0x38;
	[tilespmem:$0x1E880] =	vst v63  }
0x81: {  	s22 =	rddreg [dreg:$0x1c]  }
0x82: {  	[tilespmem:s30], [sflag:$0x2] =	stream.linear.gather [hbm4b:s21+s2], $0x50, $0x38;
	[tilespmem:$0x1E880] =	vst v63  }
0x83: {  	s23 =	simm.s32 $0x480;
	s24 =	rddreg [dreg:$0x1d]  }
0x84: {  	[tilespmem:s23], [sflag:$0x2] =	stream.linear.gather [hbm4b:s22+s2], $0x50, $0x38;
	[tilespmem:$0x1E880] =	vst v63  }
0x85: {  	s25 =	simm.s32 $0x100;
	s26 =	rddreg [dreg:$0x1e]  }
0x86: {  	[tilespmem:s25], [sflag:$0x3] =	stream.linear.gather [hbm4b:s24+s2], $0x50, $0x38;
	[tilespmem:$0x1E880] =	vst v63  }
0x87: {  	s28 =	simm.s32 $0x500;
	s5 =	rddreg [dreg:$0x1f]  }
0x88: {  	[tilespmem:s28], [sflag:$0x3] =	stream.linear.gather [hbm4b:s26+s2], $0x50, $0x38;
	[tilespmem:$0x1E880] =	vst v63  }
0x89: {  	s8 =	simm.s32 $0x180;
	s10 =	sld [smem:$0x7DF]  }
0x8a: {  	[tilespmem:s8], [sflag:$0x4] =	stream.linear.gather [hbm4b:s5+s2], $0x50, $0x38;
	[tilespmem:$0x1E880] =	vst v63  }
0x8b: {  	s12 =	simm.s32 $0x580;
	s14 =	sld [smem:$0x7E0]  }
0x8c: {  	[tilespmem:s12], [sflag:$0x4] =	stream.linear.gather [hbm4b:s10+s2], $0x50, $0x38;
	[tilespmem:$0x1E880] =	vst v63  }
0x8d: {  	s18 =	simm.s32 $0x200;
	s19 =	sld [smem:$0x7E1]  }
0x8e: {  	[tilespmem:s18], [sflag:$0x5] =	stream.linear.gather [hbm4b:s14+s2], $0x50, $0x38;
	[tilespmem:$0x1E880] =	vst v63  }
0x8f: {  	s20 =	simm.s32 $0x600  }
0x90: {  	[tilespmem:s20], [sflag:$0x5] =	stream.linear.gather [hbm4b:s19+s2], $0x50, $0x38;
	[tilespmem:$0x1E880] =	vst v63  }
0x91: {  	_ =	swait.ge [sflag:s31], $0x50  }
0x92: {  	[sflag:s31] =	ssyncset.done $0x0  }
0x93: {  	[sflag:s31] =	ssyncadd.s32 $0xFFFFFFB0  }
0x94: {  	_ =	swait.ge [sflag:s31], $0x50  }
0x95: {  	[sflag:s31] =	ssyncset.done $0x0  }
0x96: {  	s21 =	sld [smem:$0x7E2];
	[sflag:s31] =	ssyncadd.s32 $0xFFFFFFB0  }
0x97: {  	[tilespmem:s3], [sflag:$0x9] =	stream.indirect.gather [hbm4b:s7+s0], $0x80, s2, s0, $0xb8;
	[tilespmem:$0x1E880] =	vst v63  }
0x98: {  	s22 =	simm.s32 $0x280;
	s23 =	sld [smem:$0x7E3]  }
0x99: {  	[tilespmem:s22], [sflag:$0x6] =	stream.linear.gather [hbm4b:s21+s2], $0x50, $0x38;
	[tilespmem:$0x1E880] =	vst v63  }
0x9a: {  	s24 =	simm.s32 $0x680  }
0x9b: {  	[tilespmem:s24], [sflag:$0x6] =	stream.linear.gather [hbm4b:s23+s2], $0x50, $0x38;
	[tilespmem:$0x1E880] =	vst v63  }
0x9c: {  	_ =	swait.ge [sflag:s6], $0x50  }
0x9d: {  	[sflag:s6] =	ssyncset.done $0x0  }
0x9e: {  	[sflag:s6] =	ssyncadd.s32 $0xFFFFFFB0  }
0x9f: {  	_ =	swait.ge [sflag:s6], $0x50  }
0xa0: {  	[sflag:s6] =	ssyncset.done $0x0  }
0xa1: {  	s10 =	simm.s32 $0x3000;
	s25 =	sld [smem:$0x7E4];
	[sflag:s6] =	ssyncadd.s32 $0xFFFFFFB0  }
0xa2: {  	[tilespmem:s10], [sflag:$0xA] =	stream.indirect.gather [hbm4b:s7+s0], $0x80, s30, s0, $0xb8;
	[tilespmem:$0x1E880] =	vst v63  }
0xa3: {  	s26 =	sld [smem:$0x7E5]  }
0xa4: {  	[tilespmem:s17], [sflag:$0x7] =	stream.linear.gather [hbm4b:s25+s2], $0x50, $0x38;
	[tilespmem:$0x1E880] =	vst v63  }
0xa5: {  	s28 =	simm.s32 $0x700  }
0xa6: {  	[tilespmem:s28], [sflag:$0x7] =	stream.linear.gather [hbm4b:s26+s2], $0x50, $0x38;
	[tilespmem:$0x1E880] =	vst v63  }
0xa7: {  	_ =	swait.ge [sflag:s13], $0x50  }
0xa8: {  	[sflag:s13] =	ssyncset.done $0x0  }
0xa9: {  	[sflag:s13] =	ssyncadd.s32 $0xFFFFFFB0  }
0xaa: {  	_ =	swait.ge [sflag:s13], $0x50  }
0xab: {  	[sflag:s13] =	ssyncset.done $0x0  }
0xac: {  	s11 =	simm.s32 $0x100;
	s12 =	simm.s32 $0x5800;
	[sflag:s13] =	ssyncadd.s32 $0xFFFFFFB0  }
0xad: {  	[tilespmem:s12], [sflag:$0xB] =	stream.indirect.gather [hbm4b:s7+s0], $0x80, s11, s0, $0xb8;
	[tilespmem:$0x1E880] =	vst v63  }
0xae: {  	_ =	swait.ge [sflag:s15], $0x2800  }
0xaf: {  	[sflag:s15] =	ssyncset.done $0x0  }
0xb0: {  	s13 =	sld [smem:$0x7E6];
	[sflag:s15] =	ssyncadd.s32 $0xFFFFD800  }
0xb1: {  	s2 =	rddreg [dreg:$0x1]  }
0xb2: {  	[spmem:s2] =	stream.indirect.scatter.add.f32 [tilespmem:s3], [sflag:$0xD], $0x80, s16, s0, $0xb8;
	[tilespmem:$0x1E880] =	vst v63  }
0xb3: {  	s18 =	sld [smem:$0x7E7];
	s15 =	simm.s32 $0x0  }
0xb4: {  	[tilespmem:s9], [sflag:$0x8] =	stream.linear.gather [hbm4b:s13+s15], $0x50, $0x38;
	[tilespmem:$0x1E880] =	vst v63  }
0xb5: {  	s20 =	simm.s32 $0x780  }
0xb6: {  	[tilespmem:s20], [sflag:$0x8] =	stream.linear.gather [hbm4b:s18+s15], $0x50, $0x38;
	[tilespmem:$0x1E880] =	vst v63  }
0xb7: {  	s18 =	simm.s32 $0x4  }
0xb8: {  	_ =	swait.ge [sflag:s18], $0x50  }
0xb9: {  	[sflag:s18] =	ssyncset.done $0x0  }
0xba: {  	[sflag:s18] =	ssyncadd.s32 $0xFFFFFFB0  }
0xbb: {  	_ =	swait.ge [sflag:s18], $0x50  }
0xbc: {  	s8 =	simm.s32 $0x180;
	[sflag:s18] =	ssyncset.done $0x0  }
0xbd: {  	s21 =	simm.s32 $0x8000;
	s11 =	simm.s32 $0xA;
	[sflag:s18] =	ssyncadd.s32 $0xFFFFFFB0  }
0xbe: {  	[tilespmem:s21], [sflag:$0xC] =	stream.indirect.gather [hbm4b:s7+s0], $0x80, s8, s0, $0xb8;
	[tilespmem:$0x1E880] =	vst v63  }
0xbf: {  	_ =	swait.ge [sflag:s11], $0x2800  }
0xc0: {  	[sflag:s11] =	ssyncset.done $0x0  }
0xc1: {  	s8 =	simm.s32 $0x480;
	s21 =	simm.s32 $0xD;
	[sflag:s11] =	ssyncadd.s32 $0xFFFFD800  }
0xc2: {  	[spmem:s2] =	stream.indirect.scatter.add.f32 [tilespmem:s10], [sflag:$0xE], $0x80, s8, s0, $0xb8;
	[tilespmem:$0x1E880] =	vst v63  }
0xc3: {  	_ =	swait.ge [sflag:s21], $0x2800  }
0xc4: {  	s23 =	sld [smem:$0x7E8]  }
0xc5: {  	[sflag:s21] =	ssyncset.done $0x0  }
0xc6: {  	s24 =	sld [smem:$0x7E9];
	[sflag:s21] =	ssyncadd.s32 $0xFFFFD800  }
0xc7: {  	[tilespmem:s15], [sflag:$0x1] =	stream.linear.gather [hbm4b:s23+s15], $0x50, $0x38;
	[tilespmem:$0x1E880] =	vst v63  }
0xc8: {  	s20 =	simm.s32 $0x5  }
0xc9: {  	[tilespmem:s16], [sflag:$0x1] =	stream.linear.gather [hbm4b:s24+s15], $0x50, $0x38;
	[tilespmem:$0x1E880] =	vst v63  }
0xca: {  	_ =	swait.ge [sflag:s20], $0x50  }
0xcb: {  	[sflag:s20] =	ssyncset.done $0x0  }
0xcc: {  	[sflag:s20] =	ssyncadd.s32 $0xFFFFFFB0  }
0xcd: {  	_ =	swait.ge [sflag:s20], $0x50  }
0xce: {  	[sflag:s20] =	ssyncset.done $0x0  }
0xcf: {  	s5 =	simm.s32 $0x200;
	s23 =	simm.s32 $0xB;
	[sflag:s20] =	ssyncadd.s32 $0xFFFFFFB0  }
0xd0: {  	[tilespmem:s3], [sflag:$0x9] =	stream.indirect.gather [hbm4b:s7+s0], $0x80, s5, s0, $0xb8;
	[tilespmem:$0x1E880] =	vst v63  }
0xd1: {  	_ =	swait.ge [sflag:s23], $0x2800  }
0xd2: {  	s14 =	simm.s32 $0x5800;
	[sflag:s23] =	ssyncset.done $0x0  }
0xd3: {  	s13 =	simm.s32 $0x500;
	s24 =	simm.s32 $0xE;
	[sflag:s23] =	ssyncadd.s32 $0xFFFFD800  }
0xd4: {  	[spmem:s2] =	stream.indirect.scatter.add.f32 [tilespmem:s14], [sflag:$0xF], $0x80, s13, s0, $0xb8;
	[tilespmem:$0x1E880] =	vst v63  }
0xd5: {  	_ =	swait.ge [sflag:s24], $0x2800  }
0xd6: {  	s26 =	sld [smem:$0x7EA]  }
0xd7: {  	[sflag:s24] =	ssyncset.done $0x0  }
0xd8: {  	s28 =	sld [smem:$0x7EB];
	[sflag:s24] =	ssyncadd.s32 $0xFFFFD800  }
0xd9: {  	[tilespmem:s30], [sflag:$0x2] =	stream.linear.gather [hbm4b:s26+s15], $0x50, $0x38;
	[tilespmem:$0x1E880] =	vst v63  }
0xda: {  	_ = 	snop  }
0xdb: {  	[tilespmem:s8], [sflag:$0x2] =	stream.linear.gather [hbm4b:s28+s15], $0x50, $0x38;
	[tilespmem:$0x1E880] =	vst v63  }
0xdc: {  	s8 =	simm.s32 $0x6  }
0xdd: {  	_ =	swait.ge [sflag:s8], $0x50  }
0xde: {  	[sflag:s8] =	ssyncset.done $0x0  }
0xdf: {  	[sflag:s8] =	ssyncadd.s32 $0xFFFFFFB0  }
0xe0: {  	_ =	swait.ge [sflag:s8], $0x50  }
0xe1: {  	[sflag:s8] =	ssyncset.done $0x0  }
0xe2: {  	s1 =	simm.s32 $0x280;
	s26 =	simm.s32 $0xC;
	[sflag:s8] =	ssyncadd.s32 $0xFFFFFFB0  }
0xe3: {  	[tilespmem:s10], [sflag:$0xA] =	stream.indirect.gather [hbm4b:s7+s0], $0x80, s1, s0, $0xb8;
	[tilespmem:$0x1E880] =	vst v63  }
0xe4: {  	_ =	swait.ge [sflag:s26], $0x2800  }
0xe5: {  	s12 =	simm.s32 $0x8000;
	[sflag:s26] =	ssyncset.done $0x0  }
0xe6: {  	s5 =	simm.s32 $0x580;
	s28 =	simm.s32 $0xF;
	[sflag:s26] =	ssyncadd.s32 $0xFFFFD800  }
0xe7: {  	[spmem:s2] =	stream.indirect.scatter.add.f32 [tilespmem:s12], [sflag:$0x10], $0x80, s5, s0, $0xb8;
	[tilespmem:$0x1E880] =	vst v63  }
0xe8: {  	_ =	swait.ge [sflag:s28], $0x2800  }
0xe9: {  	s1 =	sld [smem:$0x7EC]  }
0xea: {  	[sflag:s28] =	ssyncset.done $0x0  }
0xeb: {  	s22 =	simm.s32 $0x100;
	[sflag:s28] =	ssyncadd.s32 $0xFFFFD800  }
0xec: {  	[tilespmem:s22], [sflag:$0x3] =	stream.linear.gather [hbm4b:s1+s15], $0x50, $0x38;
	[tilespmem:$0x1E880] =	vst v63  }
0xed: {  	s1 =	sld [smem:$0x7ED];
	_ =	sdelay $0x2  }
0xee: {  	[tilespmem:s13], [sflag:$0x3] =	stream.linear.gather [hbm4b:s1+s15], $0x50, $0x38;
	[tilespmem:$0x1E880] =	vst v63  }
0xef: {  	_ =	swait.ge [sflag:s29], $0x50  }
0xf0: {  	[sflag:s29] =	ssyncset.done $0x0  }
0xf1: {  	[sflag:s29] =	ssyncadd.s32 $0xFFFFFFB0  }
0xf2: {  	_ =	swait.ge [sflag:s29], $0x50  }
0xf3: {  	[sflag:s29] =	ssyncset.done $0x0  }
0xf4: {  	s6 =	simm.s32 $0x9;
	s14 =	simm.s32 $0x5800;
	[sflag:s29] =	ssyncadd.s32 $0xFFFFFFB0  }
0xf5: {  	[tilespmem:s14], [sflag:$0xB] =	stream.indirect.gather [hbm4b:s7+s0], $0x80, s17, s0, $0xb8;
	[tilespmem:$0x1E880] =	vst v63  }
0xf6: {  	_ =	swait.ge [sflag:s6], $0x2800  }
0xf7: {  	[sflag:s6] =	ssyncset.done $0x0  }
0xf8: {  	s22 =	simm.s32 $0x600;
	s1 =	simm.s32 $0x10;
	[sflag:s6] =	ssyncadd.s32 $0xFFFFD800  }
0xf9: {  	[spmem:s2] =	stream.indirect.scatter.add.f32 [tilespmem:s3], [sflag:$0xD], $0x80, s22, s0, $0xb8;
	[tilespmem:$0x1E880] =	vst v63  }
0xfa: {  	_ =	swait.ge [sflag:s1], $0x2800  }
0xfb: {  	s13 =	sld [smem:$0x7F1]  }
0xfc: {  	[sflag:s1] =	ssyncset.done $0x0  }
0xfd: {  	s14 =	simm.s32 $0x180;
	[sflag:s1] =	ssyncadd.s32 $0xFFFFD800  }
0xfe: {  	[tilespmem:s14], [sflag:$0x4] =	stream.linear.gather [hbm4b:s13+s15], $0x50, $0x38;
	[tilespmem:$0x1E880] =	vst v63  }
0xff: {  	s14 =	sld [smem:$0x7F0];
	_ =	sdelay $0x1  }
0x100: {  	s13 =	simm.s32 $0x8  }
0x101: {  	[tilespmem:s5], [sflag:$0x4] =	stream.linear.gather [hbm4b:s14+s15], $0x50, $0x38;
	[tilespmem:$0x1E880] =	vst v63  }
0x102: {  	_ =	swait.ge [sflag:s13], $0x50  }
0x103: {  	[sflag:s13] =	ssyncset.done $0x0  }
0x104: {  	[sflag:s13] =	ssyncadd.s32 $0xFFFFFFB0  }
0x105: {  	_ =	swait.ge [sflag:s13], $0x50  }
0x106: {  	[sflag:s13] =	ssyncset.done $0x0  }
0x107: {  	[sflag:s13] =	ssyncadd.s32 $0xFFFFFFB0  }
0x108: {  	[tilespmem:s12], [sflag:$0xC] =	stream.indirect.gather [hbm4b:s7+s0], $0x80, s9, s0, $0xb8;
	[tilespmem:$0x1E880] =	vst v63  }
0x109: {  	_ =	swait.ge [sflag:s11], $0x2800  }
0x10a: {  	[sflag:s11] =	ssyncset.done $0x0  }
0x10b: {  	s9 =	simm.s32 $0x680;
	[sflag:s11] =	ssyncadd.s32 $0xFFFFD800  }
0x10c: {  	[spmem:s2] =	stream.indirect.scatter.add.f32 [tilespmem:s10], [sflag:$0xE], $0x80, s9, s0, $0xb8;
	[tilespmem:$0x1E880] =	vst v63  }
0x10d: {  	_ =	swait.ge [sflag:s21], $0x2800  }
0x10e: {  	s14 =	simm.s32 $0x200;
	s12 =	rddreg [dreg:$0x12];
	[sflag:s21] =	ssyncset.done $0x0  }
0x10f: {  	s5 =	rddreg [dreg:$0x11];
	[sflag:s21] =	ssyncadd.s32 $0xFFFFD800;
	s4 =	sadd.s32 $0x0, s12  }
0x110: {  	[tilespmem:s14], [sflag:$0x5] =	stream.linear.gather [hbm4b:s4+s15], $0x50, $0x38;
	[tilespmem:$0x1E880] =	vst v63  }
0x111: {  	s5 =	sadd.s32 $0x0, s5  }
0x112: {  	[tilespmem:s22], [sflag:$0x5] =	stream.linear.gather [hbm4b:s5+s15], $0x50, $0x38;
	[tilespmem:$0x1E880] =	vst v63  }
0x113: {  	_ =	swait.ge [sflag:s31], $0x50  }
0x114: {  	[sflag:s31] =	ssyncset.done $0x0  }
0x115: {  	[sflag:s31] =	ssyncadd.s32 $0xFFFFFFB0  }
0x116: {  	_ =	swait.ge [sflag:s31], $0x50  }
0x117: {  	[sflag:s31] =	ssyncset.done $0x0  }
0x118: {  	[sflag:s31] =	ssyncadd.s32 $0xFFFFFFB0  }
0x119: {  	[tilespmem:s3], [sflag:$0x9] =	stream.indirect.gather [hbm4b:s7+s0], $0x80, s15, s0, $0xb8;
	[tilespmem:$0x1E880] =	vst v63  }
0x11a: {  	_ =	swait.ge [sflag:s23], $0x2800  }
0x11b: {  	[sflag:s23] =	ssyncset.done $0x0  }
0x11c: {  	s12 =	simm.s32 $0x5800;
	s14 =	simm.s32 $0x700;
	[sflag:s23] =	ssyncadd.s32 $0xFFFFD800  }
0x11d: {  	[spmem:s2] =	stream.indirect.scatter.add.f32 [tilespmem:s12], [sflag:$0xF], $0x80, s14, s0, $0xb8;
	[tilespmem:$0x1E880] =	vst v63  }
0x11e: {  	_ =	swait.ge [sflag:s24], $0x2800  }
0x11f: {  	s12 =	simm.s32 $0x280;
	s22 =	rddreg [dreg:$0x10];
	[sflag:s24] =	ssyncset.done $0x0  }
0x120: {  	s5 =	rddreg [dreg:$0xf];
	[sflag:s24] =	ssyncadd.s32 $0xFFFFD800;
	s4 =	sadd.s32 $0x0, s22  }
0x121: {  	[tilespmem:s12], [sflag:$0x6] =	stream.linear.gather [hbm4b:s4+s15], $0x50, $0x38;
	[tilespmem:$0x1E880] =	vst v63  }
0x122: {  	s25 =	simm.s32 $0x2;
	s12 =	sadd.s32 $0x0, s5  }
0x123: {  	[tilespmem:s9], [sflag:$0x6] =	stream.linear.gather [hbm4b:s12+s15], $0x50, $0x38;
	[tilespmem:$0x1E880] =	vst v63  }
0x124: {  	_ =	swait.ge [sflag:s25], $0x50  }
0x125: {  	[sflag:s25] =	ssyncset.done $0x0  }
0x126: {  	[sflag:s25] =	ssyncadd.s32 $0xFFFFFFB0  }
0x127: {  	_ =	swait.ge [sflag:s25], $0x50  }
0x128: {  	[sflag:s25] =	ssyncset.done $0x0  }
0x129: {  	[sflag:s25] =	ssyncadd.s32 $0xFFFFFFB0  }
0x12a: {  	[tilespmem:s10], [sflag:$0xA] =	stream.indirect.gather [hbm4b:s7+s0], $0x80, s30, s0, $0xb8;
	[tilespmem:$0x1E880] =	vst v63  }
0x12b: {  	_ =	swait.ge [sflag:s26], $0x2800  }
0x12c: {  	[sflag:s26] =	ssyncset.done $0x0  }
0x12d: {  	s12 =	simm.s32 $0x8000;
	s25 =	simm.s32 $0x780;
	[sflag:s26] =	ssyncadd.s32 $0xFFFFD800  }
0x12e: {  	[spmem:s2] =	stream.indirect.scatter.add.f32 [tilespmem:s12], [sflag:$0x10], $0x80, s25, s0, $0xb8;
	[tilespmem:$0x1E880] =	vst v63  }
0x12f: {  	_ =	swait.ge [sflag:s28], $0x2800  }
0x130: {  	s5 =	rddreg [dreg:$0xe];
	[sflag:s28] =	ssyncset.done $0x0  }
0x131: {  	s9 =	rddreg [dreg:$0xd];
	[sflag:s28] =	ssyncadd.s32 $0xFFFFD800;
	s4 =	sadd.s32 $0x0, s5  }
0x132: {  	[tilespmem:s17], [sflag:$0x7] =	stream.linear.gather [hbm4b:s4+s15], $0x50, $0x38;
	[tilespmem:$0x1E880] =	vst v63  }
0x133: {  	s19 =	simm.s32 $0x3;
	s9 =	sadd.s32 $0x0, s9  }
0x134: {  	[tilespmem:s14], [sflag:$0x7] =	stream.linear.gather [hbm4b:s9+s15], $0x50, $0x38;
	[tilespmem:$0x1E880] =	vst v63  }
0x135: {  	_ =	swait.ge [sflag:s19], $0x50  }
0x136: {  	[sflag:s19] =	ssyncset.done $0x0  }
0x137: {  	[sflag:s19] =	ssyncadd.s32 $0xFFFFFFB0  }
0x138: {  	_ =	swait.ge [sflag:s19], $0x50  }
0x139: {  	[sflag:s19] =	ssyncset.done $0x0  }
0x13a: {  	s5 =	simm.s32 $0x100;
	s14 =	simm.s32 $0x5800;
	[sflag:s19] =	ssyncadd.s32 $0xFFFFFFB0  }
0x13b: {  	[tilespmem:s14], [sflag:$0xB] =	stream.indirect.gather [hbm4b:s7+s0], $0x80, s5, s0, $0xb8;
	[tilespmem:$0x1E880] =	vst v63  }
0x13c: {  	_ =	swait.ge [sflag:s6], $0x2800  }
0x13d: {  	[sflag:s6] =	ssyncset.done $0x0  }
0x13e: {  	[sflag:s6] =	ssyncadd.s32 $0xFFFFD800  }
0x13f: {  	[spmem:s2] =	stream.indirect.scatter.add.f32 [tilespmem:s3], [sflag:$0xD], $0x80, s16, s0, $0xb8;
	[tilespmem:$0x1E880] =	vst v63  }
0x140: {  	_ =	swait.ge [sflag:s1], $0x2800  }
0x141: {  	s9 =	rddreg [dreg:$0xc]  }
0x142: {  	[sflag:s1] =	ssyncset.done $0x0;
	s19 =	rddreg [dreg:$0xb]  }
0x143: {  	[sflag:s1] =	ssyncadd.s32 $0xFFFFD800;
	s4 =	sadd.s32 $0x0, s9;
	s9 =	simm.s32 $0x380  }
0x144: {  	[tilespmem:s9], [sflag:$0x8] =	stream.linear.gather [hbm4b:s4+s15], $0x50, $0x38;
	[tilespmem:$0x1E880] =	vst v63  }
0x145: {  	s5 =	sadd.s32 $0x0, s19  }
0x146: {  	[tilespmem:s25], [sflag:$0x8] =	stream.linear.gather [hbm4b:s5+s15], $0x50, $0x38;
	[tilespmem:$0x1E880] =	vst v63  }
0x147: {  	_ =	swait.ge [sflag:s18], $0x50  }
0x148: {  	[sflag:s18] =	ssyncset.done $0x0  }
0x149: {  	[sflag:s18] =	ssyncadd.s32 $0xFFFFFFB0  }
0x14a: {  	_ =	swait.ge [sflag:s18], $0x50  }
0x14b: {  	[sflag:s18] =	ssyncset.done $0x0  }
0x14c: {  	[sflag:s18] =	ssyncadd.s32 $0xFFFFFFB0;
	s18 =	simm.s32 $0x180  }
0x14d: {  	[tilespmem:s12], [sflag:$0xC] =	stream.indirect.gather [hbm4b:s7+s0], $0x80, s18, s0, $0xb8;
	[tilespmem:$0x1E880] =	vst v63  }
0x14e: {  	_ =	swait.ge [sflag:s11], $0x2800  }
0x14f: {  	[sflag:s11] =	ssyncset.done $0x0  }
0x150: {  	s19 =	simm.s32 $0x480;
	[sflag:s11] =	ssyncadd.s32 $0xFFFFD800  }
0x151: {  	[spmem:s2] =	stream.indirect.scatter.add.f32 [tilespmem:s10], [sflag:$0xE], $0x80, s19, s0, $0xb8;
	[tilespmem:$0x1E880] =	vst v63  }
0x152: {  	p2 =	por $0x0, $0x0;
	_ =	swait.ge [sflag:s21], $0x2800  }
0x153: {  	s18 =	simm.s32 @!p2 $0x0;
	s4 =	rddreg [dreg:$0xa];
	[sflag:s21] =	ssyncset.done $0x0  }
0x154: {  	s5 =	rddreg [dreg:$0x9];
	[sflag:s21] =	ssyncadd.s32 $0xFFFFD800;
	s30 =	sadd.s32 @!p2 $0x0, s4  }
0x155: {  	[tilespmem:s18], [sflag:$0x1] =	stream.linear.gather @!p2 [hbm4b:s30+s18], $0x50, $0x38;
	[tilespmem:$0x1E880] =	vst v63  }
0x156: {  	s5 =	sadd.s32 @!p2 $0x0, s5;
	s30 =	simm.s32 @!p2 $0x400  }
0x157: {  	[tilespmem:s30], [sflag:$0x1] =	stream.linear.gather @!p2 [hbm4b:s5+s18], $0x50, $0x38;
	[tilespmem:$0x1E880] =	vst v63  }
0x158: {  	_ =	swait.ge [sflag:s20], $0x50  }
0x159: {  	[sflag:s20] =	ssyncset.done $0x0  }
0x15a: {  	[sflag:s20] =	ssyncadd.s32 $0xFFFFFFB0  }
0x15b: {  	_ =	swait.ge [sflag:s20], $0x50  }
0x15c: {  	[sflag:s20] =	ssyncset.done $0x0  }
0x15d: {  	s21 =	simm.s32 $0x200;
	[sflag:s20] =	ssyncadd.s32 $0xFFFFFFB0  }
0x15e: {  	[tilespmem:s3], [sflag:$0x9] =	stream.indirect.gather [hbm4b:s7+s0], $0x80, s21, s0, $0xb8;
	[tilespmem:$0x1E880] =	vst v63  }
0x15f: {  	_ =	swait.ge [sflag:s23], $0x2800  }
0x160: {  	[sflag:s23] =	ssyncset.done $0x0  }
0x161: {  	[sflag:s23] =	ssyncadd.s32 $0xFFFFD800;
	s23 =	simm.s32 $0x500  }
0x162: {  	[spmem:s2] =	stream.indirect.scatter.add.f32 [tilespmem:s14], [sflag:$0xF], $0x80, s23, s0, $0xb8;
	[tilespmem:$0x1E880] =	vst v63  }
0x163: {  	_ =	swait.ge [sflag:s24], $0x2800  }
0x164: {  	s4 =	simm.s32 @!p2 $0x80;
	s5 =	rddreg [dreg:$0x8];
	[sflag:s24] =	ssyncset.done $0x0  }
0x165: {  	s30 =	rddreg [dreg:$0x7];
	[sflag:s24] =	ssyncadd.s32 $0xFFFFD800;
	s5 =	sadd.s32 @!p2 $0x0, s5  }
0x166: {  	[tilespmem:s4], [sflag:$0x2] =	stream.linear.gather @!p2 [hbm4b:s5+s18], $0x50, $0x38;
	[tilespmem:$0x1E880] =	vst v63  }
0x167: {  	s4 =	sadd.s32 @!p2 $0x0, s30;
	s5 =	simm.s32 @!p2 $0x480  }
0x168: {  	[tilespmem:s5], [sflag:$0x2] =	stream.linear.gather @!p2 [hbm4b:s4+s18], $0x50, $0x38;
	[tilespmem:$0x1E880] =	vst v63  }
0x169: {  	_ =	swait.ge [sflag:s8], $0x50  }
0x16a: {  	[sflag:s8] =	ssyncset.done $0x0  }
0x16b: {  	[sflag:s8] =	ssyncadd.s32 $0xFFFFFFB0  }
0x16c: {  	_ =	swait.ge [sflag:s8], $0x50  }
0x16d: {  	[sflag:s8] =	ssyncset.done $0x0  }
0x16e: {  	s22 =	simm.s32 $0x280;
	[sflag:s8] =	ssyncadd.s32 $0xFFFFFFB0  }
0x16f: {  	[tilespmem:s10], [sflag:$0xA] =	stream.indirect.gather [hbm4b:s7+s0], $0x80, s22, s0, $0xb8;
	[tilespmem:$0x1E880] =	vst v63  }
0x170: {  	_ =	swait.ge [sflag:s26], $0x2800  }
0x171: {  	[sflag:s26] =	ssyncset.done $0x0  }
0x172: {  	s12 =	simm.s32 $0x8000;
	[sflag:s26] =	ssyncadd.s32 $0xFFFFD800;
	s26 =	simm.s32 $0x580  }
0x173: {  	[spmem:s2] =	stream.indirect.scatter.add.f32 [tilespmem:s12], [sflag:$0x10], $0x80, s26, s0, $0xb8;
	[tilespmem:$0x1E880] =	vst v63  }
0x174: {  	_ =	swait.ge [sflag:s28], $0x2800  }
0x175: {  	s30 =	simm.s32 @!p2 $0x100;
	s4 =	rddreg [dreg:$0x6];
	[sflag:s28] =	ssyncset.done $0x0  }
0x176: {  	s5 =	rddreg [dreg:$0x5];
	[sflag:s28] =	ssyncadd.s32 $0xFFFFD800;
	s4 =	sadd.s32 @!p2 $0x0, s4  }
0x177: {  	[tilespmem:s30], [sflag:$0x3] =	stream.linear.gather @!p2 [hbm4b:s4+s18], $0x50, $0x38;
	[tilespmem:$0x1E880] =	vst v63  }
0x178: {  	s4 =	sadd.s32 @!p2 $0x0, s5;
	s5 =	simm.s32 @!p2 $0x500  }
0x179: {  	[tilespmem:s5], [sflag:$0x3] =	stream.linear.gather @!p2 [hbm4b:s4+s18], $0x50, $0x38;
	[tilespmem:$0x1E880] =	vst v63  }
0x17a: {  	_ =	swait.ge [sflag:s29], $0x50  }
0x17b: {  	[sflag:s29] =	ssyncset.done $0x0  }
0x17c: {  	[sflag:s29] =	ssyncadd.s32 $0xFFFFFFB0  }
0x17d: {  	_ =	swait.ge [sflag:s29], $0x50  }
0x17e: {  	[sflag:s29] =	ssyncset.done $0x0  }
0x17f: {  	s25 =	simm.s32 $0x5800;
	[sflag:s29] =	ssyncadd.s32 $0xFFFFFFB0  }
0x180: {  	[tilespmem:s25], [sflag:$0xB] =	stream.indirect.gather [hbm4b:s7+s0], $0x80, s17, s0, $0xb8;
	[tilespmem:$0x1E880] =	vst v63  }
0x181: {  	_ =	swait.ge [sflag:s6], $0x2800  }
0x182: {  	[sflag:s6] =	ssyncset.done $0x0  }
0x183: {  	s28 =	simm.s32 $0x600;
	[sflag:s6] =	ssyncadd.s32 $0xFFFFD800  }
0x184: {  	[spmem:s2] =	stream.indirect.scatter.add.f32 [tilespmem:s3], [sflag:$0xD], $0x80, s28, s0, $0xb8;
	[tilespmem:$0x1E880] =	vst v63  }
0x185: {  	_ =	swait.ge [sflag:s1], $0x2800  }
0x186: {  	s30 =	simm.s32 @!p2 $0x180;
	s4 =	rddreg [dreg:$0x4];
	[sflag:s1] =	ssyncset.done $0x0  }
0x187: {  	s5 =	rddreg [dreg:$0x3];
	[sflag:s1] =	ssyncadd.s32 $0xFFFFD800;
	s4 =	sadd.s32 @!p2 $0x0, s4  }
0x188: {  	[tilespmem:s30], [sflag:$0x4] =	stream.linear.gather @!p2 [hbm4b:s4+s18], $0x50, $0x38;
	[tilespmem:$0x1E880] =	vst v63  }
0x189: {  	s4 =	sadd.s32 @!p2 $0x0, s5;
	s5 =	simm.s32 @!p2 $0x580  }
0x18a: {  	[tilespmem:s5], [sflag:$0x4] =	stream.linear.gather @!p2 [hbm4b:s4+s18], $0x50, $0x38;
	[tilespmem:$0x1E880] =	vst v63  }
0x18b: {  	_ =	swait.ge [sflag:s13], $0x50  }
0x18c: {  	[sflag:s13] =	ssyncset.done $0x0  }
0x18d: {  	[sflag:s13] =	ssyncadd.s32 $0xFFFFFFB0  }
0x18e: {  	_ =	swait.ge [sflag:s13], $0x50  }
0x18f: {  	[sflag:s13] =	ssyncset.done $0x0  }
0x190: {  	[sflag:s13] =	ssyncadd.s32 $0xFFFFFFB0  }
0x191: {  	[tilespmem:s12], [sflag:$0xC] =	stream.indirect.gather [hbm4b:s7+s0], $0x80, s9, s0, $0xb8;
	[tilespmem:$0x1E880] =	vst v63  }
0x192: {  	_ =	swait.ge [sflag:s11], $0x2800  }
0x193: {  	[sflag:s11] =	ssyncset.done $0x0  }
0x194: {  	s30 =	simm.s32 $0x50;
	s9 =	simm.s32 $0x800;
	[sflag:s11] =	ssyncadd.s32 $0xFFFFD800  }
.LBB2_2:
0x195: {  	s12 =	simm.s32 $0x680  }
0x196: {  	s14 =	simm.s32 $0x3000;
	s2 =	rddreg [dreg:$0x1];
	s21 =	simm.s32 $0xD  }
0x197: {  	[spmem:s2] =	stream.indirect.scatter.add.f32 [tilespmem:s14], [sflag:$0xE], $0x80, s12, s0, $0xb8;
	[tilespmem:$0x1E880] =	vst v63  }
0x198: {  	s4 =	smov.u32 s30;
	_ =	swait.ge [sflag:s21], $0x2800  }
0x199: {  	s18 =	simm.s32 $0x200;
	s5 =	rddreg [dreg:$0x12];
	[sflag:s21] =	ssyncset.done $0x0  }
0x19a: {  	s10 =	rddreg [dreg:$0x11];
	[sflag:s21] =	ssyncadd.s32 $0xFFFFD800;
	s5 =	sadd.s32 s4, s5  }
0x19b: {  	[tilespmem:s18], [sflag:$0x5] =	stream.linear.gather [hbm4b:s5+s15], $0x50, $0x38;
	[tilespmem:$0x1E880] =	vst v63  }
0x19c: {  	s1 =	simm.s32 $0x600;
	s25 =	sadd.s32 s4, s10  }
0x19d: {  	[tilespmem:s1], [sflag:$0x5] =	stream.linear.gather [hbm4b:s25+s15], $0x50, $0x38;
	[tilespmem:$0x1E880] =	vst v63  }
0x19e: {  	_ =	swait.ge [sflag:s31], $0x50  }
0x19f: {  	[sflag:s31] =	ssyncset.done $0x0  }
0x1a0: {  	[sflag:s31] =	ssyncadd.s32 $0xFFFFFFB0  }
0x1a1: {  	_ =	swait.ge [sflag:s31], $0x50  }
0x1a2: {  	[sflag:s31] =	ssyncset.done $0x0  }
0x1a3: {  	s23 =	simm.s32 $0xB;
	[sflag:s31] =	ssyncadd.s32 $0xFFFFFFB0  }
0x1a4: {  	[tilespmem:s9], [sflag:$0x9] =	stream.indirect.gather [hbm4b:s7+s0], $0x80, s15, s0, $0xb8;
	[tilespmem:$0x1E880] =	vst v63  }
0x1a5: {  	_ =	swait.ge [sflag:s23], $0x2800  }
0x1a6: {  	s19 =	simm.s32 $0x700;
	[sflag:s23] =	ssyncset.done $0x0  }
0x1a7: {  	s24 =	simm.s32 $0xE;
	s31 =	simm.s32 $0x5800;
	[sflag:s23] =	ssyncadd.s32 $0xFFFFD800  }
0x1a8: {  	[spmem:s2] =	stream.indirect.scatter.add.f32 [tilespmem:s31], [sflag:$0xF], $0x80, s19, s0, $0xb8;
	[tilespmem:$0x1E880] =	vst v63  }
0x1a9: {  	_ =	swait.ge [sflag:s24], $0x2800  }
0x1aa: {  	s17 =	simm.s32 $0x280;
	s26 =	rddreg [dreg:$0x10];
	[sflag:s24] =	ssyncset.done $0x0  }
0x1ab: {  	s28 =	rddreg [dreg:$0xf];
	[sflag:s24] =	ssyncadd.s32 $0xFFFFD800;
	s5 =	sadd.s32 s4, s26  }
0x1ac: {  	[tilespmem:s17], [sflag:$0x6] =	stream.linear.gather [hbm4b:s5+s15], $0x50, $0x38;
	[tilespmem:$0x1E880] =	vst v63  }
0x1ad: {  	s3 =	simm.s32 $0x2;
	s1 =	sadd.s32 s4, s28  }
0x1ae: {  	[tilespmem:s12], [sflag:$0x6] =	stream.linear.gather [hbm4b:s1+s15], $0x50, $0x38;
	[tilespmem:$0x1E880] =	vst v63  }
0x1af: {  	_ =	swait.ge [sflag:s3], $0x50  }
0x1b0: {  	[sflag:s3] =	ssyncset.done $0x0  }
0x1b1: {  	[sflag:s3] =	ssyncadd.s32 $0xFFFFFFB0  }
0x1b2: {  	_ =	swait.ge [sflag:s3], $0x50  }
0x1b3: {  	[sflag:s3] =	ssyncset.done $0x0  }
0x1b4: {  	s26 =	simm.s32 $0xC;
	s5 =	simm.s32 $0x80;
	[sflag:s3] =	ssyncadd.s32 $0xFFFFFFB0  }
0x1b5: {  	[tilespmem:s14], [sflag:$0xA] =	stream.indirect.gather [hbm4b:s7+s0], $0x80, s5, s0, $0xb8;
	[tilespmem:$0x1E880] =	vst v63  }
0x1b6: {  	_ =	swait.ge [sflag:s26], $0x2800  }
0x1b7: {  	s20 =	simm.s32 $0x8000;
	[sflag:s26] =	ssyncset.done $0x0  }
0x1b8: {  	s28 =	simm.s32 $0xF;
	s12 =	simm.s32 $0x780;
	[sflag:s26] =	ssyncadd.s32 $0xFFFFD800  }
0x1b9: {  	[spmem:s2] =	stream.indirect.scatter.add.f32 [tilespmem:s20], [sflag:$0x10], $0x80, s12, s0, $0xb8;
	[tilespmem:$0x1E880] =	vst v63  }
0x1ba: {  	_ =	swait.ge [sflag:s28], $0x2800  }
0x1bb: {  	s25 =	simm.s32 $0x300;
	s6 =	rddreg [dreg:$0xe];
	[sflag:s28] =	ssyncset.done $0x0  }
0x1bc: {  	s8 =	rddreg [dreg:$0xd];
	[sflag:s28] =	ssyncadd.s32 $0xFFFFD800;
	s5 =	sadd.s32 s4, s6  }
0x1bd: {  	[tilespmem:s25], [sflag:$0x7] =	stream.linear.gather [hbm4b:s5+s15], $0x50, $0x38;
	[tilespmem:$0x1E880] =	vst v63  }
0x1be: {  	s11 =	simm.s32 $0x3;
	s10 =	sadd.s32 s4, s8  }
0x1bf: {  	[tilespmem:s19], [sflag:$0x7] =	stream.linear.gather [hbm4b:s10+s15], $0x50, $0x38;
	[tilespmem:$0x1E880] =	vst v63  }
0x1c0: {  	_ =	swait.ge [sflag:s11], $0x50  }
0x1c1: {  	[sflag:s11] =	ssyncset.done $0x0  }
0x1c2: {  	[sflag:s11] =	ssyncadd.s32 $0xFFFFFFB0  }
0x1c3: {  	_ =	swait.ge [sflag:s11], $0x50  }
0x1c4: {  	[sflag:s11] =	ssyncset.done $0x0  }
0x1c5: {  	s19 =	simm.s32 $0x100;
	[sflag:s11] =	ssyncadd.s32 $0xFFFFFFB0;
	s11 =	simm.s32 $0x9  }
0x1c6: {  	[tilespmem:s31], [sflag:$0xB] =	stream.indirect.gather [hbm4b:s7+s0], $0x80, s19, s0, $0xb8;
	[tilespmem:$0x1E880] =	vst v63  }
0x1c7: {  	_ =	swait.ge [sflag:s11], $0x2800  }
0x1c8: {  	[sflag:s11] =	ssyncset.done $0x0  }
0x1c9: {  	s1 =	simm.s32 $0x10;
	[sflag:s11] =	ssyncadd.s32 $0xFFFFD800  }
0x1ca: {  	[spmem:s2] =	stream.indirect.scatter.add.f32 [tilespmem:s9], [sflag:$0xD], $0x80, s16, s0, $0xb8;
	[tilespmem:$0x1E880] =	vst v63  }
0x1cb: {  	_ =	swait.ge [sflag:s1], $0x2800  }
0x1cc: {  	s8 =	simm.s32 $0x380;
	s22 =	rddreg [dreg:$0xc];
	[sflag:s1] =	ssyncset.done $0x0  }
0x1cd: {  	s6 =	rddreg [dreg:$0xb];
	[sflag:s1] =	ssyncadd.s32 $0xFFFFD800;
	s5 =	sadd.s32 s4, s22  }
0x1ce: {  	[tilespmem:s8], [sflag:$0x8] =	stream.linear.gather [hbm4b:s5+s15], $0x50, $0x38;
	[tilespmem:$0x1E880] =	vst v63  }
0x1cf: {  	s10 =	sadd.s32 s4, s6  }
0x1d0: {  	[tilespmem:s12], [sflag:$0x8] =	stream.linear.gather [hbm4b:s10+s15], $0x50, $0x38;
	[tilespmem:$0x1E880] =	vst v63  }
0x1d1: {  	s12 =	simm.s32 $0x4  }
0x1d2: {  	_ =	swait.ge [sflag:s12], $0x50  }
0x1d3: {  	[sflag:s12] =	ssyncset.done $0x0  }
0x1d4: {  	[sflag:s12] =	ssyncadd.s32 $0xFFFFFFB0  }
0x1d5: {  	_ =	swait.ge [sflag:s12], $0x50  }
0x1d6: {  	[sflag:s12] =	ssyncset.done $0x0  }
0x1d7: {  	s16 =	simm.s32 $0x180;
	s22 =	simm.s32 $0xA;
	[sflag:s12] =	ssyncadd.s32 $0xFFFFFFB0  }
0x1d8: {  	[tilespmem:s20], [sflag:$0xC] =	stream.indirect.gather [hbm4b:s7+s0], $0x80, s16, s0, $0xb8;
	[tilespmem:$0x1E880] =	vst v63  }
0x1d9: {  	_ =	swait.ge [sflag:s22], $0x2800  }
0x1da: {  	[sflag:s22] =	ssyncset.done $0x0  }
0x1db: {  	s19 =	simm.s32 $0x480;
	[sflag:s22] =	ssyncadd.s32 $0xFFFFD800  }
0x1dc: {  	[spmem:s2] =	stream.indirect.scatter.add.f32 [tilespmem:s14], [sflag:$0xE], $0x80, s19, s0, $0xb8;
	[tilespmem:$0x1E880] =	vst v63  }
0x1dd: {  	_ =	swait.ge [sflag:s21], $0x2800  }
0x1de: {  	s5 =	rddreg [dreg:$0xa]  }
0x1df: {  	p3 =	seq.s32 s4, $0x960;
	[sflag:s21] =	ssyncset.done $0x0;
	s10 =	rddreg [dreg:$0x9]  }
0x1e0: {  	[sflag:s21] =	ssyncadd.s32 $0xFFFFD800;
	s12 =	sadd.s32 @!p3 s4, s5;
	s5 =	simm.s32 @!p3 $0x0  }
0x1e1: {  	[tilespmem:s5], [sflag:$0x1] =	stream.linear.gather @!p3 [hbm4b:s12+s5], $0x50, $0x38;
	[tilespmem:$0x1E880] =	vst v63  }
0x1e2: {  	s10 =	sadd.s32 @!p3 s4, s10;
	s21 =	simm.s32 $0x5;
	s12 =	simm.s32 @!p3 $0x400  }
0x1e3: {  	[tilespmem:s12], [sflag:$0x1] =	stream.linear.gather @!p3 [hbm4b:s10+s5], $0x50, $0x38;
	[tilespmem:$0x1E880] =	vst v63  }
0x1e4: {  	_ =	swait.ge [sflag:s21], $0x50  }
0x1e5: {  	[sflag:s21] =	ssyncset.done $0x0  }
0x1e6: {  	[sflag:s21] =	ssyncadd.s32 $0xFFFFFFB0  }
0x1e7: {  	_ =	swait.ge [sflag:s21], $0x50  }
0x1e8: {  	[sflag:s21] =	ssyncset.done $0x0  }
0x1e9: {  	[sflag:s21] =	ssyncadd.s32 $0xFFFFFFB0  }
0x1ea: {  	[tilespmem:s9], [sflag:$0x9] =	stream.indirect.gather [hbm4b:s7+s0], $0x80, s18, s0, $0xb8;
	[tilespmem:$0x1E880] =	vst v63  }
0x1eb: {  	_ =	swait.ge [sflag:s23], $0x2800  }
0x1ec: {  	[sflag:s23] =	ssyncset.done $0x0  }
0x1ed: {  	[sflag:s23] =	ssyncadd.s32 $0xFFFFD800;
	s23 =	simm.s32 $0x500  }
0x1ee: {  	[spmem:s2] =	stream.indirect.scatter.add.f32 [tilespmem:s31], [sflag:$0xF], $0x80, s23, s0, $0xb8;
	[tilespmem:$0x1E880] =	vst v63  }
0x1ef: {  	_ =	swait.ge [sflag:s24], $0x2800  }
0x1f0: {  	s16 =	simm.s32 @!p3 $0x80;
	s10 =	rddreg [dreg:$0x8];
	[sflag:s24] =	ssyncset.done $0x0  }
0x1f1: {  	s12 =	rddreg [dreg:$0x7];
	[sflag:s24] =	ssyncadd.s32 $0xFFFFD800;
	s10 =	sadd.s32 @!p3 s4, s10  }
0x1f2: {  	[tilespmem:s16], [sflag:$0x2] =	stream.linear.gather @!p3 [hbm4b:s10+s5], $0x50, $0x38;
	[tilespmem:$0x1E880] =	vst v63  }
0x1f3: {  	s24 =	simm.s32 $0x6;
	s10 =	sadd.s32 @!p3 s4, s12;
	s12 =	simm.s32 @!p3 $0x480  }
0x1f4: {  	[tilespmem:s12], [sflag:$0x2] =	stream.linear.gather @!p3 [hbm4b:s10+s5], $0x50, $0x38;
	[tilespmem:$0x1E880] =	vst v63  }
0x1f5: {  	_ =	swait.ge [sflag:s24], $0x50  }
0x1f6: {  	[sflag:s24] =	ssyncset.done $0x0  }
0x1f7: {  	[sflag:s24] =	ssyncadd.s32 $0xFFFFFFB0  }
0x1f8: {  	_ =	swait.ge [sflag:s24], $0x50  }
0x1f9: {  	[sflag:s24] =	ssyncset.done $0x0  }
0x1fa: {  	[sflag:s24] =	ssyncadd.s32 $0xFFFFFFB0  }
0x1fb: {  	[tilespmem:s14], [sflag:$0xA] =	stream.indirect.gather [hbm4b:s7+s0], $0x80, s17, s0, $0xb8;
	[tilespmem:$0x1E880] =	vst v63  }
0x1fc: {  	_ =	swait.ge [sflag:s26], $0x2800  }
0x1fd: {  	[sflag:s26] =	ssyncset.done $0x0  }
0x1fe: {  	[sflag:s26] =	ssyncadd.s32 $0xFFFFD800;
	s26 =	simm.s32 $0x580  }
0x1ff: {  	[spmem:s2] =	stream.indirect.scatter.add.f32 [tilespmem:s20], [sflag:$0x10], $0x80, s26, s0, $0xb8;
	[tilespmem:$0x1E880] =	vst v63  }
0x200: {  	_ =	swait.ge [sflag:s28], $0x2800  }
0x201: {  	s16 =	simm.s32 @!p3 $0x100;
	s10 =	rddreg [dreg:$0x6];
	[sflag:s28] =	ssyncset.done $0x0  }
0x202: {  	s12 =	rddreg [dreg:$0x5];
	[sflag:s28] =	ssyncadd.s32 $0xFFFFD800;
	s10 =	sadd.s32 @!p3 s4, s10  }
0x203: {  	[tilespmem:s16], [sflag:$0x3] =	stream.linear.gather @!p3 [hbm4b:s10+s5], $0x50, $0x38;
	[tilespmem:$0x1E880] =	vst v63  }
0x204: {  	s10 =	sadd.s32 @!p3 s4, s12;
	s12 =	simm.s32 @!p3 $0x500  }
0x205: {  	[tilespmem:s12], [sflag:$0x3] =	stream.linear.gather @!p3 [hbm4b:s10+s5], $0x50, $0x38;
	[tilespmem:$0x1E880] =	vst v63  }
0x206: {  	_ =	swait.ge [sflag:s29], $0x50  }
0x207: {  	[sflag:s29] =	ssyncset.done $0x0  }
0x208: {  	[sflag:s29] =	ssyncadd.s32 $0xFFFFFFB0  }
0x209: {  	_ =	swait.ge [sflag:s29], $0x50  }
0x20a: {  	[sflag:s29] =	ssyncset.done $0x0  }
0x20b: {  	[sflag:s29] =	ssyncadd.s32 $0xFFFFFFB0  }
0x20c: {  	[tilespmem:s31], [sflag:$0xB] =	stream.indirect.gather [hbm4b:s7+s0], $0x80, s25, s0, $0xb8;
	[tilespmem:$0x1E880] =	vst v63  }
0x20d: {  	_ =	swait.ge [sflag:s11], $0x2800  }
0x20e: {  	[sflag:s11] =	ssyncset.done $0x0  }
0x20f: {  	s28 =	simm.s32 $0x600;
	[sflag:s11] =	ssyncadd.s32 $0xFFFFD800  }
0x210: {  	[spmem:s2] =	stream.indirect.scatter.add.f32 [tilespmem:s9], [sflag:$0xD], $0x80, s28, s0, $0xb8;
	[tilespmem:$0x1E880] =	vst v63  }
0x211: {  	_ =	swait.ge [sflag:s1], $0x2800  }
0x212: {  	s16 =	simm.s32 @!p3 $0x180;
	s10 =	rddreg [dreg:$0x4];
	[sflag:s1] =	ssyncset.done $0x0  }
0x213: {  	s12 =	rddreg [dreg:$0x3];
	[sflag:s1] =	ssyncadd.s32 $0xFFFFD800;
	s10 =	sadd.s32 @!p3 s4, s10  }
0x214: {  	[tilespmem:s16], [sflag:$0x4] =	stream.linear.gather @!p3 [hbm4b:s10+s5], $0x50, $0x38;
	[tilespmem:$0x1E880] =	vst v63  }
0x215: {  	s4 =	sadd.s32 @!p3 s4, s12;
	s10 =	simm.s32 @!p3 $0x580  }
0x216: {  	[tilespmem:s10], [sflag:$0x4] =	stream.linear.gather @!p3 [hbm4b:s4+s5], $0x50, $0x38;
	[tilespmem:$0x1E880] =	vst v63  }
0x217: {  	_ =	swait.ge [sflag:s13], $0x50  }
0x218: {  	[sflag:s13] =	ssyncset.done $0x0  }
0x219: {  	[sflag:s13] =	ssyncadd.s32 $0xFFFFFFB0  }
0x21a: {  	s30 =	sadd.s32 $0x50, s30;
	_ =	swait.ge [sflag:s13], $0x50  }
0x21b: {  	p2 =	sne.s32 s30, $0x9B0;
	[sflag:s13] =	ssyncset.done $0x0  }
.Ltmp0:
0x21c: {  	s3 =	simm.s32 $0x700;
	[sflag:s13] =	ssyncadd.s32 $0xFFFFFFB0;
	(pc) =	sbr.rel @p2 .LBB2_2-.Ltmp0, $4  }
0x21d: {  	[tilespmem:s20], [sflag:$0xC] =	stream.indirect.gather [hbm4b:s7+s0], $0x80, s8, s0, $0xb8;
	[tilespmem:$0x1E880] =	vst v63  }
0x21e: {  	s6 =	simm.s32 $0x780;
	s19 =	simm.s32 $0x3000;
	_ =	swait.ge [sflag:s22], $0x2800  }
0x21f: {  	s14 =	simm.s32 $0x5800;
	s31 =	simm.s32 $0x1;
	[sflag:s22] =	ssyncset.done $0x0  }
0x220: {  	s16 =	simm.s32 $0x400;
	s4 =	simm.s32 $0x8000;
	[sflag:s22] =	ssyncadd.s32 $0xFFFFD800  }
0x221: {  	s1 =	rddreg [dreg:$0x1];
	s2 =	simm.s32 $0x680;
	s5 =	simm.s32 $0xB  }
0x222: {  	[spmem:s1] =	stream.indirect.scatter.add.f32 [tilespmem:s19], [sflag:$0xE], $0x80, s2, s0, $0xb8;
	[tilespmem:$0x1E880] =	vst v63  }
0x223: {  	_ =	swait.ge [sflag:s5], $0x2800  }
0x224: {  	[sflag:s5] =	ssyncset.done $0x0  }
0x225: {  	s2 =	simm.s32 $0xC;
	[sflag:s5] =	ssyncadd.s32 $0xFFFFD800  }
0x226: {  	[spmem:s1] =	stream.indirect.scatter.add.f32 [tilespmem:s14], [sflag:$0xF], $0x80, s3, s0, $0xb8;
	[tilespmem:$0x1E880] =	vst v63  }
0x227: {  	_ =	swait.ge [sflag:s2], $0x2800  }
0x228: {  	[sflag:s2] =	ssyncset.done $0x0  }
0x229: {  	s5 =	simm.s32 $0xD;
	[sflag:s2] =	ssyncadd.s32 $0xFFFFD800  }
0x22a: {  	[spmem:s1] =	stream.indirect.scatter.add.f32 [tilespmem:s4], [sflag:$0x10], $0x80, s6, s0, $0xb8;
	[tilespmem:$0x1E880] =	vst v63  }
0x22b: {  	_ =	swait.ge [sflag:s5], $0x2800  }
0x22c: {  	[sflag:s5] =	ssyncset.done $0x0  }
0x22d: {  	s6 =	simm.s32 $0xE;
	[sflag:s5] =	ssyncadd.s32 $0xFFFFD800  }
0x22e: {  	_ =	swait.ge [sflag:s6], $0x2800  }
0x22f: {  	[sflag:s6] =	ssyncset.done $0x0  }
0x230: {  	s8 =	simm.s32 $0xF;
	[sflag:s6] =	ssyncadd.s32 $0xFFFFD800  }
0x231: {  	_ =	swait.ge [sflag:s8], $0x2800  }
0x232: {  	[sflag:s8] =	ssyncset.done $0x0  }
0x233: {  	s9 =	simm.s32 $0x10;
	[sflag:s8] =	ssyncadd.s32 $0xFFFFD800  }
0x234: {  	_ =	swait.ge [sflag:s9], $0x2800  }
0x235: {  	[sflag:s9] =	ssyncset.done $0x0  }
0x236: {  	[sflag:s9] =	ssyncadd.s32 $0xFFFFD800  }
0x237: {  	[bflag:$0x0] =	sbarrier.arrive $0xFFFF  }
0x238: {  	s12 =	sld [smem:$0x7FD]  }
0x239: {  	s11 =	sld [smem:$0x7D7];
	_ =	sdelay $0x1  }
0x23a: {  	s10 =	rddreg [dreg:$0x13]  }
0x23b: {  	[hbm:s10], [sflag:s12] =	dma.local [spmem:s11], $0x500  }
0x23c: {  	s10 =	simm.s32 $0x11  }
0x23d: {  	_ =	swait.ge [sflag:s10], $0x500  }
0x23e: {  	s14 =	sld [smem:$0x7D8]  }
0x23f: {  	[sflag:s10] =	ssyncset.done $0x0  }
0x240: {  	s13 =	rddreg [dreg:$0x14];
	[sflag:s10] =	ssyncadd.s32 $0xFFFFFB00  }
0x241: {  	[hbm:s13], [sflag:s12] =	dma.local [spmem:s14], $0x500  }
0x242: {  	_ =	swait.ge [sflag:s10], $0x500  }
0x243: {  	s17 =	sld [smem:$0x7D9]  }
0x244: {  	[sflag:s10] =	ssyncset.done $0x0  }
0x245: {  	s15 =	rddreg [dreg:$0x15];
	[sflag:s10] =	ssyncadd.s32 $0xFFFFFB00  }
0x246: {  	[hbm:s15], [sflag:s12] =	dma.local [spmem:s17], $0x500  }
0x247: {  	_ =	swait.ge [sflag:s10], $0x500  }
0x248: {  	s19 =	sld [smem:$0x7DA]  }
0x249: {  	[sflag:s10] =	ssyncset.done $0x0  }
0x24a: {  	s18 =	rddreg [dreg:$0x16];
	[sflag:s10] =	ssyncadd.s32 $0xFFFFFB00  }
0x24b: {  	[hbm:s18], [sflag:s12] =	dma.local [spmem:s19], $0x500  }
0x24c: {  	_ =	swait.ge [sflag:s10], $0x500  }
0x24d: {  	s21 =	sld [smem:$0x7DB]  }
0x24e: {  	[sflag:s10] =	ssyncset.done $0x0  }
0x24f: {  	s20 =	rddreg [dreg:$0x17];
	[sflag:s10] =	ssyncadd.s32 $0xFFFFFB00  }
0x250: {  	[hbm:s20], [sflag:s12] =	dma.local [spmem:s21], $0x500  }
0x251: {  	_ =	swait.ge [sflag:s10], $0x500  }
0x252: {  	s23 =	sld [smem:$0x7DC]  }
0x253: {  	[sflag:s10] =	ssyncset.done $0x0  }
0x254: {  	s22 =	rddreg [dreg:$0x18];
	[sflag:s10] =	ssyncadd.s32 $0xFFFFFB00  }
0x255: {  	[hbm:s22], [sflag:s12] =	dma.local [spmem:s23], $0x500  }
0x256: {  	_ =	swait.ge [sflag:s10], $0x500  }
0x257: {  	s25 =	sld [smem:$0x7DD]  }
0x258: {  	[sflag:s10] =	ssyncset.done $0x0  }
0x259: {  	s24 =	rddreg [dreg:$0x19];
	[sflag:s10] =	ssyncadd.s32 $0xFFFFFB00  }
0x25a: {  	[hbm:s24], [sflag:s12] =	dma.local [spmem:s25], $0x500  }
0x25b: {  	_ =	swait.ge [sflag:s10], $0x500  }
0x25c: {  	s1 =	sld [smem:$0x7DE]  }
0x25d: {  	[sflag:s10] =	ssyncset.done $0x0  }
0x25e: {  	s4 =	rddreg [dreg:$0x1a];
	[sflag:s10] =	ssyncadd.s32 $0xFFFFFB00  }
0x25f: {  	[hbm:s4], [sflag:s12] =	dma.local @!p0 [spmem:s1], $0x500  }
0x260: {  	s4 =	simm.s32 @!p0 $0x11  }
0x261: {  	_ =	swait.ge @!p0 [sflag:s4], $0x500  }
0x262: {  	s26 =	sld [smem:$0x7D6]  }
0x263: {  	s28 =	sld [smem:$0x7F3];
	_ =	sdelay $0x1  }
0x264: {  	s1 =	sadd.s32 $0x1, s26  }
0x265: {  	p2 =	sne.s32 s1, s28  }
.Ltmp1:
0x266: {  	_ = 	snop;
	(pc) =	sbr.rel @p2 .LBB2_1-.Ltmp1, $4  }
0x267: {  	s30 =	simm.s32 $0x80  }
0x268: {  	s3 =	simm.s32 $0x800;
	s2 =	simm.s32 $0x0;
	s6 =	simm.s32 $0x2  }
0x269: {  	s9 =	simm.s32 $0x380;
	s13 =	simm.s32 $0x3;
	[sflag:s4] =	ssyncset.done @!p0 $0x0  }
0x26a: {  	s17 =	simm.s32 $0x300;
	s15 =	simm.s32 $0x9;
	[sflag:s4] =	ssyncadd.s32 @!p0 $0xFFFFFB00  }
0x26b: {  	_ =	sfence.sel $0x180000  }
0x26c: {  	[bflag:$0x0] =	sbarrier.arrive $0xFFFF  }
0x26d: {  	_ =	strace $0x9000004A  }
0x26e: {  	s0 =	stileid.u32;
	[bflag:$0x2] =	sbarrier.arrive $0xFFFF  }
0x26f: {  	p0 =	sne.s32 s0, $0x0;
	s0 =	rddreg [dreg:$0x2]  }
0x270: {  	s0 =	sadd.s32 @!p0 $0x100000, s0  }
0x271: {  	[sflag:s0] =	ssyncadd.tile.s32 @!p0 $0x1;
	_ =	shalt  }
.Lfunc_end2:
_tile_overlayer_lowered:
.L_overlay_start_2:
0x272: {  	(tag) =	ssettag $0x2  }
0x273: {  	s0 =	rddreg [dreg:$0x0];
	s2 =	stileid.u32  }
0x274: {  	s1 =	rddreg [dreg:$0x1];
	p0 =	sne.s32 s2, $0x0  }
0x275: {  	s3 =	rddreg [dreg:$0x2];
	[bflag:$0x3] =	sbarrier.arrive $0xFFFF;
	s2 =	simm.s32 @!p0 $0x1C11  }
0x276: {  	[timem:s3], [sflag:s2] =	dma.local @!p0 [hbm:s0], s1  }
0x277: {  	s0 =	simm.s32 @!p0 $0x11  }
0x278: {  	_ =	swait.ge @!p0 [sflag:s0], s1  }
0x279: {  	s1 =	ssub.s32 @!p0 $0x0, s1;
	[sflag:s0] =	ssyncset.done @!p0 $0x0  }
0x27a: {  	[sflag:s0] =	ssyncadd.s32 @!p0 s1  }
0x27b: {  	[bflag:$0x3] =	sbarrier.arrive $0xFFFF  }
0x27c: {  	_ =	shalt  }

// kernel: kernel.16.cloned.1.call-start
scs
__scs_entry_jumppad:
0x0: {  	(pc) =	sbr.rel $0x88, $3  }
0x1: {  	(tag) =	ssettag $0x0;
	lr =	simm.s32 $0x1  }
0x2: {  	[smem:$0x3F8B] =	sst lr;
	_ =	strace $0xD0000000  }
0x3: {  	_ = 	snop  }
0x4: {  	_ = 	snop  }
0x5: {  	_ = 	snop  }
0x6: {  	_ = 	snop  }
0x7: {  	_ = 	snop  }
__scs_overlays_trampoline_lowered:
0x8: {  	[smem:$0x3F9A] =	sst s0  }
0x9: {  	[smem:$0x3F9B] =	sst s1  }
0xa: {  	[smem:$0x3F9C] =	sst s2  }
0xb: {  	[smem:$0x3F9D] =	sst s3  }
0xc: {  	[smem:$0x3F9E] =	sst s4  }
0xd: {  	[smem:$0x3F9F] =	sst s5  }
0xe: {  	[smem:$0x3FA0] =	sst s6  }
0xf: {  	[smem:$0x3FA1] =	sst s7  }
0x10: {  	[smem:$0x3FA2] =	sst s8  }
0x11: {  	[smem:$0x3FA3] =	sst s9;
	s0 =	simm.s32 @!p0 $0x0  }
0x12: {  	s1 =	sld [smem:$0x3F89];
	s0 =	simm.s32 @p0 $0x1  }
0x13: {  	[smem:$0x3FA4] =	sst s0;
	s0 =	simm.s32 @!p1 $0x0  }
0x14: {  	s2 =	sld [smem:$0x3F88];
	s0 =	simm.s32 @p1 $0x1  }
0x15: {  	[smem:$0x3FA5] =	sst s0;
	s0 =	simm.s32 @!p2 $0x0  }
0x16: {  	s3 =	sld [smem:$0x3FDB];
	s0 =	simm.s32 @p2 $0x1  }
0x17: {  	s4 =	simm.s32 $0x1BF5;
	[smem:$0x3FA7] =	sst s0  }
0x18: {  	s0 =	sld [smem:$0x3F8A];
	_ =	swait.ge [sflag:s4], $0x0  }
0x19: {  	s7 =	sld [smem:$0x3F8B]  }
0x1a: {  	s8 =	sadd.s32 $0xFFFFE003, lr  }
0x1b: {  	s9 =	sadd.s32 $0xFFFFFEF7, lr;
	s5 =	simm.s32 $0xFFFFFFFF;
	p2 =	slt.u32 s8, $0xFFFFF086  }
0x1c: {  	p1 =	slt.u32 s9, $0xF7A;
	s5 =	simm.s32 @!p2 $0x0  }
0x1d: {  	s5 =	simm.s32 @p1 $0x1;
	p0 =	seq.s32 s7, s2  }
0x1e: {  	s7 =	smul.u32 @!p0 $0xF7A, s2;
	p2 =	seq.s32 @!p0 s5, $0x0  }
0x1f: {  	s9 =	smul.u32 $0xF7A, s1;
	s8 =	simm.s32 @!p0 $0x1BF5;
	p2 =	por !p2, p0  }
0x20: {  	[sflag:s8] =	ssyncset.s32 @!p0 $0xFFFFF086;
	s6 =	sadd.s32 @!p0 s3, s7;
	s7 =	simm.s32 @!p0 $0x108  }
0x21: {  	s3 =	sadd.s32 s3, s9;
	s6 =	sadd.s32 @!p0 $0x88, s6;
	s7 =	simm.s32 @p2 $0x1082  }
0x22: {  	[simem:s7], [sflag:s8] =	dma.local @!p0 [hbm:s6], $0xF7A  }
0x23: {  	s9 =	sor.u32 $0xD0000000, s2;
	s6 =	simm.s32 $0x108;
	_ =	swait.ge @!p0 [sflag:s8], $0x0  }
0x24: {  	s3 =	sadd.s32 $0x88, s3;
	s6 =	simm.s32 @!p1 $0x1082;
	[sflag:s4] =	ssyncset.s32 $0xFFFFF086  }
0x25: {  	[simem:s6], [sflag:s4] =	dma.local [hbm:s3], $0xF7A  }
0x26: {  	[smem:$0x3F8B] =	sst s1;
	(tag) =	ssettag s2;
	_ =	strace s9  }
0x27: {  	s1 =	sld [smem:$0x3F9B]  }
0x28: {  	s2 =	sld [smem:$0x3F9C]  }
0x29: {  	s4 =	sld [smem:$0x3F9E]  }
0x2a: {  	p0 =	seq.s32 s5, $0x0;
	s5 =	sld [smem:$0x3F9F]  }
0x2b: {  	s6 =	sld [smem:$0x3FA0]  }
0x2c: {  	s7 =	sld [smem:$0x3FA1]  }
0x2d: {  	s3 =	simm.s32 $0x108;
	s8 =	sld [smem:$0x3FA2]  }
0x2e: {  	s3 =	simm.s32 @!p0 $0x1082;
	s9 =	sld [smem:$0x3FA3]  }
0x2f: {  	lr =	sadd.s32 s0, s3;
	s0 =	sld [smem:$0x3F9A]  }
0x30: {  	s3 =	sld [smem:$0x3F9D]  }
0x31: {  	[smem:$0x3FA6] =	sst s10  }
0x32: {  	s10 =	sld [smem:$0x3FA4];
	_ =	sdelay $0x3  }
0x33: {  	p0 =	seq.s32 s10, $0x1;
	s10 =	sld [smem:$0x3FA6];
	_ =	sdelay $0x3  }
0x34: {  	[smem:$0x3FA6] =	sst s10  }
0x35: {  	s10 =	sld [smem:$0x3FA5];
	_ =	sdelay $0x3  }
0x36: {  	p1 =	seq.s32 s10, $0x1;
	s10 =	sld [smem:$0x3FA6];
	_ =	sdelay $0x3  }
0x37: {  	[smem:$0x3FA6] =	sst s10  }
0x38: {  	s10 =	sld [smem:$0x3FA7]  }
0x39: {  	_ = 	snop;
	(pc) =	sbr.ind lr, $3  }
0x3a: {  	_ = 	snop  }
0x3b: {  	_ = 	snop  }
0x3c: {  	p2 =	seq.s32 s10, $0x1;
	s10 =	sld [smem:$0x3FA6]  }
0x3d: {  	_ =	shalt  }
0x3e: {  	_ =	shalt  }
0x3f: {  	_ =	shalt  }
0x40: {  	_ =	shalt  }
0x41: {  	_ =	shalt  }
0x42: {  	_ =	shalt  }
0x43: {  	_ =	shalt  }
0x44: {  	_ =	shalt  }
0x45: {  	_ =	shalt  }
0x46: {  	_ =	shalt  }
0x47: {  	_ =	shalt  }
0x48: {  	_ =	shalt  }
0x49: {  	_ =	shalt  }
0x4a: {  	_ =	shalt  }
0x4b: {  	_ =	shalt  }
0x4c: {  	_ =	shalt  }
0x4d: {  	_ =	shalt  }
0x4e: {  	_ =	shalt  }
0x4f: {  	_ =	shalt  }
0x50: {  	_ =	shalt  }
0x51: {  	_ =	shalt  }
0x52: {  	_ =	shalt  }
0x53: {  	_ =	shalt  }
0x54: {  	_ =	shalt  }
0x55: {  	_ =	shalt  }
0x56: {  	_ =	shalt  }
0x57: {  	_ =	shalt  }
0x58: {  	_ =	shalt  }
0x59: {  	_ =	shalt  }
0x5a: {  	_ =	shalt  }
0x5b: {  	_ =	shalt  }
0x5c: {  	_ =	shalt  }
0x5d: {  	_ =	shalt  }
0x5e: {  	_ =	shalt  }
0x5f: {  	_ =	shalt  }
0x60: {  	_ =	shalt  }
0x61: {  	_ =	shalt  }
0x62: {  	_ =	shalt  }
0x63: {  	_ =	shalt  }
0x64: {  	_ =	shalt  }
0x65: {  	_ =	shalt  }
0x66: {  	_ =	shalt  }
0x67: {  	_ =	shalt  }
0x68: {  	_ =	shalt  }
0x69: {  	_ =	shalt  }
0x6a: {  	_ =	shalt  }
0x6b: {  	_ =	shalt  }
0x6c: {  	_ =	shalt  }
0x6d: {  	_ =	shalt  }
0x6e: {  	_ =	shalt  }
0x6f: {  	_ =	shalt  }
0x70: {  	_ =	shalt  }
0x71: {  	_ =	shalt  }
0x72: {  	_ =	shalt  }
0x73: {  	_ =	shalt  }
0x74: {  	_ =	shalt  }
0x75: {  	_ =	shalt  }
0x76: {  	_ =	shalt  }
0x77: {  	_ =	shalt  }
0x78: {  	_ =	shalt  }
0x79: {  	_ =	shalt  }
0x7a: {  	_ =	shalt  }
0x7b: {  	_ =	shalt  }
0x7c: {  	_ =	shalt  }
0x7d: {  	_ =	shalt  }
0x7e: {  	_ =	shalt  }
0x7f: {  	_ =	shalt  }
0x80: {  	_ =	shalt  }
0x81: {  	_ =	shalt  }
0x82: {  	_ =	shalt  }
0x83: {  	_ =	shalt  }
0x84: {  	_ =	shalt  }
0x85: {  	_ =	shalt  }
0x86: {  	_ =	shalt  }
0x87: {  	_ =	shalt  }
.Lfunc_end0:
.L_simem_size_0:
called_computation.2_lowered:
.L_overlay_start_0:
0x88: {  	s2 =	sld [smem:$0x3FD9]  }
0x89: {  	s3 =	sld [smem:$0x3FFE];
	_ =	sdelay $0x1  }
0x8a: {  	s1 =	srdreg.scid  }
0x8b: {  	s0 =	sand.u32 $0x1, s1  }
0x8c: {  	s16 =	sshll.u32 s0, $0xA;
	s2 =	sadd.s32 s3, s2  }
0x8d: {  	s2 =	sadd.s32 s2, s16  }
0x8e: {  	[smem:$0x3FB2] =	sst s2  }
0x8f: {  	_ = 	snop  }
0x90: {  	(tm) =	ssettm $0x1  }
0x91: {  	s17 =	sld [smem:$0x3FFB];
	_ =	sdelay $0x3  }
0x92: {  	_ =	strace s17  }
0x93: {  	s2 =	sld [smem:$0x3FFC];
	_ =	sdelay $0x3  }
0x94: {  	_ =	strace s2  }
0x95: {  	s2 =	sld [smem:$0x3FFD];
	_ =	sdelay $0x3  }
0x96: {  	_ =	strace s2  }
0x97: {  	_ =	strace $0x8FFFFFFF  }
0x98: {  	s18 =	sld [smem:$0x3FDB];
	_ =	sdelay $0x1  }
0x99: {  	s19 =	simm.s32 $_scs_section_size  }
0x9a: {  	s4 =	simm.s32 $_size__tile_overlayer_lowered;
	s5 =	simm.s32 $_tile_overlayer_lowered  }
0x9b: {  	s22 =	simm.s32 $0x1BFF;
	s21 =	sshll.u32 s5, $0x1;
	s2 =	sadd.s32 s19, s18  }
0x9c: {  	s6 =	simm.s32 $0x0;
	s20 =	sshll.u32 s4, $0x1;
	s4 =	sadd.s32 s21, s2  }
0x9d: {  	[timem:s6], [sflag:s22] =	dma.local [hbm:s4], s20  }
0x9e: {  	_ =	swait.ge [sflag:s22], s20  }
0x9f: {  	s3 =	ssub.s32 $0x0, s20;
	[sflag:s22] =	ssyncset.done $0x0  }
0xa0: {  	[sflag:s22] =	ssyncadd.s32 s3;
	_ =	sdelay $0x1  }
0xa1: {  	s23 =	simm.s32 $0x1B8B  }
0xa2: {  	_ =	swait.ge [sflag:s23], $0x1  }
0xa3: {  	[sflag:s23] =	ssyncset.done $0x0  }
0xa4: {  	s25 =	simm.s32 $0x1B8E;
	s24 =	sld [smem:$0x3FFE];
	[sflag:s23] =	ssyncadd.s32 $0xFFFFFFFF  }
0xa5: {  	s26 =	simm.s32 $execute0_lowered;
	[smem:$0x3FD2] =	sst s25  }
0xa6: {  	s4 =	sshll.u32 s26, $0x1;
	_ =	strace $0x8000004C;
	[dreg:$0x1] =	wrdreg $0xFFFFFFFF  }
0xa7: {  	s28 =	simm.s32 $_size_execute0_lowered;
	s2 =	sadd.s32 s2, s4;
	[dreg:$0x0] =	wrdreg $0x0  }
0xa8: {  	s4 =	sshll.u32 s28, $0x1;
	[dreg:$0x2] =	wrdreg s2  }
0xa9: {  	[dreg:$0x3] =	wrdreg s4  }
0xaa: {  	[dreg:$0x4] =	wrdreg $0xC0  }
0xab: {  	_ =	task [dreg:s6], $0x5FFFF  }
0xac: {  	[dreg:$0x1] =	wrdreg $0xFFFFFFFF  }
0xad: {  	[dreg:$0x0] =	wrdreg $0x60  }
0xae: {  	[dreg:$0x2] =	wrdreg s24  }
0xaf: {  	[dreg:$0x3] =	wrdreg $0xA8000  }
0xb0: {  	[dreg:$0x4] =	wrdreg $0x9  }
0xb1: {  	_ =	task.clear_ibuf [dreg:s6], $0x5FFFF;
	_ =	strace $0x9000004C  }
0xb2: {  	s29 =	simm.s32 $0x9;
	_ =	strace $0x8000004E  }
0xb3: {  	_ =	swait.ge [sflag:s29], $0x1  }
0xb4: {  	[sflag:s29] =	ssyncadd.s32 $0xFFFFFFFF  }
0xb5: {  	_ =	strace $0x9000004E  }
0xb6: {  	_ =	sfence  }
0xb7: {  	s30 =	sld [smem:$0x0];
	_ =	sdelay $0x2  }
0xb8: {  	s31 =	sshll.u32 s1, $0xD;
	s1 =	sshrl.u32 s1, $0x2  }
0xb9: {  	s3 =	sand.u32 $0x4000, s31;
	s1 =	sadd.s32 s1, s30  }
0xba: {  	s0 =	sor.u32 s3, s0;
	s1 =	sshll.u32 s1, $0x11  }
0xbb: {  	s0 =	sor.u32 s1, s0  }
0xbc: {  	s0 =	sadd.s32 $0x8F2B, s0  }
0xbd: {  	[sflag:s0] =	ssyncadd.remote.s32 $0x1  }
0xbe: {  	_ =	sfence.sel $0xFFFF  }
0xbf: {  	[dreg:$0x0] =	wrdreg $0xFFFFFFFF;
	(pc) =	sbr.abs _section_cstart, $3  }
0xc0: {  	[dreg:$0x1] =	wrdreg $0xFFFFFFFF  }
0xc1: {  	_ =	task.clear_ibuf [dreg:s6], $0x2FFFF;
	_ =	strace $0x9FFFFFFF  }
0xc2: {  	(tm) =	ssettm $0x7FFFFFFF  }
0xc3: {  	_ =	shalt  }
tec
execute0_lowered:
.L_overlay_start_1:
0x0: {  	(tag) =	ssettag $0x1  }
0x1: {  	s0 =	rddreg [dreg:$0x0]  }
0x2: {  	s1 =	rddreg [dreg:$0x1];
	s19 =	stileid.u32  }
0x3: {  	s2 =	simm.s32 $0x0;
	s3 =	srdreg.scid;
	s9 =	smul.u32 $0x5000, s19  }
0x4: {  	s30 =	simm.s32 $0x80;
	s3 =	sand.u32 $0x1, s3;
	s14 =	smul.u32 $0x500, s19  }
0x5: {  	s31 =	simm.s32 $0x1;
	s29 =	simm.s32 $0x7;
	s4 =	smul.u32 $0x27100, s3  }
0x6: {  	s10 =	sor.u32 $0x10, s19;
	s5 =	ssub.s32 $0x2, s3;
	s3 =	smul.u32 $0x50000, s3  }
0x7: {  	[smem:$0x7FF] =	sst s2;
	s11 =	sor.u32 $0x20, s19;
	s16 =	smul.u32 $0x500, s10  }
0x8: {  	s7 =	sadd.s32 $0xB7600, s0;
	s12 =	sadd.s32 $0x5000, s0;
	s17 =	smul.u32 $0x500, s11  }
0x9: {  	_ =	strace $0x8000004D;
	s11 =	smul.u32 $0xA000, s11;
	s6 =	sshrl.u32 s5, $0x1  }
0xa: {  	s4 =	sadd.s32 s4, s0;
	s8 =	ssub.s32 s5, s6;
	s13 =	sadd.s32 s9, s3  }
0xb: {  	s9 =	sor.u32 $0x30, s19;
	s6 =	sor.u32 $0x40, s19;
	s5 =	sor.u32 $0x50, s19  }
0xc: {  	s3 =	sor.u32 $0x70, s19;
	s15 =	sadd.s32 $0xCB600, s4;
	s18 =	smul.u32 $0x500, s9  }
0xd: {  	s4 =	sor.u32 $0x60, s19;
	s28 =	smul.u32 $0x500, s6;
	s20 =	sor.u32 $0x5F0, s13  }
0xe: {  	s24 =	sor.u32 $0x5A0, s13;
	s8 =	smax.u32 s8, $0x1;
	s9 =	smul.u32 $0xA000, s9  }
0xf: {  	s6 =	smul.u32 $0xA000, s6;
	s14 =	sadd.s32 s15, s14;
	[smem:$0x7F3] =	sst s8  }
0x10: {  	p0 =	sgt.u32 s3, $0x7C;
	s16 =	sadd.s32 s15, s16;
	[dreg:$0x13] =	wrdreg s14  }
0x11: {  	s17 =	sadd.s32 s15, s17;
	s22 =	sshrl.u32 s20, $0x3;
	[dreg:$0x14] =	wrdreg s16  }
0x12: {  	s25 =	sshrl.u32 s24, $0x3;
	[dreg:$0x15] =	wrdreg s17;
	s21 =	sadd.s32 s15, s18  }
0x13: {  	p1 =	sgt.u32 @!p0 s19, $0x1;
	s14 =	sadd.s32 s15, s28;
	[dreg:$0x16] =	wrdreg s21  }
0x14: {  	s16 =	smul.u32 $0x500, s5;
	s23 =	sadd.s32 s22, s12;
	[dreg:$0x17] =	wrdreg s14  }
0x15: {  	s26 =	sadd.s32 s25, s12;
	s28 =	sor.u32 $0x550, s13;
	[dreg:$0x3] =	wrdreg s23  }
0x16: {  	s20 =	sadd.s32 s25, s7;
	s5 =	smul.u32 $0xA000, s5;
	[dreg:$0x5] =	wrdreg s26  }
0x17: {  	s6 =	sshrl.u32 s6, $0x2;
	s14 =	sadd.s32 s22, s7;
	[dreg:$0x6] =	wrdreg s20  }
0x18: {  	s21 =	sshrl.u32 s28, $0x3;
	s6 =	sadd.s32 s6, s1;
	[dreg:$0x4] =	wrdreg s14  }
0x19: {  	s23 =	sor.u32 $0x500, s13;
	s22 =	sadd.s32 s21, s12;
	[smem:$0x7F8] =	sst s6  }
0x1a: {  	s28 =	sor.u32 $0x4B0, s13;
	s24 =	sadd.s32 s21, s7;
	[dreg:$0x7] =	wrdreg s22  }
0x1b: {  	s25 =	sshrl.u32 s23, $0x3;
	s16 =	sadd.s32 s15, s16;
	[dreg:$0x8] =	wrdreg s24  }
0x1c: {  	s18 =	sshrl.u32 s28, $0x3;
	s26 =	sadd.s32 s25, s12;
	[dreg:$0x18] =	wrdreg s16  }
0x1d: {  	s21 =	sor.u32 $0x460, s13;
	s17 =	sadd.s32 s25, s7;
	[dreg:$0x9] =	wrdreg s26  }
0x1e: {  	s28 =	sor.u32 $0x410, s13;
	s20 =	sadd.s32 s18, s12;
	[dreg:$0xa] =	wrdreg s17  }
0x1f: {  	s5 =	sshrl.u32 s5, $0x2;
	s22 =	sadd.s32 s18, s7;
	[dreg:$0xb] =	wrdreg s20  }
0x20: {  	s23 =	sshrl.u32 s21, $0x3;
	s5 =	sadd.s32 s5, s1;
	[dreg:$0xc] =	wrdreg s22  }
0x21: {  	s24 =	smul.u32 $0x500, s4;
	s25 =	sadd.s32 s23, s12;
	[smem:$0x7F9] =	sst s5  }
0x22: {  	s26 =	sadd.s32 s23, s7;
	s20 =	smul.u32 $0x500, s3;
	[dreg:$0xd] =	wrdreg s25  }
0x23: {  	s17 =	sshrl.u32 s28, $0x3;
	[dreg:$0xe] =	wrdreg s26;
	s21 =	sadd.s32 s15, s24  }
0x24: {  	s23 =	sor.u32 $0x3C0, s13;
	s22 =	sadd.s32 s17, s12;
	[dreg:$0x19] =	wrdreg s21  }
0x25: {  	s13 =	sshrl.u32 s13, $0x3;
	s24 =	sadd.s32 s17, s7;
	[dreg:$0xf] =	wrdreg s22  }
0x26: {  	s25 =	sor.u32 $0xA, s13;
	s14 =	sadd.s32 s15, s20;
	[dreg:$0x10] =	wrdreg s24  }
0x27: {  	s4 =	smul.u32 $0xA000, s4;
	s28 =	sadd.s32 s7, s25;
	[dreg:$0x1a] =	wrdreg s14  }
0x28: {  	s17 =	sor.u32 $0x14, s13;
	s15 =	sadd.s32 s12, s25;
	[dreg:$0x1b] =	wrdreg s28  }
0x29: {  	p1 =	por p1, p0;
	s18 =	sadd.s32 s7, s17;
	[dreg:$0x1c] =	wrdreg s15  }
0x2a: {  	s4 =	sshrl.u32 s4, $0x2;
	s16 =	sadd.s32 s12, s17;
	[dreg:$0x1d] =	wrdreg s18  }
0x2b: {  	s20 =	sor.u32 $0x1E, s13;
	s4 =	sadd.s32 s4, s1;
	[dreg:$0x1e] =	wrdreg s16  }
0x2c: {  	s3 =	smul.u32 $0xA000, s3;
	s21 =	sadd.s32 s7, s20;
	[smem:$0x7FA] =	sst s4  }
0x2d: {  	s22 =	sor.u32 $0x28, s13;
	s15 =	sadd.s32 s12, s20;
	[dreg:$0x1f] =	wrdreg s21  }
0x2e: {  	s14 =	sshrl.u32 s23, $0x3;
	s23 =	sadd.s32 s7, s22;
	[smem:$0x7DF] =	sst s15  }
0x2f: {  	s24 =	sor.u32 $0x32, s13;
	s16 =	sadd.s32 s12, s22;
	[smem:$0x7E0] =	sst s23  }
0x30: {  	s17 =	sor.u32 $0x46, s13;
	s25 =	sadd.s32 s7, s24;
	[smem:$0x7E1] =	sst s16  }
0x31: {  	s3 =	sshrl.u32 s3, $0x2;
	s18 =	sadd.s32 s7, s17;
	[smem:$0x7E2] =	sst s25  }
0x32: {  	s6 =	simm.s32 $0x2;
	s3 =	sadd.s32 s3, s1;
	[smem:$0x7E6] =	sst s18  }
0x33: {  	s20 =	sor.u32 $0x50, s13;
	s26 =	sadd.s32 s14, s12;
	[smem:$0x7FB] =	sst s3  }
0x34: {  	s22 =	sor.u32 $0x5A, s13;
	s15 =	sadd.s32 s12, s24;
	[dreg:$0x11] =	wrdreg s26  }
0x35: {  	s21 =	sadd.s32 s7, s20;
	s23 =	sadd.s32 s7, s22;
	[smem:$0x7E3] =	sst s15  }
0x36: {  	s24 =	sor.u32 $0x64, s13;
	s18 =	sshll.u32 s19, $0xE;
	[smem:$0x7E8] =	sst s21  }
0x37: {  	s3 =	simm.s32 $0x800;
	s15 =	sadd.s32 s12, s17;
	[smem:$0x7EA] =	sst s23  }
0x38: {  	s26 =	sor.u32 $0x3C, s13;
	s25 =	sadd.s32 s7, s24;
	[smem:$0x7E7] =	sst s15  }
0x39: {  	s21 =	smul.u32 $0xA000, s19;
	s28 =	sadd.s32 s7, s26;
	[smem:$0x7EC] =	sst s25  }
0x3a: {  	s16 =	sadd.s32 s12, s26;
	s15 =	sadd.s32 s12, s22;
	[smem:$0x7E4] =	sst s28  }
0x3b: {  	s26 =	sadd.s32 s12, s24;
	s22 =	smul.u32 $0xA000, s10;
	[smem:$0x7E5] =	sst s16  }
0x3c: {  	s24 =	sshll.u32 s19, $0x6;
	s25 =	sshrl.u32 s11, $0x2;
	[smem:$0x7EB] =	sst s15  }
0x3d: {  	s16 =	sadd.s32 s12, s20;
	[smem:$0x7ED] =	sst s26;
	s28 =	sadd.s32 s7, s13  }
0x3e: {  	s20 =	sadd.s32 s18, s1;
	s23 =	sshrl.u32 s21, $0x2;
	[smem:$0x7E9] =	sst s16  }
0x3f: {  	s26 =	sadd.s32 s25, s1;
	s15 =	simm.s32 $0x9;
	[smem:$0x7EE] =	sst s28  }
0x40: {  	s16 =	sadd.s32 s12, s13;
	s13 =	sor.u32 $0x6E, s13;
	[smem:$0x7F6] =	sst s26  }
0x41: {  	s10 =	sadd.s32 s23, s1;
	s8 =	sshrl.u32 s22, $0x2;
	[smem:$0x7EF] =	sst s16  }
0x42: {  	s28 =	sshrl.u32 s9, $0x2;
	s12 =	sadd.s32 s12, s13;
	[smem:$0x7F4] =	sst s10  }
0x43: {  	s9 =	simm.s32 $0x380;
	s17 =	sadd.s32 s7, s13;
	[smem:$0x7F0] =	sst s12  }
0x44: {  	s7 =	sadd.s32 s14, s7;
	s8 =	sadd.s32 s8, s1;
	[smem:$0x7F1] =	sst s17  }
0x45: {  	s10 =	simm.s32 $0x11;
	s16 =	simm.s32 $0x400;
	[dreg:$0x12] =	wrdreg s7  }
0x46: {  	s7 =	sadd.s32 $0x69400, s0;
	s0 =	sadd.s32 $0x19A00, s0;
	[smem:$0x7F5] =	sst s8  }
0x47: {  	s13 =	simm.s32 $0x3;
	s8 =	sadd.s32 s28, s1;
	[smem:$0x7F2] =	sst s0  }
0x48: {  	s12 =	sor.u32 $0x1C11, s24;
	s0 =	sadd.s32 $0x138800, s20;
	[smem:$0x7F7] =	sst s8  }
0x49: {  	s17 =	simm.s32 $0x300;
	[smem:$0x7FD] =	sst s12;
	s0 =	sshrl.u32 @!p1 s0, $0x3  }
0x4a: {  	s1 =	simm.s32 $0x0;
	[smem:$0x7FC] =	sst s0;
	s0 =	simm.s32 $0x50  }
.LBB2_1:
0x4b: {  	s4 =	sld [smem:$0x7F4];
	_ =	sdelay $0x1  }
0x4c: {  	s5 =	sld [smem:$0x7F2]  }
0x4d: {  	[smem:$0x7D6] =	sst s1;
	s21 =	sshrl.u32 s4, $0x3  }
0x4e: {  	[smem:$0x7D7] =	sst s21  }
0x4f: {  	[spmem:s21], [sflag:s12] =	dma.local [hbm:s5], $0x500  }
0x50: {  	_ =	swait.ge [sflag:s10], $0x500  }
0x51: {  	s22 =	sld [smem:$0x7F5];
	_ =	sdelay $0x2  }
0x52: {  	[sflag:s10] =	ssyncset.done $0x0;
	s23 =	sshrl.u32 s22, $0x3  }
0x53: {  	[sflag:s10] =	ssyncadd.s32 $0xFFFFFB00;
	[smem:$0x7D8] =	sst s23  }
0x54: {  	[spmem:s23], [sflag:s12] =	dma.local [hbm:s5], $0x500  }
0x55: {  	_ =	swait.ge [sflag:s10], $0x500  }
0x56: {  	s24 =	sld [smem:$0x7F6];
	_ =	sdelay $0x2  }
0x57: {  	[sflag:s10] =	ssyncset.done $0x0;
	s25 =	sshrl.u32 s24, $0x3  }
0x58: {  	[sflag:s10] =	ssyncadd.s32 $0xFFFFFB00;
	[smem:$0x7D9] =	sst s25  }
0x59: {  	[spmem:s25], [sflag:s12] =	dma.local [hbm:s5], $0x500  }
0x5a: {  	_ =	swait.ge [sflag:s10], $0x500  }
0x5b: {  	s26 =	sld [smem:$0x7F7];
	_ =	sdelay $0x2  }
0x5c: {  	[sflag:s10] =	ssyncset.done $0x0;
	s28 =	sshrl.u32 s26, $0x3  }
0x5d: {  	[sflag:s10] =	ssyncadd.s32 $0xFFFFFB00;
	[smem:$0x7DA] =	sst s28  }
0x5e: {  	[spmem:s28], [sflag:s12] =	dma.local [hbm:s5], $0x500  }
0x5f: {  	_ =	swait.ge [sflag:s10], $0x500  }
0x60: {  	s1 =	sld [smem:$0x7F8];
	_ =	sdelay $0x2  }
0x61: {  	[sflag:s10] =	ssyncset.done $0x0;
	s4 =	sshrl.u32 s1, $0x3  }
0x62: {  	[sflag:s10] =	ssyncadd.s32 $0xFFFFFB00;
	[smem:$0x7DB] =	sst s4  }
0x63: {  	[spmem:s4], [sflag:s12] =	dma.local [hbm:s5], $0x500  }
0x64: {  	_ =	swait.ge [sflag:s10], $0x500  }
0x65: {  	s8 =	sld [smem:$0x7F9];
	_ =	sdelay $0x2  }
0x66: {  	[sflag:s10] =	ssyncset.done $0x0;
	s11 =	sshrl.u32 s8, $0x3  }
0x67: {  	[sflag:s10] =	ssyncadd.s32 $0xFFFFFB00;
	[smem:$0x7DC] =	sst s11  }
0x68: {  	[spmem:s11], [sflag:s12] =	dma.local [hbm:s5], $0x500  }
0x69: {  	_ =	swait.ge [sflag:s10], $0x500  }
0x6a: {  	s14 =	sld [smem:$0x7FA];
	_ =	sdelay $0x2  }
0x6b: {  	[sflag:s10] =	ssyncset.done $0x0;
	s18 =	sshrl.u32 s14, $0x3  }
0x6c: {  	[sflag:s10] =	ssyncadd.s32 $0xFFFFFB00;
	[smem:$0x7DD] =	sst s18  }
0x6d: {  	[spmem:s18], [sflag:s12] =	dma.local [hbm:s5], $0x500  }
0x6e: {  	_ =	swait.ge [sflag:s10], $0x500  }
0x6f: {  	s4 =	sld [smem:$0x7FB];
	_ =	sdelay $0x2  }
0x70: {  	[sflag:s10] =	ssyncset.done $0x0;
	s1 =	sshrl.u32 @!p0 s4, $0x3  }
0x71: {  	[sflag:s10] =	ssyncadd.s32 $0xFFFFFB00;
	s4 =	simm.s32 @!p0 $0x11;
	[smem:$0x7DE] =	sst s1  }
0x72: {  	[spmem:s1], [sflag:s12] =	dma.local @!p0 [hbm:s5], $0x500  }
0x73: {  	_ =	swait.ge @!p0 [sflag:s4], $0x500  }
0x74: {  	[sflag:s4] =	ssyncset.done @!p0 $0x0  }
0x75: {  	[sflag:s4] =	ssyncadd.s32 @!p0 $0xFFFFFB00;
	s4 =	sld [smem:$0x7FC];
	_ =	sdelay $0x2  }
0x76: {  	[spmem:s4], [sflag:s12] =	dma.local @!p1 [hbm:s5], $0x800  }
0x77: {  	s4 =	simm.s32 @!p1 $0x11  }
0x78: {  	_ =	swait.ge @!p1 [sflag:s4], $0x800  }
0x79: {  	[sflag:s4] =	ssyncset.done @!p1 $0x0  }
0x7a: {  	[sflag:s4] =	ssyncadd.s32 @!p1 $0xFFFFF800  }
0x7b: {  	[bflag:$0x0] =	sbarrier.arrive $0xFFFF  }
0x7c: {  	s19 =	sld [smem:$0x7EE];
	_ =	sdelay $0x1  }
0x7d: {  	s20 =	sld [smem:$0x7EF]  }
0x7e: {  	[tilespmem:s2], [sflag:$0x1] =	stream.linear.gather [hbm4b:s19+s2], $0x50, $0x38;
	[tilespmem:$0x1E880] =	vst v63  }
0x7f: {  	s21 =	rddreg [dreg:$0x1b]  }
0x80: {  	[tilespmem:s16], [sflag:$0x1] =	stream.linear.gather [hbm4b:s20+s2], $0x50, $0x38;
	[tilespmem:$0x1E880] =	vst v63  }
0x81: {  	s22 =	rddreg [dreg:$0x1c]  }
0x82: {  	[tilespmem:s30], [sflag:$0x2] =	stream.linear.gather [hbm4b:s21+s2], $0x50, $0x38;
	[tilespmem:$0x1E880] =	vst v63  }
0x83: {  	s23 =	simm.s32 $0x480;
	s24 =	rddreg [dreg:$0x1d]  }
0x84: {  	[tilespmem:s23], [sflag:$0x2] =	stream.linear.gather [hbm4b:s22+s2], $0x50, $0x38;
	[tilespmem:$0x1E880] =	vst v63  }
0x85: {  	s25 =	simm.s32 $0x100;
	s26 =	rddreg [dreg:$0x1e]  }
0x86: {  	[tilespmem:s25], [sflag:$0x3] =	stream.linear.gather [hbm4b:s24+s2], $0x50, $0x38;
	[tilespmem:$0x1E880] =	vst v63  }
0x87: {  	s28 =	simm.s32 $0x500;
	s5 =	rddreg [dreg:$0x1f]  }
0x88: {  	[tilespmem:s28], [sflag:$0x3] =	stream.linear.gather [hbm4b:s26+s2], $0x50, $0x38;
	[tilespmem:$0x1E880] =	vst v63  }
0x89: {  	s8 =	simm.s32 $0x180;
	s10 =	sld [smem:$0x7DF]  }
0x8a: {  	[tilespmem:s8], [sflag:$0x4] =	stream.linear.gather [hbm4b:s5+s2], $0x50, $0x38;
	[tilespmem:$0x1E880] =	vst v63  }
0x8b: {  	s12 =	simm.s32 $0x580;
	s14 =	sld [smem:$0x7E0]  }
0x8c: {  	[tilespmem:s12], [sflag:$0x4] =	stream.linear.gather [hbm4b:s10+s2], $0x50, $0x38;
	[tilespmem:$0x1E880] =	vst v63  }
0x8d: {  	s18 =	simm.s32 $0x200;
	s19 =	sld [smem:$0x7E1]  }
0x8e: {  	[tilespmem:s18], [sflag:$0x5] =	stream.linear.gather [hbm4b:s14+s2], $0x50, $0x38;
	[tilespmem:$0x1E880] =	vst v63  }
0x8f: {  	s20 =	simm.s32 $0x600  }
0x90: {  	[tilespmem:s20], [sflag:$0x5] =	stream.linear.gather [hbm4b:s19+s2], $0x50, $0x38;
	[tilespmem:$0x1E880] =	vst v63  }
0x91: {  	_ =	swait.ge [sflag:s31], $0x50  }
0x92: {  	[sflag:s31] =	ssyncset.done $0x0  }
0x93: {  	[sflag:s31] =	ssyncadd.s32 $0xFFFFFFB0  }
0x94: {  	_ =	swait.ge [sflag:s31], $0x50  }
0x95: {  	[sflag:s31] =	ssyncset.done $0x0  }
0x96: {  	s21 =	sld [smem:$0x7E2];
	[sflag:s31] =	ssyncadd.s32 $0xFFFFFFB0  }
0x97: {  	[tilespmem:s3], [sflag:$0x9] =	stream.indirect.gather [hbm4b:s7+s0], $0x80, s2, s0, $0xb8;
	[tilespmem:$0x1E880] =	vst v63  }
0x98: {  	s22 =	simm.s32 $0x280;
	s23 =	sld [smem:$0x7E3]  }
0x99: {  	[tilespmem:s22], [sflag:$0x6] =	stream.linear.gather [hbm4b:s21+s2], $0x50, $0x38;
	[tilespmem:$0x1E880] =	vst v63  }
0x9a: {  	s24 =	simm.s32 $0x680  }
0x9b: {  	[tilespmem:s24], [sflag:$0x6] =	stream.linear.gather [hbm4b:s23+s2], $0x50, $0x38;
	[tilespmem:$0x1E880] =	vst v63  }
0x9c: {  	_ =	swait.ge [sflag:s6], $0x50  }
0x9d: {  	[sflag:s6] =	ssyncset.done $0x0  }
0x9e: {  	[sflag:s6] =	ssyncadd.s32 $0xFFFFFFB0  }
0x9f: {  	_ =	swait.ge [sflag:s6], $0x50  }
0xa0: {  	[sflag:s6] =	ssyncset.done $0x0  }
0xa1: {  	s10 =	simm.s32 $0x3000;
	s25 =	sld [smem:$0x7E4];
	[sflag:s6] =	ssyncadd.s32 $0xFFFFFFB0  }
0xa2: {  	[tilespmem:s10], [sflag:$0xA] =	stream.indirect.gather [hbm4b:s7+s0], $0x80, s30, s0, $0xb8;
	[tilespmem:$0x1E880] =	vst v63  }
0xa3: {  	s26 =	sld [smem:$0x7E5]  }
0xa4: {  	[tilespmem:s17], [sflag:$0x7] =	stream.linear.gather [hbm4b:s25+s2], $0x50, $0x38;
	[tilespmem:$0x1E880] =	vst v63  }
0xa5: {  	s28 =	simm.s32 $0x700  }
0xa6: {  	[tilespmem:s28], [sflag:$0x7] =	stream.linear.gather [hbm4b:s26+s2], $0x50, $0x38;
	[tilespmem:$0x1E880] =	vst v63  }
0xa7: {  	_ =	swait.ge [sflag:s13], $0x50  }
0xa8: {  	[sflag:s13] =	ssyncset.done $0x0  }
0xa9: {  	[sflag:s13] =	ssyncadd.s32 $0xFFFFFFB0  }
0xaa: {  	_ =	swait.ge [sflag:s13], $0x50  }
0xab: {  	[sflag:s13] =	ssyncset.done $0x0  }
0xac: {  	s11 =	simm.s32 $0x100;
	s12 =	simm.s32 $0x5800;
	[sflag:s13] =	ssyncadd.s32 $0xFFFFFFB0  }
0xad: {  	[tilespmem:s12], [sflag:$0xB] =	stream.indirect.gather [hbm4b:s7+s0], $0x80, s11, s0, $0xb8;
	[tilespmem:$0x1E880] =	vst v63  }
0xae: {  	_ =	swait.ge [sflag:s15], $0x2800  }
0xaf: {  	[sflag:s15] =	ssyncset.done $0x0  }
0xb0: {  	s13 =	sld [smem:$0x7E6];
	[sflag:s15] =	ssyncadd.s32 $0xFFFFD800  }
0xb1: {  	s2 =	rddreg [dreg:$0x1]  }
0xb2: {  	[spmem:s2] =	stream.indirect.scatter.add.f32 [tilespmem:s3], [sflag:$0xD], $0x80, s16, s0, $0xb8;
	[tilespmem:$0x1E880] =	vst v63  }
0xb3: {  	s18 =	sld [smem:$0x7E7];
	s15 =	simm.s32 $0x0  }
0xb4: {  	[tilespmem:s9], [sflag:$0x8] =	stream.linear.gather [hbm4b:s13+s15], $0x50, $0x38;
	[tilespmem:$0x1E880] =	vst v63  }
0xb5: {  	s20 =	simm.s32 $0x780  }
0xb6: {  	[tilespmem:s20], [sflag:$0x8] =	stream.linear.gather [hbm4b:s18+s15], $0x50, $0x38;
	[tilespmem:$0x1E880] =	vst v63  }
0xb7: {  	s18 =	simm.s32 $0x4  }
0xb8: {  	_ =	swait.ge [sflag:s18], $0x50  }
0xb9: {  	[sflag:s18] =	ssyncset.done $0x0  }
0xba: {  	[sflag:s18] =	ssyncadd.s32 $0xFFFFFFB0  }
0xbb: {  	_ =	swait.ge [sflag:s18], $0x50  }
0xbc: {  	s8 =	simm.s32 $0x180;
	[sflag:s18] =	ssyncset.done $0x0  }
0xbd: {  	s21 =	simm.s32 $0x8000;
	s11 =	simm.s32 $0xA;
	[sflag:s18] =	ssyncadd.s32 $0xFFFFFFB0  }
0xbe: {  	[tilespmem:s21], [sflag:$0xC] =	stream.indirect.gather [hbm4b:s7+s0], $0x80, s8, s0, $0xb8;
	[tilespmem:$0x1E880] =	vst v63  }
0xbf: {  	_ =	swait.ge [sflag:s11], $0x2800  }
0xc0: {  	[sflag:s11] =	ssyncset.done $0x0  }
0xc1: {  	s8 =	simm.s32 $0x480;
	s21 =	simm.s32 $0xD;
	[sflag:s11] =	ssyncadd.s32 $0xFFFFD800  }
0xc2: {  	[spmem:s2] =	stream.indirect.scatter.add.f32 [tilespmem:s10], [sflag:$0xE], $0x80, s8, s0, $0xb8;
	[tilespmem:$0x1E880] =	vst v63  }
0xc3: {  	_ =	swait.ge [sflag:s21], $0x2800  }
0xc4: {  	s23 =	sld [smem:$0x7E8]  }
0xc5: {  	[sflag:s21] =	ssyncset.done $0x0  }
0xc6: {  	s24 =	sld [smem:$0x7E9];
	[sflag:s21] =	ssyncadd.s32 $0xFFFFD800  }
0xc7: {  	[tilespmem:s15], [sflag:$0x1] =	stream.linear.gather [hbm4b:s23+s15], $0x50, $0x38;
	[tilespmem:$0x1E880] =	vst v63  }
0xc8: {  	s20 =	simm.s32 $0x5  }
0xc9: {  	[tilespmem:s16], [sflag:$0x1] =	stream.linear.gather [hbm4b:s24+s15], $0x50, $0x38;
	[tilespmem:$0x1E880] =	vst v63  }
0xca: {  	_ =	swait.ge [sflag:s20], $0x50  }
0xcb: {  	[sflag:s20] =	ssyncset.done $0x0  }
0xcc: {  	[sflag:s20] =	ssyncadd.s32 $0xFFFFFFB0  }
0xcd: {  	_ =	swait.ge [sflag:s20], $0x50  }
0xce: {  	[sflag:s20] =	ssyncset.done $0x0  }
0xcf: {  	s5 =	simm.s32 $0x200;
	s23 =	simm.s32 $0xB;
	[sflag:s20] =	ssyncadd.s32 $0xFFFFFFB0  }
0xd0: {  	[tilespmem:s3], [sflag:$0x9] =	stream.indirect.gather [hbm4b:s7+s0], $0x80, s5, s0, $0xb8;
	[tilespmem:$0x1E880] =	vst v63  }
0xd1: {  	_ =	swait.ge [sflag:s23], $0x2800  }
0xd2: {  	s14 =	simm.s32 $0x5800;
	[sflag:s23] =	ssyncset.done $0x0  }
0xd3: {  	s13 =	simm.s32 $0x500;
	s24 =	simm.s32 $0xE;
	[sflag:s23] =	ssyncadd.s32 $0xFFFFD800  }
0xd4: {  	[spmem:s2] =	stream.indirect.scatter.add.f32 [tilespmem:s14], [sflag:$0xF], $0x80, s13, s0, $0xb8;
	[tilespmem:$0x1E880] =	vst v63  }
0xd5: {  	_ =	swait.ge [sflag:s24], $0x2800  }
0xd6: {  	s26 =	sld [smem:$0x7EA]  }
0xd7: {  	[sflag:s24] =	ssyncset.done $0x0  }
0xd8: {  	s28 =	sld [smem:$0x7EB];
	[sflag:s24] =	ssyncadd.s32 $0xFFFFD800  }
0xd9: {  	[tilespmem:s30], [sflag:$0x2] =	stream.linear.gather [hbm4b:s26+s15], $0x50, $0x38;
	[tilespmem:$0x1E880] =	vst v63  }
0xda: {  	_ = 	snop  }
0xdb: {  	[tilespmem:s8], [sflag:$0x2] =	stream.linear.gather [hbm4b:s28+s15], $0x50, $0x38;
	[tilespmem:$0x1E880] =	vst v63  }
0xdc: {  	s8 =	simm.s32 $0x6  }
0xdd: {  	_ =	swait.ge [sflag:s8], $0x50  }
0xde: {  	[sflag:s8] =	ssyncset.done $0x0  }
0xdf: {  	[sflag:s8] =	ssyncadd.s32 $0xFFFFFFB0  }
0xe0: {  	_ =	swait.ge [sflag:s8], $0x50  }
0xe1: {  	[sflag:s8] =	ssyncset.done $0x0  }
0xe2: {  	s1 =	simm.s32 $0x280;
	s26 =	simm.s32 $0xC;
	[sflag:s8] =	ssyncadd.s32 $0xFFFFFFB0  }
0xe3: {  	[tilespmem:s10], [sflag:$0xA] =	stream.indirect.gather [hbm4b:s7+s0], $0x80, s1, s0, $0xb8;
	[tilespmem:$0x1E880] =	vst v63  }
0xe4: {  	_ =	swait.ge [sflag:s26], $0x2800  }
0xe5: {  	s12 =	simm.s32 $0x8000;
	[sflag:s26] =	ssyncset.done $0x0  }
0xe6: {  	s5 =	simm.s32 $0x580;
	s28 =	simm.s32 $0xF;
	[sflag:s26] =	ssyncadd.s32 $0xFFFFD800  }
0xe7: {  	[spmem:s2] =	stream.indirect.scatter.add.f32 [tilespmem:s12], [sflag:$0x10], $0x80, s5, s0, $0xb8;
	[tilespmem:$0x1E880] =	vst v63  }
0xe8: {  	_ =	swait.ge [sflag:s28], $0x2800  }
0xe9: {  	s1 =	sld [smem:$0x7EC]  }
0xea: {  	[sflag:s28] =	ssyncset.done $0x0  }
0xeb: {  	s22 =	simm.s32 $0x100;
	[sflag:s28] =	ssyncadd.s32 $0xFFFFD800  }
0xec: {  	[tilespmem:s22], [sflag:$0x3] =	stream.linear.gather [hbm4b:s1+s15], $0x50, $0x38;
	[tilespmem:$0x1E880] =	vst v63  }
0xed: {  	s1 =	sld [smem:$0x7ED];
	_ =	sdelay $0x2  }
0xee: {  	[tilespmem:s13], [sflag:$0x3] =	stream.linear.gather [hbm4b:s1+s15], $0x50, $0x38;
	[tilespmem:$0x1E880] =	vst v63  }
0xef: {  	_ =	swait.ge [sflag:s29], $0x50  }
0xf0: {  	[sflag:s29] =	ssyncset.done $0x0  }
0xf1: {  	[sflag:s29] =	ssyncadd.s32 $0xFFFFFFB0  }
0xf2: {  	_ =	swait.ge [sflag:s29], $0x50  }
0xf3: {  	[sflag:s29] =	ssyncset.done $0x0  }
0xf4: {  	s6 =	simm.s32 $0x9;
	s14 =	simm.s32 $0x5800;
	[sflag:s29] =	ssyncadd.s32 $0xFFFFFFB0  }
0xf5: {  	[tilespmem:s14], [sflag:$0xB] =	stream.indirect.gather [hbm4b:s7+s0], $0x80, s17, s0, $0xb8;
	[tilespmem:$0x1E880] =	vst v63  }
0xf6: {  	_ =	swait.ge [sflag:s6], $0x2800  }
0xf7: {  	[sflag:s6] =	ssyncset.done $0x0  }
0xf8: {  	s22 =	simm.s32 $0x600;
	s1 =	simm.s32 $0x10;
	[sflag:s6] =	ssyncadd.s32 $0xFFFFD800  }
0xf9: {  	[spmem:s2] =	stream.indirect.scatter.add.f32 [tilespmem:s3], [sflag:$0xD], $0x80, s22, s0, $0xb8;
	[tilespmem:$0x1E880] =	vst v63  }
0xfa: {  	_ =	swait.ge [sflag:s1], $0x2800  }
0xfb: {  	s13 =	sld [smem:$0x7F1]  }
0xfc: {  	[sflag:s1] =	ssyncset.done $0x0  }
0xfd: {  	s14 =	simm.s32 $0x180;
	[sflag:s1] =	ssyncadd.s32 $0xFFFFD800  }
0xfe: {  	[tilespmem:s14], [sflag:$0x4] =	stream.linear.gather [hbm4b:s13+s15], $0x50, $0x38;
	[tilespmem:$0x1E880] =	vst v63  }
0xff: {  	s14 =	sld [smem:$0x7F0];
	_ =	sdelay $0x1  }
0x100: {  	s13 =	simm.s32 $0x8  }
0x101: {  	[tilespmem:s5], [sflag:$0x4] =	stream.linear.gather [hbm4b:s14+s15], $0x50, $0x38;
	[tilespmem:$0x1E880] =	vst v63  }
0x102: {  	_ =	swait.ge [sflag:s13], $0x50  }
0x103: {  	[sflag:s13] =	ssyncset.done $0x0  }
0x104: {  	[sflag:s13] =	ssyncadd.s32 $0xFFFFFFB0  }
0x105: {  	_ =	swait.ge [sflag:s13], $0x50  }
0x106: {  	[sflag:s13] =	ssyncset.done $0x0  }
0x107: {  	[sflag:s13] =	ssyncadd.s32 $0xFFFFFFB0  }
0x108: {  	[tilespmem:s12], [sflag:$0xC] =	stream.indirect.gather [hbm4b:s7+s0], $0x80, s9, s0, $0xb8;
	[tilespmem:$0x1E880] =	vst v63  }
0x109: {  	_ =	swait.ge [sflag:s11], $0x2800  }
0x10a: {  	[sflag:s11] =	ssyncset.done $0x0  }
0x10b: {  	s9 =	simm.s32 $0x680;
	[sflag:s11] =	ssyncadd.s32 $0xFFFFD800  }
0x10c: {  	[spmem:s2] =	stream.indirect.scatter.add.f32 [tilespmem:s10], [sflag:$0xE], $0x80, s9, s0, $0xb8;
	[tilespmem:$0x1E880] =	vst v63  }
0x10d: {  	_ =	swait.ge [sflag:s21], $0x2800  }
0x10e: {  	s14 =	simm.s32 $0x200;
	s12 =	rddreg [dreg:$0x12];
	[sflag:s21] =	ssyncset.done $0x0  }
0x10f: {  	s5 =	rddreg [dreg:$0x11];
	[sflag:s21] =	ssyncadd.s32 $0xFFFFD800;
	s4 =	sadd.s32 $0x0, s12  }
0x110: {  	[tilespmem:s14], [sflag:$0x5] =	stream.linear.gather [hbm4b:s4+s15], $0x50, $0x38;
	[tilespmem:$0x1E880] =	vst v63  }
0x111: {  	s5 =	sadd.s32 $0x0, s5  }
0x112: {  	[tilespmem:s22], [sflag:$0x5] =	stream.linear.gather [hbm4b:s5+s15], $0x50, $0x38;
	[tilespmem:$0x1E880] =	vst v63  }
0x113: {  	_ =	swait.ge [sflag:s31], $0x50  }
0x114: {  	[sflag:s31] =	ssyncset.done $0x0  }
0x115: {  	[sflag:s31] =	ssyncadd.s32 $0xFFFFFFB0  }
0x116: {  	_ =	swait.ge [sflag:s31], $0x50  }
0x117: {  	[sflag:s31] =	ssyncset.done $0x0  }
0x118: {  	[sflag:s31] =	ssyncadd.s32 $0xFFFFFFB0  }
0x119: {  	[tilespmem:s3], [sflag:$0x9] =	stream.indirect.gather [hbm4b:s7+s0], $0x80, s15, s0, $0xb8;
	[tilespmem:$0x1E880] =	vst v63  }
0x11a: {  	_ =	swait.ge [sflag:s23], $0x2800  }
0x11b: {  	[sflag:s23] =	ssyncset.done $0x0  }
0x11c: {  	s12 =	simm.s32 $0x5800;
	s14 =	simm.s32 $0x700;
	[sflag:s23] =	ssyncadd.s32 $0xFFFFD800  }
0x11d: {  	[spmem:s2] =	stream.indirect.scatter.add.f32 [tilespmem:s12], [sflag:$0xF], $0x80, s14, s0, $0xb8;
	[tilespmem:$0x1E880] =	vst v63  }
0x11e: {  	_ =	swait.ge [sflag:s24], $0x2800  }
0x11f: {  	s12 =	simm.s32 $0x280;
	s22 =	rddreg [dreg:$0x10];
	[sflag:s24] =	ssyncset.done $0x0  }
0x120: {  	s5 =	rddreg [dreg:$0xf];
	[sflag:s24] =	ssyncadd.s32 $0xFFFFD800;
	s4 =	sadd.s32 $0x0, s22  }
0x121: {  	[tilespmem:s12], [sflag:$0x6] =	stream.linear.gather [hbm4b:s4+s15], $0x50, $0x38;
	[tilespmem:$0x1E880] =	vst v63  }
0x122: {  	s25 =	simm.s32 $0x2;
	s12 =	sadd.s32 $0x0, s5  }
0x123: {  	[tilespmem:s9], [sflag:$0x6] =	stream.linear.gather [hbm4b:s12+s15], $0x50, $0x38;
	[tilespmem:$0x1E880] =	vst v63  }
0x124: {  	_ =	swait.ge [sflag:s25], $0x50  }
0x125: {  	[sflag:s25] =	ssyncset.done $0x0  }
0x126: {  	[sflag:s25] =	ssyncadd.s32 $0xFFFFFFB0  }
0x127: {  	_ =	swait.ge [sflag:s25], $0x50  }
0x128: {  	[sflag:s25] =	ssyncset.done $0x0  }
0x129: {  	[sflag:s25] =	ssyncadd.s32 $0xFFFFFFB0  }
0x12a: {  	[tilespmem:s10], [sflag:$0xA] =	stream.indirect.gather [hbm4b:s7+s0], $0x80, s30, s0, $0xb8;
	[tilespmem:$0x1E880] =	vst v63  }
0x12b: {  	_ =	swait.ge [sflag:s26], $0x2800  }
0x12c: {  	[sflag:s26] =	ssyncset.done $0x0  }
0x12d: {  	s12 =	simm.s32 $0x8000;
	s25 =	simm.s32 $0x780;
	[sflag:s26] =	ssyncadd.s32 $0xFFFFD800  }
0x12e: {  	[spmem:s2] =	stream.indirect.scatter.add.f32 [tilespmem:s12], [sflag:$0x10], $0x80, s25, s0, $0xb8;
	[tilespmem:$0x1E880] =	vst v63  }
0x12f: {  	_ =	swait.ge [sflag:s28], $0x2800  }
0x130: {  	s5 =	rddreg [dreg:$0xe];
	[sflag:s28] =	ssyncset.done $0x0  }
0x131: {  	s9 =	rddreg [dreg:$0xd];
	[sflag:s28] =	ssyncadd.s32 $0xFFFFD800;
	s4 =	sadd.s32 $0x0, s5  }
0x132: {  	[tilespmem:s17], [sflag:$0x7] =	stream.linear.gather [hbm4b:s4+s15], $0x50, $0x38;
	[tilespmem:$0x1E880] =	vst v63  }
0x133: {  	s19 =	simm.s32 $0x3;
	s9 =	sadd.s32 $0x0, s9  }
0x134: {  	[tilespmem:s14], [sflag:$0x7] =	stream.linear.gather [hbm4b:s9+s15], $0x50, $0x38;
	[tilespmem:$0x1E880] =	vst v63  }
0x135: {  	_ =	swait.ge [sflag:s19], $0x50  }
0x136: {  	[sflag:s19] =	ssyncset.done $0x0  }
0x137: {  	[sflag:s19] =	ssyncadd.s32 $0xFFFFFFB0  }
0x138: {  	_ =	swait.ge [sflag:s19], $0x50  }
0x139: {  	[sflag:s19] =	ssyncset.done $0x0  }
0x13a: {  	s5 =	simm.s32 $0x100;
	s14 =	simm.s32 $0x5800;
	[sflag:s19] =	ssyncadd.s32 $0xFFFFFFB0  }
0x13b: {  	[tilespmem:s14], [sflag:$0xB] =	stream.indirect.gather [hbm4b:s7+s0], $0x80, s5, s0, $0xb8;
	[tilespmem:$0x1E880] =	vst v63  }
0x13c: {  	_ =	swait.ge [sflag:s6], $0x2800  }
0x13d: {  	[sflag:s6] =	ssyncset.done $0x0  }
0x13e: {  	[sflag:s6] =	ssyncadd.s32 $0xFFFFD800  }
0x13f: {  	[spmem:s2] =	stream.indirect.scatter.add.f32 [tilespmem:s3], [sflag:$0xD], $0x80, s16, s0, $0xb8;
	[tilespmem:$0x1E880] =	vst v63  }
0x140: {  	_ =	swait.ge [sflag:s1], $0x2800  }
0x141: {  	s9 =	rddreg [dreg:$0xc]  }
0x142: {  	[sflag:s1] =	ssyncset.done $0x0;
	s19 =	rddreg [dreg:$0xb]  }
0x143: {  	[sflag:s1] =	ssyncadd.s32 $0xFFFFD800;
	s4 =	sadd.s32 $0x0, s9;
	s9 =	simm.s32 $0x380  }
0x144: {  	[tilespmem:s9], [sflag:$0x8] =	stream.linear.gather [hbm4b:s4+s15], $0x50, $0x38;
	[tilespmem:$0x1E880] =	vst v63  }
0x145: {  	s5 =	sadd.s32 $0x0, s19  }
0x146: {  	[tilespmem:s25], [sflag:$0x8] =	stream.linear.gather [hbm4b:s5+s15], $0x50, $0x38;
	[tilespmem:$0x1E880] =	vst v63  }
0x147: {  	_ =	swait.ge [sflag:s18], $0x50  }
0x148: {  	[sflag:s18] =	ssyncset.done $0x0  }
0x149: {  	[sflag:s18] =	ssyncadd.s32 $0xFFFFFFB0  }
0x14a: {  	_ =	swait.ge [sflag:s18], $0x50  }
0x14b: {  	[sflag:s18] =	ssyncset.done $0x0  }
0x14c: {  	[sflag:s18] =	ssyncadd.s32 $0xFFFFFFB0;
	s18 =	simm.s32 $0x180  }
0x14d: {  	[tilespmem:s12], [sflag:$0xC] =	stream.indirect.gather [hbm4b:s7+s0], $0x80, s18, s0, $0xb8;
	[tilespmem:$0x1E880] =	vst v63  }
0x14e: {  	_ =	swait.ge [sflag:s11], $0x2800  }
0x14f: {  	[sflag:s11] =	ssyncset.done $0x0  }
0x150: {  	s19 =	simm.s32 $0x480;
	[sflag:s11] =	ssyncadd.s32 $0xFFFFD800  }
0x151: {  	[spmem:s2] =	stream.indirect.scatter.add.f32 [tilespmem:s10], [sflag:$0xE], $0x80, s19, s0, $0xb8;
	[tilespmem:$0x1E880] =	vst v63  }
0x152: {  	p2 =	por $0x0, $0x0;
	_ =	swait.ge [sflag:s21], $0x2800  }
0x153: {  	s18 =	simm.s32 @!p2 $0x0;
	s4 =	rddreg [dreg:$0xa];
	[sflag:s21] =	ssyncset.done $0x0  }
0x154: {  	s5 =	rddreg [dreg:$0x9];
	[sflag:s21] =	ssyncadd.s32 $0xFFFFD800;
	s30 =	sadd.s32 @!p2 $0x0, s4  }
0x155: {  	[tilespmem:s18], [sflag:$0x1] =	stream.linear.gather @!p2 [hbm4b:s30+s18], $0x50, $0x38;
	[tilespmem:$0x1E880] =	vst v63  }
0x156: {  	s5 =	sadd.s32 @!p2 $0x0, s5;
	s30 =	simm.s32 @!p2 $0x400  }
0x157: {  	[tilespmem:s30], [sflag:$0x1] =	stream.linear.gather @!p2 [hbm4b:s5+s18], $0x50, $0x38;
	[tilespmem:$0x1E880] =	vst v63  }
0x158: {  	_ =	swait.ge [sflag:s20], $0x50  }
0x159: {  	[sflag:s20] =	ssyncset.done $0x0  }
0x15a: {  	[sflag:s20] =	ssyncadd.s32 $0xFFFFFFB0  }
0x15b: {  	_ =	swait.ge [sflag:s20], $0x50  }
0x15c: {  	[sflag:s20] =	ssyncset.done $0x0  }
0x15d: {  	s21 =	simm.s32 $0x200;
	[sflag:s20] =	ssyncadd.s32 $0xFFFFFFB0  }
0x15e: {  	[tilespmem:s3], [sflag:$0x9] =	stream.indirect.gather [hbm4b:s7+s0], $0x80, s21, s0, $0xb8;
	[tilespmem:$0x1E880] =	vst v63  }
0x15f: {  	_ =	swait.ge [sflag:s23], $0x2800  }
0x160: {  	[sflag:s23] =	ssyncset.done $0x0  }
0x161: {  	[sflag:s23] =	ssyncadd.s32 $0xFFFFD800;
	s23 =	simm.s32 $0x500  }
0x162: {  	[spmem:s2] =	stream.indirect.scatter.add.f32 [tilespmem:s14], [sflag:$0xF], $0x80, s23, s0, $0xb8;
	[tilespmem:$0x1E880] =	vst v63  }
0x163: {  	_ =	swait.ge [sflag:s24], $0x2800  }
0x164: {  	s4 =	simm.s32 @!p2 $0x80;
	s5 =	rddreg [dreg:$0x8];
	[sflag:s24] =	ssyncset.done $0x0  }
0x165: {  	s30 =	rddreg [dreg:$0x7];
	[sflag:s24] =	ssyncadd.s32 $0xFFFFD800;
	s5 =	sadd.s32 @!p2 $0x0, s5  }
0x166: {  	[tilespmem:s4], [sflag:$0x2] =	stream.linear.gather @!p2 [hbm4b:s5+s18], $0x50, $0x38;
	[tilespmem:$0x1E880] =	vst v63  }
0x167: {  	s4 =	sadd.s32 @!p2 $0x0, s30;
	s5 =	simm.s32 @!p2 $0x480  }
0x168: {  	[tilespmem:s5], [sflag:$0x2] =	stream.linear.gather @!p2 [hbm4b:s4+s18], $0x50, $0x38;
	[tilespmem:$0x1E880] =	vst v63  }
0x169: {  	_ =	swait.ge [sflag:s8], $0x50  }
0x16a: {  	[sflag:s8] =	ssyncset.done $0x0  }
0x16b: {  	[sflag:s8] =	ssyncadd.s32 $0xFFFFFFB0  }
0x16c: {  	_ =	swait.ge [sflag:s8], $0x50  }
0x16d: {  	[sflag:s8] =	ssyncset.done $0x0  }
0x16e: {  	s22 =	simm.s32 $0x280;
	[sflag:s8] =	ssyncadd.s32 $0xFFFFFFB0  }
0x16f: {  	[tilespmem:s10], [sflag:$0xA] =	stream.indirect.gather [hbm4b:s7+s0], $0x80, s22, s0, $0xb8;
	[tilespmem:$0x1E880] =	vst v63  }
0x170: {  	_ =	swait.ge [sflag:s26], $0x2800  }
0x171: {  	[sflag:s26] =	ssyncset.done $0x0  }
0x172: {  	s12 =	simm.s32 $0x8000;
	[sflag:s26] =	ssyncadd.s32 $0xFFFFD800;
	s26 =	simm.s32 $0x580  }
0x173: {  	[spmem:s2] =	stream.indirect.scatter.add.f32 [tilespmem:s12], [sflag:$0x10], $0x80, s26, s0, $0xb8;
	[tilespmem:$0x1E880] =	vst v63  }
0x174: {  	_ =	swait.ge [sflag:s28], $0x2800  }
0x175: {  	s30 =	simm.s32 @!p2 $0x100;
	s4 =	rddreg [dreg:$0x6];
	[sflag:s28] =	ssyncset.done $0x0  }
0x176: {  	s5 =	rddreg [dreg:$0x5];
	[sflag:s28] =	ssyncadd.s32 $0xFFFFD800;
	s4 =	sadd.s32 @!p2 $0x0, s4  }
0x177: {  	[tilespmem:s30], [sflag:$0x3] =	stream.linear.gather @!p2 [hbm4b:s4+s18], $0x50, $0x38;
	[tilespmem:$0x1E880] =	vst v63  }
0x178: {  	s4 =	sadd.s32 @!p2 $0x0, s5;
	s5 =	simm.s32 @!p2 $0x500  }
0x179: {  	[tilespmem:s5], [sflag:$0x3] =	stream.linear.gather @!p2 [hbm4b:s4+s18], $0x50, $0x38;
	[tilespmem:$0x1E880] =	vst v63  }
0x17a: {  	_ =	swait.ge [sflag:s29], $0x50  }
0x17b: {  	[sflag:s29] =	ssyncset.done $0x0  }
0x17c: {  	[sflag:s29] =	ssyncadd.s32 $0xFFFFFFB0  }
0x17d: {  	_ =	swait.ge [sflag:s29], $0x50  }
0x17e: {  	[sflag:s29] =	ssyncset.done $0x0  }
0x17f: {  	s25 =	simm.s32 $0x5800;
	[sflag:s29] =	ssyncadd.s32 $0xFFFFFFB0  }
0x180: {  	[tilespmem:s25], [sflag:$0xB] =	stream.indirect.gather [hbm4b:s7+s0], $0x80, s17, s0, $0xb8;
	[tilespmem:$0x1E880] =	vst v63  }
0x181: {  	_ =	swait.ge [sflag:s6], $0x2800  }
0x182: {  	[sflag:s6] =	ssyncset.done $0x0  }
0x183: {  	s28 =	simm.s32 $0x600;
	[sflag:s6] =	ssyncadd.s32 $0xFFFFD800  }
0x184: {  	[spmem:s2] =	stream.indirect.scatter.add.f32 [tilespmem:s3], [sflag:$0xD], $0x80, s28, s0, $0xb8;
	[tilespmem:$0x1E880] =	vst v63  }
0x185: {  	_ =	swait.ge [sflag:s1], $0x2800  }
0x186: {  	s30 =	simm.s32 @!p2 $0x180;
	s4 =	rddreg [dreg:$0x4];
	[sflag:s1] =	ssyncset.done $0x0  }
0x187: {  	s5 =	rddreg [dreg:$0x3];
	[sflag:s1] =	ssyncadd.s32 $0xFFFFD800;
	s4 =	sadd.s32 @!p2 $0x0, s4  }
0x188: {  	[tilespmem:s30], [sflag:$0x4] =	stream.linear.gather @!p2 [hbm4b:s4+s18], $0x50, $0x38;
	[tilespmem:$0x1E880] =	vst v63  }
0x189: {  	s4 =	sadd.s32 @!p2 $0x0, s5;
	s5 =	simm.s32 @!p2 $0x580  }
0x18a: {  	[tilespmem:s5], [sflag:$0x4] =	stream.linear.gather @!p2 [hbm4b:s4+s18], $0x50, $0x38;
	[tilespmem:$0x1E880] =	vst v63  }
0x18b: {  	_ =	swait.ge [sflag:s13], $0x50  }
0x18c: {  	[sflag:s13] =	ssyncset.done $0x0  }
0x18d: {  	[sflag:s13] =	ssyncadd.s32 $0xFFFFFFB0  }
0x18e: {  	_ =	swait.ge [sflag:s13], $0x50  }
0x18f: {  	[sflag:s13] =	ssyncset.done $0x0  }
0x190: {  	[sflag:s13] =	ssyncadd.s32 $0xFFFFFFB0  }
0x191: {  	[tilespmem:s12], [sflag:$0xC] =	stream.indirect.gather [hbm4b:s7+s0], $0x80, s9, s0, $0xb8;
	[tilespmem:$0x1E880] =	vst v63  }
0x192: {  	_ =	swait.ge [sflag:s11], $0x2800  }
0x193: {  	[sflag:s11] =	ssyncset.done $0x0  }
0x194: {  	s30 =	simm.s32 $0x50;
	s9 =	simm.s32 $0x800;
	[sflag:s11] =	ssyncadd.s32 $0xFFFFD800  }
.LBB2_2:
0x195: {  	s12 =	simm.s32 $0x680  }
0x196: {  	s14 =	simm.s32 $0x3000;
	s2 =	rddreg [dreg:$0x1];
	s21 =	simm.s32 $0xD  }
0x197: {  	[spmem:s2] =	stream.indirect.scatter.add.f32 [tilespmem:s14], [sflag:$0xE], $0x80, s12, s0, $0xb8;
	[tilespmem:$0x1E880] =	vst v63  }
0x198: {  	s4 =	smov.u32 s30;
	_ =	swait.ge [sflag:s21], $0x2800  }
0x199: {  	s18 =	simm.s32 $0x200;
	s5 =	rddreg [dreg:$0x12];
	[sflag:s21] =	ssyncset.done $0x0  }
0x19a: {  	s10 =	rddreg [dreg:$0x11];
	[sflag:s21] =	ssyncadd.s32 $0xFFFFD800;
	s5 =	sadd.s32 s4, s5  }
0x19b: {  	[tilespmem:s18], [sflag:$0x5] =	stream.linear.gather [hbm4b:s5+s15], $0x50, $0x38;
	[tilespmem:$0x1E880] =	vst v63  }
0x19c: {  	s1 =	simm.s32 $0x600;
	s25 =	sadd.s32 s4, s10  }
0x19d: {  	[tilespmem:s1], [sflag:$0x5] =	stream.linear.gather [hbm4b:s25+s15], $0x50, $0x38;
	[tilespmem:$0x1E880] =	vst v63  }
0x19e: {  	_ =	swait.ge [sflag:s31], $0x50  }
0x19f: {  	[sflag:s31] =	ssyncset.done $0x0  }
0x1a0: {  	[sflag:s31] =	ssyncadd.s32 $0xFFFFFFB0  }
0x1a1: {  	_ =	swait.ge [sflag:s31], $0x50  }
0x1a2: {  	[sflag:s31] =	ssyncset.done $0x0  }
0x1a3: {  	s23 =	simm.s32 $0xB;
	[sflag:s31] =	ssyncadd.s32 $0xFFFFFFB0  }
0x1a4: {  	[tilespmem:s9], [sflag:$0x9] =	stream.indirect.gather [hbm4b:s7+s0], $0x80, s15, s0, $0xb8;
	[tilespmem:$0x1E880] =	vst v63  }
0x1a5: {  	_ =	swait.ge [sflag:s23], $0x2800  }
0x1a6: {  	s19 =	simm.s32 $0x700;
	[sflag:s23] =	ssyncset.done $0x0  }
0x1a7: {  	s24 =	simm.s32 $0xE;
	s31 =	simm.s32 $0x5800;
	[sflag:s23] =	ssyncadd.s32 $0xFFFFD800  }
0x1a8: {  	[spmem:s2] =	stream.indirect.scatter.add.f32 [tilespmem:s31], [sflag:$0xF], $0x80, s19, s0, $0xb8;
	[tilespmem:$0x1E880] =	vst v63  }
0x1a9: {  	_ =	swait.ge [sflag:s24], $0x2800  }
0x1aa: {  	s17 =	simm.s32 $0x280;
	s26 =	rddreg [dreg:$0x10];
	[sflag:s24] =	ssyncset.done $0x0  }
0x1ab: {  	s28 =	rddreg [dreg:$0xf];
	[sflag:s24] =	ssyncadd.s32 $0xFFFFD800;
	s5 =	sadd.s32 s4, s26  }
0x1ac: {  	[tilespmem:s17], [sflag:$0x6] =	stream.linear.gather [hbm4b:s5+s15], $0x50, $0x38;
	[tilespmem:$0x1E880] =	vst v63  }
0x1ad: {  	s3 =	simm.s32 $0x2;
	s1 =	sadd.s32 s4, s28  }
0x1ae: {  	[tilespmem:s12], [sflag:$0x6] =	stream.linear.gather [hbm4b:s1+s15], $0x50, $0x38;
	[tilespmem:$0x1E880] =	vst v63  }
0x1af: {  	_ =	swait.ge [sflag:s3], $0x50  }
0x1b0: {  	[sflag:s3] =	ssyncset.done $0x0  }
0x1b1: {  	[sflag:s3] =	ssyncadd.s32 $0xFFFFFFB0  }
0x1b2: {  	_ =	swait.ge [sflag:s3], $0x50  }
0x1b3: {  	[sflag:s3] =	ssyncset.done $0x0  }
0x1b4: {  	s26 =	simm.s32 $0xC;
	s5 =	simm.s32 $0x80;
	[sflag:s3] =	ssyncadd.s32 $0xFFFFFFB0  }
0x1b5: {  	[tilespmem:s14], [sflag:$0xA] =	stream.indirect.gather [hbm4b:s7+s0], $0x80, s5, s0, $0xb8;
	[tilespmem:$0x1E880] =	vst v63  }
0x1b6: {  	_ =	swait.ge [sflag:s26], $0x2800  }
0x1b7: {  	s20 =	simm.s32 $0x8000;
	[sflag:s26] =	ssyncset.done $0x0  }
0x1b8: {  	s28 =	simm.s32 $0xF;
	s12 =	simm.s32 $0x780;
	[sflag:s26] =	ssyncadd.s32 $0xFFFFD800  }
0x1b9: {  	[spmem:s2] =	stream.indirect.scatter.add.f32 [tilespmem:s20], [sflag:$0x10], $0x80, s12, s0, $0xb8;
	[tilespmem:$0x1E880] =	vst v63  }
0x1ba: {  	_ =	swait.ge [sflag:s28], $0x2800  }
0x1bb: {  	s25 =	simm.s32 $0x300;
	s6 =	rddreg [dreg:$0xe];
	[sflag:s28] =	ssyncset.done $0x0  }
0x1bc: {  	s8 =	rddreg [dreg:$0xd];
	[sflag:s28] =	ssyncadd.s32 $0xFFFFD800;
	s5 =	sadd.s32 s4, s6  }
0x1bd: {  	[tilespmem:s25], [sflag:$0x7] =	stream.linear.gather [hbm4b:s5+s15], $0x50, $0x38;
	[tilespmem:$0x1E880] =	vst v63  }
0x1be: {  	s11 =	simm.s32 $0x3;
	s10 =	sadd.s32 s4, s8  }
0x1bf: {  	[tilespmem:s19], [sflag:$0x7] =	stream.linear.gather [hbm4b:s10+s15], $0x50, $0x38;
	[tilespmem:$0x1E880] =	vst v63  }
0x1c0: {  	_ =	swait.ge [sflag:s11], $0x50  }
0x1c1: {  	[sflag:s11] =	ssyncset.done $0x0  }
0x1c2: {  	[sflag:s11] =	ssyncadd.s32 $0xFFFFFFB0  }
0x1c3: {  	_ =	swait.ge [sflag:s11], $0x50  }
0x1c4: {  	[sflag:s11] =	ssyncset.done $0x0  }
0x1c5: {  	s19 =	simm.s32 $0x100;
	[sflag:s11] =	ssyncadd.s32 $0xFFFFFFB0;
	s11 =	simm.s32 $0x9  }
0x1c6: {  	[tilespmem:s31], [sflag:$0xB] =	stream.indirect.gather [hbm4b:s7+s0], $0x80, s19, s0, $0xb8;
	[tilespmem:$0x1E880] =	vst v63  }
0x1c7: {  	_ =	swait.ge [sflag:s11], $0x2800  }
0x1c8: {  	[sflag:s11] =	ssyncset.done $0x0  }
0x1c9: {  	s1 =	simm.s32 $0x10;
	[sflag:s11] =	ssyncadd.s32 $0xFFFFD800  }
0x1ca: {  	[spmem:s2] =	stream.indirect.scatter.add.f32 [tilespmem:s9], [sflag:$0xD], $0x80, s16, s0, $0xb8;
	[tilespmem:$0x1E880] =	vst v63  }
0x1cb: {  	_ =	swait.ge [sflag:s1], $0x2800  }
0x1cc: {  	s8 =	simm.s32 $0x380;
	s22 =	rddreg [dreg:$0xc];
	[sflag:s1] =	ssyncset.done $0x0  }
0x1cd: {  	s6 =	rddreg [dreg:$0xb];
	[sflag:s1] =	ssyncadd.s32 $0xFFFFD800;
	s5 =	sadd.s32 s4, s22  }
0x1ce: {  	[tilespmem:s8], [sflag:$0x8] =	stream.linear.gather [hbm4b:s5+s15], $0x50, $0x38;
	[tilespmem:$0x1E880] =	vst v63  }
0x1cf: {  	s10 =	sadd.s32 s4, s6  }
0x1d0: {  	[tilespmem:s12], [sflag:$0x8] =	stream.linear.gather [hbm4b:s10+s15], $0x50, $0x38;
	[tilespmem:$0x1E880] =	vst v63  }
0x1d1: {  	s12 =	simm.s32 $0x4  }
0x1d2: {  	_ =	swait.ge [sflag:s12], $0x50  }
0x1d3: {  	[sflag:s12] =	ssyncset.done $0x0  }
0x1d4: {  	[sflag:s12] =	ssyncadd.s32 $0xFFFFFFB0  }
0x1d5: {  	_ =	swait.ge [sflag:s12], $0x50  }
0x1d6: {  	[sflag:s12] =	ssyncset.done $0x0  }
0x1d7: {  	s16 =	simm.s32 $0x180;
	s22 =	simm.s32 $0xA;
	[sflag:s12] =	ssyncadd.s32 $0xFFFFFFB0  }
0x1d8: {  	[tilespmem:s20], [sflag:$0xC] =	stream.indirect.gather [hbm4b:s7+s0], $0x80, s16, s0, $0xb8;
	[tilespmem:$0x1E880] =	vst v63  }
0x1d9: {  	_ =	swait.ge [sflag:s22], $0x2800  }
0x1da: {  	[sflag:s22] =	ssyncset.done $0x0  }
0x1db: {  	s19 =	simm.s32 $0x480;
	[sflag:s22] =	ssyncadd.s32 $0xFFFFD800  }
0x1dc: {  	[spmem:s2] =	stream.indirect.scatter.add.f32 [tilespmem:s14], [sflag:$0xE], $0x80, s19, s0, $0xb8;
	[tilespmem:$0x1E880] =	vst v63  }
0x1dd: {  	_ =	swait.ge [sflag:s21], $0x2800  }
0x1de: {  	s5 =	rddreg [dreg:$0xa]  }
0x1df: {  	p3 =	seq.s32 s4, $0x960;
	[sflag:s21] =	ssyncset.done $0x0;
	s10 =	rddreg [dreg:$0x9]  }
0x1e0: {  	[sflag:s21] =	ssyncadd.s32 $0xFFFFD800;
	s12 =	sadd.s32 @!p3 s4, s5;
	s5 =	simm.s32 @!p3 $0x0  }
0x1e1: {  	[tilespmem:s5], [sflag:$0x1] =	stream.linear.gather @!p3 [hbm4b:s12+s5], $0x50, $0x38;
	[tilespmem:$0x1E880] =	vst v63  }
0x1e2: {  	s10 =	sadd.s32 @!p3 s4, s10;
	s21 =	simm.s32 $0x5;
	s12 =	simm.s32 @!p3 $0x400  }
0x1e3: {  	[tilespmem:s12], [sflag:$0x1] =	stream.linear.gather @!p3 [hbm4b:s10+s5], $0x50, $0x38;
	[tilespmem:$0x1E880] =	vst v63  }
0x1e4: {  	_ =	swait.ge [sflag:s21], $0x50  }
0x1e5: {  	[sflag:s21] =	ssyncset.done $0x0  }
0x1e6: {  	[sflag:s21] =	ssyncadd.s32 $0xFFFFFFB0  }
0x1e7: {  	_ =	swait.ge [sflag:s21], $0x50  }
0x1e8: {  	[sflag:s21] =	ssyncset.done $0x0  }
0x1e9: {  	[sflag:s21] =	ssyncadd.s32 $0xFFFFFFB0  }
0x1ea: {  	[tilespmem:s9], [sflag:$0x9] =	stream.indirect.gather [hbm4b:s7+s0], $0x80, s18, s0, $0xb8;
	[tilespmem:$0x1E880] =	vst v63  }
0x1eb: {  	_ =	swait.ge [sflag:s23], $0x2800  }
0x1ec: {  	[sflag:s23] =	ssyncset.done $0x0  }
0x1ed: {  	[sflag:s23] =	ssyncadd.s32 $0xFFFFD800;
	s23 =	simm.s32 $0x500  }
0x1ee: {  	[spmem:s2] =	stream.indirect.scatter.add.f32 [tilespmem:s31], [sflag:$0xF], $0x80, s23, s0, $0xb8;
	[tilespmem:$0x1E880] =	vst v63  }
0x1ef: {  	_ =	swait.ge [sflag:s24], $0x2800  }
0x1f0: {  	s16 =	simm.s32 @!p3 $0x80;
	s10 =	rddreg [dreg:$0x8];
	[sflag:s24] =	ssyncset.done $0x0  }
0x1f1: {  	s12 =	rddreg [dreg:$0x7];
	[sflag:s24] =	ssyncadd.s32 $0xFFFFD800;
	s10 =	sadd.s32 @!p3 s4, s10  }
0x1f2: {  	[tilespmem:s16], [sflag:$0x2] =	stream.linear.gather @!p3 [hbm4b:s10+s5], $0x50, $0x38;
	[tilespmem:$0x1E880] =	vst v63  }
0x1f3: {  	s24 =	simm.s32 $0x6;
	s10 =	sadd.s32 @!p3 s4, s12;
	s12 =	simm.s32 @!p3 $0x480  }
0x1f4: {  	[tilespmem:s12], [sflag:$0x2] =	stream.linear.gather @!p3 [hbm4b:s10+s5], $0x50, $0x38;
	[tilespmem:$0x1E880] =	vst v63  }
0x1f5: {  	_ =	swait.ge [sflag:s24], $0x50  }
0x1f6: {  	[sflag:s24] =	ssyncset.done $0x0  }
0x1f7: {  	[sflag:s24] =	ssyncadd.s32 $0xFFFFFFB0  }
0x1f8: {  	_ =	swait.ge [sflag:s24], $0x50  }
0x1f9: {  	[sflag:s24] =	ssyncset.done $0x0  }
0x1fa: {  	[sflag:s24] =	ssyncadd.s32 $0xFFFFFFB0  }
0x1fb: {  	[tilespmem:s14], [sflag:$0xA] =	stream.indirect.gather [hbm4b:s7+s0], $0x80, s17, s0, $0xb8;
	[tilespmem:$0x1E880] =	vst v63  }
0x1fc: {  	_ =	swait.ge [sflag:s26], $0x2800  }
0x1fd: {  	[sflag:s26] =	ssyncset.done $0x0  }
0x1fe: {  	[sflag:s26] =	ssyncadd.s32 $0xFFFFD800;
	s26 =	simm.s32 $0x580  }
0x1ff: {  	[spmem:s2] =	stream.indirect.scatter.add.f32 [tilespmem:s20], [sflag:$0x10], $0x80, s26, s0, $0xb8;
	[tilespmem:$0x1E880] =	vst v63  }
0x200: {  	_ =	swait.ge [sflag:s28], $0x2800  }
0x201: {  	s16 =	simm.s32 @!p3 $0x100;
	s10 =	rddreg [dreg:$0x6];
	[sflag:s28] =	ssyncset.done $0x0  }
0x202: {  	s12 =	rddreg [dreg:$0x5];
	[sflag:s28] =	ssyncadd.s32 $0xFFFFD800;
	s10 =	sadd.s32 @!p3 s4, s10  }
0x203: {  	[tilespmem:s16], [sflag:$0x3] =	stream.linear.gather @!p3 [hbm4b:s10+s5], $0x50, $0x38;
	[tilespmem:$0x1E880] =	vst v63  }
0x204: {  	s10 =	sadd.s32 @!p3 s4, s12;
	s12 =	simm.s32 @!p3 $0x500  }
0x205: {  	[tilespmem:s12], [sflag:$0x3] =	stream.linear.gather @!p3 [hbm4b:s10+s5], $0x50, $0x38;
	[tilespmem:$0x1E880] =	vst v63  }
0x206: {  	_ =	swait.ge [sflag:s29], $0x50  }
0x207: {  	[sflag:s29] =	ssyncset.done $0x0  }
0x208: {  	[sflag:s29] =	ssyncadd.s32 $0xFFFFFFB0  }
0x209: {  	_ =	swait.ge [sflag:s29], $0x50  }
0x20a: {  	[sflag:s29] =	ssyncset.done $0x0  }
0x20b: {  	[sflag:s29] =	ssyncadd.s32 $0xFFFFFFB0  }
0x20c: {  	[tilespmem:s31], [sflag:$0xB] =	stream.indirect.gather [hbm4b:s7+s0], $0x80, s25, s0, $0xb8;
	[tilespmem:$0x1E880] =	vst v63  }
0x20d: {  	_ =	swait.ge [sflag:s11], $0x2800  }
0x20e: {  	[sflag:s11] =	ssyncset.done $0x0  }
0x20f: {  	s28 =	simm.s32 $0x600;
	[sflag:s11] =	ssyncadd.s32 $0xFFFFD800  }
0x210: {  	[spmem:s2] =	stream.indirect.scatter.add.f32 [tilespmem:s9], [sflag:$0xD], $0x80, s28, s0, $0xb8;
	[tilespmem:$0x1E880] =	vst v63  }
0x211: {  	_ =	swait.ge [sflag:s1], $0x2800  }
0x212: {  	s16 =	simm.s32 @!p3 $0x180;
	s10 =	rddreg [dreg:$0x4];
	[sflag:s1] =	ssyncset.done $0x0  }
0x213: {  	s12 =	rddreg [dreg:$0x3];
	[sflag:s1] =	ssyncadd.s32 $0xFFFFD800;
	s10 =	sadd.s32 @!p3 s4, s10  }
0x214: {  	[tilespmem:s16], [sflag:$0x4] =	stream.linear.gather @!p3 [hbm4b:s10+s5], $0x50, $0x38;
	[tilespmem:$0x1E880] =	vst v63  }
0x215: {  	s4 =	sadd.s32 @!p3 s4, s12;
	s10 =	simm.s32 @!p3 $0x580  }
0x216: {  	[tilespmem:s10], [sflag:$0x4] =	stream.linear.gather @!p3 [hbm4b:s4+s5], $0x50, $0x38;
	[tilespmem:$0x1E880] =	vst v63  }
0x217: {  	_ =	swait.ge [sflag:s13], $0x50  }
0x218: {  	[sflag:s13] =	ssyncset.done $0x0  }
0x219: {  	[sflag:s13] =	ssyncadd.s32 $0xFFFFFFB0  }
0x21a: {  	s30 =	sadd.s32 $0x50, s30;
	_ =	swait.ge [sflag:s13], $0x50  }
0x21b: {  	p2 =	sne.s32 s30, $0x9B0;
	[sflag:s13] =	ssyncset.done $0x0  }
.Ltmp0:
0x21c: {  	s3 =	simm.s32 $0x700;
	[sflag:s13] =	ssyncadd.s32 $0xFFFFFFB0;
	(pc) =	sbr.rel @p2 .LBB2_2-.Ltmp0, $4  }
0x21d: {  	[tilespmem:s20], [sflag:$0xC] =	stream.indirect.gather [hbm4b:s7+s0], $0x80, s8, s0, $0xb8;
	[tilespmem:$0x1E880] =	vst v63  }
0x21e: {  	s6 =	simm.s32 $0x780;
	s19 =	simm.s32 $0x3000;
	_ =	swait.ge [sflag:s22], $0x2800  }
0x21f: {  	s14 =	simm.s32 $0x5800;
	s31 =	simm.s32 $0x1;
	[sflag:s22] =	ssyncset.done $0x0  }
0x220: {  	s16 =	simm.s32 $0x400;
	s4 =	simm.s32 $0x8000;
	[sflag:s22] =	ssyncadd.s32 $0xFFFFD800  }
0x221: {  	s1 =	rddreg [dreg:$0x1];
	s2 =	simm.s32 $0x680;
	s5 =	simm.s32 $0xB  }
0x222: {  	[spmem:s1] =	stream.indirect.scatter.add.f32 [tilespmem:s19], [sflag:$0xE], $0x80, s2, s0, $0xb8;
	[tilespmem:$0x1E880] =	vst v63  }
0x223: {  	_ =	swait.ge [sflag:s5], $0x2800  }
0x224: {  	[sflag:s5] =	ssyncset.done $0x0  }
0x225: {  	s2 =	simm.s32 $0xC;
	[sflag:s5] =	ssyncadd.s32 $0xFFFFD800  }
0x226: {  	[spmem:s1] =	stream.indirect.scatter.add.f32 [tilespmem:s14], [sflag:$0xF], $0x80, s3, s0, $0xb8;
	[tilespmem:$0x1E880] =	vst v63  }
0x227: {  	_ =	swait.ge [sflag:s2], $0x2800  }
0x228: {  	[sflag:s2] =	ssyncset.done $0x0  }
0x229: {  	s5 =	simm.s32 $0xD;
	[sflag:s2] =	ssyncadd.s32 $0xFFFFD800  }
0x22a: {  	[spmem:s1] =	stream.indirect.scatter.add.f32 [tilespmem:s4], [sflag:$0x10], $0x80, s6, s0, $0xb8;
	[tilespmem:$0x1E880] =	vst v63  }
0x22b: {  	_ =	swait.ge [sflag:s5], $0x2800  }
0x22c: {  	[sflag:s5] =	ssyncset.done $0x0  }
0x22d: {  	s6 =	simm.s32 $0xE;
	[sflag:s5] =	ssyncadd.s32 $0xFFFFD800  }
0x22e: {  	_ =	swait.ge [sflag:s6], $0x2800  }
0x22f: {  	[sflag:s6] =	ssyncset.done $0x0  }
0x230: {  	s8 =	simm.s32 $0xF;
	[sflag:s6] =	ssyncadd.s32 $0xFFFFD800  }
0x231: {  	_ =	swait.ge [sflag:s8], $0x2800  }
0x232: {  	[sflag:s8] =	ssyncset.done $0x0  }
0x233: {  	s9 =	simm.s32 $0x10;
	[sflag:s8] =	ssyncadd.s32 $0xFFFFD800  }
0x234: {  	_ =	swait.ge [sflag:s9], $0x2800  }
0x235: {  	[sflag:s9] =	ssyncset.done $0x0  }
0x236: {  	[sflag:s9] =	ssyncadd.s32 $0xFFFFD800  }
0x237: {  	[bflag:$0x0] =	sbarrier.arrive $0xFFFF  }
0x238: {  	s12 =	sld [smem:$0x7FD]  }
0x239: {  	s11 =	sld [smem:$0x7D7];
	_ =	sdelay $0x1  }
0x23a: {  	s10 =	rddreg [dreg:$0x13]  }
0x23b: {  	[hbm:s10], [sflag:s12] =	dma.local [spmem:s11], $0x500  }
0x23c: {  	s10 =	simm.s32 $0x11  }
0x23d: {  	_ =	swait.ge [sflag:s10], $0x500  }
0x23e: {  	s14 =	sld [smem:$0x7D8]  }
0x23f: {  	[sflag:s10] =	ssyncset.done $0x0  }
0x240: {  	s13 =	rddreg [dreg:$0x14];
	[sflag:s10] =	ssyncadd.s32 $0xFFFFFB00  }
0x241: {  	[hbm:s13], [sflag:s12] =	dma.local [spmem:s14], $0x500  }
0x242: {  	_ =	swait.ge [sflag:s10], $0x500  }
0x243: {  	s17 =	sld [smem:$0x7D9]  }
0x244: {  	[sflag:s10] =	ssyncset.done $0x0  }
0x245: {  	s15 =	rddreg [dreg:$0x15];
	[sflag:s10] =	ssyncadd.s32 $0xFFFFFB00  }
0x246: {  	[hbm:s15], [sflag:s12] =	dma.local [spmem:s17], $0x500  }
0x247: {  	_ =	swait.ge [sflag:s10], $0x500  }
0x248: {  	s19 =	sld [smem:$0x7DA]  }
0x249: {  	[sflag:s10] =	ssyncset.done $0x0  }
0x24a: {  	s18 =	rddreg [dreg:$0x16];
	[sflag:s10] =	ssyncadd.s32 $0xFFFFFB00  }
0x24b: {  	[hbm:s18], [sflag:s12] =	dma.local [spmem:s19], $0x500  }
0x24c: {  	_ =	swait.ge [sflag:s10], $0x500  }
0x24d: {  	s21 =	sld [smem:$0x7DB]  }
0x24e: {  	[sflag:s10] =	ssyncset.done $0x0  }
0x24f: {  	s20 =	rddreg [dreg:$0x17];
	[sflag:s10] =	ssyncadd.s32 $0xFFFFFB00  }
0x250: {  	[hbm:s20], [sflag:s12] =	dma.local [spmem:s21], $0x500  }
0x251: {  	_ =	swait.ge [sflag:s10], $0x500  }
0x252: {  	s23 =	sld [smem:$0x7DC]  }
0x253: {  	[sflag:s10] =	ssyncset.done $0x0  }
0x254: {  	s22 =	rddreg [dreg:$0x18];
	[sflag:s10] =	ssyncadd.s32 $0xFFFFFB00  }
0x255: {  	[hbm:s22], [sflag:s12] =	dma.local [spmem:s23], $0x500  }
0x256: {  	_ =	swait.ge [sflag:s10], $0x500  }
0x257: {  	s25 =	sld [smem:$0x7DD]  }
0x258: {  	[sflag:s10] =	ssyncset.done $0x0  }
0x259: {  	s24 =	rddreg [dreg:$0x19];
	[sflag:s10] =	ssyncadd.s32 $0xFFFFFB00  }
0x25a: {  	[hbm:s24], [sflag:s12] =	dma.local [spmem:s25], $0x500  }
0x25b: {  	_ =	swait.ge [sflag:s10], $0x500  }
0x25c: {  	s1 =	sld [smem:$0x7DE]  }
0x25d: {  	[sflag:s10] =	ssyncset.done $0x0  }
0x25e: {  	s4 =	rddreg [dreg:$0x1a];
	[sflag:s10] =	ssyncadd.s32 $0xFFFFFB00  }
0x25f: {  	[hbm:s4], [sflag:s12] =	dma.local @!p0 [spmem:s1], $0x500  }
0x260: {  	s4 =	simm.s32 @!p0 $0x11  }
0x261: {  	_ =	swait.ge @!p0 [sflag:s4], $0x500  }
0x262: {  	s26 =	sld [smem:$0x7D6]  }
0x263: {  	s28 =	sld [smem:$0x7F3];
	_ =	sdelay $0x1  }
0x264: {  	s1 =	sadd.s32 $0x1, s26  }
0x265: {  	p2 =	sne.s32 s1, s28  }
.Ltmp1:
0x266: {  	_ = 	snop;
	(pc) =	sbr.rel @p2 .LBB2_1-.Ltmp1, $4  }
0x267: {  	s30 =	simm.s32 $0x80  }
0x268: {  	s3 =	simm.s32 $0x800;
	s2 =	simm.s32 $0x0;
	s6 =	simm.s32 $0x2  }
0x269: {  	s9 =	simm.s32 $0x380;
	s13 =	simm.s32 $0x3;
	[sflag:s4] =	ssyncset.done @!p0 $0x0  }
0x26a: {  	s17 =	simm.s32 $0x300;
	s15 =	simm.s32 $0x9;
	[sflag:s4] =	ssyncadd.s32 @!p0 $0xFFFFFB00  }
0x26b: {  	_ =	sfence.sel $0x180000  }
0x26c: {  	[bflag:$0x0] =	sbarrier.arrive $0xFFFF  }
0x26d: {  	_ =	strace $0x9000004D  }
0x26e: {  	s0 =	stileid.u32;
	[bflag:$0x2] =	sbarrier.arrive $0xFFFF  }
0x26f: {  	p0 =	sne.s32 s0, $0x0;
	s0 =	rddreg [dreg:$0x2]  }
0x270: {  	s0 =	sadd.s32 @!p0 $0x100000, s0  }
0x271: {  	[sflag:s0] =	ssyncadd.tile.s32 @!p0 $0x1;
	_ =	shalt  }
.Lfunc_end2:
_tile_overlayer_lowered:
.L_overlay_start_2:
0x272: {  	(tag) =	ssettag $0x2  }
0x273: {  	s0 =	rddreg [dreg:$0x0];
	s2 =	stileid.u32  }
0x274: {  	s1 =	rddreg [dreg:$0x1];
	p0 =	sne.s32 s2, $0x0  }
0x275: {  	s3 =	rddreg [dreg:$0x2];
	[bflag:$0x3] =	sbarrier.arrive $0xFFFF;
	s2 =	simm.s32 @!p0 $0x1C11  }
0x276: {  	[timem:s3], [sflag:s2] =	dma.local @!p0 [hbm:s0], s1  }
0x277: {  	s0 =	simm.s32 @!p0 $0x11  }
0x278: {  	_ =	swait.ge @!p0 [sflag:s0], s1  }
0x279: {  	s1 =	ssub.s32 @!p0 $0x0, s1;
	[sflag:s0] =	ssyncset.done @!p0 $0x0  }
0x27a: {  	[sflag:s0] =	ssyncadd.s32 @!p0 s1  }
0x27b: {  	[bflag:$0x3] =	sbarrier.arrive $0xFFFF  }
0x27c: {  	_ =	shalt  }

</sc_bundles>
